<compile_context>
chip_gen: v7x
topology: tpu7x:2x2x1
jax: 0.10.2.dev20260603
libtpu: 0.0.44.dev20260713+nightly
codegen_flags: <defaults>
</compile_context>

<pallas_src>
import functools

import jax
import jax.numpy as jnp
from jax import lax
from jax.experimental import pallas as pl
from jax.experimental.pallas import tpu as pltpu
from jax.experimental.pallas import tpu_sc as plsc

_S = 200
_B = 16384
_D = 64
_N = _B * _S

_BL = 128
_JC = 8

_NC = 2
_NS = 16
_NW = _NC * _NS
_WIN = 128

_NCHUNK = 4
_BC = _B // _NCHUNK
_WPK = _BC // _WIN
_KPW = (_S + _NW - 1) // _NW


def _rank_tc(tsT_chunk, chunk):
    def body(ts_ref, out_ref):
        blk = pl.program_id(0)
        u = lax.bitcast_convert_type(ts_ref[...], jnp.int32)
        u = jnp.where(u == jnp.int32(-2147483648), jnp.int32(0), u)
        key = jnp.where(
            u < 0, jnp.bitwise_xor(jnp.bitwise_not(u), jnp.int32(-2147483648)), u)
        b3 = key[None]
        kio = lax.broadcasted_iota(jnp.int32, (_JC, _S, _BL), 1)
        jio = lax.broadcasted_iota(jnp.int32, (_JC, _S, _BL), 0)
        acc = jnp.zeros((_S, _BL), jnp.int32)
        for jb in range(0, _S, _JC):
            a3 = key[jb:jb + _JC][:, None, :]
            jlt = (jio + jb) < kio
            cmp = (a3 < b3) | ((a3 == b3) & jlt)
            acc = acc + jnp.sum(cmp.astype(jnp.int32), axis=0)
        bvec = (chunk * _BC + blk * _BL
                + lax.broadcasted_iota(jnp.int32, (_S, _BL), 1))
        out_ref[...] = bvec * _S + acc

    return pl.pallas_call(
        body,
        grid=(_BC // _BL,),
        in_specs=[pl.BlockSpec((_S, _BL), lambda i: (0, i))],
        out_specs=pl.BlockSpec((_S, _BL), lambda i: (0, i)),
        out_shape=jax.ShapeDtypeStruct((_S, _BC), jnp.int32),
        compiler_params=pltpu.CompilerParams(
            dimension_semantics=("parallel",)),
    )(tsT_chunk)


def _make_scatter(first):
    mesh = plsc.VectorSubcoreMesh(core_axis_name="c", subcore_axis_name="s")
    out_type = (jax.ShapeDtypeStruct((_N, 128), jnp.float32) if first else ())

    @functools.partial(
        pl.kernel,
        out_type=out_type,
        mesh=mesh,
        scratch_types=[
            pltpu.VMEM((_WIN, 128), jnp.float32),
            pltpu.VMEM((_WIN, 128), jnp.float32),
            pltpu.VMEM((_WPK, _WIN), jnp.int32),
            pltpu.VMEM((_WPK, _WIN), jnp.int32),
            pltpu.SemaphoreType.DMA,
            pltpu.SemaphoreType.DMA,
            pltpu.SemaphoreType.DMA,
            pltpu.SemaphoreType.DMA,
        ],
        compiler_params=pltpu.CompilerParams(use_tc_tiling_on_sc=True),
    )
    def k(repl_hbm, idx_hbm, out_hbm, rv0, rv1, ib0, ib1, sr0, sr1, si0, si1):
        wid = lax.axis_index("s") * _NC + lax.axis_index("c")
        rvs, ibs = (rv0, rv1), (ib0, ib1)
        srs, sis = (sr0, sr1), (si0, si1)

        def fetch(t):
            krow = wid + t * _NW
            base = pl.multiple_of(krow * _WPK, 8)
            pltpu.async_copy(idx_hbm.at[pl.ds(base, _WPK)], ibs[t % 2], sis[t % 2])
            pltpu.async_copy(repl_hbm.at[krow], rvs[t % 2], srs[t % 2])

        def drain(t):
            krow = wid + t * _NW
            base = pl.multiple_of(krow * _WPK, 8)
            pltpu.make_async_copy(
                idx_hbm.at[pl.ds(base, _WPK)], ibs[t % 2], sis[t % 2]).wait()
            pltpu.make_async_copy(repl_hbm.at[krow], rvs[t % 2], srs[t % 2]).wait()

        fetch(0)
        for t in range(_KPW):
            krow = wid + t * _NW

            @pl.when(krow < _S)
            def _(t=t):
                drain(t)
                if t + 1 < _KPW:
                    krow2 = wid + (t + 1) * _NW

                    @pl.when(krow2 < _S)
                    def _():
                        fetch(t + 1)

                @pl.loop(0, _WPK)
                def _(m):
                    pltpu.sync_copy(rvs[t % 2], out_hbm.at[ibs[t % 2].at[m]])

    return k


_scatter_first = _make_scatter(True)
_scatter_next = _make_scatter(False)


def kernel(ts, pos_emb_table):
    ts = ts.astype(jnp.float32)
    table = pos_emb_table.astype(jnp.float32)
    nonzero = jnp.any(ts != 0.0)
    eff = jnp.where(nonzero, table[:_S], jnp.broadcast_to(table[_S:_S + 1], (_S, _D)))
    eff = jnp.pad(eff, ((0, 0), (0, 128 - _D)))
    repl = jnp.broadcast_to(eff[:, None, :], (_S, _WIN, 128))

    tsT = ts.T
    dest0 = _rank_tc(tsT[:, 0:_BC], 0)
    out2 = _scatter_first(repl, dest0.reshape(_S * _WPK, _WIN))
    out_ref = jax.new_ref(out2)
    for c in range(1, _NCHUNK):
        dest = _rank_tc(tsT[:, c * _BC:(c + 1) * _BC], c)
        _scatter_next(repl, dest.reshape(_S * _WPK, _WIN), out_ref)
    out2 = out_ref[...]
    return out2[:, :_D].reshape(_B, _S, _D)

# --- scband reference (transcript-rebuilt; emitter-appended) ---
"""Pipeline reference for scband-pos-encode-43482248904871 (READ-ONLY COPY).

The authoritative reference and input builder live on the scoring server;
editing this copy changes nothing except your own understanding.
"""

import jax, jax.numpy as jnp
import numpy as np

SEQ_LEN = 200
EXPAND_DIM = 64
BATCH = 16384


def setup_inputs(seed: int = 0) -> dict:
    key = jax.random.key(seed)
    k1, k2 = jax.random.split(key)
    ts = jax.random.normal(k1, (BATCH, SEQ_LEN), dtype=jnp.float32)
    # nn.Embedding(num_embeddings=seq_len+1, embedding_dim=expand_dim) weight ~ N(0,1)
    pos_emb_table = jax.random.normal(k2, (SEQ_LEN + 1, EXPAND_DIM), dtype=jnp.float32)
    return {"ts": ts, "pos_emb_table": pos_emb_table}


def reference(ts, pos_emb_table):
    # torch: if torch.sum(torch.zeros_like(ts) == ts) == ts.numel(): order = ts.long()+seq_len
    #        else: order = ts.argsort()
    all_zero = jnp.sum(jnp.zeros_like(ts) == ts) == ts.size
    order_zero = ts.astype(jnp.int32) + SEQ_LEN
    order_sort = jnp.argsort(ts, axis=-1).astype(jnp.int32)
    order = jnp.where(all_zero, order_zero, order_sort)
    # embedding lookup -> gather rows from the table
    ts_emb = jnp.take(pos_emb_table, order, axis=0)
    return ts_emb

if __name__ == "__main__":
    import jax
    _d = setup_inputs()
    print(jax.jit(kernel)(*tuple(_d.values())))

</pallas_src>

<mosaic_0001>
#map = affine_map<(d0, d1) -> (0, 0, 0)>
#map1 = affine_map<(d0, d1) -> (0, 0)>
module attributes {stable_mosaic.version = 14 : i64} {
  func.func @new_body(%arg0: i32, %arg1: i32, %arg2: memref<200x128x128xf32, #tpu.memory_space<hbm>>, %arg3: memref<6400x128xi32, #tpu.memory_space<hbm>>, %arg4: memref<3276800x128xf32, #tpu.memory_space<hbm>>, %arg5: memref<3276800x128xf32, #tpu.memory_space<hbm>>, %arg6: memref<128x128xf32, #tpu.memory_space<vmem>>, %arg7: memref<128x128xf32, #tpu.memory_space<vmem>>, %arg8: memref<32x128xi32, #tpu.memory_space<vmem>>, %arg9: memref<32x128xi32, #tpu.memory_space<vmem>>, %arg10: memref<!tpu.dma_semaphore, #tpu.memory_space<semaphore_mem>>, %arg11: memref<!tpu.dma_semaphore, #tpu.memory_space<semaphore_mem>>, %arg12: memref<!tpu.dma_semaphore, #tpu.memory_space<semaphore_mem>>, %arg13: memref<!tpu.dma_semaphore, #tpu.memory_space<semaphore_mem>>) attributes {dimension_semantics = [#tpu.dimension_semantics<core_parallel>, #tpu.dimension_semantics<subcore_parallel>], iteration_bounds = array<i64: 2, 16>, scalar_prefetch = 0 : i64, scratch_operands = 8 : i64, tpu.core_type = #tpu.core_type<sc_vector_subcore>, window_params = [{transform_indices = #map}, {transform_indices = #map1}, {transform_indices = #map1}, {transform_indices = #map1}]} {
    %mul3A = arith.constant 2 : i32
    %mul3A_0 = arith.muli %arg1, %mul3A : i32
    %add3A = arith.addi %mul3A_0, %arg0 : i32
    %add3A_1 = arith.constant 0 : i32
    %add3A_2 = arith.addi %add3A, %add3A_1 : i32
    %mul3A_3 = arith.constant 32 : i32
    %mul3A_4 = arith.muli %add3A_2, %mul3A_3 : i32
    %multiple_of3A = tpu.assume_multiple %mul3A_4, 8 : i32
    %dma_start3A = arith.constant 0 : i32
    %dma_start3A_5 = tpu.memref_slice %arg3[%multiple_of3A, %dma_start3A] : memref<6400x128xi32, #tpu.memory_space<hbm>> -> memref<32x128xi32, #tpu.memory_space<hbm>>
    %dma_start3A_6 = arith.constant 0 : i32
    %dma_start3A_7 = tpu.memref_slice %arg3[%multiple_of3A, %dma_start3A_6] : memref<6400x128xi32, #tpu.memory_space<hbm>> -> memref<32x128xi32, #tpu.memory_space<hbm>>
    tpu.enqueue_dma source(%dma_start3A_7 : memref<32x128xi32, #tpu.memory_space<hbm>>) target(%arg8 : memref<32x128xi32, #tpu.memory_space<vmem>>) target_semaphore(%arg12 : memref<!tpu.dma_semaphore, #tpu.memory_space<semaphore_mem>>)
    %dma_start3A_8 = arith.constant 0 : i32
    %dma_start3A_9 = arith.constant 0 : i32
    %dma_start3A_10 = tpu.memref_slice %arg2[%add3A_2, %dma_start3A_8, %dma_start3A_9] : memref<200x128x128xf32, #tpu.memory_space<hbm>> -> memref<1x128x128xf32, #tpu.memory_space<hbm>>
    %dma_start3A_11 = tpu.memref_squeeze %dma_start3A_10 : memref<1x128x128xf32, #tpu.memory_space<hbm>> -> memref<128x128xf32, #tpu.memory_space<hbm>>
    %dma_start3A_12 = arith.constant 0 : i32
    %dma_start3A_13 = arith.constant 0 : i32
    %dma_start3A_14 = tpu.memref_slice %arg2[%add3A_2, %dma_start3A_12, %dma_start3A_13] : memref<200x128x128xf32, #tpu.memory_space<hbm>> -> memref<1x128x128xf32, #tpu.memory_space<hbm>>
    %dma_start3A_15 = tpu.memref_squeeze %dma_start3A_14 : memref<1x128x128xf32, #tpu.memory_space<hbm>> -> memref<128x128xf32, #tpu.memory_space<hbm>>
    tpu.enqueue_dma source(%dma_start3A_15 : memref<128x128xf32, #tpu.memory_space<hbm>>) target(%arg6 : memref<128x128xf32, #tpu.memory_space<vmem>>) target_semaphore(%arg10 : memref<!tpu.dma_semaphore, #tpu.memory_space<semaphore_mem>>)
    %add3A_16 = arith.constant 0 : i32
    %add3A_17 = arith.addi %add3A, %add3A_16 : i32
    %lt3A = arith.constant 200 : i32
    %lt3A_18 = arith.cmpi slt, %add3A_17, %lt3A : i32
    %convert_element_type3A = arith.extui %lt3A_18 : i1 to i32
    %cond3A = arith.constant 0 : i32
    %cond3A_19 = arith.cmpi ne, %convert_element_type3A, %cond3A : i32
    scf.if %cond3A_19 {
      %add3A_62 = arith.constant 0 : i32
      %add3A_63 = arith.addi %add3A, %add3A_62 : i32
      %mul3A_64 = arith.constant 32 : i32
      %mul3A_65 = arith.muli %add3A_63, %mul3A_64 : i32
      %multiple_of3A_66 = tpu.assume_multiple %mul3A_65, 8 : i32
      %dma_wait3A = arith.constant 0 : i32
      %dma_wait3A_67 = tpu.memref_slice %arg3[%multiple_of3A_66, %dma_wait3A] : memref<6400x128xi32, #tpu.memory_space<hbm>> -> memref<32x128xi32, #tpu.memory_space<hbm>>
      %dma_wait3A_68 = arith.constant 0 : i32
      %dma_wait3A_69 = tpu.memref_slice %arg3[%multiple_of3A_66, %dma_wait3A_68] : memref<6400x128xi32, #tpu.memory_space<hbm>> -> memref<32x128xi32, #tpu.memory_space<hbm>>
      tpu.wait_dma2 semaphore(%arg12 : memref<!tpu.dma_semaphore, #tpu.memory_space<semaphore_mem>>) src(%dma_wait3A_69 : memref<32x128xi32, #tpu.memory_space<hbm>>) dst(%arg8 : memref<32x128xi32, #tpu.memory_space<vmem>>)
      %dma_wait3A_70 = arith.constant 0 : i32
      %dma_wait3A_71 = arith.constant 0 : i32
      %dma_wait3A_72 = tpu.memref_slice %arg2[%add3A_63, %dma_wait3A_70, %dma_wait3A_71] : memref<200x128x128xf32, #tpu.memory_space<hbm>> -> memref<1x128x128xf32, #tpu.memory_space<hbm>>
      %dma_wait3A_73 = tpu.memref_squeeze %dma_wait3A_72 : memref<1x128x128xf32, #tpu.memory_space<hbm>> -> memref<128x128xf32, #tpu.memory_space<hbm>>
      %dma_wait3A_74 = arith.constant 0 : i32
      %dma_wait3A_75 = arith.constant 0 : i32
      %dma_wait3A_76 = tpu.memref_slice %arg2[%add3A_63, %dma_wait3A_74, %dma_wait3A_75] : memref<200x128x128xf32, #tpu.memory_space<hbm>> -> memref<1x128x128xf32, #tpu.memory_space<hbm>>
      %dma_wait3A_77 = tpu.memref_squeeze %dma_wait3A_76 : memref<1x128x128xf32, #tpu.memory_space<hbm>> -> memref<128x128xf32, #tpu.memory_space<hbm>>
      tpu.wait_dma2 semaphore(%arg10 : memref<!tpu.dma_semaphore, #tpu.memory_space<semaphore_mem>>) src(%dma_wait3A_77 : memref<128x128xf32, #tpu.memory_space<hbm>>) dst(%arg6 : memref<128x128xf32, #tpu.memory_space<vmem>>)
      %add3A_78 = arith.constant 32 : i32
      %add3A_79 = arith.addi %add3A, %add3A_78 : i32
      %lt3A_80 = arith.constant 200 : i32
      %lt3A_81 = arith.cmpi slt, %add3A_79, %lt3A_80 : i32
      %convert_element_type3A_82 = arith.extui %lt3A_81 : i1 to i32
      %cond3A_83 = arith.constant 0 : i32
      %cond3A_84 = arith.cmpi ne, %convert_element_type3A_82, %cond3A_83 : i32
      scf.if %cond3A_84 {
        %add3A_89 = arith.constant 32 : i32
        %add3A_90 = arith.addi %add3A, %add3A_89 : i32
        %mul3A_91 = arith.constant 32 : i32
        %mul3A_92 = arith.muli %add3A_90, %mul3A_91 : i32
        %multiple_of3A_93 = tpu.assume_multiple %mul3A_92, 8 : i32
        %dma_start3A_94 = arith.constant 0 : i32
        %dma_start3A_95 = tpu.memref_slice %arg3[%multiple_of3A_93, %dma_start3A_94] : memref<6400x128xi32, #tpu.memory_space<hbm>> -> memref<32x128xi32, #tpu.memory_space<hbm>>
        %dma_start3A_96 = arith.constant 0 : i32
        %dma_start3A_97 = tpu.memref_slice %arg3[%multiple_of3A_93, %dma_start3A_96] : memref<6400x128xi32, #tpu.memory_space<hbm>> -> memref<32x128xi32, #tpu.memory_space<hbm>>
        tpu.enqueue_dma source(%dma_start3A_97 : memref<32x128xi32, #tpu.memory_space<hbm>>) target(%arg9 : memref<32x128xi32, #tpu.memory_space<vmem>>) target_semaphore(%arg13 : memref<!tpu.dma_semaphore, #tpu.memory_space<semaphore_mem>>)
        %dma_start3A_98 = arith.constant 0 : i32
        %dma_start3A_99 = arith.constant 0 : i32
        %dma_start3A_100 = tpu.memref_slice %arg2[%add3A_90, %dma_start3A_98, %dma_start3A_99] : memref<200x128x128xf32, #tpu.memory_space<hbm>> -> memref<1x128x128xf32, #tpu.memory_space<hbm>>
        %dma_start3A_101 = tpu.memref_squeeze %dma_start3A_100 : memref<1x128x128xf32, #tpu.memory_space<hbm>> -> memref<128x128xf32, #tpu.memory_space<hbm>>
        %dma_start3A_102 = arith.constant 0 : i32
        %dma_start3A_103 = arith.constant 0 : i32
        %dma_start3A_104 = tpu.memref_slice %arg2[%add3A_90, %dma_start3A_102, %dma_start3A_103] : memref<200x128x128xf32, #tpu.memory_space<hbm>> -> memref<1x128x128xf32, #tpu.memory_space<hbm>>
        %dma_start3A_105 = tpu.memref_squeeze %dma_start3A_104 : memref<1x128x128xf32, #tpu.memory_space<hbm>> -> memref<128x128xf32, #tpu.memory_space<hbm>>
        tpu.enqueue_dma source(%dma_start3A_105 : memref<128x128xf32, #tpu.memory_space<hbm>>) target(%arg7 : memref<128x128xf32, #tpu.memory_space<vmem>>) target_semaphore(%arg11 : memref<!tpu.dma_semaphore, #tpu.memory_space<semaphore_mem>>)
      } else {
      }
      %scan3A = arith.constant 0 : i32
      %scan3A_85 = arith.constant 32 : i32
      %scan3A_86 = arith.addi %scan3A, %scan3A_85 : i32
      %scan3A_87 = arith.constant 1 : i32
      scf.for %scan3A_89 = %scan3A to %scan3A_86 step %scan3A_87  : i32 {
        %mul3A_90 = arith.constant 1 : i32
        %mul3A_91 = arith.muli %scan3A_89, %mul3A_90 : i32
        %add3A_92 = arith.constant 0 : i32
        %add3A_93 = arith.addi %add3A_92, %mul3A_91 : i32
        "tpu.region"() ({
          %run_scoped3A = tpu.sem_alloc : memref<!tpu.dma_semaphore, #tpu.memory_space<semaphore_mem>>
          %dma_start3A_94 = arith.constant 0 : i32
          %dma_start3A_95 = tpu.memref_slice %arg8[%add3A_93, %dma_start3A_94] : memref<32x128xi32, #tpu.memory_space<vmem>> -> memref<1x128xi32, #tpu.memory_space<vmem>>
          %dma_start3A_96 = tpu.memref_squeeze %dma_start3A_95 : memref<1x128xi32, #tpu.memory_space<vmem>> -> memref<128xi32, #tpu.memory_space<vmem>>
          %dma_start3A_97 = arith.constant 0 : i32
          %dma_start3A_98 = arith.constant 0 : i32
          %dma_start3A_99 = tpu.memref_slice %arg4[%dma_start3A_97, %dma_start3A_98] : memref<3276800x128xf32, #tpu.memory_space<hbm>> -> memref<3276800x128xf32, #tpu.memory_space<hbm>>
          tpu.enqueue_indirect_dma source(%arg6 : memref<128x128xf32, #tpu.memory_space<vmem>>) target(%dma_start3A_99 : memref<3276800x128xf32, #tpu.memory_space<hbm>>) offsets(%dma_start3A_96 : memref<128xi32, #tpu.memory_space<vmem>>) semaphore(%run_scoped3A : memref<!tpu.dma_semaphore, #tpu.memory_space<semaphore_mem>>)
          %dma_wait3A_100 = arith.constant 0 : i32
          %dma_wait3A_101 = tpu.memref_slice %arg8[%add3A_93, %dma_wait3A_100] : memref<32x128xi32, #tpu.memory_space<vmem>> -> memref<1x128xi32, #tpu.memory_space<vmem>>
          %dma_wait3A_102 = tpu.memref_squeeze %dma_wait3A_101 : memref<1x128xi32, #tpu.memory_space<vmem>> -> memref<128xi32, #tpu.memory_space<vmem>>
          %dma_wait3A_103 = arith.constant 0 : i32
          %dma_wait3A_104 = arith.constant 0 : i32
          %dma_wait3A_105 = tpu.memref_slice %arg4[%dma_wait3A_103, %dma_wait3A_104] : memref<3276800x128xf32, #tpu.memory_space<hbm>> -> memref<3276800x128xf32, #tpu.memory_space<hbm>>
          tpu.wait_indirect_dma semaphore(%run_scoped3A : memref<!tpu.dma_semaphore, #tpu.memory_space<semaphore_mem>>) src(%arg6 : memref<128x128xf32, #tpu.memory_space<vmem>>) dst(%dma_wait3A_105 : memref<3276800x128xf32, #tpu.memory_space<hbm>>)
          tpu.yield
        }) : () -> ()
      }
      %scan3A_88 = arith.constant 32 : i32
    } else {
    }
    %add3A_20 = arith.constant 32 : i32
    %add3A_21 = arith.addi %add3A, %add3A_20 : i32
    %lt3A_22 = arith.constant 200 : i32
    %lt3A_23 = arith.cmpi slt, %add3A_21, %lt3A_22 : i32
    %convert_element_type3A_24 = arith.extui %lt3A_23 : i1 to i32
    %cond3A_25 = arith.constant 0 : i32
    %cond3A_26 = arith.cmpi ne, %convert_element_type3A_24, %cond3A_25 : i32
    scf.if %cond3A_26 {
      %add3A_62 = arith.constant 32 : i32
      %add3A_63 = arith.addi %add3A, %add3A_62 : i32
      %mul3A_64 = arith.constant 32 : i32
      %mul3A_65 = arith.muli %add3A_63, %mul3A_64 : i32
      %multiple_of3A_66 = tpu.assume_multiple %mul3A_65, 8 : i32
      %dma_wait3A = arith.constant 0 : i32
      %dma_wait3A_67 = tpu.memref_slice %arg3[%multiple_of3A_66, %dma_wait3A] : memref<6400x128xi32, #tpu.memory_space<hbm>> -> memref<32x128xi32, #tpu.memory_space<hbm>>
      %dma_wait3A_68 = arith.constant 0 : i32
      %dma_wait3A_69 = tpu.memref_slice %arg3[%multiple_of3A_66, %dma_wait3A_68] : memref<6400x128xi32, #tpu.memory_space<hbm>> -> memref<32x128xi32, #tpu.memory_space<hbm>>
      tpu.wait_dma2 semaphore(%arg13 : memref<!tpu.dma_semaphore, #tpu.memory_space<semaphore_mem>>) src(%dma_wait3A_69 : memref<32x128xi32, #tpu.memory_space<hbm>>) dst(%arg9 : memref<32x128xi32, #tpu.memory_space<vmem>>)
      %dma_wait3A_70 = arith.constant 0 : i32
      %dma_wait3A_71 = arith.constant 0 : i32
      %dma_wait3A_72 = tpu.memref_slice %arg2[%add3A_63, %dma_wait3A_70, %dma_wait3A_71] : memref<200x128x128xf32, #tpu.memory_space<hbm>> -> memref<1x128x128xf32, #tpu.memory_space<hbm>>
      %dma_wait3A_73 = tpu.memref_squeeze %dma_wait3A_72 : memref<1x128x128xf32, #tpu.memory_space<hbm>> -> memref<128x128xf32, #tpu.memory_space<hbm>>
      %dma_wait3A_74 = arith.constant 0 : i32
      %dma_wait3A_75 = arith.constant 0 : i32
      %dma_wait3A_76 = tpu.memref_slice %arg2[%add3A_63, %dma_wait3A_74, %dma_wait3A_75] : memref<200x128x128xf32, #tpu.memory_space<hbm>> -> memref<1x128x128xf32, #tpu.memory_space<hbm>>
      %dma_wait3A_77 = tpu.memref_squeeze %dma_wait3A_76 : memref<1x128x128xf32, #tpu.memory_space<hbm>> -> memref<128x128xf32, #tpu.memory_space<hbm>>
      tpu.wait_dma2 semaphore(%arg11 : memref<!tpu.dma_semaphore, #tpu.memory_space<semaphore_mem>>) src(%dma_wait3A_77 : memref<128x128xf32, #tpu.memory_space<hbm>>) dst(%arg7 : memref<128x128xf32, #tpu.memory_space<vmem>>)
      %add3A_78 = arith.constant 64 : i32
      %add3A_79 = arith.addi %add3A, %add3A_78 : i32
      %lt3A_80 = arith.constant 200 : i32
      %lt3A_81 = arith.cmpi slt, %add3A_79, %lt3A_80 : i32
      %convert_element_type3A_82 = arith.extui %lt3A_81 : i1 to i32
      %cond3A_83 = arith.constant 0 : i32
      %cond3A_84 = arith.cmpi ne, %convert_element_type3A_82, %cond3A_83 : i32
      scf.if %cond3A_84 {
        %add3A_89 = arith.constant 64 : i32
        %add3A_90 = arith.addi %add3A, %add3A_89 : i32
        %mul3A_91 = arith.constant 32 : i32
        %mul3A_92 = arith.muli %add3A_90, %mul3A_91 : i32
        %multiple_of3A_93 = tpu.assume_multiple %mul3A_92, 8 : i32
        %dma_start3A_94 = arith.constant 0 : i32
        %dma_start3A_95 = tpu.memref_slice %arg3[%multiple_of3A_93, %dma_start3A_94] : memref<6400x128xi32, #tpu.memory_space<hbm>> -> memref<32x128xi32, #tpu.memory_space<hbm>>
        %dma_start3A_96 = arith.constant 0 : i32
        %dma_start3A_97 = tpu.memref_slice %arg3[%multiple_of3A_93, %dma_start3A_96] : memref<6400x128xi32, #tpu.memory_space<hbm>> -> memref<32x128xi32, #tpu.memory_space<hbm>>
        tpu.enqueue_dma source(%dma_start3A_97 : memref<32x128xi32, #tpu.memory_space<hbm>>) target(%arg8 : memref<32x128xi32, #tpu.memory_space<vmem>>) target_semaphore(%arg12 : memref<!tpu.dma_semaphore, #tpu.memory_space<semaphore_mem>>)
        %dma_start3A_98 = arith.constant 0 : i32
        %dma_start3A_99 = arith.constant 0 : i32
        %dma_start3A_100 = tpu.memref_slice %arg2[%add3A_90, %dma_start3A_98, %dma_start3A_99] : memref<200x128x128xf32, #tpu.memory_space<hbm>> -> memref<1x128x128xf32, #tpu.memory_space<hbm>>
        %dma_start3A_101 = tpu.memref_squeeze %dma_start3A_100 : memref<1x128x128xf32, #tpu.memory_space<hbm>> -> memref<128x128xf32, #tpu.memory_space<hbm>>
        %dma_start3A_102 = arith.constant 0 : i32
        %dma_start3A_103 = arith.constant 0 : i32
        %dma_start3A_104 = tpu.memref_slice %arg2[%add3A_90, %dma_start3A_102, %dma_start3A_103] : memref<200x128x128xf32, #tpu.memory_space<hbm>> -> memref<1x128x128xf32, #tpu.memory_space<hbm>>
        %dma_start3A_105 = tpu.memref_squeeze %dma_start3A_104 : memref<1x128x128xf32, #tpu.memory_space<hbm>> -> memref<128x128xf32, #tpu.memory_space<hbm>>
        tpu.enqueue_dma source(%dma_start3A_105 : memref<128x128xf32, #tpu.memory_space<hbm>>) target(%arg6 : memref<128x128xf32, #tpu.memory_space<vmem>>) target_semaphore(%arg10 : memref<!tpu.dma_semaphore, #tpu.memory_space<semaphore_mem>>)
      } else {
      }
      %scan3A = arith.constant 0 : i32
      %scan3A_85 = arith.constant 32 : i32
      %scan3A_86 = arith.addi %scan3A, %scan3A_85 : i32
      %scan3A_87 = arith.constant 1 : i32
      scf.for %scan3A_89 = %scan3A to %scan3A_86 step %scan3A_87  : i32 {
        %mul3A_90 = arith.constant 1 : i32
        %mul3A_91 = arith.muli %scan3A_89, %mul3A_90 : i32
        %add3A_92 = arith.constant 0 : i32
        %add3A_93 = arith.addi %add3A_92, %mul3A_91 : i32
        "tpu.region"() ({
          %run_scoped3A = tpu.sem_alloc : memref<!tpu.dma_semaphore, #tpu.memory_space<semaphore_mem>>
          %dma_start3A_94 = arith.constant 0 : i32
          %dma_start3A_95 = tpu.memref_slice %arg9[%add3A_93, %dma_start3A_94] : memref<32x128xi32, #tpu.memory_space<vmem>> -> memref<1x128xi32, #tpu.memory_space<vmem>>
          %dma_start3A_96 = tpu.memref_squeeze %dma_start3A_95 : memref<1x128xi32, #tpu.memory_space<vmem>> -> memref<128xi32, #tpu.memory_space<vmem>>
          %dma_start3A_97 = arith.constant 0 : i32
          %dma_start3A_98 = arith.constant 0 : i32
          %dma_start3A_99 = tpu.memref_slice %arg4[%dma_start3A_97, %dma_start3A_98] : memref<3276800x128xf32, #tpu.memory_space<hbm>> -> memref<3276800x128xf32, #tpu.memory_space<hbm>>
          tpu.enqueue_indirect_dma source(%arg7 : memref<128x128xf32, #tpu.memory_space<vmem>>) target(%dma_start3A_99 : memref<3276800x128xf32, #tpu.memory_space<hbm>>) offsets(%dma_start3A_96 : memref<128xi32, #tpu.memory_space<vmem>>) semaphore(%run_scoped3A : memref<!tpu.dma_semaphore, #tpu.memory_space<semaphore_mem>>)
          %dma_wait3A_100 = arith.constant 0 : i32
          %dma_wait3A_101 = tpu.memref_slice %arg9[%add3A_93, %dma_wait3A_100] : memref<32x128xi32, #tpu.memory_space<vmem>> -> memref<1x128xi32, #tpu.memory_space<vmem>>
          %dma_wait3A_102 = tpu.memref_squeeze %dma_wait3A_101 : memref<1x128xi32, #tpu.memory_space<vmem>> -> memref<128xi32, #tpu.memory_space<vmem>>
          %dma_wait3A_103 = arith.constant 0 : i32
          %dma_wait3A_104 = arith.constant 0 : i32
          %dma_wait3A_105 = tpu.memref_slice %arg4[%dma_wait3A_103, %dma_wait3A_104] : memref<3276800x128xf32, #tpu.memory_space<hbm>> -> memref<3276800x128xf32, #tpu.memory_space<hbm>>
          tpu.wait_indirect_dma semaphore(%run_scoped3A : memref<!tpu.dma_semaphore, #tpu.memory_space<semaphore_mem>>) src(%arg7 : memref<128x128xf32, #tpu.memory_space<vmem>>) dst(%dma_wait3A_105 : memref<3276800x128xf32, #tpu.memory_space<hbm>>)
          tpu.yield
        }) : () -> ()
      }
      %scan3A_88 = arith.constant 32 : i32
    } else {
    }
    %add3A_27 = arith.constant 64 : i32
    %add3A_28 = arith.addi %add3A, %add3A_27 : i32
    %lt3A_29 = arith.constant 200 : i32
    %lt3A_30 = arith.cmpi slt, %add3A_28, %lt3A_29 : i32
    %convert_element_type3A_31 = arith.extui %lt3A_30 : i1 to i32
    %cond3A_32 = arith.constant 0 : i32
    %cond3A_33 = arith.cmpi ne, %convert_element_type3A_31, %cond3A_32 : i32
    scf.if %cond3A_33 {
      %add3A_62 = arith.constant 64 : i32
      %add3A_63 = arith.addi %add3A, %add3A_62 : i32
      %mul3A_64 = arith.constant 32 : i32
      %mul3A_65 = arith.muli %add3A_63, %mul3A_64 : i32
      %multiple_of3A_66 = tpu.assume_multiple %mul3A_65, 8 : i32
      %dma_wait3A = arith.constant 0 : i32
      %dma_wait3A_67 = tpu.memref_slice %arg3[%multiple_of3A_66, %dma_wait3A] : memref<6400x128xi32, #tpu.memory_space<hbm>> -> memref<32x128xi32, #tpu.memory_space<hbm>>
      %dma_wait3A_68 = arith.constant 0 : i32
      %dma_wait3A_69 = tpu.memref_slice %arg3[%multiple_of3A_66, %dma_wait3A_68] : memref<6400x128xi32, #tpu.memory_space<hbm>> -> memref<32x128xi32, #tpu.memory_space<hbm>>
      tpu.wait_dma2 semaphore(%arg12 : memref<!tpu.dma_semaphore, #tpu.memory_space<semaphore_mem>>) src(%dma_wait3A_69 : memref<32x128xi32, #tpu.memory_space<hbm>>) dst(%arg8 : memref<32x128xi32, #tpu.memory_space<vmem>>)
      %dma_wait3A_70 = arith.constant 0 : i32
      %dma_wait3A_71 = arith.constant 0 : i32
      %dma_wait3A_72 = tpu.memref_slice %arg2[%add3A_63, %dma_wait3A_70, %dma_wait3A_71] : memref<200x128x128xf32, #tpu.memory_space<hbm>> -> memref<1x128x128xf32, #tpu.memory_space<hbm>>
      %dma_wait3A_73 = tpu.memref_squeeze %dma_wait3A_72 : memref<1x128x128xf32, #tpu.memory_space<hbm>> -> memref<128x128xf32, #tpu.memory_space<hbm>>
      %dma_wait3A_74 = arith.constant 0 : i32
      %dma_wait3A_75 = arith.constant 0 : i32
      %dma_wait3A_76 = tpu.memref_slice %arg2[%add3A_63, %dma_wait3A_74, %dma_wait3A_75] : memref<200x128x128xf32, #tpu.memory_space<hbm>> -> memref<1x128x128xf32, #tpu.memory_space<hbm>>
      %dma_wait3A_77 = tpu.memref_squeeze %dma_wait3A_76 : memref<1x128x128xf32, #tpu.memory_space<hbm>> -> memref<128x128xf32, #tpu.memory_space<hbm>>
      tpu.wait_dma2 semaphore(%arg10 : memref<!tpu.dma_semaphore, #tpu.memory_space<semaphore_mem>>) src(%dma_wait3A_77 : memref<128x128xf32, #tpu.memory_space<hbm>>) dst(%arg6 : memref<128x128xf32, #tpu.memory_space<vmem>>)
      %add3A_78 = arith.constant 96 : i32
      %add3A_79 = arith.addi %add3A, %add3A_78 : i32
      %lt3A_80 = arith.constant 200 : i32
      %lt3A_81 = arith.cmpi slt, %add3A_79, %lt3A_80 : i32
      %convert_element_type3A_82 = arith.extui %lt3A_81 : i1 to i32
      %cond3A_83 = arith.constant 0 : i32
      %cond3A_84 = arith.cmpi ne, %convert_element_type3A_82, %cond3A_83 : i32
      scf.if %cond3A_84 {
        %add3A_89 = arith.constant 96 : i32
        %add3A_90 = arith.addi %add3A, %add3A_89 : i32
        %mul3A_91 = arith.constant 32 : i32
        %mul3A_92 = arith.muli %add3A_90, %mul3A_91 : i32
        %multiple_of3A_93 = tpu.assume_multiple %mul3A_92, 8 : i32
        %dma_start3A_94 = arith.constant 0 : i32
        %dma_start3A_95 = tpu.memref_slice %arg3[%multiple_of3A_93, %dma_start3A_94] : memref<6400x128xi32, #tpu.memory_space<hbm>> -> memref<32x128xi32, #tpu.memory_space<hbm>>
        %dma_start3A_96 = arith.constant 0 : i32
        %dma_start3A_97 = tpu.memref_slice %arg3[%multiple_of3A_93, %dma_start3A_96] : memref<6400x128xi32, #tpu.memory_space<hbm>> -> memref<32x128xi32, #tpu.memory_space<hbm>>
        tpu.enqueue_dma source(%dma_start3A_97 : memref<32x128xi32, #tpu.memory_space<hbm>>) target(%arg9 : memref<32x128xi32, #tpu.memory_space<vmem>>) target_semaphore(%arg13 : memref<!tpu.dma_semaphore, #tpu.memory_space<semaphore_mem>>)
        %dma_start3A_98 = arith.constant 0 : i32
        %dma_start3A_99 = arith.constant 0 : i32
        %dma_start3A_100 = tpu.memref_slice %arg2[%add3A_90, %dma_start3A_98, %dma_start3A_99] : memref<200x128x128xf32, #tpu.memory_space<hbm>> -> memref<1x128x128xf32, #tpu.memory_space<hbm>>
        %dma_start3A_101 = tpu.memref_squeeze %dma_start3A_100 : memref<1x128x128xf32, #tpu.memory_space<hbm>> -> memref<128x128xf32, #tpu.memory_space<hbm>>
        %dma_start3A_102 = arith.constant 0 : i32
        %dma_start3A_103 = arith.constant 0 : i32
        %dma_start3A_104 = tpu.memref_slice %arg2[%add3A_90, %dma_start3A_102, %dma_start3A_103] : memref<200x128x128xf32, #tpu.memory_space<hbm>> -> memref<1x128x128xf32, #tpu.memory_space<hbm>>
        %dma_start3A_105 = tpu.memref_squeeze %dma_start3A_104 : memref<1x128x128xf32, #tpu.memory_space<hbm>> -> memref<128x128xf32, #tpu.memory_space<hbm>>
        tpu.enqueue_dma source(%dma_start3A_105 : memref<128x128xf32, #tpu.memory_space<hbm>>) target(%arg7 : memref<128x128xf32, #tpu.memory_space<vmem>>) target_semaphore(%arg11 : memref<!tpu.dma_semaphore, #tpu.memory_space<semaphore_mem>>)
      } else {
      }
      %scan3A = arith.constant 0 : i32
      %scan3A_85 = arith.constant 32 : i32
      %scan3A_86 = arith.addi %scan3A, %scan3A_85 : i32
      %scan3A_87 = arith.constant 1 : i32
      scf.for %scan3A_89 = %scan3A to %scan3A_86 step %scan3A_87  : i32 {
        %mul3A_90 = arith.constant 1 : i32
        %mul3A_91 = arith.muli %scan3A_89, %mul3A_90 : i32
        %add3A_92 = arith.constant 0 : i32
        %add3A_93 = arith.addi %add3A_92, %mul3A_91 : i32
        "tpu.region"() ({
          %run_scoped3A = tpu.sem_alloc : memref<!tpu.dma_semaphore, #tpu.memory_space<semaphore_mem>>
          %dma_start3A_94 = arith.constant 0 : i32
          %dma_start3A_95 = tpu.memref_slice %arg8[%add3A_93, %dma_start3A_94] : memref<32x128xi32, #tpu.memory_space<vmem>> -> memref<1x128xi32, #tpu.memory_space<vmem>>
          %dma_start3A_96 = tpu.memref_squeeze %dma_start3A_95 : memref<1x128xi32, #tpu.memory_space<vmem>> -> memref<128xi32, #tpu.memory_space<vmem>>
          %dma_start3A_97 = arith.constant 0 : i32
          %dma_start3A_98 = arith.constant 0 : i32
          %dma_start3A_99 = tpu.memref_slice %arg4[%dma_start3A_97, %dma_start3A_98] : memref<3276800x128xf32, #tpu.memory_space<hbm>> -> memref<3276800x128xf32, #tpu.memory_space<hbm>>
          tpu.enqueue_indirect_dma source(%arg6 : memref<128x128xf32, #tpu.memory_space<vmem>>) target(%dma_start3A_99 : memref<3276800x128xf32, #tpu.memory_space<hbm>>) offsets(%dma_start3A_96 : memref<128xi32, #tpu.memory_space<vmem>>) semaphore(%run_scoped3A : memref<!tpu.dma_semaphore, #tpu.memory_space<semaphore_mem>>)
          %dma_wait3A_100 = arith.constant 0 : i32
          %dma_wait3A_101 = tpu.memref_slice %arg8[%add3A_93, %dma_wait3A_100] : memref<32x128xi32, #tpu.memory_space<vmem>> -> memref<1x128xi32, #tpu.memory_space<vmem>>
          %dma_wait3A_102 = tpu.memref_squeeze %dma_wait3A_101 : memref<1x128xi32, #tpu.memory_space<vmem>> -> memref<128xi32, #tpu.memory_space<vmem>>
          %dma_wait3A_103 = arith.constant 0 : i32
          %dma_wait3A_104 = arith.constant 0 : i32
          %dma_wait3A_105 = tpu.memref_slice %arg4[%dma_wait3A_103, %dma_wait3A_104] : memref<3276800x128xf32, #tpu.memory_space<hbm>> -> memref<3276800x128xf32, #tpu.memory_space<hbm>>
          tpu.wait_indirect_dma semaphore(%run_scoped3A : memref<!tpu.dma_semaphore, #tpu.memory_space<semaphore_mem>>) src(%arg6 : memref<128x128xf32, #tpu.memory_space<vmem>>) dst(%dma_wait3A_105 : memref<3276800x128xf32, #tpu.memory_space<hbm>>)
          tpu.yield
        }) : () -> ()
      }
      %scan3A_88 = arith.constant 32 : i32
    } else {
    }
    %add3A_34 = arith.constant 96 : i32
    %add3A_35 = arith.addi %add3A, %add3A_34 : i32
    %lt3A_36 = arith.constant 200 : i32
    %lt3A_37 = arith.cmpi slt, %add3A_35, %lt3A_36 : i32
    %convert_element_type3A_38 = arith.extui %lt3A_37 : i1 to i32
    %cond3A_39 = arith.constant 0 : i32
    %cond3A_40 = arith.cmpi ne, %convert_element_type3A_38, %cond3A_39 : i32
    scf.if %cond3A_40 {
      %add3A_62 = arith.constant 96 : i32
      %add3A_63 = arith.addi %add3A, %add3A_62 : i32
      %mul3A_64 = arith.constant 32 : i32
      %mul3A_65 = arith.muli %add3A_63, %mul3A_64 : i32
      %multiple_of3A_66 = tpu.assume_multiple %mul3A_65, 8 : i32
      %dma_wait3A = arith.constant 0 : i32
      %dma_wait3A_67 = tpu.memref_slice %arg3[%multiple_of3A_66, %dma_wait3A] : memref<6400x128xi32, #tpu.memory_space<hbm>> -> memref<32x128xi32, #tpu.memory_space<hbm>>
      %dma_wait3A_68 = arith.constant 0 : i32
      %dma_wait3A_69 = tpu.memref_slice %arg3[%multiple_of3A_66, %dma_wait3A_68] : memref<6400x128xi32, #tpu.memory_space<hbm>> -> memref<32x128xi32, #tpu.memory_space<hbm>>
      tpu.wait_dma2 semaphore(%arg13 : memref<!tpu.dma_semaphore, #tpu.memory_space<semaphore_mem>>) src(%dma_wait3A_69 : memref<32x128xi32, #tpu.memory_space<hbm>>) dst(%arg9 : memref<32x128xi32, #tpu.memory_space<vmem>>)
      %dma_wait3A_70 = arith.constant 0 : i32
      %dma_wait3A_71 = arith.constant 0 : i32
      %dma_wait3A_72 = tpu.memref_slice %arg2[%add3A_63, %dma_wait3A_70, %dma_wait3A_71] : memref<200x128x128xf32, #tpu.memory_space<hbm>> -> memref<1x128x128xf32, #tpu.memory_space<hbm>>
      %dma_wait3A_73 = tpu.memref_squeeze %dma_wait3A_72 : memref<1x128x128xf32, #tpu.memory_space<hbm>> -> memref<128x128xf32, #tpu.memory_space<hbm>>
      %dma_wait3A_74 = arith.constant 0 : i32
      %dma_wait3A_75 = arith.constant 0 : i32
      %dma_wait3A_76 = tpu.memref_slice %arg2[%add3A_63, %dma_wait3A_74, %dma_wait3A_75] : memref<200x128x128xf32, #tpu.memory_space<hbm>> -> memref<1x128x128xf32, #tpu.memory_space<hbm>>
      %dma_wait3A_77 = tpu.memref_squeeze %dma_wait3A_76 : memref<1x128x128xf32, #tpu.memory_space<hbm>> -> memref<128x128xf32, #tpu.memory_space<hbm>>
      tpu.wait_dma2 semaphore(%arg11 : memref<!tpu.dma_semaphore, #tpu.memory_space<semaphore_mem>>) src(%dma_wait3A_77 : memref<128x128xf32, #tpu.memory_space<hbm>>) dst(%arg7 : memref<128x128xf32, #tpu.memory_space<vmem>>)
      %add3A_78 = arith.constant 128 : i32
      %add3A_79 = arith.addi %add3A, %add3A_78 : i32
      %lt3A_80 = arith.constant 200 : i32
      %lt3A_81 = arith.cmpi slt, %add3A_79, %lt3A_80 : i32
      %convert_element_type3A_82 = arith.extui %lt3A_81 : i1 to i32
      %cond3A_83 = arith.constant 0 : i32
      %cond3A_84 = arith.cmpi ne, %convert_element_type3A_82, %cond3A_83 : i32
      scf.if %cond3A_84 {
        %add3A_89 = arith.constant 128 : i32
        %add3A_90 = arith.addi %add3A, %add3A_89 : i32
        %mul3A_91 = arith.constant 32 : i32
        %mul3A_92 = arith.muli %add3A_90, %mul3A_91 : i32
        %multiple_of3A_93 = tpu.assume_multiple %mul3A_92, 8 : i32
        %dma_start3A_94 = arith.constant 0 : i32
        %dma_start3A_95 = tpu.memref_slice %arg3[%multiple_of3A_93, %dma_start3A_94] : memref<6400x128xi32, #tpu.memory_space<hbm>> -> memref<32x128xi32, #tpu.memory_space<hbm>>
        %dma_start3A_96 = arith.constant 0 : i32
        %dma_start3A_97 = tpu.memref_slice %arg3[%multiple_of3A_93, %dma_start3A_96] : memref<6400x128xi32, #tpu.memory_space<hbm>> -> memref<32x128xi32, #tpu.memory_space<hbm>>
        tpu.enqueue_dma source(%dma_start3A_97 : memref<32x128xi32, #tpu.memory_space<hbm>>) target(%arg8 : memref<32x128xi32, #tpu.memory_space<vmem>>) target_semaphore(%arg12 : memref<!tpu.dma_semaphore, #tpu.memory_space<semaphore_mem>>)
        %dma_start3A_98 = arith.constant 0 : i32
        %dma_start3A_99 = arith.constant 0 : i32
        %dma_start3A_100 = tpu.memref_slice %arg2[%add3A_90, %dma_start3A_98, %dma_start3A_99] : memref<200x128x128xf32, #tpu.memory_space<hbm>> -> memref<1x128x128xf32, #tpu.memory_space<hbm>>
        %dma_start3A_101 = tpu.memref_squeeze %dma_start3A_100 : memref<1x128x128xf32, #tpu.memory_space<hbm>> -> memref<128x128xf32, #tpu.memory_space<hbm>>
        %dma_start3A_102 = arith.constant 0 : i32
        %dma_start3A_103 = arith.constant 0 : i32
        %dma_start3A_104 = tpu.memref_slice %arg2[%add3A_90, %dma_start3A_102, %dma_start3A_103] : memref<200x128x128xf32, #tpu.memory_space<hbm>> -> memref<1x128x128xf32, #tpu.memory_space<hbm>>
        %dma_start3A_105 = tpu.memref_squeeze %dma_start3A_104 : memref<1x128x128xf32, #tpu.memory_space<hbm>> -> memref<128x128xf32, #tpu.memory_space<hbm>>
        tpu.enqueue_dma source(%dma_start3A_105 : memref<128x128xf32, #tpu.memory_space<hbm>>) target(%arg6 : memref<128x128xf32, #tpu.memory_space<vmem>>) target_semaphore(%arg10 : memref<!tpu.dma_semaphore, #tpu.memory_space<semaphore_mem>>)
      } else {
      }
      %scan3A = arith.constant 0 : i32
      %scan3A_85 = arith.constant 32 : i32
      %scan3A_86 = arith.addi %scan3A, %scan3A_85 : i32
      %scan3A_87 = arith.constant 1 : i32
      scf.for %scan3A_89 = %scan3A to %scan3A_86 step %scan3A_87  : i32 {
        %mul3A_90 = arith.constant 1 : i32
        %mul3A_91 = arith.muli %scan3A_89, %mul3A_90 : i32
        %add3A_92 = arith.constant 0 : i32
        %add3A_93 = arith.addi %add3A_92, %mul3A_91 : i32
        "tpu.region"() ({
          %run_scoped3A = tpu.sem_alloc : memref<!tpu.dma_semaphore, #tpu.memory_space<semaphore_mem>>
          %dma_start3A_94 = arith.constant 0 : i32
          %dma_start3A_95 = tpu.memref_slice %arg9[%add3A_93, %dma_start3A_94] : memref<32x128xi32, #tpu.memory_space<vmem>> -> memref<1x128xi32, #tpu.memory_space<vmem>>
          %dma_start3A_96 = tpu.memref_squeeze %dma_start3A_95 : memref<1x128xi32, #tpu.memory_space<vmem>> -> memref<128xi32, #tpu.memory_space<vmem>>
          %dma_start3A_97 = arith.constant 0 : i32
          %dma_start3A_98 = arith.constant 0 : i32
          %dma_start3A_99 = tpu.memref_slice %arg4[%dma_start3A_97, %dma_start3A_98] : memref<3276800x128xf32, #tpu.memory_space<hbm>> -> memref<3276800x128xf32, #tpu.memory_space<hbm>>
          tpu.enqueue_indirect_dma source(%arg7 : memref<128x128xf32, #tpu.memory_space<vmem>>) target(%dma_start3A_99 : memref<3276800x128xf32, #tpu.memory_space<hbm>>) offsets(%dma_start3A_96 : memref<128xi32, #tpu.memory_space<vmem>>) semaphore(%run_scoped3A : memref<!tpu.dma_semaphore, #tpu.memory_space<semaphore_mem>>)
          %dma_wait3A_100 = arith.constant 0 : i32
          %dma_wait3A_101 = tpu.memref_slice %arg9[%add3A_93, %dma_wait3A_100] : memref<32x128xi32, #tpu.memory_space<vmem>> -> memref<1x128xi32, #tpu.memory_space<vmem>>
          %dma_wait3A_102 = tpu.memref_squeeze %dma_wait3A_101 : memref<1x128xi32, #tpu.memory_space<vmem>> -> memref<128xi32, #tpu.memory_space<vmem>>
          %dma_wait3A_103 = arith.constant 0 : i32
          %dma_wait3A_104 = arith.constant 0 : i32
          %dma_wait3A_105 = tpu.memref_slice %arg4[%dma_wait3A_103, %dma_wait3A_104] : memref<3276800x128xf32, #tpu.memory_space<hbm>> -> memref<3276800x128xf32, #tpu.memory_space<hbm>>
          tpu.wait_indirect_dma semaphore(%run_scoped3A : memref<!tpu.dma_semaphore, #tpu.memory_space<semaphore_mem>>) src(%arg7 : memref<128x128xf32, #tpu.memory_space<vmem>>) dst(%dma_wait3A_105 : memref<3276800x128xf32, #tpu.memory_space<hbm>>)
          tpu.yield
        }) : () -> ()
      }
      %scan3A_88 = arith.constant 32 : i32
    } else {
    }
    %add3A_41 = arith.constant 128 : i32
    %add3A_42 = arith.addi %add3A, %add3A_41 : i32
    %lt3A_43 = arith.constant 200 : i32
    %lt3A_44 = arith.cmpi slt, %add3A_42, %lt3A_43 : i32
    %convert_element_type3A_45 = arith.extui %lt3A_44 : i1 to i32
    %cond3A_46 = arith.constant 0 : i32
    %cond3A_47 = arith.cmpi ne, %convert_element_type3A_45, %cond3A_46 : i32
    scf.if %cond3A_47 {
      %add3A_62 = arith.constant 128 : i32
      %add3A_63 = arith.addi %add3A, %add3A_62 : i32
      %mul3A_64 = arith.constant 32 : i32
      %mul3A_65 = arith.muli %add3A_63, %mul3A_64 : i32
      %multiple_of3A_66 = tpu.assume_multiple %mul3A_65, 8 : i32
      %dma_wait3A = arith.constant 0 : i32
      %dma_wait3A_67 = tpu.memref_slice %arg3[%multiple_of3A_66, %dma_wait3A] : memref<6400x128xi32, #tpu.memory_space<hbm>> -> memref<32x128xi32, #tpu.memory_space<hbm>>
      %dma_wait3A_68 = arith.constant 0 : i32
      %dma_wait3A_69 = tpu.memref_slice %arg3[%multiple_of3A_66, %dma_wait3A_68] : memref<6400x128xi32, #tpu.memory_space<hbm>> -> memref<32x128xi32, #tpu.memory_space<hbm>>
      tpu.wait_dma2 semaphore(%arg12 : memref<!tpu.dma_semaphore, #tpu.memory_space<semaphore_mem>>) src(%dma_wait3A_69 : memref<32x128xi32, #tpu.memory_space<hbm>>) dst(%arg8 : memref<32x128xi32, #tpu.memory_space<vmem>>)
      %dma_wait3A_70 = arith.constant 0 : i32
      %dma_wait3A_71 = arith.constant 0 : i32
      %dma_wait3A_72 = tpu.memref_slice %arg2[%add3A_63, %dma_wait3A_70, %dma_wait3A_71] : memref<200x128x128xf32, #tpu.memory_space<hbm>> -> memref<1x128x128xf32, #tpu.memory_space<hbm>>
      %dma_wait3A_73 = tpu.memref_squeeze %dma_wait3A_72 : memref<1x128x128xf32, #tpu.memory_space<hbm>> -> memref<128x128xf32, #tpu.memory_space<hbm>>
      %dma_wait3A_74 = arith.constant 0 : i32
      %dma_wait3A_75 = arith.constant 0 : i32
      %dma_wait3A_76 = tpu.memref_slice %arg2[%add3A_63, %dma_wait3A_74, %dma_wait3A_75] : memref<200x128x128xf32, #tpu.memory_space<hbm>> -> memref<1x128x128xf32, #tpu.memory_space<hbm>>
      %dma_wait3A_77 = tpu.memref_squeeze %dma_wait3A_76 : memref<1x128x128xf32, #tpu.memory_space<hbm>> -> memref<128x128xf32, #tpu.memory_space<hbm>>
      tpu.wait_dma2 semaphore(%arg10 : memref<!tpu.dma_semaphore, #tpu.memory_space<semaphore_mem>>) src(%dma_wait3A_77 : memref<128x128xf32, #tpu.memory_space<hbm>>) dst(%arg6 : memref<128x128xf32, #tpu.memory_space<vmem>>)
      %add3A_78 = arith.constant 160 : i32
      %add3A_79 = arith.addi %add3A, %add3A_78 : i32
      %lt3A_80 = arith.constant 200 : i32
      %lt3A_81 = arith.cmpi slt, %add3A_79, %lt3A_80 : i32
      %convert_element_type3A_82 = arith.extui %lt3A_81 : i1 to i32
      %cond3A_83 = arith.constant 0 : i32
      %cond3A_84 = arith.cmpi ne, %convert_element_type3A_82, %cond3A_83 : i32
      scf.if %cond3A_84 {
        %add3A_89 = arith.constant 160 : i32
        %add3A_90 = arith.addi %add3A, %add3A_89 : i32
        %mul3A_91 = arith.constant 32 : i32
        %mul3A_92 = arith.muli %add3A_90, %mul3A_91 : i32
        %multiple_of3A_93 = tpu.assume_multiple %mul3A_92, 8 : i32
        %dma_start3A_94 = arith.constant 0 : i32
        %dma_start3A_95 = tpu.memref_slice %arg3[%multiple_of3A_93, %dma_start3A_94] : memref<6400x128xi32, #tpu.memory_space<hbm>> -> memref<32x128xi32, #tpu.memory_space<hbm>>
        %dma_start3A_96 = arith.constant 0 : i32
        %dma_start3A_97 = tpu.memref_slice %arg3[%multiple_of3A_93, %dma_start3A_96] : memref<6400x128xi32, #tpu.memory_space<hbm>> -> memref<32x128xi32, #tpu.memory_space<hbm>>
        tpu.enqueue_dma source(%dma_start3A_97 : memref<32x128xi32, #tpu.memory_space<hbm>>) target(%arg9 : memref<32x128xi32, #tpu.memory_space<vmem>>) target_semaphore(%arg13 : memref<!tpu.dma_semaphore, #tpu.memory_space<semaphore_mem>>)
        %dma_start3A_98 = arith.constant 0 : i32
        %dma_start3A_99 = arith.constant 0 : i32
        %dma_start3A_100 = tpu.memref_slice %arg2[%add3A_90, %dma_start3A_98, %dma_start3A_99] : memref<200x128x128xf32, #tpu.memory_space<hbm>> -> memref<1x128x128xf32, #tpu.memory_space<hbm>>
        %dma_start3A_101 = tpu.memref_squeeze %dma_start3A_100 : memref<1x128x128xf32, #tpu.memory_space<hbm>> -> memref<128x128xf32, #tpu.memory_space<hbm>>
        %dma_start3A_102 = arith.constant 0 : i32
        %dma_start3A_103 = arith.constant 0 : i32
        %dma_start3A_104 = tpu.memref_slice %arg2[%add3A_90, %dma_start3A_102, %dma_start3A_103] : memref<200x128x128xf32, #tpu.memory_space<hbm>> -> memref<1x128x128xf32, #tpu.memory_space<hbm>>
        %dma_start3A_105 = tpu.memref_squeeze %dma_start3A_104 : memref<1x128x128xf32, #tpu.memory_space<hbm>> -> memref<128x128xf32, #tpu.memory_space<hbm>>
        tpu.enqueue_dma source(%dma_start3A_105 : memref<128x128xf32, #tpu.memory_space<hbm>>) target(%arg7 : memref<128x128xf32, #tpu.memory_space<vmem>>) target_semaphore(%arg11 : memref<!tpu.dma_semaphore, #tpu.memory_space<semaphore_mem>>)
      } else {
      }
      %scan3A = arith.constant 0 : i32
      %scan3A_85 = arith.constant 32 : i32
      %scan3A_86 = arith.addi %scan3A, %scan3A_85 : i32
      %scan3A_87 = arith.constant 1 : i32
      scf.for %scan3A_89 = %scan3A to %scan3A_86 step %scan3A_87  : i32 {
        %mul3A_90 = arith.constant 1 : i32
        %mul3A_91 = arith.muli %scan3A_89, %mul3A_90 : i32
        %add3A_92 = arith.constant 0 : i32
        %add3A_93 = arith.addi %add3A_92, %mul3A_91 : i32
        "tpu.region"() ({
          %run_scoped3A = tpu.sem_alloc : memref<!tpu.dma_semaphore, #tpu.memory_space<semaphore_mem>>
          %dma_start3A_94 = arith.constant 0 : i32
          %dma_start3A_95 = tpu.memref_slice %arg8[%add3A_93, %dma_start3A_94] : memref<32x128xi32, #tpu.memory_space<vmem>> -> memref<1x128xi32, #tpu.memory_space<vmem>>
          %dma_start3A_96 = tpu.memref_squeeze %dma_start3A_95 : memref<1x128xi32, #tpu.memory_space<vmem>> -> memref<128xi32, #tpu.memory_space<vmem>>
          %dma_start3A_97 = arith.constant 0 : i32
          %dma_start3A_98 = arith.constant 0 : i32
          %dma_start3A_99 = tpu.memref_slice %arg4[%dma_start3A_97, %dma_start3A_98] : memref<3276800x128xf32, #tpu.memory_space<hbm>> -> memref<3276800x128xf32, #tpu.memory_space<hbm>>
          tpu.enqueue_indirect_dma source(%arg6 : memref<128x128xf32, #tpu.memory_space<vmem>>) target(%dma_start3A_99 : memref<3276800x128xf32, #tpu.memory_space<hbm>>) offsets(%dma_start3A_96 : memref<128xi32, #tpu.memory_space<vmem>>) semaphore(%run_scoped3A : memref<!tpu.dma_semaphore, #tpu.memory_space<semaphore_mem>>)
          %dma_wait3A_100 = arith.constant 0 : i32
          %dma_wait3A_101 = tpu.memref_slice %arg8[%add3A_93, %dma_wait3A_100] : memref<32x128xi32, #tpu.memory_space<vmem>> -> memref<1x128xi32, #tpu.memory_space<vmem>>
          %dma_wait3A_102 = tpu.memref_squeeze %dma_wait3A_101 : memref<1x128xi32, #tpu.memory_space<vmem>> -> memref<128xi32, #tpu.memory_space<vmem>>
          %dma_wait3A_103 = arith.constant 0 : i32
          %dma_wait3A_104 = arith.constant 0 : i32
          %dma_wait3A_105 = tpu.memref_slice %arg4[%dma_wait3A_103, %dma_wait3A_104] : memref<3276800x128xf32, #tpu.memory_space<hbm>> -> memref<3276800x128xf32, #tpu.memory_space<hbm>>
          tpu.wait_indirect_dma semaphore(%run_scoped3A : memref<!tpu.dma_semaphore, #tpu.memory_space<semaphore_mem>>) src(%arg6 : memref<128x128xf32, #tpu.memory_space<vmem>>) dst(%dma_wait3A_105 : memref<3276800x128xf32, #tpu.memory_space<hbm>>)
          tpu.yield
        }) : () -> ()
      }
      %scan3A_88 = arith.constant 32 : i32
    } else {
    }
    %add3A_48 = arith.constant 160 : i32
    %add3A_49 = arith.addi %add3A, %add3A_48 : i32
    %lt3A_50 = arith.constant 200 : i32
    %lt3A_51 = arith.cmpi slt, %add3A_49, %lt3A_50 : i32
    %convert_element_type3A_52 = arith.extui %lt3A_51 : i1 to i32
    %cond3A_53 = arith.constant 0 : i32
    %cond3A_54 = arith.cmpi ne, %convert_element_type3A_52, %cond3A_53 : i32
    scf.if %cond3A_54 {
      %add3A_62 = arith.constant 160 : i32
      %add3A_63 = arith.addi %add3A, %add3A_62 : i32
      %mul3A_64 = arith.constant 32 : i32
      %mul3A_65 = arith.muli %add3A_63, %mul3A_64 : i32
      %multiple_of3A_66 = tpu.assume_multiple %mul3A_65, 8 : i32
      %dma_wait3A = arith.constant 0 : i32
      %dma_wait3A_67 = tpu.memref_slice %arg3[%multiple_of3A_66, %dma_wait3A] : memref<6400x128xi32, #tpu.memory_space<hbm>> -> memref<32x128xi32, #tpu.memory_space<hbm>>
      %dma_wait3A_68 = arith.constant 0 : i32
      %dma_wait3A_69 = tpu.memref_slice %arg3[%multiple_of3A_66, %dma_wait3A_68] : memref<6400x128xi32, #tpu.memory_space<hbm>> -> memref<32x128xi32, #tpu.memory_space<hbm>>
      tpu.wait_dma2 semaphore(%arg13 : memref<!tpu.dma_semaphore, #tpu.memory_space<semaphore_mem>>) src(%dma_wait3A_69 : memref<32x128xi32, #tpu.memory_space<hbm>>) dst(%arg9 : memref<32x128xi32, #tpu.memory_space<vmem>>)
      %dma_wait3A_70 = arith.constant 0 : i32
      %dma_wait3A_71 = arith.constant 0 : i32
      %dma_wait3A_72 = tpu.memref_slice %arg2[%add3A_63, %dma_wait3A_70, %dma_wait3A_71] : memref<200x128x128xf32, #tpu.memory_space<hbm>> -> memref<1x128x128xf32, #tpu.memory_space<hbm>>
      %dma_wait3A_73 = tpu.memref_squeeze %dma_wait3A_72 : memref<1x128x128xf32, #tpu.memory_space<hbm>> -> memref<128x128xf32, #tpu.memory_space<hbm>>
      %dma_wait3A_74 = arith.constant 0 : i32
      %dma_wait3A_75 = arith.constant 0 : i32
      %dma_wait3A_76 = tpu.memref_slice %arg2[%add3A_63, %dma_wait3A_74, %dma_wait3A_75] : memref<200x128x128xf32, #tpu.memory_space<hbm>> -> memref<1x128x128xf32, #tpu.memory_space<hbm>>
      %dma_wait3A_77 = tpu.memref_squeeze %dma_wait3A_76 : memref<1x128x128xf32, #tpu.memory_space<hbm>> -> memref<128x128xf32, #tpu.memory_space<hbm>>
      tpu.wait_dma2 semaphore(%arg11 : memref<!tpu.dma_semaphore, #tpu.memory_space<semaphore_mem>>) src(%dma_wait3A_77 : memref<128x128xf32, #tpu.memory_space<hbm>>) dst(%arg7 : memref<128x128xf32, #tpu.memory_space<vmem>>)
      %add3A_78 = arith.constant 192 : i32
      %add3A_79 = arith.addi %add3A, %add3A_78 : i32
      %lt3A_80 = arith.constant 200 : i32
      %lt3A_81 = arith.cmpi slt, %add3A_79, %lt3A_80 : i32
      %convert_element_type3A_82 = arith.extui %lt3A_81 : i1 to i32
      %cond3A_83 = arith.constant 0 : i32
      %cond3A_84 = arith.cmpi ne, %convert_element_type3A_82, %cond3A_83 : i32
      scf.if %cond3A_84 {
        %add3A_89 = arith.constant 192 : i32
        %add3A_90 = arith.addi %add3A, %add3A_89 : i32
        %mul3A_91 = arith.constant 32 : i32
        %mul3A_92 = arith.muli %add3A_90, %mul3A_91 : i32
        %multiple_of3A_93 = tpu.assume_multiple %mul3A_92, 8 : i32
        %dma_start3A_94 = arith.constant 0 : i32
        %dma_start3A_95 = tpu.memref_slice %arg3[%multiple_of3A_93, %dma_start3A_94] : memref<6400x128xi32, #tpu.memory_space<hbm>> -> memref<32x128xi32, #tpu.memory_space<hbm>>
        %dma_start3A_96 = arith.constant 0 : i32
        %dma_start3A_97 = tpu.memref_slice %arg3[%multiple_of3A_93, %dma_start3A_96] : memref<6400x128xi32, #tpu.memory_space<hbm>> -> memref<32x128xi32, #tpu.memory_space<hbm>>
        tpu.enqueue_dma source(%dma_start3A_97 : memref<32x128xi32, #tpu.memory_space<hbm>>) target(%arg8 : memref<32x128xi32, #tpu.memory_space<vmem>>) target_semaphore(%arg12 : memref<!tpu.dma_semaphore, #tpu.memory_space<semaphore_mem>>)
        %dma_start3A_98 = arith.constant 0 : i32
        %dma_start3A_99 = arith.constant 0 : i32
        %dma_start3A_100 = tpu.memref_slice %arg2[%add3A_90, %dma_start3A_98, %dma_start3A_99] : memref<200x128x128xf32, #tpu.memory_space<hbm>> -> memref<1x128x128xf32, #tpu.memory_space<hbm>>
        %dma_start3A_101 = tpu.memref_squeeze %dma_start3A_100 : memref<1x128x128xf32, #tpu.memory_space<hbm>> -> memref<128x128xf32, #tpu.memory_space<hbm>>
        %dma_start3A_102 = arith.constant 0 : i32
        %dma_start3A_103 = arith.constant 0 : i32
        %dma_start3A_104 = tpu.memref_slice %arg2[%add3A_90, %dma_start3A_102, %dma_start3A_103] : memref<200x128x128xf32, #tpu.memory_space<hbm>> -> memref<1x128x128xf32, #tpu.memory_space<hbm>>
        %dma_start3A_105 = tpu.memref_squeeze %dma_start3A_104 : memref<1x128x128xf32, #tpu.memory_space<hbm>> -> memref<128x128xf32, #tpu.memory_space<hbm>>
        tpu.enqueue_dma source(%dma_start3A_105 : memref<128x128xf32, #tpu.memory_space<hbm>>) target(%arg6 : memref<128x128xf32, #tpu.memory_space<vmem>>) target_semaphore(%arg10 : memref<!tpu.dma_semaphore, #tpu.memory_space<semaphore_mem>>)
      } else {
      }
      %scan3A = arith.constant 0 : i32
      %scan3A_85 = arith.constant 32 : i32
      %scan3A_86 = arith.addi %scan3A, %scan3A_85 : i32
      %scan3A_87 = arith.constant 1 : i32
      scf.for %scan3A_89 = %scan3A to %scan3A_86 step %scan3A_87  : i32 {
        %mul3A_90 = arith.constant 1 : i32
        %mul3A_91 = arith.muli %scan3A_89, %mul3A_90 : i32
        %add3A_92 = arith.constant 0 : i32
        %add3A_93 = arith.addi %add3A_92, %mul3A_91 : i32
        "tpu.region"() ({
          %run_scoped3A = tpu.sem_alloc : memref<!tpu.dma_semaphore, #tpu.memory_space<semaphore_mem>>
          %dma_start3A_94 = arith.constant 0 : i32
          %dma_start3A_95 = tpu.memref_slice %arg9[%add3A_93, %dma_start3A_94] : memref<32x128xi32, #tpu.memory_space<vmem>> -> memref<1x128xi32, #tpu.memory_space<vmem>>
          %dma_start3A_96 = tpu.memref_squeeze %dma_start3A_95 : memref<1x128xi32, #tpu.memory_space<vmem>> -> memref<128xi32, #tpu.memory_space<vmem>>
          %dma_start3A_97 = arith.constant 0 : i32
          %dma_start3A_98 = arith.constant 0 : i32
          %dma_start3A_99 = tpu.memref_slice %arg4[%dma_start3A_97, %dma_start3A_98] : memref<3276800x128xf32, #tpu.memory_space<hbm>> -> memref<3276800x128xf32, #tpu.memory_space<hbm>>
          tpu.enqueue_indirect_dma source(%arg7 : memref<128x128xf32, #tpu.memory_space<vmem>>) target(%dma_start3A_99 : memref<3276800x128xf32, #tpu.memory_space<hbm>>) offsets(%dma_start3A_96 : memref<128xi32, #tpu.memory_space<vmem>>) semaphore(%run_scoped3A : memref<!tpu.dma_semaphore, #tpu.memory_space<semaphore_mem>>)
          %dma_wait3A_100 = arith.constant 0 : i32
          %dma_wait3A_101 = tpu.memref_slice %arg9[%add3A_93, %dma_wait3A_100] : memref<32x128xi32, #tpu.memory_space<vmem>> -> memref<1x128xi32, #tpu.memory_space<vmem>>
          %dma_wait3A_102 = tpu.memref_squeeze %dma_wait3A_101 : memref<1x128xi32, #tpu.memory_space<vmem>> -> memref<128xi32, #tpu.memory_space<vmem>>
          %dma_wait3A_103 = arith.constant 0 : i32
          %dma_wait3A_104 = arith.constant 0 : i32
          %dma_wait3A_105 = tpu.memref_slice %arg4[%dma_wait3A_103, %dma_wait3A_104] : memref<3276800x128xf32, #tpu.memory_space<hbm>> -> memref<3276800x128xf32, #tpu.memory_space<hbm>>
          tpu.wait_indirect_dma semaphore(%run_scoped3A : memref<!tpu.dma_semaphore, #tpu.memory_space<semaphore_mem>>) src(%arg7 : memref<128x128xf32, #tpu.memory_space<vmem>>) dst(%dma_wait3A_105 : memref<3276800x128xf32, #tpu.memory_space<hbm>>)
          tpu.yield
        }) : () -> ()
      }
      %scan3A_88 = arith.constant 32 : i32
    } else {
    }
    %add3A_55 = arith.constant 192 : i32
    %add3A_56 = arith.addi %add3A, %add3A_55 : i32
    %lt3A_57 = arith.constant 200 : i32
    %lt3A_58 = arith.cmpi slt, %add3A_56, %lt3A_57 : i32
    %convert_element_type3A_59 = arith.extui %lt3A_58 : i1 to i32
    %cond3A_60 = arith.constant 0 : i32
    %cond3A_61 = arith.cmpi ne, %convert_element_type3A_59, %cond3A_60 : i32
    scf.if %cond3A_61 {
      %add3A_62 = arith.constant 192 : i32
      %add3A_63 = arith.addi %add3A, %add3A_62 : i32
      %mul3A_64 = arith.constant 32 : i32
      %mul3A_65 = arith.muli %add3A_63, %mul3A_64 : i32
      %multiple_of3A_66 = tpu.assume_multiple %mul3A_65, 8 : i32
      %dma_wait3A = arith.constant 0 : i32
      %dma_wait3A_67 = tpu.memref_slice %arg3[%multiple_of3A_66, %dma_wait3A] : memref<6400x128xi32, #tpu.memory_space<hbm>> -> memref<32x128xi32, #tpu.memory_space<hbm>>
      %dma_wait3A_68 = arith.constant 0 : i32
      %dma_wait3A_69 = tpu.memref_slice %arg3[%multiple_of3A_66, %dma_wait3A_68] : memref<6400x128xi32, #tpu.memory_space<hbm>> -> memref<32x128xi32, #tpu.memory_space<hbm>>
      tpu.wait_dma2 semaphore(%arg12 : memref<!tpu.dma_semaphore, #tpu.memory_space<semaphore_mem>>) src(%dma_wait3A_69 : memref<32x128xi32, #tpu.memory_space<hbm>>) dst(%arg8 : memref<32x128xi32, #tpu.memory_space<vmem>>)
      %dma_wait3A_70 = arith.constant 0 : i32
      %dma_wait3A_71 = arith.constant 0 : i32
      %dma_wait3A_72 = tpu.memref_slice %arg2[%add3A_63, %dma_wait3A_70, %dma_wait3A_71] : memref<200x128x128xf32, #tpu.memory_space<hbm>> -> memref<1x128x128xf32, #tpu.memory_space<hbm>>
      %dma_wait3A_73 = tpu.memref_squeeze %dma_wait3A_72 : memref<1x128x128xf32, #tpu.memory_space<hbm>> -> memref<128x128xf32, #tpu.memory_space<hbm>>
      %dma_wait3A_74 = arith.constant 0 : i32
      %dma_wait3A_75 = arith.constant 0 : i32
      %dma_wait3A_76 = tpu.memref_slice %arg2[%add3A_63, %dma_wait3A_74, %dma_wait3A_75] : memref<200x128x128xf32, #tpu.memory_space<hbm>> -> memref<1x128x128xf32, #tpu.memory_space<hbm>>
      %dma_wait3A_77 = tpu.memref_squeeze %dma_wait3A_76 : memref<1x128x128xf32, #tpu.memory_space<hbm>> -> memref<128x128xf32, #tpu.memory_space<hbm>>
      tpu.wait_dma2 semaphore(%arg10 : memref<!tpu.dma_semaphore, #tpu.memory_space<semaphore_mem>>) src(%dma_wait3A_77 : memref<128x128xf32, #tpu.memory_space<hbm>>) dst(%arg6 : memref<128x128xf32, #tpu.memory_space<vmem>>)
      %scan3A = arith.constant 0 : i32
      %scan3A_78 = arith.constant 32 : i32
      %scan3A_79 = arith.addi %scan3A, %scan3A_78 : i32
      %scan3A_80 = arith.constant 1 : i32
      scf.for %scan3A_82 = %scan3A to %scan3A_79 step %scan3A_80  : i32 {
        %mul3A_83 = arith.constant 1 : i32
        %mul3A_84 = arith.muli %scan3A_82, %mul3A_83 : i32
        %add3A_85 = arith.constant 0 : i32
        %add3A_86 = arith.addi %add3A_85, %mul3A_84 : i32
        "tpu.region"() ({
          %run_scoped3A = tpu.sem_alloc : memref<!tpu.dma_semaphore, #tpu.memory_space<semaphore_mem>>
          %dma_start3A_87 = arith.constant 0 : i32
          %dma_start3A_88 = tpu.memref_slice %arg8[%add3A_86, %dma_start3A_87] : memref<32x128xi32, #tpu.memory_space<vmem>> -> memref<1x128xi32, #tpu.memory_space<vmem>>
          %dma_start3A_89 = tpu.memref_squeeze %dma_start3A_88 : memref<1x128xi32, #tpu.memory_space<vmem>> -> memref<128xi32, #tpu.memory_space<vmem>>
          %dma_start3A_90 = arith.constant 0 : i32
          %dma_start3A_91 = arith.constant 0 : i32
          %dma_start3A_92 = tpu.memref_slice %arg4[%dma_start3A_90, %dma_start3A_91] : memref<3276800x128xf32, #tpu.memory_space<hbm>> -> memref<3276800x128xf32, #tpu.memory_space<hbm>>
          tpu.enqueue_indirect_dma source(%arg6 : memref<128x128xf32, #tpu.memory_space<vmem>>) target(%dma_start3A_92 : memref<3276800x128xf32, #tpu.memory_space<hbm>>) offsets(%dma_start3A_89 : memref<128xi32, #tpu.memory_space<vmem>>) semaphore(%run_scoped3A : memref<!tpu.dma_semaphore, #tpu.memory_space<semaphore_mem>>)
          %dma_wait3A_93 = arith.constant 0 : i32
          %dma_wait3A_94 = tpu.memref_slice %arg8[%add3A_86, %dma_wait3A_93] : memref<32x128xi32, #tpu.memory_space<vmem>> -> memref<1x128xi32, #tpu.memory_space<vmem>>
          %dma_wait3A_95 = tpu.memref_squeeze %dma_wait3A_94 : memref<1x128xi32, #tpu.memory_space<vmem>> -> memref<128xi32, #tpu.memory_space<vmem>>
          %dma_wait3A_96 = arith.constant 0 : i32
          %dma_wait3A_97 = arith.constant 0 : i32
          %dma_wait3A_98 = tpu.memref_slice %arg4[%dma_wait3A_96, %dma_wait3A_97] : memref<3276800x128xf32, #tpu.memory_space<hbm>> -> memref<3276800x128xf32, #tpu.memory_space<hbm>>
          tpu.wait_indirect_dma semaphore(%run_scoped3A : memref<!tpu.dma_semaphore, #tpu.memory_space<semaphore_mem>>) src(%arg6 : memref<128x128xf32, #tpu.memory_space<vmem>>) dst(%dma_wait3A_98 : memref<3276800x128xf32, #tpu.memory_space<hbm>>)
          tpu.yield
        }) : () -> ()
      }
      %scan3A_81 = arith.constant 32 : i32
    } else {
    }
    return
  }
}

#map = affine_map<(d0, d1) -> (0, 0, 0)>
#map1 = affine_map<(d0, d1) -> (0, 0)>
module attributes {stable_mosaic.version = 14 : i64} {
  func.func @k(%arg0: i32, %arg1: i32, %arg2: memref<200x128x128xf32, #tpu.memory_space<hbm>>, %arg3: memref<6400x128xi32, #tpu.memory_space<hbm>>, %arg4: memref<3276800x128xf32, #tpu.memory_space<hbm>>, %arg5: memref<128x128xf32, #tpu.memory_space<vmem>>, %arg6: memref<128x128xf32, #tpu.memory_space<vmem>>, %arg7: memref<32x128xi32, #tpu.memory_space<vmem>>, %arg8: memref<32x128xi32, #tpu.memory_space<vmem>>, %arg9: memref<!tpu.dma_semaphore, #tpu.memory_space<semaphore_mem>>, %arg10: memref<!tpu.dma_semaphore, #tpu.memory_space<semaphore_mem>>, %arg11: memref<!tpu.dma_semaphore, #tpu.memory_space<semaphore_mem>>, %arg12: memref<!tpu.dma_semaphore, #tpu.memory_space<semaphore_mem>>) attributes {dimension_semantics = [#tpu.dimension_semantics<core_parallel>, #tpu.dimension_semantics<subcore_parallel>], iteration_bounds = array<i64: 2, 16>, scalar_prefetch = 0 : i64, scratch_operands = 8 : i64, tpu.core_type = #tpu.core_type<sc_vector_subcore>, window_params = [{transform_indices = #map}, {transform_indices = #map1}, {transform_indices = #map1}]} {
    %mul3A = arith.constant 2 : i32
    %mul3A_0 = arith.muli %arg1, %mul3A : i32
    %add3A = arith.addi %mul3A_0, %arg0 : i32
    %add3A_1 = arith.constant 0 : i32
    %add3A_2 = arith.addi %add3A, %add3A_1 : i32
    %mul3A_3 = arith.constant 32 : i32
    %mul3A_4 = arith.muli %add3A_2, %mul3A_3 : i32
    %multiple_of3A = tpu.assume_multiple %mul3A_4, 8 : i32
    %dma_start3A = arith.constant 0 : i32
    %dma_start3A_5 = tpu.memref_slice %arg3[%multiple_of3A, %dma_start3A] : memref<6400x128xi32, #tpu.memory_space<hbm>> -> memref<32x128xi32, #tpu.memory_space<hbm>>
    %dma_start3A_6 = arith.constant 0 : i32
    %dma_start3A_7 = tpu.memref_slice %arg3[%multiple_of3A, %dma_start3A_6] : memref<6400x128xi32, #tpu.memory_space<hbm>> -> memref<32x128xi32, #tpu.memory_space<hbm>>
    tpu.enqueue_dma source(%dma_start3A_7 : memref<32x128xi32, #tpu.memory_space<hbm>>) target(%arg7 : memref<32x128xi32, #tpu.memory_space<vmem>>) target_semaphore(%arg11 : memref<!tpu.dma_semaphore, #tpu.memory_space<semaphore_mem>>)
    %dma_start3A_8 = arith.constant 0 : i32
    %dma_start3A_9 = arith.constant 0 : i32
    %dma_start3A_10 = tpu.memref_slice %arg2[%add3A_2, %dma_start3A_8, %dma_start3A_9] : memref<200x128x128xf32, #tpu.memory_space<hbm>> -> memref<1x128x128xf32, #tpu.memory_space<hbm>>
    %dma_start3A_11 = tpu.memref_squeeze %dma_start3A_10 : memref<1x128x128xf32, #tpu.memory_space<hbm>> -> memref<128x128xf32, #tpu.memory_space<hbm>>
    %dma_start3A_12 = arith.constant 0 : i32
    %dma_start3A_13 = arith.constant 0 : i32
    %dma_start3A_14 = tpu.memref_slice %arg2[%add3A_2, %dma_start3A_12, %dma_start3A_13] : memref<200x128x128xf32, #tpu.memory_space<hbm>> -> memref<1x128x128xf32, #tpu.memory_space<hbm>>
    %dma_start3A_15 = tpu.memref_squeeze %dma_start3A_14 : memref<1x128x128xf32, #tpu.memory_space<hbm>> -> memref<128x128xf32, #tpu.memory_space<hbm>>
    tpu.enqueue_dma source(%dma_start3A_15 : memref<128x128xf32, #tpu.memory_space<hbm>>) target(%arg5 : memref<128x128xf32, #tpu.memory_space<vmem>>) target_semaphore(%arg9 : memref<!tpu.dma_semaphore, #tpu.memory_space<semaphore_mem>>)
    %add3A_16 = arith.constant 0 : i32
    %add3A_17 = arith.addi %add3A, %add3A_16 : i32
    %lt3A = arith.constant 200 : i32
    %lt3A_18 = arith.cmpi slt, %add3A_17, %lt3A : i32
    %convert_element_type3A = arith.extui %lt3A_18 : i1 to i32
    %cond3A = arith.constant 0 : i32
    %cond3A_19 = arith.cmpi ne, %convert_element_type3A, %cond3A : i32
    scf.if %cond3A_19 {
      %add3A_62 = arith.constant 0 : i32
      %add3A_63 = arith.addi %add3A, %add3A_62 : i32
      %mul3A_64 = arith.constant 32 : i32
      %mul3A_65 = arith.muli %add3A_63, %mul3A_64 : i32
      %multiple_of3A_66 = tpu.assume_multiple %mul3A_65, 8 : i32
      %dma_wait3A = arith.constant 0 : i32
      %dma_wait3A_67 = tpu.memref_slice %arg3[%multiple_of3A_66, %dma_wait3A] : memref<6400x128xi32, #tpu.memory_space<hbm>> -> memref<32x128xi32, #tpu.memory_space<hbm>>
      %dma_wait3A_68 = arith.constant 0 : i32
      %dma_wait3A_69 = tpu.memref_slice %arg3[%multiple_of3A_66, %dma_wait3A_68] : memref<6400x128xi32, #tpu.memory_space<hbm>> -> memref<32x128xi32, #tpu.memory_space<hbm>>
      tpu.wait_dma2 semaphore(%arg11 : memref<!tpu.dma_semaphore, #tpu.memory_space<semaphore_mem>>) src(%dma_wait3A_69 : memref<32x128xi32, #tpu.memory_space<hbm>>) dst(%arg7 : memref<32x128xi32, #tpu.memory_space<vmem>>)
      %dma_wait3A_70 = arith.constant 0 : i32
      %dma_wait3A_71 = arith.constant 0 : i32
      %dma_wait3A_72 = tpu.memref_slice %arg2[%add3A_63, %dma_wait3A_70, %dma_wait3A_71] : memref<200x128x128xf32, #tpu.memory_space<hbm>> -> memref<1x128x128xf32, #tpu.memory_space<hbm>>
      %dma_wait3A_73 = tpu.memref_squeeze %dma_wait3A_72 : memref<1x128x128xf32, #tpu.memory_space<hbm>> -> memref<128x128xf32, #tpu.memory_space<hbm>>
      %dma_wait3A_74 = arith.constant 0 : i32
      %dma_wait3A_75 = arith.constant 0 : i32
      %dma_wait3A_76 = tpu.memref_slice %arg2[%add3A_63, %dma_wait3A_74, %dma_wait3A_75] : memref<200x128x128xf32, #tpu.memory_space<hbm>> -> memref<1x128x128xf32, #tpu.memory_space<hbm>>
      %dma_wait3A_77 = tpu.memref_squeeze %dma_wait3A_76 : memref<1x128x128xf32, #tpu.memory_space<hbm>> -> memref<128x128xf32, #tpu.memory_space<hbm>>
      tpu.wait_dma2 semaphore(%arg9 : memref<!tpu.dma_semaphore, #tpu.memory_space<semaphore_mem>>) src(%dma_wait3A_77 : memref<128x128xf32, #tpu.memory_space<hbm>>) dst(%arg5 : memref<128x128xf32, #tpu.memory_space<vmem>>)
      %add3A_78 = arith.constant 32 : i32
      %add3A_79 = arith.addi %add3A, %add3A_78 : i32
      %lt3A_80 = arith.constant 200 : i32
      %lt3A_81 = arith.cmpi slt, %add3A_79, %lt3A_80 : i32
      %convert_element_type3A_82 = arith.extui %lt3A_81 : i1 to i32
      %cond3A_83 = arith.constant 0 : i32
      %cond3A_84 = arith.cmpi ne, %convert_element_type3A_82, %cond3A_83 : i32
      scf.if %cond3A_84 {
        %add3A_89 = arith.constant 32 : i32
        %add3A_90 = arith.addi %add3A, %add3A_89 : i32
        %mul3A_91 = arith.constant 32 : i32
        %mul3A_92 = arith.muli %add3A_90, %mul3A_91 : i32
        %multiple_of3A_93 = tpu.assume_multiple %mul3A_92, 8 : i32
        %dma_start3A_94 = arith.constant 0 : i32
        %dma_start3A_95 = tpu.memref_slice %arg3[%multiple_of3A_93, %dma_start3A_94] : memref<6400x128xi32, #tpu.memory_space<hbm>> -> memref<32x128xi32, #tpu.memory_space<hbm>>
        %dma_start3A_96 = arith.constant 0 : i32
        %dma_start3A_97 = tpu.memref_slice %arg3[%multiple_of3A_93, %dma_start3A_96] : memref<6400x128xi32, #tpu.memory_space<hbm>> -> memref<32x128xi32, #tpu.memory_space<hbm>>
        tpu.enqueue_dma source(%dma_start3A_97 : memref<32x128xi32, #tpu.memory_space<hbm>>) target(%arg8 : memref<32x128xi32, #tpu.memory_space<vmem>>) target_semaphore(%arg12 : memref<!tpu.dma_semaphore, #tpu.memory_space<semaphore_mem>>)
        %dma_start3A_98 = arith.constant 0 : i32
        %dma_start3A_99 = arith.constant 0 : i32
        %dma_start3A_100 = tpu.memref_slice %arg2[%add3A_90, %dma_start3A_98, %dma_start3A_99] : memref<200x128x128xf32, #tpu.memory_space<hbm>> -> memref<1x128x128xf32, #tpu.memory_space<hbm>>
        %dma_start3A_101 = tpu.memref_squeeze %dma_start3A_100 : memref<1x128x128xf32, #tpu.memory_space<hbm>> -> memref<128x128xf32, #tpu.memory_space<hbm>>
        %dma_start3A_102 = arith.constant 0 : i32
        %dma_start3A_103 = arith.constant 0 : i32
        %dma_start3A_104 = tpu.memref_slice %arg2[%add3A_90, %dma_start3A_102, %dma_start3A_103] : memref<200x128x128xf32, #tpu.memory_space<hbm>> -> memref<1x128x128xf32, #tpu.memory_space<hbm>>
        %dma_start3A_105 = tpu.memref_squeeze %dma_start3A_104 : memref<1x128x128xf32, #tpu.memory_space<hbm>> -> memref<128x128xf32, #tpu.memory_space<hbm>>
        tpu.enqueue_dma source(%dma_start3A_105 : memref<128x128xf32, #tpu.memory_space<hbm>>) target(%arg6 : memref<128x128xf32, #tpu.memory_space<vmem>>) target_semaphore(%arg10 : memref<!tpu.dma_semaphore, #tpu.memory_space<semaphore_mem>>)
      } else {
      }
      %scan3A = arith.constant 0 : i32
      %scan3A_85 = arith.constant 32 : i32
      %scan3A_86 = arith.addi %scan3A, %scan3A_85 : i32
      %scan3A_87 = arith.constant 1 : i32
      scf.for %scan3A_89 = %scan3A to %scan3A_86 step %scan3A_87  : i32 {
        %mul3A_90 = arith.constant 1 : i32
        %mul3A_91 = arith.muli %scan3A_89, %mul3A_90 : i32
        %add3A_92 = arith.constant 0 : i32
        %add3A_93 = arith.addi %add3A_92, %mul3A_91 : i32
        "tpu.region"() ({
          %run_scoped3A = tpu.sem_alloc : memref<!tpu.dma_semaphore, #tpu.memory_space<semaphore_mem>>
          %dma_start3A_94 = arith.constant 0 : i32
          %dma_start3A_95 = tpu.memref_slice %arg7[%add3A_93, %dma_start3A_94] : memref<32x128xi32, #tpu.memory_space<vmem>> -> memref<1x128xi32, #tpu.memory_space<vmem>>
          %dma_start3A_96 = tpu.memref_squeeze %dma_start3A_95 : memref<1x128xi32, #tpu.memory_space<vmem>> -> memref<128xi32, #tpu.memory_space<vmem>>
          %dma_start3A_97 = arith.constant 0 : i32
          %dma_start3A_98 = arith.constant 0 : i32
          %dma_start3A_99 = tpu.memref_slice %arg4[%dma_start3A_97, %dma_start3A_98] : memref<3276800x128xf32, #tpu.memory_space<hbm>> -> memref<3276800x128xf32, #tpu.memory_space<hbm>>
          tpu.enqueue_indirect_dma source(%arg5 : memref<128x128xf32, #tpu.memory_space<vmem>>) target(%dma_start3A_99 : memref<3276800x128xf32, #tpu.memory_space<hbm>>) offsets(%dma_start3A_96 : memref<128xi32, #tpu.memory_space<vmem>>) semaphore(%run_scoped3A : memref<!tpu.dma_semaphore, #tpu.memory_space<semaphore_mem>>)
          %dma_wait3A_100 = arith.constant 0 : i32
          %dma_wait3A_101 = tpu.memref_slice %arg7[%add3A_93, %dma_wait3A_100] : memref<32x128xi32, #tpu.memory_space<vmem>> -> memref<1x128xi32, #tpu.memory_space<vmem>>
          %dma_wait3A_102 = tpu.memref_squeeze %dma_wait3A_101 : memref<1x128xi32, #tpu.memory_space<vmem>> -> memref<128xi32, #tpu.memory_space<vmem>>
          %dma_wait3A_103 = arith.constant 0 : i32
          %dma_wait3A_104 = arith.constant 0 : i32
          %dma_wait3A_105 = tpu.memref_slice %arg4[%dma_wait3A_103, %dma_wait3A_104] : memref<3276800x128xf32, #tpu.memory_space<hbm>> -> memref<3276800x128xf32, #tpu.memory_space<hbm>>
          tpu.wait_indirect_dma semaphore(%run_scoped3A : memref<!tpu.dma_semaphore, #tpu.memory_space<semaphore_mem>>) src(%arg5 : memref<128x128xf32, #tpu.memory_space<vmem>>) dst(%dma_wait3A_105 : memref<3276800x128xf32, #tpu.memory_space<hbm>>)
          tpu.yield
        }) : () -> ()
      }
      %scan3A_88 = arith.constant 32 : i32
    } else {
    }
    %add3A_20 = arith.constant 32 : i32
    %add3A_21 = arith.addi %add3A, %add3A_20 : i32
    %lt3A_22 = arith.constant 200 : i32
    %lt3A_23 = arith.cmpi slt, %add3A_21, %lt3A_22 : i32
    %convert_element_type3A_24 = arith.extui %lt3A_23 : i1 to i32
    %cond3A_25 = arith.constant 0 : i32
    %cond3A_26 = arith.cmpi ne, %convert_element_type3A_24, %cond3A_25 : i32
    scf.if %cond3A_26 {
      %add3A_62 = arith.constant 32 : i32
      %add3A_63 = arith.addi %add3A, %add3A_62 : i32
      %mul3A_64 = arith.constant 32 : i32
      %mul3A_65 = arith.muli %add3A_63, %mul3A_64 : i32
      %multiple_of3A_66 = tpu.assume_multiple %mul3A_65, 8 : i32
      %dma_wait3A = arith.constant 0 : i32
      %dma_wait3A_67 = tpu.memref_slice %arg3[%multiple_of3A_66, %dma_wait3A] : memref<6400x128xi32, #tpu.memory_space<hbm>> -> memref<32x128xi32, #tpu.memory_space<hbm>>
      %dma_wait3A_68 = arith.constant 0 : i32
      %dma_wait3A_69 = tpu.memref_slice %arg3[%multiple_of3A_66, %dma_wait3A_68] : memref<6400x128xi32, #tpu.memory_space<hbm>> -> memref<32x128xi32, #tpu.memory_space<hbm>>
      tpu.wait_dma2 semaphore(%arg12 : memref<!tpu.dma_semaphore, #tpu.memory_space<semaphore_mem>>) src(%dma_wait3A_69 : memref<32x128xi32, #tpu.memory_space<hbm>>) dst(%arg8 : memref<32x128xi32, #tpu.memory_space<vmem>>)
      %dma_wait3A_70 = arith.constant 0 : i32
      %dma_wait3A_71 = arith.constant 0 : i32
      %dma_wait3A_72 = tpu.memref_slice %arg2[%add3A_63, %dma_wait3A_70, %dma_wait3A_71] : memref<200x128x128xf32, #tpu.memory_space<hbm>> -> memref<1x128x128xf32, #tpu.memory_space<hbm>>
      %dma_wait3A_73 = tpu.memref_squeeze %dma_wait3A_72 : memref<1x128x128xf32, #tpu.memory_space<hbm>> -> memref<128x128xf32, #tpu.memory_space<hbm>>
      %dma_wait3A_74 = arith.constant 0 : i32
      %dma_wait3A_75 = arith.constant 0 : i32
      %dma_wait3A_76 = tpu.memref_slice %arg2[%add3A_63, %dma_wait3A_74, %dma_wait3A_75] : memref<200x128x128xf32, #tpu.memory_space<hbm>> -> memref<1x128x128xf32, #tpu.memory_space<hbm>>
      %dma_wait3A_77 = tpu.memref_squeeze %dma_wait3A_76 : memref<1x128x128xf32, #tpu.memory_space<hbm>> -> memref<128x128xf32, #tpu.memory_space<hbm>>
      tpu.wait_dma2 semaphore(%arg10 : memref<!tpu.dma_semaphore, #tpu.memory_space<semaphore_mem>>) src(%dma_wait3A_77 : memref<128x128xf32, #tpu.memory_space<hbm>>) dst(%arg6 : memref<128x128xf32, #tpu.memory_space<vmem>>)
      %add3A_78 = arith.constant 64 : i32
      %add3A_79 = arith.addi %add3A, %add3A_78 : i32
      %lt3A_80 = arith.constant 200 : i32
      %lt3A_81 = arith.cmpi slt, %add3A_79, %lt3A_80 : i32
      %convert_element_type3A_82 = arith.extui %lt3A_81 : i1 to i32
      %cond3A_83 = arith.constant 0 : i32
      %cond3A_84 = arith.cmpi ne, %convert_element_type3A_82, %cond3A_83 : i32
      scf.if %cond3A_84 {
        %add3A_89 = arith.constant 64 : i32
        %add3A_90 = arith.addi %add3A, %add3A_89 : i32
        %mul3A_91 = arith.constant 32 : i32
        %mul3A_92 = arith.muli %add3A_90, %mul3A_91 : i32
        %multiple_of3A_93 = tpu.assume_multiple %mul3A_92, 8 : i32
        %dma_start3A_94 = arith.constant 0 : i32
        %dma_start3A_95 = tpu.memref_slice %arg3[%multiple_of3A_93, %dma_start3A_94] : memref<6400x128xi32, #tpu.memory_space<hbm>> -> memref<32x128xi32, #tpu.memory_space<hbm>>
        %dma_start3A_96 = arith.constant 0 : i32
        %dma_start3A_97 = tpu.memref_slice %arg3[%multiple_of3A_93, %dma_start3A_96] : memref<6400x128xi32, #tpu.memory_space<hbm>> -> memref<32x128xi32, #tpu.memory_space<hbm>>
        tpu.enqueue_dma source(%dma_start3A_97 : memref<32x128xi32, #tpu.memory_space<hbm>>) target(%arg7 : memref<32x128xi32, #tpu.memory_space<vmem>>) target_semaphore(%arg11 : memref<!tpu.dma_semaphore, #tpu.memory_space<semaphore_mem>>)
        %dma_start3A_98 = arith.constant 0 : i32
        %dma_start3A_99 = arith.constant 0 : i32
        %dma_start3A_100 = tpu.memref_slice %arg2[%add3A_90, %dma_start3A_98, %dma_start3A_99] : memref<200x128x128xf32, #tpu.memory_space<hbm>> -> memref<1x128x128xf32, #tpu.memory_space<hbm>>
        %dma_start3A_101 = tpu.memref_squeeze %dma_start3A_100 : memref<1x128x128xf32, #tpu.memory_space<hbm>> -> memref<128x128xf32, #tpu.memory_space<hbm>>
        %dma_start3A_102 = arith.constant 0 : i32
        %dma_start3A_103 = arith.constant 0 : i32
        %dma_start3A_104 = tpu.memref_slice %arg2[%add3A_90, %dma_start3A_102, %dma_start3A_103] : memref<200x128x128xf32, #tpu.memory_space<hbm>> -> memref<1x128x128xf32, #tpu.memory_space<hbm>>
        %dma_start3A_105 = tpu.memref_squeeze %dma_start3A_104 : memref<1x128x128xf32, #tpu.memory_space<hbm>> -> memref<128x128xf32, #tpu.memory_space<hbm>>
        tpu.enqueue_dma source(%dma_start3A_105 : memref<128x128xf32, #tpu.memory_space<hbm>>) target(%arg5 : memref<128x128xf32, #tpu.memory_space<vmem>>) target_semaphore(%arg9 : memref<!tpu.dma_semaphore, #tpu.memory_space<semaphore_mem>>)
      } else {
      }
      %scan3A = arith.constant 0 : i32
      %scan3A_85 = arith.constant 32 : i32
      %scan3A_86 = arith.addi %scan3A, %scan3A_85 : i32
      %scan3A_87 = arith.constant 1 : i32
      scf.for %scan3A_89 = %scan3A to %scan3A_86 step %scan3A_87  : i32 {
        %mul3A_90 = arith.constant 1 : i32
        %mul3A_91 = arith.muli %scan3A_89, %mul3A_90 : i32
        %add3A_92 = arith.constant 0 : i32
        %add3A_93 = arith.addi %add3A_92, %mul3A_91 : i32
        "tpu.region"() ({
          %run_scoped3A = tpu.sem_alloc : memref<!tpu.dma_semaphore, #tpu.memory_space<semaphore_mem>>
          %dma_start3A_94 = arith.constant 0 : i32
          %dma_start3A_95 = tpu.memref_slice %arg8[%add3A_93, %dma_start3A_94] : memref<32x128xi32, #tpu.memory_space<vmem>> -> memref<1x128xi32, #tpu.memory_space<vmem>>
          %dma_start3A_96 = tpu.memref_squeeze %dma_start3A_95 : memref<1x128xi32, #tpu.memory_space<vmem>> -> memref<128xi32, #tpu.memory_space<vmem>>
          %dma_start3A_97 = arith.constant 0 : i32
          %dma_start3A_98 = arith.constant 0 : i32
          %dma_start3A_99 = tpu.memref_slice %arg4[%dma_start3A_97, %dma_start3A_98] : memref<3276800x128xf32, #tpu.memory_space<hbm>> -> memref<3276800x128xf32, #tpu.memory_space<hbm>>
          tpu.enqueue_indirect_dma source(%arg6 : memref<128x128xf32, #tpu.memory_space<vmem>>) target(%dma_start3A_99 : memref<3276800x128xf32, #tpu.memory_space<hbm>>) offsets(%dma_start3A_96 : memref<128xi32, #tpu.memory_space<vmem>>) semaphore(%run_scoped3A : memref<!tpu.dma_semaphore, #tpu.memory_space<semaphore_mem>>)
          %dma_wait3A_100 = arith.constant 0 : i32
          %dma_wait3A_101 = tpu.memref_slice %arg8[%add3A_93, %dma_wait3A_100] : memref<32x128xi32, #tpu.memory_space<vmem>> -> memref<1x128xi32, #tpu.memory_space<vmem>>
          %dma_wait3A_102 = tpu.memref_squeeze %dma_wait3A_101 : memref<1x128xi32, #tpu.memory_space<vmem>> -> memref<128xi32, #tpu.memory_space<vmem>>
          %dma_wait3A_103 = arith.constant 0 : i32
          %dma_wait3A_104 = arith.constant 0 : i32
          %dma_wait3A_105 = tpu.memref_slice %arg4[%dma_wait3A_103, %dma_wait3A_104] : memref<3276800x128xf32, #tpu.memory_space<hbm>> -> memref<3276800x128xf32, #tpu.memory_space<hbm>>
          tpu.wait_indirect_dma semaphore(%run_scoped3A : memref<!tpu.dma_semaphore, #tpu.memory_space<semaphore_mem>>) src(%arg6 : memref<128x128xf32, #tpu.memory_space<vmem>>) dst(%dma_wait3A_105 : memref<3276800x128xf32, #tpu.memory_space<hbm>>)
          tpu.yield
        }) : () -> ()
      }
      %scan3A_88 = arith.constant 32 : i32
    } else {
    }
    %add3A_27 = arith.constant 64 : i32
    %add3A_28 = arith.addi %add3A, %add3A_27 : i32
    %lt3A_29 = arith.constant 200 : i32
    %lt3A_30 = arith.cmpi slt, %add3A_28, %lt3A_29 : i32
    %convert_element_type3A_31 = arith.extui %lt3A_30 : i1 to i32
    %cond3A_32 = arith.constant 0 : i32
    %cond3A_33 = arith.cmpi ne, %convert_element_type3A_31, %cond3A_32 : i32
    scf.if %cond3A_33 {
      %add3A_62 = arith.constant 64 : i32
      %add3A_63 = arith.addi %add3A, %add3A_62 : i32
      %mul3A_64 = arith.constant 32 : i32
      %mul3A_65 = arith.muli %add3A_63, %mul3A_64 : i32
      %multiple_of3A_66 = tpu.assume_multiple %mul3A_65, 8 : i32
      %dma_wait3A = arith.constant 0 : i32
      %dma_wait3A_67 = tpu.memref_slice %arg3[%multiple_of3A_66, %dma_wait3A] : memref<6400x128xi32, #tpu.memory_space<hbm>> -> memref<32x128xi32, #tpu.memory_space<hbm>>
      %dma_wait3A_68 = arith.constant 0 : i32
      %dma_wait3A_69 = tpu.memref_slice %arg3[%multiple_of3A_66, %dma_wait3A_68] : memref<6400x128xi32, #tpu.memory_space<hbm>> -> memref<32x128xi32, #tpu.memory_space<hbm>>
      tpu.wait_dma2 semaphore(%arg11 : memref<!tpu.dma_semaphore, #tpu.memory_space<semaphore_mem>>) src(%dma_wait3A_69 : memref<32x128xi32, #tpu.memory_space<hbm>>) dst(%arg7 : memref<32x128xi32, #tpu.memory_space<vmem>>)
      %dma_wait3A_70 = arith.constant 0 : i32
      %dma_wait3A_71 = arith.constant 0 : i32
      %dma_wait3A_72 = tpu.memref_slice %arg2[%add3A_63, %dma_wait3A_70, %dma_wait3A_71] : memref<200x128x128xf32, #tpu.memory_space<hbm>> -> memref<1x128x128xf32, #tpu.memory_space<hbm>>
      %dma_wait3A_73 = tpu.memref_squeeze %dma_wait3A_72 : memref<1x128x128xf32, #tpu.memory_space<hbm>> -> memref<128x128xf32, #tpu.memory_space<hbm>>
      %dma_wait3A_74 = arith.constant 0 : i32
      %dma_wait3A_75 = arith.constant 0 : i32
      %dma_wait3A_76 = tpu.memref_slice %arg2[%add3A_63, %dma_wait3A_74, %dma_wait3A_75] : memref<200x128x128xf32, #tpu.memory_space<hbm>> -> memref<1x128x128xf32, #tpu.memory_space<hbm>>
      %dma_wait3A_77 = tpu.memref_squeeze %dma_wait3A_76 : memref<1x128x128xf32, #tpu.memory_space<hbm>> -> memref<128x128xf32, #tpu.memory_space<hbm>>
      tpu.wait_dma2 semaphore(%arg9 : memref<!tpu.dma_semaphore, #tpu.memory_space<semaphore_mem>>) src(%dma_wait3A_77 : memref<128x128xf32, #tpu.memory_space<hbm>>) dst(%arg5 : memref<128x128xf32, #tpu.memory_space<vmem>>)
      %add3A_78 = arith.constant 96 : i32
      %add3A_79 = arith.addi %add3A, %add3A_78 : i32
      %lt3A_80 = arith.constant 200 : i32
      %lt3A_81 = arith.cmpi slt, %add3A_79, %lt3A_80 : i32
      %convert_element_type3A_82 = arith.extui %lt3A_81 : i1 to i32
      %cond3A_83 = arith.constant 0 : i32
      %cond3A_84 = arith.cmpi ne, %convert_element_type3A_82, %cond3A_83 : i32
      scf.if %cond3A_84 {
        %add3A_89 = arith.constant 96 : i32
        %add3A_90 = arith.addi %add3A, %add3A_89 : i32
        %mul3A_91 = arith.constant 32 : i32
        %mul3A_92 = arith.muli %add3A_90, %mul3A_91 : i32
        %multiple_of3A_93 = tpu.assume_multiple %mul3A_92, 8 : i32
        %dma_start3A_94 = arith.constant 0 : i32
        %dma_start3A_95 = tpu.memref_slice %arg3[%multiple_of3A_93, %dma_start3A_94] : memref<6400x128xi32, #tpu.memory_space<hbm>> -> memref<32x128xi32, #tpu.memory_space<hbm>>
        %dma_start3A_96 = arith.constant 0 : i32
        %dma_start3A_97 = tpu.memref_slice %arg3[%multiple_of3A_93, %dma_start3A_96] : memref<6400x128xi32, #tpu.memory_space<hbm>> -> memref<32x128xi32, #tpu.memory_space<hbm>>
        tpu.enqueue_dma source(%dma_start3A_97 : memref<32x128xi32, #tpu.memory_space<hbm>>) target(%arg8 : memref<32x128xi32, #tpu.memory_space<vmem>>) target_semaphore(%arg12 : memref<!tpu.dma_semaphore, #tpu.memory_space<semaphore_mem>>)
        %dma_start3A_98 = arith.constant 0 : i32
        %dma_start3A_99 = arith.constant 0 : i32
        %dma_start3A_100 = tpu.memref_slice %arg2[%add3A_90, %dma_start3A_98, %dma_start3A_99] : memref<200x128x128xf32, #tpu.memory_space<hbm>> -> memref<1x128x128xf32, #tpu.memory_space<hbm>>
        %dma_start3A_101 = tpu.memref_squeeze %dma_start3A_100 : memref<1x128x128xf32, #tpu.memory_space<hbm>> -> memref<128x128xf32, #tpu.memory_space<hbm>>
        %dma_start3A_102 = arith.constant 0 : i32
        %dma_start3A_103 = arith.constant 0 : i32
        %dma_start3A_104 = tpu.memref_slice %arg2[%add3A_90, %dma_start3A_102, %dma_start3A_103] : memref<200x128x128xf32, #tpu.memory_space<hbm>> -> memref<1x128x128xf32, #tpu.memory_space<hbm>>
        %dma_start3A_105 = tpu.memref_squeeze %dma_start3A_104 : memref<1x128x128xf32, #tpu.memory_space<hbm>> -> memref<128x128xf32, #tpu.memory_space<hbm>>
        tpu.enqueue_dma source(%dma_start3A_105 : memref<128x128xf32, #tpu.memory_space<hbm>>) target(%arg6 : memref<128x128xf32, #tpu.memory_space<vmem>>) target_semaphore(%arg10 : memref<!tpu.dma_semaphore, #tpu.memory_space<semaphore_mem>>)
      } else {
      }
      %scan3A = arith.constant 0 : i32
      %scan3A_85 = arith.constant 32 : i32
      %scan3A_86 = arith.addi %scan3A, %scan3A_85 : i32
      %scan3A_87 = arith.constant 1 : i32
      scf.for %scan3A_89 = %scan3A to %scan3A_86 step %scan3A_87  : i32 {
        %mul3A_90 = arith.constant 1 : i32
        %mul3A_91 = arith.muli %scan3A_89, %mul3A_90 : i32
        %add3A_92 = arith.constant 0 : i32
        %add3A_93 = arith.addi %add3A_92, %mul3A_91 : i32
        "tpu.region"() ({
          %run_scoped3A = tpu.sem_alloc : memref<!tpu.dma_semaphore, #tpu.memory_space<semaphore_mem>>
          %dma_start3A_94 = arith.constant 0 : i32
          %dma_start3A_95 = tpu.memref_slice %arg7[%add3A_93, %dma_start3A_94] : memref<32x128xi32, #tpu.memory_space<vmem>> -> memref<1x128xi32, #tpu.memory_space<vmem>>
          %dma_start3A_96 = tpu.memref_squeeze %dma_start3A_95 : memref<1x128xi32, #tpu.memory_space<vmem>> -> memref<128xi32, #tpu.memory_space<vmem>>
          %dma_start3A_97 = arith.constant 0 : i32
          %dma_start3A_98 = arith.constant 0 : i32
          %dma_start3A_99 = tpu.memref_slice %arg4[%dma_start3A_97, %dma_start3A_98] : memref<3276800x128xf32, #tpu.memory_space<hbm>> -> memref<3276800x128xf32, #tpu.memory_space<hbm>>
          tpu.enqueue_indirect_dma source(%arg5 : memref<128x128xf32, #tpu.memory_space<vmem>>) target(%dma_start3A_99 : memref<3276800x128xf32, #tpu.memory_space<hbm>>) offsets(%dma_start3A_96 : memref<128xi32, #tpu.memory_space<vmem>>) semaphore(%run_scoped3A : memref<!tpu.dma_semaphore, #tpu.memory_space<semaphore_mem>>)
          %dma_wait3A_100 = arith.constant 0 : i32
          %dma_wait3A_101 = tpu.memref_slice %arg7[%add3A_93, %dma_wait3A_100] : memref<32x128xi32, #tpu.memory_space<vmem>> -> memref<1x128xi32, #tpu.memory_space<vmem>>
          %dma_wait3A_102 = tpu.memref_squeeze %dma_wait3A_101 : memref<1x128xi32, #tpu.memory_space<vmem>> -> memref<128xi32, #tpu.memory_space<vmem>>
          %dma_wait3A_103 = arith.constant 0 : i32
          %dma_wait3A_104 = arith.constant 0 : i32
          %dma_wait3A_105 = tpu.memref_slice %arg4[%dma_wait3A_103, %dma_wait3A_104] : memref<3276800x128xf32, #tpu.memory_space<hbm>> -> memref<3276800x128xf32, #tpu.memory_space<hbm>>
          tpu.wait_indirect_dma semaphore(%run_scoped3A : memref<!tpu.dma_semaphore, #tpu.memory_space<semaphore_mem>>) src(%arg5 : memref<128x128xf32, #tpu.memory_space<vmem>>) dst(%dma_wait3A_105 : memref<3276800x128xf32, #tpu.memory_space<hbm>>)
          tpu.yield
        }) : () -> ()
      }
      %scan3A_88 = arith.constant 32 : i32
    } else {
    }
    %add3A_34 = arith.constant 96 : i32
    %add3A_35 = arith.addi %add3A, %add3A_34 : i32
    %lt3A_36 = arith.constant 200 : i32
    %lt3A_37 = arith.cmpi slt, %add3A_35, %lt3A_36 : i32
    %convert_element_type3A_38 = arith.extui %lt3A_37 : i1 to i32
    %cond3A_39 = arith.constant 0 : i32
    %cond3A_40 = arith.cmpi ne, %convert_element_type3A_38, %cond3A_39 : i32
    scf.if %cond3A_40 {
      %add3A_62 = arith.constant 96 : i32
      %add3A_63 = arith.addi %add3A, %add3A_62 : i32
      %mul3A_64 = arith.constant 32 : i32
      %mul3A_65 = arith.muli %add3A_63, %mul3A_64 : i32
      %multiple_of3A_66 = tpu.assume_multiple %mul3A_65, 8 : i32
      %dma_wait3A = arith.constant 0 : i32
      %dma_wait3A_67 = tpu.memref_slice %arg3[%multiple_of3A_66, %dma_wait3A] : memref<6400x128xi32, #tpu.memory_space<hbm>> -> memref<32x128xi32, #tpu.memory_space<hbm>>
      %dma_wait3A_68 = arith.constant 0 : i32
      %dma_wait3A_69 = tpu.memref_slice %arg3[%multiple_of3A_66, %dma_wait3A_68] : memref<6400x128xi32, #tpu.memory_space<hbm>> -> memref<32x128xi32, #tpu.memory_space<hbm>>
      tpu.wait_dma2 semaphore(%arg12 : memref<!tpu.dma_semaphore, #tpu.memory_space<semaphore_mem>>) src(%dma_wait3A_69 : memref<32x128xi32, #tpu.memory_space<hbm>>) dst(%arg8 : memref<32x128xi32, #tpu.memory_space<vmem>>)
      %dma_wait3A_70 = arith.constant 0 : i32
      %dma_wait3A_71 = arith.constant 0 : i32
      %dma_wait3A_72 = tpu.memref_slice %arg2[%add3A_63, %dma_wait3A_70, %dma_wait3A_71] : memref<200x128x128xf32, #tpu.memory_space<hbm>> -> memref<1x128x128xf32, #tpu.memory_space<hbm>>
      %dma_wait3A_73 = tpu.memref_squeeze %dma_wait3A_72 : memref<1x128x128xf32, #tpu.memory_space<hbm>> -> memref<128x128xf32, #tpu.memory_space<hbm>>
      %dma_wait3A_74 = arith.constant 0 : i32
      %dma_wait3A_75 = arith.constant 0 : i32
      %dma_wait3A_76 = tpu.memref_slice %arg2[%add3A_63, %dma_wait3A_74, %dma_wait3A_75] : memref<200x128x128xf32, #tpu.memory_space<hbm>> -> memref<1x128x128xf32, #tpu.memory_space<hbm>>
      %dma_wait3A_77 = tpu.memref_squeeze %dma_wait3A_76 : memref<1x128x128xf32, #tpu.memory_space<hbm>> -> memref<128x128xf32, #tpu.memory_space<hbm>>
      tpu.wait_dma2 semaphore(%arg10 : memref<!tpu.dma_semaphore, #tpu.memory_space<semaphore_mem>>) src(%dma_wait3A_77 : memref<128x128xf32, #tpu.memory_space<hbm>>) dst(%arg6 : memref<128x128xf32, #tpu.memory_space<vmem>>)
      %add3A_78 = arith.constant 128 : i32
      %add3A_79 = arith.addi %add3A, %add3A_78 : i32
      %lt3A_80 = arith.constant 200 : i32
      %lt3A_81 = arith.cmpi slt, %add3A_79, %lt3A_80 : i32
      %convert_element_type3A_82 = arith.extui %lt3A_81 : i1 to i32
      %cond3A_83 = arith.constant 0 : i32
      %cond3A_84 = arith.cmpi ne, %convert_element_type3A_82, %cond3A_83 : i32
      scf.if %cond3A_84 {
        %add3A_89 = arith.constant 128 : i32
        %add3A_90 = arith.addi %add3A, %add3A_89 : i32
        %mul3A_91 = arith.constant 32 : i32
        %mul3A_92 = arith.muli %add3A_90, %mul3A_91 : i32
        %multiple_of3A_93 = tpu.assume_multiple %mul3A_92, 8 : i32
        %dma_start3A_94 = arith.constant 0 : i32
        %dma_start3A_95 = tpu.memref_slice %arg3[%multiple_of3A_93, %dma_start3A_94] : memref<6400x128xi32, #tpu.memory_space<hbm>> -> memref<32x128xi32, #tpu.memory_space<hbm>>
        %dma_start3A_96 = arith.constant 0 : i32
        %dma_start3A_97 = tpu.memref_slice %arg3[%multiple_of3A_93, %dma_start3A_96] : memref<6400x128xi32, #tpu.memory_space<hbm>> -> memref<32x128xi32, #tpu.memory_space<hbm>>
        tpu.enqueue_dma source(%dma_start3A_97 : memref<32x128xi32, #tpu.memory_space<hbm>>) target(%arg7 : memref<32x128xi32, #tpu.memory_space<vmem>>) target_semaphore(%arg11 : memref<!tpu.dma_semaphore, #tpu.memory_space<semaphore_mem>>)
        %dma_start3A_98 = arith.constant 0 : i32
        %dma_start3A_99 = arith.constant 0 : i32
        %dma_start3A_100 = tpu.memref_slice %arg2[%add3A_90, %dma_start3A_98, %dma_start3A_99] : memref<200x128x128xf32, #tpu.memory_space<hbm>> -> memref<1x128x128xf32, #tpu.memory_space<hbm>>
        %dma_start3A_101 = tpu.memref_squeeze %dma_start3A_100 : memref<1x128x128xf32, #tpu.memory_space<hbm>> -> memref<128x128xf32, #tpu.memory_space<hbm>>
        %dma_start3A_102 = arith.constant 0 : i32
        %dma_start3A_103 = arith.constant 0 : i32
        %dma_start3A_104 = tpu.memref_slice %arg2[%add3A_90, %dma_start3A_102, %dma_start3A_103] : memref<200x128x128xf32, #tpu.memory_space<hbm>> -> memref<1x128x128xf32, #tpu.memory_space<hbm>>
        %dma_start3A_105 = tpu.memref_squeeze %dma_start3A_104 : memref<1x128x128xf32, #tpu.memory_space<hbm>> -> memref<128x128xf32, #tpu.memory_space<hbm>>
        tpu.enqueue_dma source(%dma_start3A_105 : memref<128x128xf32, #tpu.memory_space<hbm>>) target(%arg5 : memref<128x128xf32, #tpu.memory_space<vmem>>) target_semaphore(%arg9 : memref<!tpu.dma_semaphore, #tpu.memory_space<semaphore_mem>>)
      } else {
      }
      %scan3A = arith.constant 0 : i32
      %scan3A_85 = arith.constant 32 : i32
      %scan3A_86 = arith.addi %scan3A, %scan3A_85 : i32
      %scan3A_87 = arith.constant 1 : i32
      scf.for %scan3A_89 = %scan3A to %scan3A_86 step %scan3A_87  : i32 {
        %mul3A_90 = arith.constant 1 : i32
        %mul3A_91 = arith.muli %scan3A_89, %mul3A_90 : i32
        %add3A_92 = arith.constant 0 : i32
        %add3A_93 = arith.addi %add3A_92, %mul3A_91 : i32
        "tpu.region"() ({
          %run_scoped3A = tpu.sem_alloc : memref<!tpu.dma_semaphore, #tpu.memory_space<semaphore_mem>>
          %dma_start3A_94 = arith.constant 0 : i32
          %dma_start3A_95 = tpu.memref_slice %arg8[%add3A_93, %dma_start3A_94] : memref<32x128xi32, #tpu.memory_space<vmem>> -> memref<1x128xi32, #tpu.memory_space<vmem>>
          %dma_start3A_96 = tpu.memref_squeeze %dma_start3A_95 : memref<1x128xi32, #tpu.memory_space<vmem>> -> memref<128xi32, #tpu.memory_space<vmem>>
          %dma_start3A_97 = arith.constant 0 : i32
          %dma_start3A_98 = arith.constant 0 : i32
          %dma_start3A_99 = tpu.memref_slice %arg4[%dma_start3A_97, %dma_start3A_98] : memref<3276800x128xf32, #tpu.memory_space<hbm>> -> memref<3276800x128xf32, #tpu.memory_space<hbm>>
          tpu.enqueue_indirect_dma source(%arg6 : memref<128x128xf32, #tpu.memory_space<vmem>>) target(%dma_start3A_99 : memref<3276800x128xf32, #tpu.memory_space<hbm>>) offsets(%dma_start3A_96 : memref<128xi32, #tpu.memory_space<vmem>>) semaphore(%run_scoped3A : memref<!tpu.dma_semaphore, #tpu.memory_space<semaphore_mem>>)
          %dma_wait3A_100 = arith.constant 0 : i32
          %dma_wait3A_101 = tpu.memref_slice %arg8[%add3A_93, %dma_wait3A_100] : memref<32x128xi32, #tpu.memory_space<vmem>> -> memref<1x128xi32, #tpu.memory_space<vmem>>
          %dma_wait3A_102 = tpu.memref_squeeze %dma_wait3A_101 : memref<1x128xi32, #tpu.memory_space<vmem>> -> memref<128xi32, #tpu.memory_space<vmem>>
          %dma_wait3A_103 = arith.constant 0 : i32
          %dma_wait3A_104 = arith.constant 0 : i32
          %dma_wait3A_105 = tpu.memref_slice %arg4[%dma_wait3A_103, %dma_wait3A_104] : memref<3276800x128xf32, #tpu.memory_space<hbm>> -> memref<3276800x128xf32, #tpu.memory_space<hbm>>
          tpu.wait_indirect_dma semaphore(%run_scoped3A : memref<!tpu.dma_semaphore, #tpu.memory_space<semaphore_mem>>) src(%arg6 : memref<128x128xf32, #tpu.memory_space<vmem>>) dst(%dma_wait3A_105 : memref<3276800x128xf32, #tpu.memory_space<hbm>>)
          tpu.yield
        }) : () -> ()
      }
      %scan3A_88 = arith.constant 32 : i32
    } else {
    }
    %add3A_41 = arith.constant 128 : i32
    %add3A_42 = arith.addi %add3A, %add3A_41 : i32
    %lt3A_43 = arith.constant 200 : i32
    %lt3A_44 = arith.cmpi slt, %add3A_42, %lt3A_43 : i32
    %convert_element_type3A_45 = arith.extui %lt3A_44 : i1 to i32
    %cond3A_46 = arith.constant 0 : i32
    %cond3A_47 = arith.cmpi ne, %convert_element_type3A_45, %cond3A_46 : i32
    scf.if %cond3A_47 {
      %add3A_62 = arith.constant 128 : i32
      %add3A_63 = arith.addi %add3A, %add3A_62 : i32
      %mul3A_64 = arith.constant 32 : i32
      %mul3A_65 = arith.muli %add3A_63, %mul3A_64 : i32
      %multiple_of3A_66 = tpu.assume_multiple %mul3A_65, 8 : i32
      %dma_wait3A = arith.constant 0 : i32
      %dma_wait3A_67 = tpu.memref_slice %arg3[%multiple_of3A_66, %dma_wait3A] : memref<6400x128xi32, #tpu.memory_space<hbm>> -> memref<32x128xi32, #tpu.memory_space<hbm>>
      %dma_wait3A_68 = arith.constant 0 : i32
      %dma_wait3A_69 = tpu.memref_slice %arg3[%multiple_of3A_66, %dma_wait3A_68] : memref<6400x128xi32, #tpu.memory_space<hbm>> -> memref<32x128xi32, #tpu.memory_space<hbm>>
      tpu.wait_dma2 semaphore(%arg11 : memref<!tpu.dma_semaphore, #tpu.memory_space<semaphore_mem>>) src(%dma_wait3A_69 : memref<32x128xi32, #tpu.memory_space<hbm>>) dst(%arg7 : memref<32x128xi32, #tpu.memory_space<vmem>>)
      %dma_wait3A_70 = arith.constant 0 : i32
      %dma_wait3A_71 = arith.constant 0 : i32
      %dma_wait3A_72 = tpu.memref_slice %arg2[%add3A_63, %dma_wait3A_70, %dma_wait3A_71] : memref<200x128x128xf32, #tpu.memory_space<hbm>> -> memref<1x128x128xf32, #tpu.memory_space<hbm>>
      %dma_wait3A_73 = tpu.memref_squeeze %dma_wait3A_72 : memref<1x128x128xf32, #tpu.memory_space<hbm>> -> memref<128x128xf32, #tpu.memory_space<hbm>>
      %dma_wait3A_74 = arith.constant 0 : i32
      %dma_wait3A_75 = arith.constant 0 : i32
      %dma_wait3A_76 = tpu.memref_slice %arg2[%add3A_63, %dma_wait3A_74, %dma_wait3A_75] : memref<200x128x128xf32, #tpu.memory_space<hbm>> -> memref<1x128x128xf32, #tpu.memory_space<hbm>>
      %dma_wait3A_77 = tpu.memref_squeeze %dma_wait3A_76 : memref<1x128x128xf32, #tpu.memory_space<hbm>> -> memref<128x128xf32, #tpu.memory_space<hbm>>
      tpu.wait_dma2 semaphore(%arg9 : memref<!tpu.dma_semaphore, #tpu.memory_space<semaphore_mem>>) src(%dma_wait3A_77 : memref<128x128xf32, #tpu.memory_space<hbm>>) dst(%arg5 : memref<128x128xf32, #tpu.memory_space<vmem>>)
      %add3A_78 = arith.constant 160 : i32
      %add3A_79 = arith.addi %add3A, %add3A_78 : i32
      %lt3A_80 = arith.constant 200 : i32
      %lt3A_81 = arith.cmpi slt, %add3A_79, %lt3A_80 : i32
      %convert_element_type3A_82 = arith.extui %lt3A_81 : i1 to i32
      %cond3A_83 = arith.constant 0 : i32
      %cond3A_84 = arith.cmpi ne, %convert_element_type3A_82, %cond3A_83 : i32
      scf.if %cond3A_84 {
        %add3A_89 = arith.constant 160 : i32
        %add3A_90 = arith.addi %add3A, %add3A_89 : i32
        %mul3A_91 = arith.constant 32 : i32
        %mul3A_92 = arith.muli %add3A_90, %mul3A_91 : i32
        %multiple_of3A_93 = tpu.assume_multiple %mul3A_92, 8 : i32
        %dma_start3A_94 = arith.constant 0 : i32
        %dma_start3A_95 = tpu.memref_slice %arg3[%multiple_of3A_93, %dma_start3A_94] : memref<6400x128xi32, #tpu.memory_space<hbm>> -> memref<32x128xi32, #tpu.memory_space<hbm>>
        %dma_start3A_96 = arith.constant 0 : i32
        %dma_start3A_97 = tpu.memref_slice %arg3[%multiple_of3A_93, %dma_start3A_96] : memref<6400x128xi32, #tpu.memory_space<hbm>> -> memref<32x128xi32, #tpu.memory_space<hbm>>
        tpu.enqueue_dma source(%dma_start3A_97 : memref<32x128xi32, #tpu.memory_space<hbm>>) target(%arg8 : memref<32x128xi32, #tpu.memory_space<vmem>>) target_semaphore(%arg12 : memref<!tpu.dma_semaphore, #tpu.memory_space<semaphore_mem>>)
        %dma_start3A_98 = arith.constant 0 : i32
        %dma_start3A_99 = arith.constant 0 : i32
        %dma_start3A_100 = tpu.memref_slice %arg2[%add3A_90, %dma_start3A_98, %dma_start3A_99] : memref<200x128x128xf32, #tpu.memory_space<hbm>> -> memref<1x128x128xf32, #tpu.memory_space<hbm>>
        %dma_start3A_101 = tpu.memref_squeeze %dma_start3A_100 : memref<1x128x128xf32, #tpu.memory_space<hbm>> -> memref<128x128xf32, #tpu.memory_space<hbm>>
        %dma_start3A_102 = arith.constant 0 : i32
        %dma_start3A_103 = arith.constant 0 : i32
        %dma_start3A_104 = tpu.memref_slice %arg2[%add3A_90, %dma_start3A_102, %dma_start3A_103] : memref<200x128x128xf32, #tpu.memory_space<hbm>> -> memref<1x128x128xf32, #tpu.memory_space<hbm>>
        %dma_start3A_105 = tpu.memref_squeeze %dma_start3A_104 : memref<1x128x128xf32, #tpu.memory_space<hbm>> -> memref<128x128xf32, #tpu.memory_space<hbm>>
        tpu.enqueue_dma source(%dma_start3A_105 : memref<128x128xf32, #tpu.memory_space<hbm>>) target(%arg6 : memref<128x128xf32, #tpu.memory_space<vmem>>) target_semaphore(%arg10 : memref<!tpu.dma_semaphore, #tpu.memory_space<semaphore_mem>>)
      } else {
      }
      %scan3A = arith.constant 0 : i32
      %scan3A_85 = arith.constant 32 : i32
      %scan3A_86 = arith.addi %scan3A, %scan3A_85 : i32
      %scan3A_87 = arith.constant 1 : i32
      scf.for %scan3A_89 = %scan3A to %scan3A_86 step %scan3A_87  : i32 {
        %mul3A_90 = arith.constant 1 : i32
        %mul3A_91 = arith.muli %scan3A_89, %mul3A_90 : i32
        %add3A_92 = arith.constant 0 : i32
        %add3A_93 = arith.addi %add3A_92, %mul3A_91 : i32
        "tpu.region"() ({
          %run_scoped3A = tpu.sem_alloc : memref<!tpu.dma_semaphore, #tpu.memory_space<semaphore_mem>>
          %dma_start3A_94 = arith.constant 0 : i32
          %dma_start3A_95 = tpu.memref_slice %arg7[%add3A_93, %dma_start3A_94] : memref<32x128xi32, #tpu.memory_space<vmem>> -> memref<1x128xi32, #tpu.memory_space<vmem>>
          %dma_start3A_96 = tpu.memref_squeeze %dma_start3A_95 : memref<1x128xi32, #tpu.memory_space<vmem>> -> memref<128xi32, #tpu.memory_space<vmem>>
          %dma_start3A_97 = arith.constant 0 : i32
          %dma_start3A_98 = arith.constant 0 : i32
          %dma_start3A_99 = tpu.memref_slice %arg4[%dma_start3A_97, %dma_start3A_98] : memref<3276800x128xf32, #tpu.memory_space<hbm>> -> memref<3276800x128xf32, #tpu.memory_space<hbm>>
          tpu.enqueue_indirect_dma source(%arg5 : memref<128x128xf32, #tpu.memory_space<vmem>>) target(%dma_start3A_99 : memref<3276800x128xf32, #tpu.memory_space<hbm>>) offsets(%dma_start3A_96 : memref<128xi32, #tpu.memory_space<vmem>>) semaphore(%run_scoped3A : memref<!tpu.dma_semaphore, #tpu.memory_space<semaphore_mem>>)
          %dma_wait3A_100 = arith.constant 0 : i32
          %dma_wait3A_101 = tpu.memref_slice %arg7[%add3A_93, %dma_wait3A_100] : memref<32x128xi32, #tpu.memory_space<vmem>> -> memref<1x128xi32, #tpu.memory_space<vmem>>
          %dma_wait3A_102 = tpu.memref_squeeze %dma_wait3A_101 : memref<1x128xi32, #tpu.memory_space<vmem>> -> memref<128xi32, #tpu.memory_space<vmem>>
          %dma_wait3A_103 = arith.constant 0 : i32
          %dma_wait3A_104 = arith.constant 0 : i32
          %dma_wait3A_105 = tpu.memref_slice %arg4[%dma_wait3A_103, %dma_wait3A_104] : memref<3276800x128xf32, #tpu.memory_space<hbm>> -> memref<3276800x128xf32, #tpu.memory_space<hbm>>
          tpu.wait_indirect_dma semaphore(%run_scoped3A : memref<!tpu.dma_semaphore, #tpu.memory_space<semaphore_mem>>) src(%arg5 : memref<128x128xf32, #tpu.memory_space<vmem>>) dst(%dma_wait3A_105 : memref<3276800x128xf32, #tpu.memory_space<hbm>>)
          tpu.yield
        }) : () -> ()
      }
      %scan3A_88 = arith.constant 32 : i32
    } else {
    }
    %add3A_48 = arith.constant 160 : i32
    %add3A_49 = arith.addi %add3A, %add3A_48 : i32
    %lt3A_50 = arith.constant 200 : i32
    %lt3A_51 = arith.cmpi slt, %add3A_49, %lt3A_50 : i32
    %convert_element_type3A_52 = arith.extui %lt3A_51 : i1 to i32
    %cond3A_53 = arith.constant 0 : i32
    %cond3A_54 = arith.cmpi ne, %convert_element_type3A_52, %cond3A_53 : i32
    scf.if %cond3A_54 {
      %add3A_62 = arith.constant 160 : i32
      %add3A_63 = arith.addi %add3A, %add3A_62 : i32
      %mul3A_64 = arith.constant 32 : i32
      %mul3A_65 = arith.muli %add3A_63, %mul3A_64 : i32
      %multiple_of3A_66 = tpu.assume_multiple %mul3A_65, 8 : i32
      %dma_wait3A = arith.constant 0 : i32
      %dma_wait3A_67 = tpu.memref_slice %arg3[%multiple_of3A_66, %dma_wait3A] : memref<6400x128xi32, #tpu.memory_space<hbm>> -> memref<32x128xi32, #tpu.memory_space<hbm>>
      %dma_wait3A_68 = arith.constant 0 : i32
      %dma_wait3A_69 = tpu.memref_slice %arg3[%multiple_of3A_66, %dma_wait3A_68] : memref<6400x128xi32, #tpu.memory_space<hbm>> -> memref<32x128xi32, #tpu.memory_space<hbm>>
      tpu.wait_dma2 semaphore(%arg12 : memref<!tpu.dma_semaphore, #tpu.memory_space<semaphore_mem>>) src(%dma_wait3A_69 : memref<32x128xi32, #tpu.memory_space<hbm>>) dst(%arg8 : memref<32x128xi32, #tpu.memory_space<vmem>>)
      %dma_wait3A_70 = arith.constant 0 : i32
      %dma_wait3A_71 = arith.constant 0 : i32
      %dma_wait3A_72 = tpu.memref_slice %arg2[%add3A_63, %dma_wait3A_70, %dma_wait3A_71] : memref<200x128x128xf32, #tpu.memory_space<hbm>> -> memref<1x128x128xf32, #tpu.memory_space<hbm>>
      %dma_wait3A_73 = tpu.memref_squeeze %dma_wait3A_72 : memref<1x128x128xf32, #tpu.memory_space<hbm>> -> memref<128x128xf32, #tpu.memory_space<hbm>>
      %dma_wait3A_74 = arith.constant 0 : i32
      %dma_wait3A_75 = arith.constant 0 : i32
      %dma_wait3A_76 = tpu.memref_slice %arg2[%add3A_63, %dma_wait3A_74, %dma_wait3A_75] : memref<200x128x128xf32, #tpu.memory_space<hbm>> -> memref<1x128x128xf32, #tpu.memory_space<hbm>>
      %dma_wait3A_77 = tpu.memref_squeeze %dma_wait3A_76 : memref<1x128x128xf32, #tpu.memory_space<hbm>> -> memref<128x128xf32, #tpu.memory_space<hbm>>
      tpu.wait_dma2 semaphore(%arg10 : memref<!tpu.dma_semaphore, #tpu.memory_space<semaphore_mem>>) src(%dma_wait3A_77 : memref<128x128xf32, #tpu.memory_space<hbm>>) dst(%arg6 : memref<128x128xf32, #tpu.memory_space<vmem>>)
      %add3A_78 = arith.constant 192 : i32
      %add3A_79 = arith.addi %add3A, %add3A_78 : i32
      %lt3A_80 = arith.constant 200 : i32
      %lt3A_81 = arith.cmpi slt, %add3A_79, %lt3A_80 : i32
      %convert_element_type3A_82 = arith.extui %lt3A_81 : i1 to i32
      %cond3A_83 = arith.constant 0 : i32
      %cond3A_84 = arith.cmpi ne, %convert_element_type3A_82, %cond3A_83 : i32
      scf.if %cond3A_84 {
        %add3A_89 = arith.constant 192 : i32
        %add3A_90 = arith.addi %add3A, %add3A_89 : i32
        %mul3A_91 = arith.constant 32 : i32
        %mul3A_92 = arith.muli %add3A_90, %mul3A_91 : i32
        %multiple_of3A_93 = tpu.assume_multiple %mul3A_92, 8 : i32
        %dma_start3A_94 = arith.constant 0 : i32
        %dma_start3A_95 = tpu.memref_slice %arg3[%multiple_of3A_93, %dma_start3A_94] : memref<6400x128xi32, #tpu.memory_space<hbm>> -> memref<32x128xi32, #tpu.memory_space<hbm>>
        %dma_start3A_96 = arith.constant 0 : i32
        %dma_start3A_97 = tpu.memref_slice %arg3[%multiple_of3A_93, %dma_start3A_96] : memref<6400x128xi32, #tpu.memory_space<hbm>> -> memref<32x128xi32, #tpu.memory_space<hbm>>
        tpu.enqueue_dma source(%dma_start3A_97 : memref<32x128xi32, #tpu.memory_space<hbm>>) target(%arg7 : memref<32x128xi32, #tpu.memory_space<vmem>>) target_semaphore(%arg11 : memref<!tpu.dma_semaphore, #tpu.memory_space<semaphore_mem>>)
        %dma_start3A_98 = arith.constant 0 : i32
        %dma_start3A_99 = arith.constant 0 : i32
        %dma_start3A_100 = tpu.memref_slice %arg2[%add3A_90, %dma_start3A_98, %dma_start3A_99] : memref<200x128x128xf32, #tpu.memory_space<hbm>> -> memref<1x128x128xf32, #tpu.memory_space<hbm>>
        %dma_start3A_101 = tpu.memref_squeeze %dma_start3A_100 : memref<1x128x128xf32, #tpu.memory_space<hbm>> -> memref<128x128xf32, #tpu.memory_space<hbm>>
        %dma_start3A_102 = arith.constant 0 : i32
        %dma_start3A_103 = arith.constant 0 : i32
        %dma_start3A_104 = tpu.memref_slice %arg2[%add3A_90, %dma_start3A_102, %dma_start3A_103] : memref<200x128x128xf32, #tpu.memory_space<hbm>> -> memref<1x128x128xf32, #tpu.memory_space<hbm>>
        %dma_start3A_105 = tpu.memref_squeeze %dma_start3A_104 : memref<1x128x128xf32, #tpu.memory_space<hbm>> -> memref<128x128xf32, #tpu.memory_space<hbm>>
        tpu.enqueue_dma source(%dma_start3A_105 : memref<128x128xf32, #tpu.memory_space<hbm>>) target(%arg5 : memref<128x128xf32, #tpu.memory_space<vmem>>) target_semaphore(%arg9 : memref<!tpu.dma_semaphore, #tpu.memory_space<semaphore_mem>>)
      } else {
      }
      %scan3A = arith.constant 0 : i32
      %scan3A_85 = arith.constant 32 : i32
      %scan3A_86 = arith.addi %scan3A, %scan3A_85 : i32
      %scan3A_87 = arith.constant 1 : i32
      scf.for %scan3A_89 = %scan3A to %scan3A_86 step %scan3A_87  : i32 {
        %mul3A_90 = arith.constant 1 : i32
        %mul3A_91 = arith.muli %scan3A_89, %mul3A_90 : i32
        %add3A_92 = arith.constant 0 : i32
        %add3A_93 = arith.addi %add3A_92, %mul3A_91 : i32
        "tpu.region"() ({
          %run_scoped3A = tpu.sem_alloc : memref<!tpu.dma_semaphore, #tpu.memory_space<semaphore_mem>>
          %dma_start3A_94 = arith.constant 0 : i32
          %dma_start3A_95 = tpu.memref_slice %arg8[%add3A_93, %dma_start3A_94] : memref<32x128xi32, #tpu.memory_space<vmem>> -> memref<1x128xi32, #tpu.memory_space<vmem>>
          %dma_start3A_96 = tpu.memref_squeeze %dma_start3A_95 : memref<1x128xi32, #tpu.memory_space<vmem>> -> memref<128xi32, #tpu.memory_space<vmem>>
          %dma_start3A_97 = arith.constant 0 : i32
          %dma_start3A_98 = arith.constant 0 : i32
          %dma_start3A_99 = tpu.memref_slice %arg4[%dma_start3A_97, %dma_start3A_98] : memref<3276800x128xf32, #tpu.memory_space<hbm>> -> memref<3276800x128xf32, #tpu.memory_space<hbm>>
          tpu.enqueue_indirect_dma source(%arg6 : memref<128x128xf32, #tpu.memory_space<vmem>>) target(%dma_start3A_99 : memref<3276800x128xf32, #tpu.memory_space<hbm>>) offsets(%dma_start3A_96 : memref<128xi32, #tpu.memory_space<vmem>>) semaphore(%run_scoped3A : memref<!tpu.dma_semaphore, #tpu.memory_space<semaphore_mem>>)
          %dma_wait3A_100 = arith.constant 0 : i32
          %dma_wait3A_101 = tpu.memref_slice %arg8[%add3A_93, %dma_wait3A_100] : memref<32x128xi32, #tpu.memory_space<vmem>> -> memref<1x128xi32, #tpu.memory_space<vmem>>
          %dma_wait3A_102 = tpu.memref_squeeze %dma_wait3A_101 : memref<1x128xi32, #tpu.memory_space<vmem>> -> memref<128xi32, #tpu.memory_space<vmem>>
          %dma_wait3A_103 = arith.constant 0 : i32
          %dma_wait3A_104 = arith.constant 0 : i32
          %dma_wait3A_105 = tpu.memref_slice %arg4[%dma_wait3A_103, %dma_wait3A_104] : memref<3276800x128xf32, #tpu.memory_space<hbm>> -> memref<3276800x128xf32, #tpu.memory_space<hbm>>
          tpu.wait_indirect_dma semaphore(%run_scoped3A : memref<!tpu.dma_semaphore, #tpu.memory_space<semaphore_mem>>) src(%arg6 : memref<128x128xf32, #tpu.memory_space<vmem>>) dst(%dma_wait3A_105 : memref<3276800x128xf32, #tpu.memory_space<hbm>>)
          tpu.yield
        }) : () -> ()
      }
      %scan3A_88 = arith.constant 32 : i32
    } else {
    }
    %add3A_55 = arith.constant 192 : i32
    %add3A_56 = arith.addi %add3A, %add3A_55 : i32
    %lt3A_57 = arith.constant 200 : i32
    %lt3A_58 = arith.cmpi slt, %add3A_56, %lt3A_57 : i32
    %convert_element_type3A_59 = arith.extui %lt3A_58 : i1 to i32
    %cond3A_60 = arith.constant 0 : i32
    %cond3A_61 = arith.cmpi ne, %convert_element_type3A_59, %cond3A_60 : i32
    scf.if %cond3A_61 {
      %add3A_62 = arith.constant 192 : i32
      %add3A_63 = arith.addi %add3A, %add3A_62 : i32
      %mul3A_64 = arith.constant 32 : i32
      %mul3A_65 = arith.muli %add3A_63, %mul3A_64 : i32
      %multiple_of3A_66 = tpu.assume_multiple %mul3A_65, 8 : i32
      %dma_wait3A = arith.constant 0 : i32
      %dma_wait3A_67 = tpu.memref_slice %arg3[%multiple_of3A_66, %dma_wait3A] : memref<6400x128xi32, #tpu.memory_space<hbm>> -> memref<32x128xi32, #tpu.memory_space<hbm>>
      %dma_wait3A_68 = arith.constant 0 : i32
      %dma_wait3A_69 = tpu.memref_slice %arg3[%multiple_of3A_66, %dma_wait3A_68] : memref<6400x128xi32, #tpu.memory_space<hbm>> -> memref<32x128xi32, #tpu.memory_space<hbm>>
      tpu.wait_dma2 semaphore(%arg11 : memref<!tpu.dma_semaphore, #tpu.memory_space<semaphore_mem>>) src(%dma_wait3A_69 : memref<32x128xi32, #tpu.memory_space<hbm>>) dst(%arg7 : memref<32x128xi32, #tpu.memory_space<vmem>>)
      %dma_wait3A_70 = arith.constant 0 : i32
      %dma_wait3A_71 = arith.constant 0 : i32
      %dma_wait3A_72 = tpu.memref_slice %arg2[%add3A_63, %dma_wait3A_70, %dma_wait3A_71] : memref<200x128x128xf32, #tpu.memory_space<hbm>> -> memref<1x128x128xf32, #tpu.memory_space<hbm>>
      %dma_wait3A_73 = tpu.memref_squeeze %dma_wait3A_72 : memref<1x128x128xf32, #tpu.memory_space<hbm>> -> memref<128x128xf32, #tpu.memory_space<hbm>>
      %dma_wait3A_74 = arith.constant 0 : i32
      %dma_wait3A_75 = arith.constant 0 : i32
      %dma_wait3A_76 = tpu.memref_slice %arg2[%add3A_63, %dma_wait3A_74, %dma_wait3A_75] : memref<200x128x128xf32, #tpu.memory_space<hbm>> -> memref<1x128x128xf32, #tpu.memory_space<hbm>>
      %dma_wait3A_77 = tpu.memref_squeeze %dma_wait3A_76 : memref<1x128x128xf32, #tpu.memory_space<hbm>> -> memref<128x128xf32, #tpu.memory_space<hbm>>
      tpu.wait_dma2 semaphore(%arg9 : memref<!tpu.dma_semaphore, #tpu.memory_space<semaphore_mem>>) src(%dma_wait3A_77 : memref<128x128xf32, #tpu.memory_space<hbm>>) dst(%arg5 : memref<128x128xf32, #tpu.memory_space<vmem>>)
      %scan3A = arith.constant 0 : i32
      %scan3A_78 = arith.constant 32 : i32
      %scan3A_79 = arith.addi %scan3A, %scan3A_78 : i32
      %scan3A_80 = arith.constant 1 : i32
      scf.for %scan3A_82 = %scan3A to %scan3A_79 step %scan3A_80  : i32 {
        %mul3A_83 = arith.constant 1 : i32
        %mul3A_84 = arith.muli %scan3A_82, %mul3A_83 : i32
        %add3A_85 = arith.constant 0 : i32
        %add3A_86 = arith.addi %add3A_85, %mul3A_84 : i32
        "tpu.region"() ({
          %run_scoped3A = tpu.sem_alloc : memref<!tpu.dma_semaphore, #tpu.memory_space<semaphore_mem>>
          %dma_start3A_87 = arith.constant 0 : i32
          %dma_start3A_88 = tpu.memref_slice %arg7[%add3A_86, %dma_start3A_87] : memref<32x128xi32, #tpu.memory_space<vmem>> -> memref<1x128xi32, #tpu.memory_space<vmem>>
          %dma_start3A_89 = tpu.memref_squeeze %dma_start3A_88 : memref<1x128xi32, #tpu.memory_space<vmem>> -> memref<128xi32, #tpu.memory_space<vmem>>
          %dma_start3A_90 = arith.constant 0 : i32
          %dma_start3A_91 = arith.constant 0 : i32
          %dma_start3A_92 = tpu.memref_slice %arg4[%dma_start3A_90, %dma_start3A_91] : memref<3276800x128xf32, #tpu.memory_space<hbm>> -> memref<3276800x128xf32, #tpu.memory_space<hbm>>
          tpu.enqueue_indirect_dma source(%arg5 : memref<128x128xf32, #tpu.memory_space<vmem>>) target(%dma_start3A_92 : memref<3276800x128xf32, #tpu.memory_space<hbm>>) offsets(%dma_start3A_89 : memref<128xi32, #tpu.memory_space<vmem>>) semaphore(%run_scoped3A : memref<!tpu.dma_semaphore, #tpu.memory_space<semaphore_mem>>)
          %dma_wait3A_93 = arith.constant 0 : i32
          %dma_wait3A_94 = tpu.memref_slice %arg7[%add3A_86, %dma_wait3A_93] : memref<32x128xi32, #tpu.memory_space<vmem>> -> memref<1x128xi32, #tpu.memory_space<vmem>>
          %dma_wait3A_95 = tpu.memref_squeeze %dma_wait3A_94 : memref<1x128xi32, #tpu.memory_space<vmem>> -> memref<128xi32, #tpu.memory_space<vmem>>
          %dma_wait3A_96 = arith.constant 0 : i32
          %dma_wait3A_97 = arith.constant 0 : i32
          %dma_wait3A_98 = tpu.memref_slice %arg4[%dma_wait3A_96, %dma_wait3A_97] : memref<3276800x128xf32, #tpu.memory_space<hbm>> -> memref<3276800x128xf32, #tpu.memory_space<hbm>>
          tpu.wait_indirect_dma semaphore(%run_scoped3A : memref<!tpu.dma_semaphore, #tpu.memory_space<semaphore_mem>>) src(%arg5 : memref<128x128xf32, #tpu.memory_space<vmem>>) dst(%dma_wait3A_98 : memref<3276800x128xf32, #tpu.memory_space<hbm>>)
          tpu.yield
        }) : () -> ()
      }
      %scan3A_81 = arith.constant 32 : i32
    } else {
    }
    return
  }
}

#map = affine_map<(d0, d1) -> (0, 0, 0)>
#map1 = affine_map<(d0, d1) -> (0, 0)>
module attributes {stable_mosaic.version = 14 : i64} {
  func.func @new_body(%arg0: i32, %arg1: i32, %arg2: memref<200x128x128xf32, #tpu.memory_space<hbm>>, %arg3: memref<6400x128xi32, #tpu.memory_space<hbm>>, %arg4: memref<3276800x128xf32, #tpu.memory_space<hbm>>, %arg5: memref<3276800x128xf32, #tpu.memory_space<hbm>>, %arg6: memref<128x128xf32, #tpu.memory_space<vmem>>, %arg7: memref<128x128xf32, #tpu.memory_space<vmem>>, %arg8: memref<32x128xi32, #tpu.memory_space<vmem>>, %arg9: memref<32x128xi32, #tpu.memory_space<vmem>>, %arg10: memref<!tpu.dma_semaphore, #tpu.memory_space<semaphore_mem>>, %arg11: memref<!tpu.dma_semaphore, #tpu.memory_space<semaphore_mem>>, %arg12: memref<!tpu.dma_semaphore, #tpu.memory_space<semaphore_mem>>, %arg13: memref<!tpu.dma_semaphore, #tpu.memory_space<semaphore_mem>>) attributes {dimension_semantics = [#tpu.dimension_semantics<core_parallel>, #tpu.dimension_semantics<subcore_parallel>], iteration_bounds = array<i64: 2, 16>, scalar_prefetch = 0 : i64, scratch_operands = 8 : i64, tpu.core_type = #tpu.core_type<sc_vector_subcore>, window_params = [{transform_indices = #map}, {transform_indices = #map1}, {transform_indices = #map1}, {transform_indices = #map1}]} {
    %mul3A = arith.constant 2 : i32
    %mul3A_0 = arith.muli %arg1, %mul3A : i32
    %add3A = arith.addi %mul3A_0, %arg0 : i32
    %add3A_1 = arith.constant 0 : i32
    %add3A_2 = arith.addi %add3A, %add3A_1 : i32
    %mul3A_3 = arith.constant 32 : i32
    %mul3A_4 = arith.muli %add3A_2, %mul3A_3 : i32
    %multiple_of3A = tpu.assume_multiple %mul3A_4, 8 : i32
    %dma_start3A = arith.constant 0 : i32
    %dma_start3A_5 = tpu.memref_slice %arg3[%multiple_of3A, %dma_start3A] : memref<6400x128xi32, #tpu.memory_space<hbm>> -> memref<32x128xi32, #tpu.memory_space<hbm>>
    %dma_start3A_6 = arith.constant 0 : i32
    %dma_start3A_7 = tpu.memref_slice %arg3[%multiple_of3A, %dma_start3A_6] : memref<6400x128xi32, #tpu.memory_space<hbm>> -> memref<32x128xi32, #tpu.memory_space<hbm>>
    tpu.enqueue_dma source(%dma_start3A_7 : memref<32x128xi32, #tpu.memory_space<hbm>>) target(%arg8 : memref<32x128xi32, #tpu.memory_space<vmem>>) target_semaphore(%arg12 : memref<!tpu.dma_semaphore, #tpu.memory_space<semaphore_mem>>)
    %dma_start3A_8 = arith.constant 0 : i32
    %dma_start3A_9 = arith.constant 0 : i32
    %dma_start3A_10 = tpu.memref_slice %arg2[%add3A_2, %dma_start3A_8, %dma_start3A_9] : memref<200x128x128xf32, #tpu.memory_space<hbm>> -> memref<1x128x128xf32, #tpu.memory_space<hbm>>
    %dma_start3A_11 = tpu.memref_squeeze %dma_start3A_10 : memref<1x128x128xf32, #tpu.memory_space<hbm>> -> memref<128x128xf32, #tpu.memory_space<hbm>>
    %dma_start3A_12 = arith.constant 0 : i32
    %dma_start3A_13 = arith.constant 0 : i32
    %dma_start3A_14 = tpu.memref_slice %arg2[%add3A_2, %dma_start3A_12, %dma_start3A_13] : memref<200x128x128xf32, #tpu.memory_space<hbm>> -> memref<1x128x128xf32, #tpu.memory_space<hbm>>
    %dma_start3A_15 = tpu.memref_squeeze %dma_start3A_14 : memref<1x128x128xf32, #tpu.memory_space<hbm>> -> memref<128x128xf32, #tpu.memory_space<hbm>>
    tpu.enqueue_dma source(%dma_start3A_15 : memref<128x128xf32, #tpu.memory_space<hbm>>) target(%arg6 : memref<128x128xf32, #tpu.memory_space<vmem>>) target_semaphore(%arg10 : memref<!tpu.dma_semaphore, #tpu.memory_space<semaphore_mem>>)
    %add3A_16 = arith.constant 0 : i32
    %add3A_17 = arith.addi %add3A, %add3A_16 : i32
    %lt3A = arith.constant 200 : i32
    %lt3A_18 = arith.cmpi slt, %add3A_17, %lt3A : i32
    %convert_element_type3A = arith.extui %lt3A_18 : i1 to i32
    %cond3A = arith.constant 0 : i32
    %cond3A_19 = arith.cmpi ne, %convert_element_type3A, %cond3A : i32
    scf.if %cond3A_19 {
      %add3A_62 = arith.constant 0 : i32
      %add3A_63 = arith.addi %add3A, %add3A_62 : i32
      %mul3A_64 = arith.constant 32 : i32
      %mul3A_65 = arith.muli %add3A_63, %mul3A_64 : i32
      %multiple_of3A_66 = tpu.assume_multiple %mul3A_65, 8 : i32
      %dma_wait3A = arith.constant 0 : i32
      %dma_wait3A_67 = tpu.memref_slice %arg3[%multiple_of3A_66, %dma_wait3A] : memref<6400x128xi32, #tpu.memory_space<hbm>> -> memref<32x128xi32, #tpu.memory_space<hbm>>
      %dma_wait3A_68 = arith.constant 0 : i32
      %dma_wait3A_69 = tpu.memref_slice %arg3[%multiple_of3A_66, %dma_wait3A_68] : memref<6400x128xi32, #tpu.memory_space<hbm>> -> memref<32x128xi32, #tpu.memory_space<hbm>>
      tpu.wait_dma2 semaphore(%arg12 : memref<!tpu.dma_semaphore, #tpu.memory_space<semaphore_mem>>) src(%dma_wait3A_69 : memref<32x128xi32, #tpu.memory_space<hbm>>) dst(%arg8 : memref<32x128xi32, #tpu.memory_space<vmem>>)
      %dma_wait3A_70 = arith.constant 0 : i32
      %dma_wait3A_71 = arith.constant 0 : i32
      %dma_wait3A_72 = tpu.memref_slice %arg2[%add3A_63, %dma_wait3A_70, %dma_wait3A_71] : memref<200x128x128xf32, #tpu.memory_space<hbm>> -> memref<1x128x128xf32, #tpu.memory_space<hbm>>
      %dma_wait3A_73 = tpu.memref_squeeze %dma_wait3A_72 : memref<1x128x128xf32, #tpu.memory_space<hbm>> -> memref<128x128xf32, #tpu.memory_space<hbm>>
      %dma_wait3A_74 = arith.constant 0 : i32
      %dma_wait3A_75 = arith.constant 0 : i32
      %dma_wait3A_76 = tpu.memref_slice %arg2[%add3A_63, %dma_wait3A_74, %dma_wait3A_75] : memref<200x128x128xf32, #tpu.memory_space<hbm>> -> memref<1x128x128xf32, #tpu.memory_space<hbm>>
      %dma_wait3A_77 = tpu.memref_squeeze %dma_wait3A_76 : memref<1x128x128xf32, #tpu.memory_space<hbm>> -> memref<128x128xf32, #tpu.memory_space<hbm>>
      tpu.wait_dma2 semaphore(%arg10 : memref<!tpu.dma_semaphore, #tpu.memory_space<semaphore_mem>>) src(%dma_wait3A_77 : memref<128x128xf32, #tpu.memory_space<hbm>>) dst(%arg6 : memref<128x128xf32, #tpu.memory_space<vmem>>)
      %add3A_78 = arith.constant 32 : i32
      %add3A_79 = arith.addi %add3A, %add3A_78 : i32
      %lt3A_80 = arith.constant 200 : i32
      %lt3A_81 = arith.cmpi slt, %add3A_79, %lt3A_80 : i32
      %convert_element_type3A_82 = arith.extui %lt3A_81 : i1 to i32
      %cond3A_83 = arith.constant 0 : i32
      %cond3A_84 = arith.cmpi ne, %convert_element_type3A_82, %cond3A_83 : i32
      scf.if %cond3A_84 {
        %add3A_89 = arith.constant 32 : i32
        %add3A_90 = arith.addi %add3A, %add3A_89 : i32
        %mul3A_91 = arith.constant 32 : i32
        %mul3A_92 = arith.muli %add3A_90, %mul3A_91 : i32
        %multiple_of3A_93 = tpu.assume_multiple %mul3A_92, 8 : i32
        %dma_start3A_94 = arith.constant 0 : i32
        %dma_start3A_95 = tpu.memref_slice %arg3[%multiple_of3A_93, %dma_start3A_94] : memref<6400x128xi32, #tpu.memory_space<hbm>> -> memref<32x128xi32, #tpu.memory_space<hbm>>
        %dma_start3A_96 = arith.constant 0 : i32
        %dma_start3A_97 = tpu.memref_slice %arg3[%multiple_of3A_93, %dma_start3A_96] : memref<6400x128xi32, #tpu.memory_space<hbm>> -> memref<32x128xi32, #tpu.memory_space<hbm>>
        tpu.enqueue_dma source(%dma_start3A_97 : memref<32x128xi32, #tpu.memory_space<hbm>>) target(%arg9 : memref<32x128xi32, #tpu.memory_space<vmem>>) target_semaphore(%arg13 : memref<!tpu.dma_semaphore, #tpu.memory_space<semaphore_mem>>)
        %dma_start3A_98 = arith.constant 0 : i32
        %dma_start3A_99 = arith.constant 0 : i32
        %dma_start3A_100 = tpu.memref_slice %arg2[%add3A_90, %dma_start3A_98, %dma_start3A_99] : memref<200x128x128xf32, #tpu.memory_space<hbm>> -> memref<1x128x128xf32, #tpu.memory_space<hbm>>
        %dma_start3A_101 = tpu.memref_squeeze %dma_start3A_100 : memref<1x128x128xf32, #tpu.memory_space<hbm>> -> memref<128x128xf32, #tpu.memory_space<hbm>>
        %dma_start3A_102 = arith.constant 0 : i32
        %dma_start3A_103 = arith.constant 0 : i32
        %dma_start3A_104 = tpu.memref_slice %arg2[%add3A_90, %dma_start3A_102, %dma_start3A_103] : memref<200x128x128xf32, #tpu.memory_space<hbm>> -> memref<1x128x128xf32, #tpu.memory_space<hbm>>
        %dma_start3A_105 = tpu.memref_squeeze %dma_start3A_104 : memref<1x128x128xf32, #tpu.memory_space<hbm>> -> memref<128x128xf32, #tpu.memory_space<hbm>>
        tpu.enqueue_dma source(%dma_start3A_105 : memref<128x128xf32, #tpu.memory_space<hbm>>) target(%arg7 : memref<128x128xf32, #tpu.memory_space<vmem>>) target_semaphore(%arg11 : memref<!tpu.dma_semaphore, #tpu.memory_space<semaphore_mem>>)
      } else {
      }
      %scan3A = arith.constant 0 : i32
      %scan3A_85 = arith.constant 32 : i32
      %scan3A_86 = arith.addi %scan3A, %scan3A_85 : i32
      %scan3A_87 = arith.constant 1 : i32
      scf.for %scan3A_89 = %scan3A to %scan3A_86 step %scan3A_87  : i32 {
        %mul3A_90 = arith.constant 1 : i32
        %mul3A_91 = arith.muli %scan3A_89, %mul3A_90 : i32
        %add3A_92 = arith.constant 0 : i32
        %add3A_93 = arith.addi %add3A_92, %mul3A_91 : i32
        "tpu.region"() ({
          %run_scoped3A = tpu.sem_alloc : memref<!tpu.dma_semaphore, #tpu.memory_space<semaphore_mem>>
          %dma_start3A_94 = arith.constant 0 : i32
          %dma_start3A_95 = tpu.memref_slice %arg8[%add3A_93, %dma_start3A_94] : memref<32x128xi32, #tpu.memory_space<vmem>> -> memref<1x128xi32, #tpu.memory_space<vmem>>
          %dma_start3A_96 = tpu.memref_squeeze %dma_start3A_95 : memref<1x128xi32, #tpu.memory_space<vmem>> -> memref<128xi32, #tpu.memory_space<vmem>>
          %dma_start3A_97 = arith.constant 0 : i32
          %dma_start3A_98 = arith.constant 0 : i32
          %dma_start3A_99 = tpu.memref_slice %arg4[%dma_start3A_97, %dma_start3A_98] : memref<3276800x128xf32, #tpu.memory_space<hbm>> -> memref<3276800x128xf32, #tpu.memory_space<hbm>>
          tpu.enqueue_indirect_dma source(%arg6 : memref<128x128xf32, #tpu.memory_space<vmem>>) target(%dma_start3A_99 : memref<3276800x128xf32, #tpu.memory_space<hbm>>) offsets(%dma_start3A_96 : memref<128xi32, #tpu.memory_space<vmem>>) semaphore(%run_scoped3A : memref<!tpu.dma_semaphore, #tpu.memory_space<semaphore_mem>>)
          %dma_wait3A_100 = arith.constant 0 : i32
          %dma_wait3A_101 = tpu.memref_slice %arg8[%add3A_93, %dma_wait3A_100] : memref<32x128xi32, #tpu.memory_space<vmem>> -> memref<1x128xi32, #tpu.memory_space<vmem>>
          %dma_wait3A_102 = tpu.memref_squeeze %dma_wait3A_101 : memref<1x128xi32, #tpu.memory_space<vmem>> -> memref<128xi32, #tpu.memory_space<vmem>>
          %dma_wait3A_103 = arith.constant 0 : i32
          %dma_wait3A_104 = arith.constant 0 : i32
          %dma_wait3A_105 = tpu.memref_slice %arg4[%dma_wait3A_103, %dma_wait3A_104] : memref<3276800x128xf32, #tpu.memory_space<hbm>> -> memref<3276800x128xf32, #tpu.memory_space<hbm>>
          tpu.wait_indirect_dma semaphore(%run_scoped3A : memref<!tpu.dma_semaphore, #tpu.memory_space<semaphore_mem>>) src(%arg6 : memref<128x128xf32, #tpu.memory_space<vmem>>) dst(%dma_wait3A_105 : memref<3276800x128xf32, #tpu.memory_space<hbm>>)
          tpu.yield
        }) : () -> ()
      }
      %scan3A_88 = arith.constant 32 : i32
    } else {
    }
    %add3A_20 = arith.constant 32 : i32
    %add3A_21 = arith.addi %add3A, %add3A_20 : i32
    %lt3A_22 = arith.constant 200 : i32
    %lt3A_23 = arith.cmpi slt, %add3A_21, %lt3A_22 : i32
    %convert_element_type3A_24 = arith.extui %lt3A_23 : i1 to i32
    %cond3A_25 = arith.constant 0 : i32
    %cond3A_26 = arith.cmpi ne, %convert_element_type3A_24, %cond3A_25 : i32
    scf.if %cond3A_26 {
      %add3A_62 = arith.constant 32 : i32
      %add3A_63 = arith.addi %add3A, %add3A_62 : i32
      %mul3A_64 = arith.constant 32 : i32
      %mul3A_65 = arith.muli %add3A_63, %mul3A_64 : i32
      %multiple_of3A_66 = tpu.assume_multiple %mul3A_65, 8 : i32
      %dma_wait3A = arith.constant 0 : i32
      %dma_wait3A_67 = tpu.memref_slice %arg3[%multiple_of3A_66, %dma_wait3A] : memref<6400x128xi32, #tpu.memory_space<hbm>> -> memref<32x128xi32, #tpu.memory_space<hbm>>
      %dma_wait3A_68 = arith.constant 0 : i32
      %dma_wait3A_69 = tpu.memref_slice %arg3[%multiple_of3A_66, %dma_wait3A_68] : memref<6400x128xi32, #tpu.memory_space<hbm>> -> memref<32x128xi32, #tpu.memory_space<hbm>>
      tpu.wait_dma2 semaphore(%arg13 : memref<!tpu.dma_semaphore, #tpu.memory_space<semaphore_mem>>) src(%dma_wait3A_69 : memref<32x128xi32, #tpu.memory_space<hbm>>) dst(%arg9 : memref<32x128xi32, #tpu.memory_space<vmem>>)
      %dma_wait3A_70 = arith.constant 0 : i32
      %dma_wait3A_71 = arith.constant 0 : i32
      %dma_wait3A_72 = tpu.memref_slice %arg2[%add3A_63, %dma_wait3A_70, %dma_wait3A_71] : memref<200x128x128xf32, #tpu.memory_space<hbm>> -> memref<1x128x128xf32, #tpu.memory_space<hbm>>
      %dma_wait3A_73 = tpu.memref_squeeze %dma_wait3A_72 : memref<1x128x128xf32, #tpu.memory_space<hbm>> -> memref<128x128xf32, #tpu.memory_space<hbm>>
      %dma_wait3A_74 = arith.constant 0 : i32
      %dma_wait3A_75 = arith.constant 0 : i32
      %dma_wait3A_76 = tpu.memref_slice %arg2[%add3A_63, %dma_wait3A_74, %dma_wait3A_75] : memref<200x128x128xf32, #tpu.memory_space<hbm>> -> memref<1x128x128xf32, #tpu.memory_space<hbm>>
      %dma_wait3A_77 = tpu.memref_squeeze %dma_wait3A_76 : memref<1x128x128xf32, #tpu.memory_space<hbm>> -> memref<128x128xf32, #tpu.memory_space<hbm>>
      tpu.wait_dma2 semaphore(%arg11 : memref<!tpu.dma_semaphore, #tpu.memory_space<semaphore_mem>>) src(%dma_wait3A_77 : memref<128x128xf32, #tpu.memory_space<hbm>>) dst(%arg7 : memref<128x128xf32, #tpu.memory_space<vmem>>)
      %add3A_78 = arith.constant 64 : i32
      %add3A_79 = arith.addi %add3A, %add3A_78 : i32
      %lt3A_80 = arith.constant 200 : i32
      %lt3A_81 = arith.cmpi slt, %add3A_79, %lt3A_80 : i32
      %convert_element_type3A_82 = arith.extui %lt3A_81 : i1 to i32
      %cond3A_83 = arith.constant 0 : i32
      %cond3A_84 = arith.cmpi ne, %convert_element_type3A_82, %cond3A_83 : i32
      scf.if %cond3A_84 {
        %add3A_89 = arith.constant 64 : i32
        %add3A_90 = arith.addi %add3A, %add3A_89 : i32
        %mul3A_91 = arith.constant 32 : i32
        %mul3A_92 = arith.muli %add3A_90, %mul3A_91 : i32
        %multiple_of3A_93 = tpu.assume_multiple %mul3A_92, 8 : i32
        %dma_start3A_94 = arith.constant 0 : i32
        %dma_start3A_95 = tpu.memref_slice %arg3[%multiple_of3A_93, %dma_start3A_94] : memref<6400x128xi32, #tpu.memory_space<hbm>> -> memref<32x128xi32, #tpu.memory_space<hbm>>
        %dma_start3A_96 = arith.constant 0 : i32
        %dma_start3A_97 = tpu.memref_slice %arg3[%multiple_of3A_93, %dma_start3A_96] : memref<6400x128xi32, #tpu.memory_space<hbm>> -> memref<32x128xi32, #tpu.memory_space<hbm>>
        tpu.enqueue_dma source(%dma_start3A_97 : memref<32x128xi32, #tpu.memory_space<hbm>>) target(%arg8 : memref<32x128xi32, #tpu.memory_space<vmem>>) target_semaphore(%arg12 : memref<!tpu.dma_semaphore, #tpu.memory_space<semaphore_mem>>)
        %dma_start3A_98 = arith.constant 0 : i32
        %dma_start3A_99 = arith.constant 0 : i32
        %dma_start3A_100 = tpu.memref_slice %arg2[%add3A_90, %dma_start3A_98, %dma_start3A_99] : memref<200x128x128xf32, #tpu.memory_space<hbm>> -> memref<1x128x128xf32, #tpu.memory_space<hbm>>
        %dma_start3A_101 = tpu.memref_squeeze %dma_start3A_100 : memref<1x128x128xf32, #tpu.memory_space<hbm>> -> memref<128x128xf32, #tpu.memory_space<hbm>>
        %dma_start3A_102 = arith.constant 0 : i32
        %dma_start3A_103 = arith.constant 0 : i32
        %dma_start3A_104 = tpu.memref_slice %arg2[%add3A_90, %dma_start3A_102, %dma_start3A_103] : memref<200x128x128xf32, #tpu.memory_space<hbm>> -> memref<1x128x128xf32, #tpu.memory_space<hbm>>
        %dma_start3A_105 = tpu.memref_squeeze %dma_start3A_104 : memref<1x128x128xf32, #tpu.memory_space<hbm>> -> memref<128x128xf32, #tpu.memory_space<hbm>>
        tpu.enqueue_dma source(%dma_start3A_105 : memref<128x128xf32, #tpu.memory_space<hbm>>) target(%arg6 : memref<128x128xf32, #tpu.memory_space<vmem>>) target_semaphore(%arg10 : memref<!tpu.dma_semaphore, #tpu.memory_space<semaphore_mem>>)
      } else {
      }
      %scan3A = arith.constant 0 : i32
      %scan3A_85 = arith.constant 32 : i32
      %scan3A_86 = arith.addi %scan3A, %scan3A_85 : i32
      %scan3A_87 = arith.constant 1 : i32
      scf.for %scan3A_89 = %scan3A to %scan3A_86 step %scan3A_87  : i32 {
        %mul3A_90 = arith.constant 1 : i32
        %mul3A_91 = arith.muli %scan3A_89, %mul3A_90 : i32
        %add3A_92 = arith.constant 0 : i32
        %add3A_93 = arith.addi %add3A_92, %mul3A_91 : i32
        "tpu.region"() ({
          %run_scoped3A = tpu.sem_alloc : memref<!tpu.dma_semaphore, #tpu.memory_space<semaphore_mem>>
          %dma_start3A_94 = arith.constant 0 : i32
          %dma_start3A_95 = tpu.memref_slice %arg9[%add3A_93, %dma_start3A_94] : memref<32x128xi32, #tpu.memory_space<vmem>> -> memref<1x128xi32, #tpu.memory_space<vmem>>
          %dma_start3A_96 = tpu.memref_squeeze %dma_start3A_95 : memref<1x128xi32, #tpu.memory_space<vmem>> -> memref<128xi32, #tpu.memory_space<vmem>>
          %dma_start3A_97 = arith.constant 0 : i32
          %dma_start3A_98 = arith.constant 0 : i32
          %dma_start3A_99 = tpu.memref_slice %arg4[%dma_start3A_97, %dma_start3A_98] : memref<3276800x128xf32, #tpu.memory_space<hbm>> -> memref<3276800x128xf32, #tpu.memory_space<hbm>>
          tpu.enqueue_indirect_dma source(%arg7 : memref<128x128xf32, #tpu.memory_space<vmem>>) target(%dma_start3A_99 : memref<3276800x128xf32, #tpu.memory_space<hbm>>) offsets(%dma_start3A_96 : memref<128xi32, #tpu.memory_space<vmem>>) semaphore(%run_scoped3A : memref<!tpu.dma_semaphore, #tpu.memory_space<semaphore_mem>>)
          %dma_wait3A_100 = arith.constant 0 : i32
          %dma_wait3A_101 = tpu.memref_slice %arg9[%add3A_93, %dma_wait3A_100] : memref<32x128xi32, #tpu.memory_space<vmem>> -> memref<1x128xi32, #tpu.memory_space<vmem>>
          %dma_wait3A_102 = tpu.memref_squeeze %dma_wait3A_101 : memref<1x128xi32, #tpu.memory_space<vmem>> -> memref<128xi32, #tpu.memory_space<vmem>>
          %dma_wait3A_103 = arith.constant 0 : i32
          %dma_wait3A_104 = arith.constant 0 : i32
          %dma_wait3A_105 = tpu.memref_slice %arg4[%dma_wait3A_103, %dma_wait3A_104] : memref<3276800x128xf32, #tpu.memory_space<hbm>> -> memref<3276800x128xf32, #tpu.memory_space<hbm>>
          tpu.wait_indirect_dma semaphore(%run_scoped3A : memref<!tpu.dma_semaphore, #tpu.memory_space<semaphore_mem>>) src(%arg7 : memref<128x128xf32, #tpu.memory_space<vmem>>) dst(%dma_wait3A_105 : memref<3276800x128xf32, #tpu.memory_space<hbm>>)
          tpu.yield
        }) : () -> ()
      }
      %scan3A_88 = arith.constant 32 : i32
    } else {
    }
    %add3A_27 = arith.constant 64 : i32
    %add3A_28 = arith.addi %add3A, %add3A_27 : i32
    %lt3A_29 = arith.constant 200 : i32
    %lt3A_30 = arith.cmpi slt, %add3A_28, %lt3A_29 : i32
    %convert_element_type3A_31 = arith.extui %lt3A_30 : i1 to i32
    %cond3A_32 = arith.constant 0 : i32
    %cond3A_33 = arith.cmpi ne, %convert_element_type3A_31, %cond3A_32 : i32
    scf.if %cond3A_33 {
      %add3A_62 = arith.constant 64 : i32
      %add3A_63 = arith.addi %add3A, %add3A_62 : i32
      %mul3A_64 = arith.constant 32 : i32
      %mul3A_65 = arith.muli %add3A_63, %mul3A_64 : i32
      %multiple_of3A_66 = tpu.assume_multiple %mul3A_65, 8 : i32
      %dma_wait3A = arith.constant 0 : i32
      %dma_wait3A_67 = tpu.memref_slice %arg3[%multiple_of3A_66, %dma_wait3A] : memref<6400x128xi32, #tpu.memory_space<hbm>> -> memref<32x128xi32, #tpu.memory_space<hbm>>
      %dma_wait3A_68 = arith.constant 0 : i32
      %dma_wait3A_69 = tpu.memref_slice %arg3[%multiple_of3A_66, %dma_wait3A_68] : memref<6400x128xi32, #tpu.memory_space<hbm>> -> memref<32x128xi32, #tpu.memory_space<hbm>>
      tpu.wait_dma2 semaphore(%arg12 : memref<!tpu.dma_semaphore, #tpu.memory_space<semaphore_mem>>) src(%dma_wait3A_69 : memref<32x128xi32, #tpu.memory_space<hbm>>) dst(%arg8 : memref<32x128xi32, #tpu.memory_space<vmem>>)
      %dma_wait3A_70 = arith.constant 0 : i32
      %dma_wait3A_71 = arith.constant 0 : i32
      %dma_wait3A_72 = tpu.memref_slice %arg2[%add3A_63, %dma_wait3A_70, %dma_wait3A_71] : memref<200x128x128xf32, #tpu.memory_space<hbm>> -> memref<1x128x128xf32, #tpu.memory_space<hbm>>
      %dma_wait3A_73 = tpu.memref_squeeze %dma_wait3A_72 : memref<1x128x128xf32, #tpu.memory_space<hbm>> -> memref<128x128xf32, #tpu.memory_space<hbm>>
      %dma_wait3A_74 = arith.constant 0 : i32
      %dma_wait3A_75 = arith.constant 0 : i32
      %dma_wait3A_76 = tpu.memref_slice %arg2[%add3A_63, %dma_wait3A_74, %dma_wait3A_75] : memref<200x128x128xf32, #tpu.memory_space<hbm>> -> memref<1x128x128xf32, #tpu.memory_space<hbm>>
      %dma_wait3A_77 = tpu.memref_squeeze %dma_wait3A_76 : memref<1x128x128xf32, #tpu.memory_space<hbm>> -> memref<128x128xf32, #tpu.memory_space<hbm>>
      tpu.wait_dma2 semaphore(%arg10 : memref<!tpu.dma_semaphore, #tpu.memory_space<semaphore_mem>>) src(%dma_wait3A_77 : memref<128x128xf32, #tpu.memory_space<hbm>>) dst(%arg6 : memref<128x128xf32, #tpu.memory_space<vmem>>)
      %add3A_78 = arith.constant 96 : i32
      %add3A_79 = arith.addi %add3A, %add3A_78 : i32
      %lt3A_80 = arith.constant 200 : i32
      %lt3A_81 = arith.cmpi slt, %add3A_79, %lt3A_80 : i32
      %convert_element_type3A_82 = arith.extui %lt3A_81 : i1 to i32
      %cond3A_83 = arith.constant 0 : i32
      %cond3A_84 = arith.cmpi ne, %convert_element_type3A_82, %cond3A_83 : i32
      scf.if %cond3A_84 {
        %add3A_89 = arith.constant 96 : i32
        %add3A_90 = arith.addi %add3A, %add3A_89 : i32
        %mul3A_91 = arith.constant 32 : i32
        %mul3A_92 = arith.muli %add3A_90, %mul3A_91 : i32
        %multiple_of3A_93 = tpu.assume_multiple %mul3A_92, 8 : i32
        %dma_start3A_94 = arith.constant 0 : i32
        %dma_start3A_95 = tpu.memref_slice %arg3[%multiple_of3A_93, %dma_start3A_94] : memref<6400x128xi32, #tpu.memory_space<hbm>> -> memref<32x128xi32, #tpu.memory_space<hbm>>
        %dma_start3A_96 = arith.constant 0 : i32
        %dma_start3A_97 = tpu.memref_slice %arg3[%multiple_of3A_93, %dma_start3A_96] : memref<6400x128xi32, #tpu.memory_space<hbm>> -> memref<32x128xi32, #tpu.memory_space<hbm>>
        tpu.enqueue_dma source(%dma_start3A_97 : memref<32x128xi32, #tpu.memory_space<hbm>>) target(%arg9 : memref<32x128xi32, #tpu.memory_space<vmem>>) target_semaphore(%arg13 : memref<!tpu.dma_semaphore, #tpu.memory_space<semaphore_mem>>)
        %dma_start3A_98 = arith.constant 0 : i32
        %dma_start3A_99 = arith.constant 0 : i32
        %dma_start3A_100 = tpu.memref_slice %arg2[%add3A_90, %dma_start3A_98, %dma_start3A_99] : memref<200x128x128xf32, #tpu.memory_space<hbm>> -> memref<1x128x128xf32, #tpu.memory_space<hbm>>
        %dma_start3A_101 = tpu.memref_squeeze %dma_start3A_100 : memref<1x128x128xf32, #tpu.memory_space<hbm>> -> memref<128x128xf32, #tpu.memory_space<hbm>>
        %dma_start3A_102 = arith.constant 0 : i32
        %dma_start3A_103 = arith.constant 0 : i32
        %dma_start3A_104 = tpu.memref_slice %arg2[%add3A_90, %dma_start3A_102, %dma_start3A_103] : memref<200x128x128xf32, #tpu.memory_space<hbm>> -> memref<1x128x128xf32, #tpu.memory_space<hbm>>
        %dma_start3A_105 = tpu.memref_squeeze %dma_start3A_104 : memref<1x128x128xf32, #tpu.memory_space<hbm>> -> memref<128x128xf32, #tpu.memory_space<hbm>>
        tpu.enqueue_dma source(%dma_start3A_105 : memref<128x128xf32, #tpu.memory_space<hbm>>) target(%arg7 : memref<128x128xf32, #tpu.memory_space<vmem>>) target_semaphore(%arg11 : memref<!tpu.dma_semaphore, #tpu.memory_space<semaphore_mem>>)
      } else {
      }
      %scan3A = arith.constant 0 : i32
      %scan3A_85 = arith.constant 32 : i32
      %scan3A_86 = arith.addi %scan3A, %scan3A_85 : i32
      %scan3A_87 = arith.constant 1 : i32
      scf.for %scan3A_89 = %scan3A to %scan3A_86 step %scan3A_87  : i32 {
        %mul3A_90 = arith.constant 1 : i32
        %mul3A_91 = arith.muli %scan3A_89, %mul3A_90 : i32
        %add3A_92 = arith.constant 0 : i32
        %add3A_93 = arith.addi %add3A_92, %mul3A_91 : i32
        "tpu.region"() ({
          %run_scoped3A = tpu.sem_alloc : memref<!tpu.dma_semaphore, #tpu.memory_space<semaphore_mem>>
          %dma_start3A_94 = arith.constant 0 : i32
          %dma_start3A_95 = tpu.memref_slice %arg8[%add3A_93, %dma_start3A_94] : memref<32x128xi32, #tpu.memory_space<vmem>> -> memref<1x128xi32, #tpu.memory_space<vmem>>
          %dma_start3A_96 = tpu.memref_squeeze %dma_start3A_95 : memref<1x128xi32, #tpu.memory_space<vmem>> -> memref<128xi32, #tpu.memory_space<vmem>>
          %dma_start3A_97 = arith.constant 0 : i32
          %dma_start3A_98 = arith.constant 0 : i32
          %dma_start3A_99 = tpu.memref_slice %arg4[%dma_start3A_97, %dma_start3A_98] : memref<3276800x128xf32, #tpu.memory_space<hbm>> -> memref<3276800x128xf32, #tpu.memory_space<hbm>>
          tpu.enqueue_indirect_dma source(%arg6 : memref<128x128xf32, #tpu.memory_space<vmem>>) target(%dma_start3A_99 : memref<3276800x128xf32, #tpu.memory_space<hbm>>) offsets(%dma_start3A_96 : memref<128xi32, #tpu.memory_space<vmem>>) semaphore(%run_scoped3A : memref<!tpu.dma_semaphore, #tpu.memory_space<semaphore_mem>>)
          %dma_wait3A_100 = arith.constant 0 : i32
          %dma_wait3A_101 = tpu.memref_slice %arg8[%add3A_93, %dma_wait3A_100] : memref<32x128xi32, #tpu.memory_space<vmem>> -> memref<1x128xi32, #tpu.memory_space<vmem>>
          %dma_wait3A_102 = tpu.memref_squeeze %dma_wait3A_101 : memref<1x128xi32, #tpu.memory_space<vmem>> -> memref<128xi32, #tpu.memory_space<vmem>>
          %dma_wait3A_103 = arith.constant 0 : i32
          %dma_wait3A_104 = arith.constant 0 : i32
          %dma_wait3A_105 = tpu.memref_slice %arg4[%dma_wait3A_103, %dma_wait3A_104] : memref<3276800x128xf32, #tpu.memory_space<hbm>> -> memref<3276800x128xf32, #tpu.memory_space<hbm>>
          tpu.wait_indirect_dma semaphore(%run_scoped3A : memref<!tpu.dma_semaphore, #tpu.memory_space<semaphore_mem>>) src(%arg6 : memref<128x128xf32, #tpu.memory_space<vmem>>) dst(%dma_wait3A_105 : memref<3276800x128xf32, #tpu.memory_space<hbm>>)
          tpu.yield
        }) : () -> ()
      }
      %scan3A_88 = arith.constant 32 : i32
    } else {
    }
    %add3A_34 = arith.constant 96 : i32
    %add3A_35 = arith.addi %add3A, %add3A_34 : i32
    %lt3A_36 = arith.constant 200 : i32
    %lt3A_37 = arith.cmpi slt, %add3A_35, %lt3A_36 : i32
    %convert_element_type3A_38 = arith.extui %lt3A_37 : i1 to i32
    %cond3A_39 = arith.constant 0 : i32
    %cond3A_40 = arith.cmpi ne, %convert_element_type3A_38, %cond3A_39 : i32
    scf.if %cond3A_40 {
      %add3A_62 = arith.constant 96 : i32
      %add3A_63 = arith.addi %add3A, %add3A_62 : i32
      %mul3A_64 = arith.constant 32 : i32
      %mul3A_65 = arith.muli %add3A_63, %mul3A_64 : i32
      %multiple_of3A_66 = tpu.assume_multiple %mul3A_65, 8 : i32
      %dma_wait3A = arith.constant 0 : i32
      %dma_wait3A_67 = tpu.memref_slice %arg3[%multiple_of3A_66, %dma_wait3A] : memref<6400x128xi32, #tpu.memory_space<hbm>> -> memref<32x128xi32, #tpu.memory_space<hbm>>
      %dma_wait3A_68 = arith.constant 0 : i32
      %dma_wait3A_69 = tpu.memref_slice %arg3[%multiple_of3A_66, %dma_wait3A_68] : memref<6400x128xi32, #tpu.memory_space<hbm>> -> memref<32x128xi32, #tpu.memory_space<hbm>>
      tpu.wait_dma2 semaphore(%arg13 : memref<!tpu.dma_semaphore, #tpu.memory_space<semaphore_mem>>) src(%dma_wait3A_69 : memref<32x128xi32, #tpu.memory_space<hbm>>) dst(%arg9 : memref<32x128xi32, #tpu.memory_space<vmem>>)
      %dma_wait3A_70 = arith.constant 0 : i32
      %dma_wait3A_71 = arith.constant 0 : i32
      %dma_wait3A_72 = tpu.memref_slice %arg2[%add3A_63, %dma_wait3A_70, %dma_wait3A_71] : memref<200x128x128xf32, #tpu.memory_space<hbm>> -> memref<1x128x128xf32, #tpu.memory_space<hbm>>
      %dma_wait3A_73 = tpu.memref_squeeze %dma_wait3A_72 : memref<1x128x128xf32, #tpu.memory_space<hbm>> -> memref<128x128xf32, #tpu.memory_space<hbm>>
      %dma_wait3A_74 = arith.constant 0 : i32
      %dma_wait3A_75 = arith.constant 0 : i32
      %dma_wait3A_76 = tpu.memref_slice %arg2[%add3A_63, %dma_wait3A_74, %dma_wait3A_75] : memref<200x128x128xf32, #tpu.memory_space<hbm>> -> memref<1x128x128xf32, #tpu.memory_space<hbm>>
      %dma_wait3A_77 = tpu.memref_squeeze %dma_wait3A_76 : memref<1x128x128xf32, #tpu.memory_space<hbm>> -> memref<128x128xf32, #tpu.memory_space<hbm>>
      tpu.wait_dma2 semaphore(%arg11 : memref<!tpu.dma_semaphore, #tpu.memory_space<semaphore_mem>>) src(%dma_wait3A_77 : memref<128x128xf32, #tpu.memory_space<hbm>>) dst(%arg7 : memref<128x128xf32, #tpu.memory_space<vmem>>)
      %add3A_78 = arith.constant 128 : i32
      %add3A_79 = arith.addi %add3A, %add3A_78 : i32
      %lt3A_80 = arith.constant 200 : i32
      %lt3A_81 = arith.cmpi slt, %add3A_79, %lt3A_80 : i32
      %convert_element_type3A_82 = arith.extui %lt3A_81 : i1 to i32
      %cond3A_83 = arith.constant 0 : i32
      %cond3A_84 = arith.cmpi ne, %convert_element_type3A_82, %cond3A_83 : i32
      scf.if %cond3A_84 {
        %add3A_89 = arith.constant 128 : i32
        %add3A_90 = arith.addi %add3A, %add3A_89 : i32
        %mul3A_91 = arith.constant 32 : i32
        %mul3A_92 = arith.muli %add3A_90, %mul3A_91 : i32
        %multiple_of3A_93 = tpu.assume_multiple %mul3A_92, 8 : i32
        %dma_start3A_94 = arith.constant 0 : i32
        %dma_start3A_95 = tpu.memref_slice %arg3[%multiple_of3A_93, %dma_start3A_94] : memref<6400x128xi32, #tpu.memory_space<hbm>> -> memref<32x128xi32, #tpu.memory_space<hbm>>
        %dma_start3A_96 = arith.constant 0 : i32
        %dma_start3A_97 = tpu.memref_slice %arg3[%multiple_of3A_93, %dma_start3A_96] : memref<6400x128xi32, #tpu.memory_space<hbm>> -> memref<32x128xi32, #tpu.memory_space<hbm>>
        tpu.enqueue_dma source(%dma_start3A_97 : memref<32x128xi32, #tpu.memory_space<hbm>>) target(%arg8 : memref<32x128xi32, #tpu.memory_space<vmem>>) target_semaphore(%arg12 : memref<!tpu.dma_semaphore, #tpu.memory_space<semaphore_mem>>)
        %dma_start3A_98 = arith.constant 0 : i32
        %dma_start3A_99 = arith.constant 0 : i32
        %dma_start3A_100 = tpu.memref_slice %arg2[%add3A_90, %dma_start3A_98, %dma_start3A_99] : memref<200x128x128xf32, #tpu.memory_space<hbm>> -> memref<1x128x128xf32, #tpu.memory_space<hbm>>
        %dma_start3A_101 = tpu.memref_squeeze %dma_start3A_100 : memref<1x128x128xf32, #tpu.memory_space<hbm>> -> memref<128x128xf32, #tpu.memory_space<hbm>>
        %dma_start3A_102 = arith.constant 0 : i32
        %dma_start3A_103 = arith.constant 0 : i32
        %dma_start3A_104 = tpu.memref_slice %arg2[%add3A_90, %dma_start3A_102, %dma_start3A_103] : memref<200x128x128xf32, #tpu.memory_space<hbm>> -> memref<1x128x128xf32, #tpu.memory_space<hbm>>
        %dma_start3A_105 = tpu.memref_squeeze %dma_start3A_104 : memref<1x128x128xf32, #tpu.memory_space<hbm>> -> memref<128x128xf32, #tpu.memory_space<hbm>>
        tpu.enqueue_dma source(%dma_start3A_105 : memref<128x128xf32, #tpu.memory_space<hbm>>) target(%arg6 : memref<128x128xf32, #tpu.memory_space<vmem>>) target_semaphore(%arg10 : memref<!tpu.dma_semaphore, #tpu.memory_space<semaphore_mem>>)
      } else {
      }
      %scan3A = arith.constant 0 : i32
      %scan3A_85 = arith.constant 32 : i32
      %scan3A_86 = arith.addi %scan3A, %scan3A_85 : i32
      %scan3A_87 = arith.constant 1 : i32
      scf.for %scan3A_89 = %scan3A to %scan3A_86 step %scan3A_87  : i32 {
        %mul3A_90 = arith.constant 1 : i32
        %mul3A_91 = arith.muli %scan3A_89, %mul3A_90 : i32
        %add3A_92 = arith.constant 0 : i32
        %add3A_93 = arith.addi %add3A_92, %mul3A_91 : i32
        "tpu.region"() ({
          %run_scoped3A = tpu.sem_alloc : memref<!tpu.dma_semaphore, #tpu.memory_space<semaphore_mem>>
          %dma_start3A_94 = arith.constant 0 : i32
          %dma_start3A_95 = tpu.memref_slice %arg9[%add3A_93, %dma_start3A_94] : memref<32x128xi32, #tpu.memory_space<vmem>> -> memref<1x128xi32, #tpu.memory_space<vmem>>
          %dma_start3A_96 = tpu.memref_squeeze %dma_start3A_95 : memref<1x128xi32, #tpu.memory_space<vmem>> -> memref<128xi32, #tpu.memory_space<vmem>>
          %dma_start3A_97 = arith.constant 0 : i32
          %dma_start3A_98 = arith.constant 0 : i32
          %dma_start3A_99 = tpu.memref_slice %arg4[%dma_start3A_97, %dma_start3A_98] : memref<3276800x128xf32, #tpu.memory_space<hbm>> -> memref<3276800x128xf32, #tpu.memory_space<hbm>>
          tpu.enqueue_indirect_dma source(%arg7 : memref<128x128xf32, #tpu.memory_space<vmem>>) target(%dma_start3A_99 : memref<3276800x128xf32, #tpu.memory_space<hbm>>) offsets(%dma_start3A_96 : memref<128xi32, #tpu.memory_space<vmem>>) semaphore(%run_scoped3A : memref<!tpu.dma_semaphore, #tpu.memory_space<semaphore_mem>>)
          %dma_wait3A_100 = arith.constant 0 : i32
          %dma_wait3A_101 = tpu.memref_slice %arg9[%add3A_93, %dma_wait3A_100] : memref<32x128xi32, #tpu.memory_space<vmem>> -> memref<1x128xi32, #tpu.memory_space<vmem>>
          %dma_wait3A_102 = tpu.memref_squeeze %dma_wait3A_101 : memref<1x128xi32, #tpu.memory_space<vmem>> -> memref<128xi32, #tpu.memory_space<vmem>>
          %dma_wait3A_103 = arith.constant 0 : i32
          %dma_wait3A_104 = arith.constant 0 : i32
          %dma_wait3A_105 = tpu.memref_slice %arg4[%dma_wait3A_103, %dma_wait3A_104] : memref<3276800x128xf32, #tpu.memory_space<hbm>> -> memref<3276800x128xf32, #tpu.memory_space<hbm>>
          tpu.wait_indirect_dma semaphore(%run_scoped3A : memref<!tpu.dma_semaphore, #tpu.memory_space<semaphore_mem>>) src(%arg7 : memref<128x128xf32, #tpu.memory_space<vmem>>) dst(%dma_wait3A_105 : memref<3276800x128xf32, #tpu.memory_space<hbm>>)
          tpu.yield
        }) : () -> ()
      }
      %scan3A_88 = arith.constant 32 : i32
    } else {
    }
    %add3A_41 = arith.constant 128 : i32
    %add3A_42 = arith.addi %add3A, %add3A_41 : i32
    %lt3A_43 = arith.constant 200 : i32
    %lt3A_44 = arith.cmpi slt, %add3A_42, %lt3A_43 : i32
    %convert_element_type3A_45 = arith.extui %lt3A_44 : i1 to i32
    %cond3A_46 = arith.constant 0 : i32
    %cond3A_47 = arith.cmpi ne, %convert_element_type3A_45, %cond3A_46 : i32
    scf.if %cond3A_47 {
      %add3A_62 = arith.constant 128 : i32
      %add3A_63 = arith.addi %add3A, %add3A_62 : i32
      %mul3A_64 = arith.constant 32 : i32
      %mul3A_65 = arith.muli %add3A_63, %mul3A_64 : i32
      %multiple_of3A_66 = tpu.assume_multiple %mul3A_65, 8 : i32
      %dma_wait3A = arith.constant 0 : i32
      %dma_wait3A_67 = tpu.memref_slice %arg3[%multiple_of3A_66, %dma_wait3A] : memref<6400x128xi32, #tpu.memory_space<hbm>> -> memref<32x128xi32, #tpu.memory_space<hbm>>
      %dma_wait3A_68 = arith.constant 0 : i32
      %dma_wait3A_69 = tpu.memref_slice %arg3[%multiple_of3A_66, %dma_wait3A_68] : memref<6400x128xi32, #tpu.memory_space<hbm>> -> memref<32x128xi32, #tpu.memory_space<hbm>>
      tpu.wait_dma2 semaphore(%arg12 : memref<!tpu.dma_semaphore, #tpu.memory_space<semaphore_mem>>) src(%dma_wait3A_69 : memref<32x128xi32, #tpu.memory_space<hbm>>) dst(%arg8 : memref<32x128xi32, #tpu.memory_space<vmem>>)
      %dma_wait3A_70 = arith.constant 0 : i32
      %dma_wait3A_71 = arith.constant 0 : i32
      %dma_wait3A_72 = tpu.memref_slice %arg2[%add3A_63, %dma_wait3A_70, %dma_wait3A_71] : memref<200x128x128xf32, #tpu.memory_space<hbm>> -> memref<1x128x128xf32, #tpu.memory_space<hbm>>
      %dma_wait3A_73 = tpu.memref_squeeze %dma_wait3A_72 : memref<1x128x128xf32, #tpu.memory_space<hbm>> -> memref<128x128xf32, #tpu.memory_space<hbm>>
      %dma_wait3A_74 = arith.constant 0 : i32
      %dma_wait3A_75 = arith.constant 0 : i32
      %dma_wait3A_76 = tpu.memref_slice %arg2[%add3A_63, %dma_wait3A_74, %dma_wait3A_75] : memref<200x128x128xf32, #tpu.memory_space<hbm>> -> memref<1x128x128xf32, #tpu.memory_space<hbm>>
      %dma_wait3A_77 = tpu.memref_squeeze %dma_wait3A_76 : memref<1x128x128xf32, #tpu.memory_space<hbm>> -> memref<128x128xf32, #tpu.memory_space<hbm>>
      tpu.wait_dma2 semaphore(%arg10 : memref<!tpu.dma_semaphore, #tpu.memory_space<semaphore_mem>>) src(%dma_wait3A_77 : memref<128x128xf32, #tpu.memory_space<hbm>>) dst(%arg6 : memref<128x128xf32, #tpu.memory_space<vmem>>)
      %add3A_78 = arith.constant 160 : i32
      %add3A_79 = arith.addi %add3A, %add3A_78 : i32
      %lt3A_80 = arith.constant 200 : i32
      %lt3A_81 = arith.cmpi slt, %add3A_79, %lt3A_80 : i32
      %convert_element_type3A_82 = arith.extui %lt3A_81 : i1 to i32
      %cond3A_83 = arith.constant 0 : i32
      %cond3A_84 = arith.cmpi ne, %convert_element_type3A_82, %cond3A_83 : i32
      scf.if %cond3A_84 {
        %add3A_89 = arith.constant 160 : i32
        %add3A_90 = arith.addi %add3A, %add3A_89 : i32
        %mul3A_91 = arith.constant 32 : i32
        %mul3A_92 = arith.muli %add3A_90, %mul3A_91 : i32
        %multiple_of3A_93 = tpu.assume_multiple %mul3A_92, 8 : i32
        %dma_start3A_94 = arith.constant 0 : i32
        %dma_start3A_95 = tpu.memref_slice %arg3[%multiple_of3A_93, %dma_start3A_94] : memref<6400x128xi32, #tpu.memory_space<hbm>> -> memref<32x128xi32, #tpu.memory_space<hbm>>
        %dma_start3A_96 = arith.constant 0 : i32
        %dma_start3A_97 = tpu.memref_slice %arg3[%multiple_of3A_93, %dma_start3A_96] : memref<6400x128xi32, #tpu.memory_space<hbm>> -> memref<32x128xi32, #tpu.memory_space<hbm>>
        tpu.enqueue_dma source(%dma_start3A_97 : memref<32x128xi32, #tpu.memory_space<hbm>>) target(%arg9 : memref<32x128xi32, #tpu.memory_space<vmem>>) target_semaphore(%arg13 : memref<!tpu.dma_semaphore, #tpu.memory_space<semaphore_mem>>)
        %dma_start3A_98 = arith.constant 0 : i32
        %dma_start3A_99 = arith.constant 0 : i32
        %dma_start3A_100 = tpu.memref_slice %arg2[%add3A_90, %dma_start3A_98, %dma_start3A_99] : memref<200x128x128xf32, #tpu.memory_space<hbm>> -> memref<1x128x128xf32, #tpu.memory_space<hbm>>
        %dma_start3A_101 = tpu.memref_squeeze %dma_start3A_100 : memref<1x128x128xf32, #tpu.memory_space<hbm>> -> memref<128x128xf32, #tpu.memory_space<hbm>>
        %dma_start3A_102 = arith.constant 0 : i32
        %dma_start3A_103 = arith.constant 0 : i32
        %dma_start3A_104 = tpu.memref_slice %arg2[%add3A_90, %dma_start3A_102, %dma_start3A_103] : memref<200x128x128xf32, #tpu.memory_space<hbm>> -> memref<1x128x128xf32, #tpu.memory_space<hbm>>
        %dma_start3A_105 = tpu.memref_squeeze %dma_start3A_104 : memref<1x128x128xf32, #tpu.memory_space<hbm>> -> memref<128x128xf32, #tpu.memory_space<hbm>>
        tpu.enqueue_dma source(%dma_start3A_105 : memref<128x128xf32, #tpu.memory_space<hbm>>) target(%arg7 : memref<128x128xf32, #tpu.memory_space<vmem>>) target_semaphore(%arg11 : memref<!tpu.dma_semaphore, #tpu.memory_space<semaphore_mem>>)
      } else {
      }
      %scan3A = arith.constant 0 : i32
      %scan3A_85 = arith.constant 32 : i32
      %scan3A_86 = arith.addi %scan3A, %scan3A_85 : i32
      %scan3A_87 = arith.constant 1 : i32
      scf.for %scan3A_89 = %scan3A to %scan3A_86 step %scan3A_87  : i32 {
        %mul3A_90 = arith.constant 1 : i32
        %mul3A_91 = arith.muli %scan3A_89, %mul3A_90 : i32
        %add3A_92 = arith.constant 0 : i32
        %add3A_93 = arith.addi %add3A_92, %mul3A_91 : i32
        "tpu.region"() ({
          %run_scoped3A = tpu.sem_alloc : memref<!tpu.dma_semaphore, #tpu.memory_space<semaphore_mem>>
          %dma_start3A_94 = arith.constant 0 : i32
          %dma_start3A_95 = tpu.memref_slice %arg8[%add3A_93, %dma_start3A_94] : memref<32x128xi32, #tpu.memory_space<vmem>> -> memref<1x128xi32, #tpu.memory_space<vmem>>
          %dma_start3A_96 = tpu.memref_squeeze %dma_start3A_95 : memref<1x128xi32, #tpu.memory_space<vmem>> -> memref<128xi32, #tpu.memory_space<vmem>>
          %dma_start3A_97 = arith.constant 0 : i32
          %dma_start3A_98 = arith.constant 0 : i32
          %dma_start3A_99 = tpu.memref_slice %arg4[%dma_start3A_97, %dma_start3A_98] : memref<3276800x128xf32, #tpu.memory_space<hbm>> -> memref<3276800x128xf32, #tpu.memory_space<hbm>>
          tpu.enqueue_indirect_dma source(%arg6 : memref<128x128xf32, #tpu.memory_space<vmem>>) target(%dma_start3A_99 : memref<3276800x128xf32, #tpu.memory_space<hbm>>) offsets(%dma_start3A_96 : memref<128xi32, #tpu.memory_space<vmem>>) semaphore(%run_scoped3A : memref<!tpu.dma_semaphore, #tpu.memory_space<semaphore_mem>>)
          %dma_wait3A_100 = arith.constant 0 : i32
          %dma_wait3A_101 = tpu.memref_slice %arg8[%add3A_93, %dma_wait3A_100] : memref<32x128xi32, #tpu.memory_space<vmem>> -> memref<1x128xi32, #tpu.memory_space<vmem>>
          %dma_wait3A_102 = tpu.memref_squeeze %dma_wait3A_101 : memref<1x128xi32, #tpu.memory_space<vmem>> -> memref<128xi32, #tpu.memory_space<vmem>>
          %dma_wait3A_103 = arith.constant 0 : i32
          %dma_wait3A_104 = arith.constant 0 : i32
          %dma_wait3A_105 = tpu.memref_slice %arg4[%dma_wait3A_103, %dma_wait3A_104] : memref<3276800x128xf32, #tpu.memory_space<hbm>> -> memref<3276800x128xf32, #tpu.memory_space<hbm>>
          tpu.wait_indirect_dma semaphore(%run_scoped3A : memref<!tpu.dma_semaphore, #tpu.memory_space<semaphore_mem>>) src(%arg6 : memref<128x128xf32, #tpu.memory_space<vmem>>) dst(%dma_wait3A_105 : memref<3276800x128xf32, #tpu.memory_space<hbm>>)
          tpu.yield
        }) : () -> ()
      }
      %scan3A_88 = arith.constant 32 : i32
    } else {
    }
    %add3A_48 = arith.constant 160 : i32
    %add3A_49 = arith.addi %add3A, %add3A_48 : i32
    %lt3A_50 = arith.constant 200 : i32
    %lt3A_51 = arith.cmpi slt, %add3A_49, %lt3A_50 : i32
    %convert_element_type3A_52 = arith.extui %lt3A_51 : i1 to i32
    %cond3A_53 = arith.constant 0 : i32
    %cond3A_54 = arith.cmpi ne, %convert_element_type3A_52, %cond3A_53 : i32
    scf.if %cond3A_54 {
      %add3A_62 = arith.constant 160 : i32
      %add3A_63 = arith.addi %add3A, %add3A_62 : i32
      %mul3A_64 = arith.constant 32 : i32
      %mul3A_65 = arith.muli %add3A_63, %mul3A_64 : i32
      %multiple_of3A_66 = tpu.assume_multiple %mul3A_65, 8 : i32
      %dma_wait3A = arith.constant 0 : i32
      %dma_wait3A_67 = tpu.memref_slice %arg3[%multiple_of3A_66, %dma_wait3A] : memref<6400x128xi32, #tpu.memory_space<hbm>> -> memref<32x128xi32, #tpu.memory_space<hbm>>
      %dma_wait3A_68 = arith.constant 0 : i32
      %dma_wait3A_69 = tpu.memref_slice %arg3[%multiple_of3A_66, %dma_wait3A_68] : memref<6400x128xi32, #tpu.memory_space<hbm>> -> memref<32x128xi32, #tpu.memory_space<hbm>>
      tpu.wait_dma2 semaphore(%arg13 : memref<!tpu.dma_semaphore, #tpu.memory_space<semaphore_mem>>) src(%dma_wait3A_69 : memref<32x128xi32, #tpu.memory_space<hbm>>) dst(%arg9 : memref<32x128xi32, #tpu.memory_space<vmem>>)
      %dma_wait3A_70 = arith.constant 0 : i32
      %dma_wait3A_71 = arith.constant 0 : i32
      %dma_wait3A_72 = tpu.memref_slice %arg2[%add3A_63, %dma_wait3A_70, %dma_wait3A_71] : memref<200x128x128xf32, #tpu.memory_space<hbm>> -> memref<1x128x128xf32, #tpu.memory_space<hbm>>
      %dma_wait3A_73 = tpu.memref_squeeze %dma_wait3A_72 : memref<1x128x128xf32, #tpu.memory_space<hbm>> -> memref<128x128xf32, #tpu.memory_space<hbm>>
      %dma_wait3A_74 = arith.constant 0 : i32
      %dma_wait3A_75 = arith.constant 0 : i32
      %dma_wait3A_76 = tpu.memref_slice %arg2[%add3A_63, %dma_wait3A_74, %dma_wait3A_75] : memref<200x128x128xf32, #tpu.memory_space<hbm>> -> memref<1x128x128xf32, #tpu.memory_space<hbm>>
      %dma_wait3A_77 = tpu.memref_squeeze %dma_wait3A_76 : memref<1x128x128xf32, #tpu.memory_space<hbm>> -> memref<128x128xf32, #tpu.memory_space<hbm>>
      tpu.wait_dma2 semaphore(%arg11 : memref<!tpu.dma_semaphore, #tpu.memory_space<semaphore_mem>>) src(%dma_wait3A_77 : memref<128x128xf32, #tpu.memory_space<hbm>>) dst(%arg7 : memref<128x128xf32, #tpu.memory_space<vmem>>)
      %add3A_78 = arith.constant 192 : i32
      %add3A_79 = arith.addi %add3A, %add3A_78 : i32
      %lt3A_80 = arith.constant 200 : i32
      %lt3A_81 = arith.cmpi slt, %add3A_79, %lt3A_80 : i32
      %convert_element_type3A_82 = arith.extui %lt3A_81 : i1 to i32
      %cond3A_83 = arith.constant 0 : i32
      %cond3A_84 = arith.cmpi ne, %convert_element_type3A_82, %cond3A_83 : i32
      scf.if %cond3A_84 {
        %add3A_89 = arith.constant 192 : i32
        %add3A_90 = arith.addi %add3A, %add3A_89 : i32
        %mul3A_91 = arith.constant 32 : i32
        %mul3A_92 = arith.muli %add3A_90, %mul3A_91 : i32
        %multiple_of3A_93 = tpu.assume_multiple %mul3A_92, 8 : i32
        %dma_start3A_94 = arith.constant 0 : i32
        %dma_start3A_95 = tpu.memref_slice %arg3[%multiple_of3A_93, %dma_start3A_94] : memref<6400x128xi32, #tpu.memory_space<hbm>> -> memref<32x128xi32, #tpu.memory_space<hbm>>
        %dma_start3A_96 = arith.constant 0 : i32
        %dma_start3A_97 = tpu.memref_slice %arg3[%multiple_of3A_93, %dma_start3A_96] : memref<6400x128xi32, #tpu.memory_space<hbm>> -> memref<32x128xi32, #tpu.memory_space<hbm>>
        tpu.enqueue_dma source(%dma_start3A_97 : memref<32x128xi32, #tpu.memory_space<hbm>>) target(%arg8 : memref<32x128xi32, #tpu.memory_space<vmem>>) target_semaphore(%arg12 : memref<!tpu.dma_semaphore, #tpu.memory_space<semaphore_mem>>)
        %dma_start3A_98 = arith.constant 0 : i32
        %dma_start3A_99 = arith.constant 0 : i32
        %dma_start3A_100 = tpu.memref_slice %arg2[%add3A_90, %dma_start3A_98, %dma_start3A_99] : memref<200x128x128xf32, #tpu.memory_space<hbm>> -> memref<1x128x128xf32, #tpu.memory_space<hbm>>
        %dma_start3A_101 = tpu.memref_squeeze %dma_start3A_100 : memref<1x128x128xf32, #tpu.memory_space<hbm>> -> memref<128x128xf32, #tpu.memory_space<hbm>>
        %dma_start3A_102 = arith.constant 0 : i32
        %dma_start3A_103 = arith.constant 0 : i32
        %dma_start3A_104 = tpu.memref_slice %arg2[%add3A_90, %dma_start3A_102, %dma_start3A_103] : memref<200x128x128xf32, #tpu.memory_space<hbm>> -> memref<1x128x128xf32, #tpu.memory_space<hbm>>
        %dma_start3A_105 = tpu.memref_squeeze %dma_start3A_104 : memref<1x128x128xf32, #tpu.memory_space<hbm>> -> memref<128x128xf32, #tpu.memory_space<hbm>>
        tpu.enqueue_dma source(%dma_start3A_105 : memref<128x128xf32, #tpu.memory_space<hbm>>) target(%arg6 : memref<128x128xf32, #tpu.memory_space<vmem>>) target_semaphore(%arg10 : memref<!tpu.dma_semaphore, #tpu.memory_space<semaphore_mem>>)
      } else {
      }
      %scan3A = arith.constant 0 : i32
      %scan3A_85 = arith.constant 32 : i32
      %scan3A_86 = arith.addi %scan3A, %scan3A_85 : i32
      %scan3A_87 = arith.constant 1 : i32
      scf.for %scan3A_89 = %scan3A to %scan3A_86 step %scan3A_87  : i32 {
        %mul3A_90 = arith.constant 1 : i32
        %mul3A_91 = arith.muli %scan3A_89, %mul3A_90 : i32
        %add3A_92 = arith.constant 0 : i32
        %add3A_93 = arith.addi %add3A_92, %mul3A_91 : i32
        "tpu.region"() ({
          %run_scoped3A = tpu.sem_alloc : memref<!tpu.dma_semaphore, #tpu.memory_space<semaphore_mem>>
          %dma_start3A_94 = arith.constant 0 : i32
          %dma_start3A_95 = tpu.memref_slice %arg9[%add3A_93, %dma_start3A_94] : memref<32x128xi32, #tpu.memory_space<vmem>> -> memref<1x128xi32, #tpu.memory_space<vmem>>
          %dma_start3A_96 = tpu.memref_squeeze %dma_start3A_95 : memref<1x128xi32, #tpu.memory_space<vmem>> -> memref<128xi32, #tpu.memory_space<vmem>>
          %dma_start3A_97 = arith.constant 0 : i32
          %dma_start3A_98 = arith.constant 0 : i32
          %dma_start3A_99 = tpu.memref_slice %arg4[%dma_start3A_97, %dma_start3A_98] : memref<3276800x128xf32, #tpu.memory_space<hbm>> -> memref<3276800x128xf32, #tpu.memory_space<hbm>>
          tpu.enqueue_indirect_dma source(%arg7 : memref<128x128xf32, #tpu.memory_space<vmem>>) target(%dma_start3A_99 : memref<3276800x128xf32, #tpu.memory_space<hbm>>) offsets(%dma_start3A_96 : memref<128xi32, #tpu.memory_space<vmem>>) semaphore(%run_scoped3A : memref<!tpu.dma_semaphore, #tpu.memory_space<semaphore_mem>>)
          %dma_wait3A_100 = arith.constant 0 : i32
          %dma_wait3A_101 = tpu.memref_slice %arg9[%add3A_93, %dma_wait3A_100] : memref<32x128xi32, #tpu.memory_space<vmem>> -> memref<1x128xi32, #tpu.memory_space<vmem>>
          %dma_wait3A_102 = tpu.memref_squeeze %dma_wait3A_101 : memref<1x128xi32, #tpu.memory_space<vmem>> -> memref<128xi32, #tpu.memory_space<vmem>>
          %dma_wait3A_103 = arith.constant 0 : i32
          %dma_wait3A_104 = arith.constant 0 : i32
          %dma_wait3A_105 = tpu.memref_slice %arg4[%dma_wait3A_103, %dma_wait3A_104] : memref<3276800x128xf32, #tpu.memory_space<hbm>> -> memref<3276800x128xf32, #tpu.memory_space<hbm>>
          tpu.wait_indirect_dma semaphore(%run_scoped3A : memref<!tpu.dma_semaphore, #tpu.memory_space<semaphore_mem>>) src(%arg7 : memref<128x128xf32, #tpu.memory_space<vmem>>) dst(%dma_wait3A_105 : memref<3276800x128xf32, #tpu.memory_space<hbm>>)
          tpu.yield
        }) : () -> ()
      }
      %scan3A_88 = arith.constant 32 : i32
    } else {
    }
    %add3A_55 = arith.constant 192 : i32
    %add3A_56 = arith.addi %add3A, %add3A_55 : i32
    %lt3A_57 = arith.constant 200 : i32
    %lt3A_58 = arith.cmpi slt, %add3A_56, %lt3A_57 : i32
    %convert_element_type3A_59 = arith.extui %lt3A_58 : i1 to i32
    %cond3A_60 = arith.constant 0 : i32
    %cond3A_61 = arith.cmpi ne, %convert_element_type3A_59, %cond3A_60 : i32
    scf.if %cond3A_61 {
      %add3A_62 = arith.constant 192 : i32
      %add3A_63 = arith.addi %add3A, %add3A_62 : i32
      %mul3A_64 = arith.constant 32 : i32
      %mul3A_65 = arith.muli %add3A_63, %mul3A_64 : i32
      %multiple_of3A_66 = tpu.assume_multiple %mul3A_65, 8 : i32
      %dma_wait3A = arith.constant 0 : i32
      %dma_wait3A_67 = tpu.memref_slice %arg3[%multiple_of3A_66, %dma_wait3A] : memref<6400x128xi32, #tpu.memory_space<hbm>> -> memref<32x128xi32, #tpu.memory_space<hbm>>
      %dma_wait3A_68 = arith.constant 0 : i32
      %dma_wait3A_69 = tpu.memref_slice %arg3[%multiple_of3A_66, %dma_wait3A_68] : memref<6400x128xi32, #tpu.memory_space<hbm>> -> memref<32x128xi32, #tpu.memory_space<hbm>>
      tpu.wait_dma2 semaphore(%arg12 : memref<!tpu.dma_semaphore, #tpu.memory_space<semaphore_mem>>) src(%dma_wait3A_69 : memref<32x128xi32, #tpu.memory_space<hbm>>) dst(%arg8 : memref<32x128xi32, #tpu.memory_space<vmem>>)
      %dma_wait3A_70 = arith.constant 0 : i32
      %dma_wait3A_71 = arith.constant 0 : i32
      %dma_wait3A_72 = tpu.memref_slice %arg2[%add3A_63, %dma_wait3A_70, %dma_wait3A_71] : memref<200x128x128xf32, #tpu.memory_space<hbm>> -> memref<1x128x128xf32, #tpu.memory_space<hbm>>
      %dma_wait3A_73 = tpu.memref_squeeze %dma_wait3A_72 : memref<1x128x128xf32, #tpu.memory_space<hbm>> -> memref<128x128xf32, #tpu.memory_space<hbm>>
      %dma_wait3A_74 = arith.constant 0 : i32
      %dma_wait3A_75 = arith.constant 0 : i32
      %dma_wait3A_76 = tpu.memref_slice %arg2[%add3A_63, %dma_wait3A_74, %dma_wait3A_75] : memref<200x128x128xf32, #tpu.memory_space<hbm>> -> memref<1x128x128xf32, #tpu.memory_space<hbm>>
      %dma_wait3A_77 = tpu.memref_squeeze %dma_wait3A_76 : memref<1x128x128xf32, #tpu.memory_space<hbm>> -> memref<128x128xf32, #tpu.memory_space<hbm>>
      tpu.wait_dma2 semaphore(%arg10 : memref<!tpu.dma_semaphore, #tpu.memory_space<semaphore_mem>>) src(%dma_wait3A_77 : memref<128x128xf32, #tpu.memory_space<hbm>>) dst(%arg6 : memref<128x128xf32, #tpu.memory_space<vmem>>)
      %scan3A = arith.constant 0 : i32
      %scan3A_78 = arith.constant 32 : i32
      %scan3A_79 = arith.addi %scan3A, %scan3A_78 : i32
      %scan3A_80 = arith.constant 1 : i32
      scf.for %scan3A_82 = %scan3A to %scan3A_79 step %scan3A_80  : i32 {
        %mul3A_83 = arith.constant 1 : i32
        %mul3A_84 = arith.muli %scan3A_82, %mul3A_83 : i32
        %add3A_85 = arith.constant 0 : i32
        %add3A_86 = arith.addi %add3A_85, %mul3A_84 : i32
        "tpu.region"() ({
          %run_scoped3A = tpu.sem_alloc : memref<!tpu.dma_semaphore, #tpu.memory_space<semaphore_mem>>
          %dma_start3A_87 = arith.constant 0 : i32
          %dma_start3A_88 = tpu.memref_slice %arg8[%add3A_86, %dma_start3A_87] : memref<32x128xi32, #tpu.memory_space<vmem>> -> memref<1x128xi32, #tpu.memory_space<vmem>>
          %dma_start3A_89 = tpu.memref_squeeze %dma_start3A_88 : memref<1x128xi32, #tpu.memory_space<vmem>> -> memref<128xi32, #tpu.memory_space<vmem>>
          %dma_start3A_90 = arith.constant 0 : i32
          %dma_start3A_91 = arith.constant 0 : i32
          %dma_start3A_92 = tpu.memref_slice %arg4[%dma_start3A_90, %dma_start3A_91] : memref<3276800x128xf32, #tpu.memory_space<hbm>> -> memref<3276800x128xf32, #tpu.memory_space<hbm>>
          tpu.enqueue_indirect_dma source(%arg6 : memref<128x128xf32, #tpu.memory_space<vmem>>) target(%dma_start3A_92 : memref<3276800x128xf32, #tpu.memory_space<hbm>>) offsets(%dma_start3A_89 : memref<128xi32, #tpu.memory_space<vmem>>) semaphore(%run_scoped3A : memref<!tpu.dma_semaphore, #tpu.memory_space<semaphore_mem>>)
          %dma_wait3A_93 = arith.constant 0 : i32
          %dma_wait3A_94 = tpu.memref_slice %arg8[%add3A_86, %dma_wait3A_93] : memref<32x128xi32, #tpu.memory_space<vmem>> -> memref<1x128xi32, #tpu.memory_space<vmem>>
          %dma_wait3A_95 = tpu.memref_squeeze %dma_wait3A_94 : memref<1x128xi32, #tpu.memory_space<vmem>> -> memref<128xi32, #tpu.memory_space<vmem>>
          %dma_wait3A_96 = arith.constant 0 : i32
          %dma_wait3A_97 = arith.constant 0 : i32
          %dma_wait3A_98 = tpu.memref_slice %arg4[%dma_wait3A_96, %dma_wait3A_97] : memref<3276800x128xf32, #tpu.memory_space<hbm>> -> memref<3276800x128xf32, #tpu.memory_space<hbm>>
          tpu.wait_indirect_dma semaphore(%run_scoped3A : memref<!tpu.dma_semaphore, #tpu.memory_space<semaphore_mem>>) src(%arg6 : memref<128x128xf32, #tpu.memory_space<vmem>>) dst(%dma_wait3A_98 : memref<3276800x128xf32, #tpu.memory_space<hbm>>)
          tpu.yield
        }) : () -> ()
      }
      %scan3A_81 = arith.constant 32 : i32
    } else {
    }
    return
  }
}

#map = affine_map<(d0, d1) -> (0, 0, 0)>
#map1 = affine_map<(d0, d1) -> (0, 0)>
module attributes {stable_mosaic.version = 14 : i64} {
  func.func @new_body(%arg0: i32, %arg1: i32, %arg2: memref<200x128x128xf32, #tpu.memory_space<hbm>>, %arg3: memref<6400x128xi32, #tpu.memory_space<hbm>>, %arg4: memref<3276800x128xf32, #tpu.memory_space<hbm>>, %arg5: memref<3276800x128xf32, #tpu.memory_space<hbm>>, %arg6: memref<128x128xf32, #tpu.memory_space<vmem>>, %arg7: memref<128x128xf32, #tpu.memory_space<vmem>>, %arg8: memref<32x128xi32, #tpu.memory_space<vmem>>, %arg9: memref<32x128xi32, #tpu.memory_space<vmem>>, %arg10: memref<!tpu.dma_semaphore, #tpu.memory_space<semaphore_mem>>, %arg11: memref<!tpu.dma_semaphore, #tpu.memory_space<semaphore_mem>>, %arg12: memref<!tpu.dma_semaphore, #tpu.memory_space<semaphore_mem>>, %arg13: memref<!tpu.dma_semaphore, #tpu.memory_space<semaphore_mem>>) attributes {dimension_semantics = [#tpu.dimension_semantics<core_parallel>, #tpu.dimension_semantics<subcore_parallel>], iteration_bounds = array<i64: 2, 16>, scalar_prefetch = 0 : i64, scratch_operands = 8 : i64, tpu.core_type = #tpu.core_type<sc_vector_subcore>, window_params = [{transform_indices = #map}, {transform_indices = #map1}, {transform_indices = #map1}, {transform_indices = #map1}]} {
    %mul3A = arith.constant 2 : i32
    %mul3A_0 = arith.muli %arg1, %mul3A : i32
    %add3A = arith.addi %mul3A_0, %arg0 : i32
    %add3A_1 = arith.constant 0 : i32
    %add3A_2 = arith.addi %add3A, %add3A_1 : i32
    %mul3A_3 = arith.constant 32 : i32
    %mul3A_4 = arith.muli %add3A_2, %mul3A_3 : i32
    %multiple_of3A = tpu.assume_multiple %mul3A_4, 8 : i32
    %dma_start3A = arith.constant 0 : i32
    %dma_start3A_5 = tpu.memref_slice %arg3[%multiple_of3A, %dma_start3A] : memref<6400x128xi32, #tpu.memory_space<hbm>> -> memref<32x128xi32, #tpu.memory_space<hbm>>
    %dma_start3A_6 = arith.constant 0 : i32
    %dma_start3A_7 = tpu.memref_slice %arg3[%multiple_of3A, %dma_start3A_6] : memref<6400x128xi32, #tpu.memory_space<hbm>> -> memref<32x128xi32, #tpu.memory_space<hbm>>
    tpu.enqueue_dma source(%dma_start3A_7 : memref<32x128xi32, #tpu.memory_space<hbm>>) target(%arg8 : memref<32x128xi32, #tpu.memory_space<vmem>>) target_semaphore(%arg12 : memref<!tpu.dma_semaphore, #tpu.memory_space<semaphore_mem>>)
    %dma_start3A_8 = arith.constant 0 : i32
    %dma_start3A_9 = arith.constant 0 : i32
    %dma_start3A_10 = tpu.memref_slice %arg2[%add3A_2, %dma_start3A_8, %dma_start3A_9] : memref<200x128x128xf32, #tpu.memory_space<hbm>> -> memref<1x128x128xf32, #tpu.memory_space<hbm>>
    %dma_start3A_11 = tpu.memref_squeeze %dma_start3A_10 : memref<1x128x128xf32, #tpu.memory_space<hbm>> -> memref<128x128xf32, #tpu.memory_space<hbm>>
    %dma_start3A_12 = arith.constant 0 : i32
    %dma_start3A_13 = arith.constant 0 : i32
    %dma_start3A_14 = tpu.memref_slice %arg2[%add3A_2, %dma_start3A_12, %dma_start3A_13] : memref<200x128x128xf32, #tpu.memory_space<hbm>> -> memref<1x128x128xf32, #tpu.memory_space<hbm>>
    %dma_start3A_15 = tpu.memref_squeeze %dma_start3A_14 : memref<1x128x128xf32, #tpu.memory_space<hbm>> -> memref<128x128xf32, #tpu.memory_space<hbm>>
    tpu.enqueue_dma source(%dma_start3A_15 : memref<128x128xf32, #tpu.memory_space<hbm>>) target(%arg6 : memref<128x128xf32, #tpu.memory_space<vmem>>) target_semaphore(%arg10 : memref<!tpu.dma_semaphore, #tpu.memory_space<semaphore_mem>>)
    %add3A_16 = arith.constant 0 : i32
    %add3A_17 = arith.addi %add3A, %add3A_16 : i32
    %lt3A = arith.constant 200 : i32
    %lt3A_18 = arith.cmpi slt, %add3A_17, %lt3A : i32
    %convert_element_type3A = arith.extui %lt3A_18 : i1 to i32
    %cond3A = arith.constant 0 : i32
    %cond3A_19 = arith.cmpi ne, %convert_element_type3A, %cond3A : i32
    scf.if %cond3A_19 {
      %add3A_62 = arith.constant 0 : i32
      %add3A_63 = arith.addi %add3A, %add3A_62 : i32
      %mul3A_64 = arith.constant 32 : i32
      %mul3A_65 = arith.muli %add3A_63, %mul3A_64 : i32
      %multiple_of3A_66 = tpu.assume_multiple %mul3A_65, 8 : i32
      %dma_wait3A = arith.constant 0 : i32
      %dma_wait3A_67 = tpu.memref_slice %arg3[%multiple_of3A_66, %dma_wait3A] : memref<6400x128xi32, #tpu.memory_space<hbm>> -> memref<32x128xi32, #tpu.memory_space<hbm>>
      %dma_wait3A_68 = arith.constant 0 : i32
      %dma_wait3A_69 = tpu.memref_slice %arg3[%multiple_of3A_66, %dma_wait3A_68] : memref<6400x128xi32, #tpu.memory_space<hbm>> -> memref<32x128xi32, #tpu.memory_space<hbm>>
      tpu.wait_dma2 semaphore(%arg12 : memref<!tpu.dma_semaphore, #tpu.memory_space<semaphore_mem>>) src(%dma_wait3A_69 : memref<32x128xi32, #tpu.memory_space<hbm>>) dst(%arg8 : memref<32x128xi32, #tpu.memory_space<vmem>>)
      %dma_wait3A_70 = arith.constant 0 : i32
      %dma_wait3A_71 = arith.constant 0 : i32
      %dma_wait3A_72 = tpu.memref_slice %arg2[%add3A_63, %dma_wait3A_70, %dma_wait3A_71] : memref<200x128x128xf32, #tpu.memory_space<hbm>> -> memref<1x128x128xf32, #tpu.memory_space<hbm>>
      %dma_wait3A_73 = tpu.memref_squeeze %dma_wait3A_72 : memref<1x128x128xf32, #tpu.memory_space<hbm>> -> memref<128x128xf32, #tpu.memory_space<hbm>>
      %dma_wait3A_74 = arith.constant 0 : i32
      %dma_wait3A_75 = arith.constant 0 : i32
      %dma_wait3A_76 = tpu.memref_slice %arg2[%add3A_63, %dma_wait3A_74, %dma_wait3A_75] : memref<200x128x128xf32, #tpu.memory_space<hbm>> -> memref<1x128x128xf32, #tpu.memory_space<hbm>>
      %dma_wait3A_77 = tpu.memref_squeeze %dma_wait3A_76 : memref<1x128x128xf32, #tpu.memory_space<hbm>> -> memref<128x128xf32, #tpu.memory_space<hbm>>
      tpu.wait_dma2 semaphore(%arg10 : memref<!tpu.dma_semaphore, #tpu.memory_space<semaphore_mem>>) src(%dma_wait3A_77 : memref<128x128xf32, #tpu.memory_space<hbm>>) dst(%arg6 : memref<128x128xf32, #tpu.memory_space<vmem>>)
      %add3A_78 = arith.constant 32 : i32
      %add3A_79 = arith.addi %add3A, %add3A_78 : i32
      %lt3A_80 = arith.constant 200 : i32
      %lt3A_81 = arith.cmpi slt, %add3A_79, %lt3A_80 : i32
      %convert_element_type3A_82 = arith.extui %lt3A_81 : i1 to i32
      %cond3A_83 = arith.constant 0 : i32
      %cond3A_84 = arith.cmpi ne, %convert_element_type3A_82, %cond3A_83 : i32
      scf.if %cond3A_84 {
        %add3A_89 = arith.constant 32 : i32
        %add3A_90 = arith.addi %add3A, %add3A_89 : i32
        %mul3A_91 = arith.constant 32 : i32
        %mul3A_92 = arith.muli %add3A_90, %mul3A_91 : i32
        %multiple_of3A_93 = tpu.assume_multiple %mul3A_92, 8 : i32
        %dma_start3A_94 = arith.constant 0 : i32
        %dma_start3A_95 = tpu.memref_slice %arg3[%multiple_of3A_93, %dma_start3A_94] : memref<6400x128xi32, #tpu.memory_space<hbm>> -> memref<32x128xi32, #tpu.memory_space<hbm>>
        %dma_start3A_96 = arith.constant 0 : i32
        %dma_start3A_97 = tpu.memref_slice %arg3[%multiple_of3A_93, %dma_start3A_96] : memref<6400x128xi32, #tpu.memory_space<hbm>> -> memref<32x128xi32, #tpu.memory_space<hbm>>
        tpu.enqueue_dma source(%dma_start3A_97 : memref<32x128xi32, #tpu.memory_space<hbm>>) target(%arg9 : memref<32x128xi32, #tpu.memory_space<vmem>>) target_semaphore(%arg13 : memref<!tpu.dma_semaphore, #tpu.memory_space<semaphore_mem>>)
        %dma_start3A_98 = arith.constant 0 : i32
        %dma_start3A_99 = arith.constant 0 : i32
        %dma_start3A_100 = tpu.memref_slice %arg2[%add3A_90, %dma_start3A_98, %dma_start3A_99] : memref<200x128x128xf32, #tpu.memory_space<hbm>> -> memref<1x128x128xf32, #tpu.memory_space<hbm>>
        %dma_start3A_101 = tpu.memref_squeeze %dma_start3A_100 : memref<1x128x128xf32, #tpu.memory_space<hbm>> -> memref<128x128xf32, #tpu.memory_space<hbm>>
        %dma_start3A_102 = arith.constant 0 : i32
        %dma_start3A_103 = arith.constant 0 : i32
        %dma_start3A_104 = tpu.memref_slice %arg2[%add3A_90, %dma_start3A_102, %dma_start3A_103] : memref<200x128x128xf32, #tpu.memory_space<hbm>> -> memref<1x128x128xf32, #tpu.memory_space<hbm>>
        %dma_start3A_105 = tpu.memref_squeeze %dma_start3A_104 : memref<1x128x128xf32, #tpu.memory_space<hbm>> -> memref<128x128xf32, #tpu.memory_space<hbm>>
        tpu.enqueue_dma source(%dma_start3A_105 : memref<128x128xf32, #tpu.memory_space<hbm>>) target(%arg7 : memref<128x128xf32, #tpu.memory_space<vmem>>) target_semaphore(%arg11 : memref<!tpu.dma_semaphore, #tpu.memory_space<semaphore_mem>>)
      } else {
      }
      %scan3A = arith.constant 0 : i32
      %scan3A_85 = arith.constant 32 : i32
      %scan3A_86 = arith.addi %scan3A, %scan3A_85 : i32
      %scan3A_87 = arith.constant 1 : i32
      scf.for %scan3A_89 = %scan3A to %scan3A_86 step %scan3A_87  : i32 {
        %mul3A_90 = arith.constant 1 : i32
        %mul3A_91 = arith.muli %scan3A_89, %mul3A_90 : i32
        %add3A_92 = arith.constant 0 : i32
        %add3A_93 = arith.addi %add3A_92, %mul3A_91 : i32
        "tpu.region"() ({
          %run_scoped3A = tpu.sem_alloc : memref<!tpu.dma_semaphore, #tpu.memory_space<semaphore_mem>>
          %dma_start3A_94 = arith.constant 0 : i32
          %dma_start3A_95 = tpu.memref_slice %arg8[%add3A_93, %dma_start3A_94] : memref<32x128xi32, #tpu.memory_space<vmem>> -> memref<1x128xi32, #tpu.memory_space<vmem>>
          %dma_start3A_96 = tpu.memref_squeeze %dma_start3A_95 : memref<1x128xi32, #tpu.memory_space<vmem>> -> memref<128xi32, #tpu.memory_space<vmem>>
          %dma_start3A_97 = arith.constant 0 : i32
          %dma_start3A_98 = arith.constant 0 : i32
          %dma_start3A_99 = tpu.memref_slice %arg4[%dma_start3A_97, %dma_start3A_98] : memref<3276800x128xf32, #tpu.memory_space<hbm>> -> memref<3276800x128xf32, #tpu.memory_space<hbm>>
          tpu.enqueue_indirect_dma source(%arg6 : memref<128x128xf32, #tpu.memory_space<vmem>>) target(%dma_start3A_99 : memref<3276800x128xf32, #tpu.memory_space<hbm>>) offsets(%dma_start3A_96 : memref<128xi32, #tpu.memory_space<vmem>>) semaphore(%run_scoped3A : memref<!tpu.dma_semaphore, #tpu.memory_space<semaphore_mem>>)
          %dma_wait3A_100 = arith.constant 0 : i32
          %dma_wait3A_101 = tpu.memref_slice %arg8[%add3A_93, %dma_wait3A_100] : memref<32x128xi32, #tpu.memory_space<vmem>> -> memref<1x128xi32, #tpu.memory_space<vmem>>
          %dma_wait3A_102 = tpu.memref_squeeze %dma_wait3A_101 : memref<1x128xi32, #tpu.memory_space<vmem>> -> memref<128xi32, #tpu.memory_space<vmem>>
          %dma_wait3A_103 = arith.constant 0 : i32
          %dma_wait3A_104 = arith.constant 0 : i32
          %dma_wait3A_105 = tpu.memref_slice %arg4[%dma_wait3A_103, %dma_wait3A_104] : memref<3276800x128xf32, #tpu.memory_space<hbm>> -> memref<3276800x128xf32, #tpu.memory_space<hbm>>
          tpu.wait_indirect_dma semaphore(%run_scoped3A : memref<!tpu.dma_semaphore, #tpu.memory_space<semaphore_mem>>) src(%arg6 : memref<128x128xf32, #tpu.memory_space<vmem>>) dst(%dma_wait3A_105 : memref<3276800x128xf32, #tpu.memory_space<hbm>>)
          tpu.yield
        }) : () -> ()
      }
      %scan3A_88 = arith.constant 32 : i32
    } else {
    }
    %add3A_20 = arith.constant 32 : i32
    %add3A_21 = arith.addi %add3A, %add3A_20 : i32
    %lt3A_22 = arith.constant 200 : i32
    %lt3A_23 = arith.cmpi slt, %add3A_21, %lt3A_22 : i32
    %convert_element_type3A_24 = arith.extui %lt3A_23 : i1 to i32
    %cond3A_25 = arith.constant 0 : i32
    %cond3A_26 = arith.cmpi ne, %convert_element_type3A_24, %cond3A_25 : i32
    scf.if %cond3A_26 {
      %add3A_62 = arith.constant 32 : i32
      %add3A_63 = arith.addi %add3A, %add3A_62 : i32
      %mul3A_64 = arith.constant 32 : i32
      %mul3A_65 = arith.muli %add3A_63, %mul3A_64 : i32
      %multiple_of3A_66 = tpu.assume_multiple %mul3A_65, 8 : i32
      %dma_wait3A = arith.constant 0 : i32
      %dma_wait3A_67 = tpu.memref_slice %arg3[%multiple_of3A_66, %dma_wait3A] : memref<6400x128xi32, #tpu.memory_space<hbm>> -> memref<32x128xi32, #tpu.memory_space<hbm>>
      %dma_wait3A_68 = arith.constant 0 : i32
      %dma_wait3A_69 = tpu.memref_slice %arg3[%multiple_of3A_66, %dma_wait3A_68] : memref<6400x128xi32, #tpu.memory_space<hbm>> -> memref<32x128xi32, #tpu.memory_space<hbm>>
      tpu.wait_dma2 semaphore(%arg13 : memref<!tpu.dma_semaphore, #tpu.memory_space<semaphore_mem>>) src(%dma_wait3A_69 : memref<32x128xi32, #tpu.memory_space<hbm>>) dst(%arg9 : memref<32x128xi32, #tpu.memory_space<vmem>>)
      %dma_wait3A_70 = arith.constant 0 : i32
      %dma_wait3A_71 = arith.constant 0 : i32
      %dma_wait3A_72 = tpu.memref_slice %arg2[%add3A_63, %dma_wait3A_70, %dma_wait3A_71] : memref<200x128x128xf32, #tpu.memory_space<hbm>> -> memref<1x128x128xf32, #tpu.memory_space<hbm>>
      %dma_wait3A_73 = tpu.memref_squeeze %dma_wait3A_72 : memref<1x128x128xf32, #tpu.memory_space<hbm>> -> memref<128x128xf32, #tpu.memory_space<hbm>>
      %dma_wait3A_74 = arith.constant 0 : i32
      %dma_wait3A_75 = arith.constant 0 : i32
      %dma_wait3A_76 = tpu.memref_slice %arg2[%add3A_63, %dma_wait3A_74, %dma_wait3A_75] : memref<200x128x128xf32, #tpu.memory_space<hbm>> -> memref<1x128x128xf32, #tpu.memory_space<hbm>>
      %dma_wait3A_77 = tpu.memref_squeeze %dma_wait3A_76 : memref<1x128x128xf32, #tpu.memory_space<hbm>> -> memref<128x128xf32, #tpu.memory_space<hbm>>
      tpu.wait_dma2 semaphore(%arg11 : memref<!tpu.dma_semaphore, #tpu.memory_space<semaphore_mem>>) src(%dma_wait3A_77 : memref<128x128xf32, #tpu.memory_space<hbm>>) dst(%arg7 : memref<128x128xf32, #tpu.memory_space<vmem>>)
      %add3A_78 = arith.constant 64 : i32
      %add3A_79 = arith.addi %add3A, %add3A_78 : i32
      %lt3A_80 = arith.constant 200 : i32
      %lt3A_81 = arith.cmpi slt, %add3A_79, %lt3A_80 : i32
      %convert_element_type3A_82 = arith.extui %lt3A_81 : i1 to i32
      %cond3A_83 = arith.constant 0 : i32
      %cond3A_84 = arith.cmpi ne, %convert_element_type3A_82, %cond3A_83 : i32
      scf.if %cond3A_84 {
        %add3A_89 = arith.constant 64 : i32
        %add3A_90 = arith.addi %add3A, %add3A_89 : i32
        %mul3A_91 = arith.constant 32 : i32
        %mul3A_92 = arith.muli %add3A_90, %mul3A_91 : i32
        %multiple_of3A_93 = tpu.assume_multiple %mul3A_92, 8 : i32
        %dma_start3A_94 = arith.constant 0 : i32
        %dma_start3A_95 = tpu.memref_slice %arg3[%multiple_of3A_93, %dma_start3A_94] : memref<6400x128xi32, #tpu.memory_space<hbm>> -> memref<32x128xi32, #tpu.memory_space<hbm>>
        %dma_start3A_96 = arith.constant 0 : i32
        %dma_start3A_97 = tpu.memref_slice %arg3[%multiple_of3A_93, %dma_start3A_96] : memref<6400x128xi32, #tpu.memory_space<hbm>> -> memref<32x128xi32, #tpu.memory_space<hbm>>
        tpu.enqueue_dma source(%dma_start3A_97 : memref<32x128xi32, #tpu.memory_space<hbm>>) target(%arg8 : memref<32x128xi32, #tpu.memory_space<vmem>>) target_semaphore(%arg12 : memref<!tpu.dma_semaphore, #tpu.memory_space<semaphore_mem>>)
        %dma_start3A_98 = arith.constant 0 : i32
        %dma_start3A_99 = arith.constant 0 : i32
        %dma_start3A_100 = tpu.memref_slice %arg2[%add3A_90, %dma_start3A_98, %dma_start3A_99] : memref<200x128x128xf32, #tpu.memory_space<hbm>> -> memref<1x128x128xf32, #tpu.memory_space<hbm>>
        %dma_start3A_101 = tpu.memref_squeeze %dma_start3A_100 : memref<1x128x128xf32, #tpu.memory_space<hbm>> -> memref<128x128xf32, #tpu.memory_space<hbm>>
        %dma_start3A_102 = arith.constant 0 : i32
        %dma_start3A_103 = arith.constant 0 : i32
        %dma_start3A_104 = tpu.memref_slice %arg2[%add3A_90, %dma_start3A_102, %dma_start3A_103] : memref<200x128x128xf32, #tpu.memory_space<hbm>> -> memref<1x128x128xf32, #tpu.memory_space<hbm>>
        %dma_start3A_105 = tpu.memref_squeeze %dma_start3A_104 : memref<1x128x128xf32, #tpu.memory_space<hbm>> -> memref<128x128xf32, #tpu.memory_space<hbm>>
        tpu.enqueue_dma source(%dma_start3A_105 : memref<128x128xf32, #tpu.memory_space<hbm>>) target(%arg6 : memref<128x128xf32, #tpu.memory_space<vmem>>) target_semaphore(%arg10 : memref<!tpu.dma_semaphore, #tpu.memory_space<semaphore_mem>>)
      } else {
      }
      %scan3A = arith.constant 0 : i32
      %scan3A_85 = arith.constant 32 : i32
      %scan3A_86 = arith.addi %scan3A, %scan3A_85 : i32
      %scan3A_87 = arith.constant 1 : i32
      scf.for %scan3A_89 = %scan3A to %scan3A_86 step %scan3A_87  : i32 {
        %mul3A_90 = arith.constant 1 : i32
        %mul3A_91 = arith.muli %scan3A_89, %mul3A_90 : i32
        %add3A_92 = arith.constant 0 : i32
        %add3A_93 = arith.addi %add3A_92, %mul3A_91 : i32
        "tpu.region"() ({
          %run_scoped3A = tpu.sem_alloc : memref<!tpu.dma_semaphore, #tpu.memory_space<semaphore_mem>>
          %dma_start3A_94 = arith.constant 0 : i32
          %dma_start3A_95 = tpu.memref_slice %arg9[%add3A_93, %dma_start3A_94] : memref<32x128xi32, #tpu.memory_space<vmem>> -> memref<1x128xi32, #tpu.memory_space<vmem>>
          %dma_start3A_96 = tpu.memref_squeeze %dma_start3A_95 : memref<1x128xi32, #tpu.memory_space<vmem>> -> memref<128xi32, #tpu.memory_space<vmem>>
          %dma_start3A_97 = arith.constant 0 : i32
          %dma_start3A_98 = arith.constant 0 : i32
          %dma_start3A_99 = tpu.memref_slice %arg4[%dma_start3A_97, %dma_start3A_98] : memref<3276800x128xf32, #tpu.memory_space<hbm>> -> memref<3276800x128xf32, #tpu.memory_space<hbm>>
          tpu.enqueue_indirect_dma source(%arg7 : memref<128x128xf32, #tpu.memory_space<vmem>>) target(%dma_start3A_99 : memref<3276800x128xf32, #tpu.memory_space<hbm>>) offsets(%dma_start3A_96 : memref<128xi32, #tpu.memory_space<vmem>>) semaphore(%run_scoped3A : memref<!tpu.dma_semaphore, #tpu.memory_space<semaphore_mem>>)
          %dma_wait3A_100 = arith.constant 0 : i32
          %dma_wait3A_101 = tpu.memref_slice %arg9[%add3A_93, %dma_wait3A_100] : memref<32x128xi32, #tpu.memory_space<vmem>> -> memref<1x128xi32, #tpu.memory_space<vmem>>
          %dma_wait3A_102 = tpu.memref_squeeze %dma_wait3A_101 : memref<1x128xi32, #tpu.memory_space<vmem>> -> memref<128xi32, #tpu.memory_space<vmem>>
          %dma_wait3A_103 = arith.constant 0 : i32
          %dma_wait3A_104 = arith.constant 0 : i32
          %dma_wait3A_105 = tpu.memref_slice %arg4[%dma_wait3A_103, %dma_wait3A_104] : memref<3276800x128xf32, #tpu.memory_space<hbm>> -> memref<3276800x128xf32, #tpu.memory_space<hbm>>
          tpu.wait_indirect_dma semaphore(%run_scoped3A : memref<!tpu.dma_semaphore, #tpu.memory_space<semaphore_mem>>) src(%arg7 : memref<128x128xf32, #tpu.memory_space<vmem>>) dst(%dma_wait3A_105 : memref<3276800x128xf32, #tpu.memory_space<hbm>>)
          tpu.yield
        }) : () -> ()
      }
      %scan3A_88 = arith.constant 32 : i32
    } else {
    }
    %add3A_27 = arith.constant 64 : i32
    %add3A_28 = arith.addi %add3A, %add3A_27 : i32
    %lt3A_29 = arith.constant 200 : i32
    %lt3A_30 = arith.cmpi slt, %add3A_28, %lt3A_29 : i32
    %convert_element_type3A_31 = arith.extui %lt3A_30 : i1 to i32
    %cond3A_32 = arith.constant 0 : i32
    %cond3A_33 = arith.cmpi ne, %convert_element_type3A_31, %cond3A_32 : i32
    scf.if %cond3A_33 {
      %add3A_62 = arith.constant 64 : i32
      %add3A_63 = arith.addi %add3A, %add3A_62 : i32
      %mul3A_64 = arith.constant 32 : i32
      %mul3A_65 = arith.muli %add3A_63, %mul3A_64 : i32
      %multiple_of3A_66 = tpu.assume_multiple %mul3A_65, 8 : i32
      %dma_wait3A = arith.constant 0 : i32
      %dma_wait3A_67 = tpu.memref_slice %arg3[%multiple_of3A_66, %dma_wait3A] : memref<6400x128xi32, #tpu.memory_space<hbm>> -> memref<32x128xi32, #tpu.memory_space<hbm>>
      %dma_wait3A_68 = arith.constant 0 : i32
      %dma_wait3A_69 = tpu.memref_slice %arg3[%multiple_of3A_66, %dma_wait3A_68] : memref<6400x128xi32, #tpu.memory_space<hbm>> -> memref<32x128xi32, #tpu.memory_space<hbm>>
      tpu.wait_dma2 semaphore(%arg12 : memref<!tpu.dma_semaphore, #tpu.memory_space<semaphore_mem>>) src(%dma_wait3A_69 : memref<32x128xi32, #tpu.memory_space<hbm>>) dst(%arg8 : memref<32x128xi32, #tpu.memory_space<vmem>>)
      %dma_wait3A_70 = arith.constant 0 : i32
      %dma_wait3A_71 = arith.constant 0 : i32
      %dma_wait3A_72 = tpu.memref_slice %arg2[%add3A_63, %dma_wait3A_70, %dma_wait3A_71] : memref<200x128x128xf32, #tpu.memory_space<hbm>> -> memref<1x128x128xf32, #tpu.memory_space<hbm>>
      %dma_wait3A_73 = tpu.memref_squeeze %dma_wait3A_72 : memref<1x128x128xf32, #tpu.memory_space<hbm>> -> memref<128x128xf32, #tpu.memory_space<hbm>>
      %dma_wait3A_74 = arith.constant 0 : i32
      %dma_wait3A_75 = arith.constant 0 : i32
      %dma_wait3A_76 = tpu.memref_slice %arg2[%add3A_63, %dma_wait3A_74, %dma_wait3A_75] : memref<200x128x128xf32, #tpu.memory_space<hbm>> -> memref<1x128x128xf32, #tpu.memory_space<hbm>>
      %dma_wait3A_77 = tpu.memref_squeeze %dma_wait3A_76 : memref<1x128x128xf32, #tpu.memory_space<hbm>> -> memref<128x128xf32, #tpu.memory_space<hbm>>
      tpu.wait_dma2 semaphore(%arg10 : memref<!tpu.dma_semaphore, #tpu.memory_space<semaphore_mem>>) src(%dma_wait3A_77 : memref<128x128xf32, #tpu.memory_space<hbm>>) dst(%arg6 : memref<128x128xf32, #tpu.memory_space<vmem>>)
      %add3A_78 = arith.constant 96 : i32
      %add3A_79 = arith.addi %add3A, %add3A_78 : i32
      %lt3A_80 = arith.constant 200 : i32
      %lt3A_81 = arith.cmpi slt, %add3A_79, %lt3A_80 : i32
      %convert_element_type3A_82 = arith.extui %lt3A_81 : i1 to i32
      %cond3A_83 = arith.constant 0 : i32
      %cond3A_84 = arith.cmpi ne, %convert_element_type3A_82, %cond3A_83 : i32
      scf.if %cond3A_84 {
        %add3A_89 = arith.constant 96 : i32
        %add3A_90 = arith.addi %add3A, %add3A_89 : i32
        %mul3A_91 = arith.constant 32 : i32
        %mul3A_92 = arith.muli %add3A_90, %mul3A_91 : i32
        %multiple_of3A_93 = tpu.assume_multiple %mul3A_92, 8 : i32
        %dma_start3A_94 = arith.constant 0 : i32
        %dma_start3A_95 = tpu.memref_slice %arg3[%multiple_of3A_93, %dma_start3A_94] : memref<6400x128xi32, #tpu.memory_space<hbm>> -> memref<32x128xi32, #tpu.memory_space<hbm>>
        %dma_start3A_96 = arith.constant 0 : i32
        %dma_start3A_97 = tpu.memref_slice %arg3[%multiple_of3A_93, %dma_start3A_96] : memref<6400x128xi32, #tpu.memory_space<hbm>> -> memref<32x128xi32, #tpu.memory_space<hbm>>
        tpu.enqueue_dma source(%dma_start3A_97 : memref<32x128xi32, #tpu.memory_space<hbm>>) target(%arg9 : memref<32x128xi32, #tpu.memory_space<vmem>>) target_semaphore(%arg13 : memref<!tpu.dma_semaphore, #tpu.memory_space<semaphore_mem>>)
        %dma_start3A_98 = arith.constant 0 : i32
        %dma_start3A_99 = arith.constant 0 : i32
        %dma_start3A_100 = tpu.memref_slice %arg2[%add3A_90, %dma_start3A_98, %dma_start3A_99] : memref<200x128x128xf32, #tpu.memory_space<hbm>> -> memref<1x128x128xf32, #tpu.memory_space<hbm>>
        %dma_start3A_101 = tpu.memref_squeeze %dma_start3A_100 : memref<1x128x128xf32, #tpu.memory_space<hbm>> -> memref<128x128xf32, #tpu.memory_space<hbm>>
        %dma_start3A_102 = arith.constant 0 : i32
        %dma_start3A_103 = arith.constant 0 : i32
        %dma_start3A_104 = tpu.memref_slice %arg2[%add3A_90, %dma_start3A_102, %dma_start3A_103] : memref<200x128x128xf32, #tpu.memory_space<hbm>> -> memref<1x128x128xf32, #tpu.memory_space<hbm>>
        %dma_start3A_105 = tpu.memref_squeeze %dma_start3A_104 : memref<1x128x128xf32, #tpu.memory_space<hbm>> -> memref<128x128xf32, #tpu.memory_space<hbm>>
        tpu.enqueue_dma source(%dma_start3A_105 : memref<128x128xf32, #tpu.memory_space<hbm>>) target(%arg7 : memref<128x128xf32, #tpu.memory_space<vmem>>) target_semaphore(%arg11 : memref<!tpu.dma_semaphore, #tpu.memory_space<semaphore_mem>>)
      } else {
      }
      %scan3A = arith.constant 0 : i32
      %scan3A_85 = arith.constant 32 : i32
      %scan3A_86 = arith.addi %scan3A, %scan3A_85 : i32
      %scan3A_87 = arith.constant 1 : i32
      scf.for %scan3A_89 = %scan3A to %scan3A_86 step %scan3A_87  : i32 {
        %mul3A_90 = arith.constant 1 : i32
        %mul3A_91 = arith.muli %scan3A_89, %mul3A_90 : i32
        %add3A_92 = arith.constant 0 : i32
        %add3A_93 = arith.addi %add3A_92, %mul3A_91 : i32
        "tpu.region"() ({
          %run_scoped3A = tpu.sem_alloc : memref<!tpu.dma_semaphore, #tpu.memory_space<semaphore_mem>>
          %dma_start3A_94 = arith.constant 0 : i32
          %dma_start3A_95 = tpu.memref_slice %arg8[%add3A_93, %dma_start3A_94] : memref<32x128xi32, #tpu.memory_space<vmem>> -> memref<1x128xi32, #tpu.memory_space<vmem>>
          %dma_start3A_96 = tpu.memref_squeeze %dma_start3A_95 : memref<1x128xi32, #tpu.memory_space<vmem>> -> memref<128xi32, #tpu.memory_space<vmem>>
          %dma_start3A_97 = arith.constant 0 : i32
          %dma_start3A_98 = arith.constant 0 : i32
          %dma_start3A_99 = tpu.memref_slice %arg4[%dma_start3A_97, %dma_start3A_98] : memref<3276800x128xf32, #tpu.memory_space<hbm>> -> memref<3276800x128xf32, #tpu.memory_space<hbm>>
          tpu.enqueue_indirect_dma source(%arg6 : memref<128x128xf32, #tpu.memory_space<vmem>>) target(%dma_start3A_99 : memref<3276800x128xf32, #tpu.memory_space<hbm>>) offsets(%dma_start3A_96 : memref<128xi32, #tpu.memory_space<vmem>>) semaphore(%run_scoped3A : memref<!tpu.dma_semaphore, #tpu.memory_space<semaphore_mem>>)
          %dma_wait3A_100 = arith.constant 0 : i32
          %dma_wait3A_101 = tpu.memref_slice %arg8[%add3A_93, %dma_wait3A_100] : memref<32x128xi32, #tpu.memory_space<vmem>> -> memref<1x128xi32, #tpu.memory_space<vmem>>
          %dma_wait3A_102 = tpu.memref_squeeze %dma_wait3A_101 : memref<1x128xi32, #tpu.memory_space<vmem>> -> memref<128xi32, #tpu.memory_space<vmem>>
          %dma_wait3A_103 = arith.constant 0 : i32
          %dma_wait3A_104 = arith.constant 0 : i32
          %dma_wait3A_105 = tpu.memref_slice %arg4[%dma_wait3A_103, %dma_wait3A_104] : memref<3276800x128xf32, #tpu.memory_space<hbm>> -> memref<3276800x128xf32, #tpu.memory_space<hbm>>
          tpu.wait_indirect_dma semaphore(%run_scoped3A : memref<!tpu.dma_semaphore, #tpu.memory_space<semaphore_mem>>) src(%arg6 : memref<128x128xf32, #tpu.memory_space<vmem>>) dst(%dma_wait3A_105 : memref<3276800x128xf32, #tpu.memory_space<hbm>>)
          tpu.yield
        }) : () -> ()
      }
      %scan3A_88 = arith.constant 32 : i32
    } else {
    }
    %add3A_34 = arith.constant 96 : i32
    %add3A_35 = arith.addi %add3A, %add3A_34 : i32
    %lt3A_36 = arith.constant 200 : i32
    %lt3A_37 = arith.cmpi slt, %add3A_35, %lt3A_36 : i32
    %convert_element_type3A_38 = arith.extui %lt3A_37 : i1 to i32
    %cond3A_39 = arith.constant 0 : i32
    %cond3A_40 = arith.cmpi ne, %convert_element_type3A_38, %cond3A_39 : i32
    scf.if %cond3A_40 {
      %add3A_62 = arith.constant 96 : i32
      %add3A_63 = arith.addi %add3A, %add3A_62 : i32
      %mul3A_64 = arith.constant 32 : i32
      %mul3A_65 = arith.muli %add3A_63, %mul3A_64 : i32
      %multiple_of3A_66 = tpu.assume_multiple %mul3A_65, 8 : i32
      %dma_wait3A = arith.constant 0 : i32
      %dma_wait3A_67 = tpu.memref_slice %arg3[%multiple_of3A_66, %dma_wait3A] : memref<6400x128xi32, #tpu.memory_space<hbm>> -> memref<32x128xi32, #tpu.memory_space<hbm>>
      %dma_wait3A_68 = arith.constant 0 : i32
      %dma_wait3A_69 = tpu.memref_slice %arg3[%multiple_of3A_66, %dma_wait3A_68] : memref<6400x128xi32, #tpu.memory_space<hbm>> -> memref<32x128xi32, #tpu.memory_space<hbm>>
      tpu.wait_dma2 semaphore(%arg13 : memref<!tpu.dma_semaphore, #tpu.memory_space<semaphore_mem>>) src(%dma_wait3A_69 : memref<32x128xi32, #tpu.memory_space<hbm>>) dst(%arg9 : memref<32x128xi32, #tpu.memory_space<vmem>>)
      %dma_wait3A_70 = arith.constant 0 : i32
      %dma_wait3A_71 = arith.constant 0 : i32
      %dma_wait3A_72 = tpu.memref_slice %arg2[%add3A_63, %dma_wait3A_70, %dma_wait3A_71] : memref<200x128x128xf32, #tpu.memory_space<hbm>> -> memref<1x128x128xf32, #tpu.memory_space<hbm>>
      %dma_wait3A_73 = tpu.memref_squeeze %dma_wait3A_72 : memref<1x128x128xf32, #tpu.memory_space<hbm>> -> memref<128x128xf32, #tpu.memory_space<hbm>>
      %dma_wait3A_74 = arith.constant 0 : i32
      %dma_wait3A_75 = arith.constant 0 : i32
      %dma_wait3A_76 = tpu.memref_slice %arg2[%add3A_63, %dma_wait3A_74, %dma_wait3A_75] : memref<200x128x128xf32, #tpu.memory_space<hbm>> -> memref<1x128x128xf32, #tpu.memory_space<hbm>>
      %dma_wait3A_77 = tpu.memref_squeeze %dma_wait3A_76 : memref<1x128x128xf32, #tpu.memory_space<hbm>> -> memref<128x128xf32, #tpu.memory_space<hbm>>
      tpu.wait_dma2 semaphore(%arg11 : memref<!tpu.dma_semaphore, #tpu.memory_space<semaphore_mem>>) src(%dma_wait3A_77 : memref<128x128xf32, #tpu.memory_space<hbm>>) dst(%arg7 : memref<128x128xf32, #tpu.memory_space<vmem>>)
      %add3A_78 = arith.constant 128 : i32
      %add3A_79 = arith.addi %add3A, %add3A_78 : i32
      %lt3A_80 = arith.constant 200 : i32
      %lt3A_81 = arith.cmpi slt, %add3A_79, %lt3A_80 : i32
      %convert_element_type3A_82 = arith.extui %lt3A_81 : i1 to i32
      %cond3A_83 = arith.constant 0 : i32
      %cond3A_84 = arith.cmpi ne, %convert_element_type3A_82, %cond3A_83 : i32
      scf.if %cond3A_84 {
        %add3A_89 = arith.constant 128 : i32
        %add3A_90 = arith.addi %add3A, %add3A_89 : i32
        %mul3A_91 = arith.constant 32 : i32
        %mul3A_92 = arith.muli %add3A_90, %mul3A_91 : i32
        %multiple_of3A_93 = tpu.assume_multiple %mul3A_92, 8 : i32
        %dma_start3A_94 = arith.constant 0 : i32
        %dma_start3A_95 = tpu.memref_slice %arg3[%multiple_of3A_93, %dma_start3A_94] : memref<6400x128xi32, #tpu.memory_space<hbm>> -> memref<32x128xi32, #tpu.memory_space<hbm>>
        %dma_start3A_96 = arith.constant 0 : i32
        %dma_start3A_97 = tpu.memref_slice %arg3[%multiple_of3A_93, %dma_start3A_96] : memref<6400x128xi32, #tpu.memory_space<hbm>> -> memref<32x128xi32, #tpu.memory_space<hbm>>
        tpu.enqueue_dma source(%dma_start3A_97 : memref<32x128xi32, #tpu.memory_space<hbm>>) target(%arg8 : memref<32x128xi32, #tpu.memory_space<vmem>>) target_semaphore(%arg12 : memref<!tpu.dma_semaphore, #tpu.memory_space<semaphore_mem>>)
        %dma_start3A_98 = arith.constant 0 : i32
        %dma_start3A_99 = arith.constant 0 : i32
        %dma_start3A_100 = tpu.memref_slice %arg2[%add3A_90, %dma_start3A_98, %dma_start3A_99] : memref<200x128x128xf32, #tpu.memory_space<hbm>> -> memref<1x128x128xf32, #tpu.memory_space<hbm>>
        %dma_start3A_101 = tpu.memref_squeeze %dma_start3A_100 : memref<1x128x128xf32, #tpu.memory_space<hbm>> -> memref<128x128xf32, #tpu.memory_space<hbm>>
        %dma_start3A_102 = arith.constant 0 : i32
        %dma_start3A_103 = arith.constant 0 : i32
        %dma_start3A_104 = tpu.memref_slice %arg2[%add3A_90, %dma_start3A_102, %dma_start3A_103] : memref<200x128x128xf32, #tpu.memory_space<hbm>> -> memref<1x128x128xf32, #tpu.memory_space<hbm>>
        %dma_start3A_105 = tpu.memref_squeeze %dma_start3A_104 : memref<1x128x128xf32, #tpu.memory_space<hbm>> -> memref<128x128xf32, #tpu.memory_space<hbm>>
        tpu.enqueue_dma source(%dma_start3A_105 : memref<128x128xf32, #tpu.memory_space<hbm>>) target(%arg6 : memref<128x128xf32, #tpu.memory_space<vmem>>) target_semaphore(%arg10 : memref<!tpu.dma_semaphore, #tpu.memory_space<semaphore_mem>>)
      } else {
      }
      %scan3A = arith.constant 0 : i32
      %scan3A_85 = arith.constant 32 : i32
      %scan3A_86 = arith.addi %scan3A, %scan3A_85 : i32
      %scan3A_87 = arith.constant 1 : i32
      scf.for %scan3A_89 = %scan3A to %scan3A_86 step %scan3A_87  : i32 {
        %mul3A_90 = arith.constant 1 : i32
        %mul3A_91 = arith.muli %scan3A_89, %mul3A_90 : i32
        %add3A_92 = arith.constant 0 : i32
        %add3A_93 = arith.addi %add3A_92, %mul3A_91 : i32
        "tpu.region"() ({
          %run_scoped3A = tpu.sem_alloc : memref<!tpu.dma_semaphore, #tpu.memory_space<semaphore_mem>>
          %dma_start3A_94 = arith.constant 0 : i32
          %dma_start3A_95 = tpu.memref_slice %arg9[%add3A_93, %dma_start3A_94] : memref<32x128xi32, #tpu.memory_space<vmem>> -> memref<1x128xi32, #tpu.memory_space<vmem>>
          %dma_start3A_96 = tpu.memref_squeeze %dma_start3A_95 : memref<1x128xi32, #tpu.memory_space<vmem>> -> memref<128xi32, #tpu.memory_space<vmem>>
          %dma_start3A_97 = arith.constant 0 : i32
          %dma_start3A_98 = arith.constant 0 : i32
          %dma_start3A_99 = tpu.memref_slice %arg4[%dma_start3A_97, %dma_start3A_98] : memref<3276800x128xf32, #tpu.memory_space<hbm>> -> memref<3276800x128xf32, #tpu.memory_space<hbm>>
          tpu.enqueue_indirect_dma source(%arg7 : memref<128x128xf32, #tpu.memory_space<vmem>>) target(%dma_start3A_99 : memref<3276800x128xf32, #tpu.memory_space<hbm>>) offsets(%dma_start3A_96 : memref<128xi32, #tpu.memory_space<vmem>>) semaphore(%run_scoped3A : memref<!tpu.dma_semaphore, #tpu.memory_space<semaphore_mem>>)
          %dma_wait3A_100 = arith.constant 0 : i32
          %dma_wait3A_101 = tpu.memref_slice %arg9[%add3A_93, %dma_wait3A_100] : memref<32x128xi32, #tpu.memory_space<vmem>> -> memref<1x128xi32, #tpu.memory_space<vmem>>
          %dma_wait3A_102 = tpu.memref_squeeze %dma_wait3A_101 : memref<1x128xi32, #tpu.memory_space<vmem>> -> memref<128xi32, #tpu.memory_space<vmem>>
          %dma_wait3A_103 = arith.constant 0 : i32
          %dma_wait3A_104 = arith.constant 0 : i32
          %dma_wait3A_105 = tpu.memref_slice %arg4[%dma_wait3A_103, %dma_wait3A_104] : memref<3276800x128xf32, #tpu.memory_space<hbm>> -> memref<3276800x128xf32, #tpu.memory_space<hbm>>
          tpu.wait_indirect_dma semaphore(%run_scoped3A : memref<!tpu.dma_semaphore, #tpu.memory_space<semaphore_mem>>) src(%arg7 : memref<128x128xf32, #tpu.memory_space<vmem>>) dst(%dma_wait3A_105 : memref<3276800x128xf32, #tpu.memory_space<hbm>>)
          tpu.yield
        }) : () -> ()
      }
      %scan3A_88 = arith.constant 32 : i32
    } else {
    }
    %add3A_41 = arith.constant 128 : i32
    %add3A_42 = arith.addi %add3A, %add3A_41 : i32
    %lt3A_43 = arith.constant 200 : i32
    %lt3A_44 = arith.cmpi slt, %add3A_42, %lt3A_43 : i32
    %convert_element_type3A_45 = arith.extui %lt3A_44 : i1 to i32
    %cond3A_46 = arith.constant 0 : i32
    %cond3A_47 = arith.cmpi ne, %convert_element_type3A_45, %cond3A_46 : i32
    scf.if %cond3A_47 {
      %add3A_62 = arith.constant 128 : i32
      %add3A_63 = arith.addi %add3A, %add3A_62 : i32
      %mul3A_64 = arith.constant 32 : i32
      %mul3A_65 = arith.muli %add3A_63, %mul3A_64 : i32
      %multiple_of3A_66 = tpu.assume_multiple %mul3A_65, 8 : i32
      %dma_wait3A = arith.constant 0 : i32
      %dma_wait3A_67 = tpu.memref_slice %arg3[%multiple_of3A_66, %dma_wait3A] : memref<6400x128xi32, #tpu.memory_space<hbm>> -> memref<32x128xi32, #tpu.memory_space<hbm>>
      %dma_wait3A_68 = arith.constant 0 : i32
      %dma_wait3A_69 = tpu.memref_slice %arg3[%multiple_of3A_66, %dma_wait3A_68] : memref<6400x128xi32, #tpu.memory_space<hbm>> -> memref<32x128xi32, #tpu.memory_space<hbm>>
      tpu.wait_dma2 semaphore(%arg12 : memref<!tpu.dma_semaphore, #tpu.memory_space<semaphore_mem>>) src(%dma_wait3A_69 : memref<32x128xi32, #tpu.memory_space<hbm>>) dst(%arg8 : memref<32x128xi32, #tpu.memory_space<vmem>>)
      %dma_wait3A_70 = arith.constant 0 : i32
      %dma_wait3A_71 = arith.constant 0 : i32
      %dma_wait3A_72 = tpu.memref_slice %arg2[%add3A_63, %dma_wait3A_70, %dma_wait3A_71] : memref<200x128x128xf32, #tpu.memory_space<hbm>> -> memref<1x128x128xf32, #tpu.memory_space<hbm>>
      %dma_wait3A_73 = tpu.memref_squeeze %dma_wait3A_72 : memref<1x128x128xf32, #tpu.memory_space<hbm>> -> memref<128x128xf32, #tpu.memory_space<hbm>>
      %dma_wait3A_74 = arith.constant 0 : i32
      %dma_wait3A_75 = arith.constant 0 : i32
      %dma_wait3A_76 = tpu.memref_slice %arg2[%add3A_63, %dma_wait3A_74, %dma_wait3A_75] : memref<200x128x128xf32, #tpu.memory_space<hbm>> -> memref<1x128x128xf32, #tpu.memory_space<hbm>>
      %dma_wait3A_77 = tpu.memref_squeeze %dma_wait3A_76 : memref<1x128x128xf32, #tpu.memory_space<hbm>> -> memref<128x128xf32, #tpu.memory_space<hbm>>
      tpu.wait_dma2 semaphore(%arg10 : memref<!tpu.dma_semaphore, #tpu.memory_space<semaphore_mem>>) src(%dma_wait3A_77 : memref<128x128xf32, #tpu.memory_space<hbm>>) dst(%arg6 : memref<128x128xf32, #tpu.memory_space<vmem>>)
      %add3A_78 = arith.constant 160 : i32
      %add3A_79 = arith.addi %add3A, %add3A_78 : i32
      %lt3A_80 = arith.constant 200 : i32
      %lt3A_81 = arith.cmpi slt, %add3A_79, %lt3A_80 : i32
      %convert_element_type3A_82 = arith.extui %lt3A_81 : i1 to i32
      %cond3A_83 = arith.constant 0 : i32
      %cond3A_84 = arith.cmpi ne, %convert_element_type3A_82, %cond3A_83 : i32
      scf.if %cond3A_84 {
        %add3A_89 = arith.constant 160 : i32
        %add3A_90 = arith.addi %add3A, %add3A_89 : i32
        %mul3A_91 = arith.constant 32 : i32
        %mul3A_92 = arith.muli %add3A_90, %mul3A_91 : i32
        %multiple_of3A_93 = tpu.assume_multiple %mul3A_92, 8 : i32
        %dma_start3A_94 = arith.constant 0 : i32
        %dma_start3A_95 = tpu.memref_slice %arg3[%multiple_of3A_93, %dma_start3A_94] : memref<6400x128xi32, #tpu.memory_space<hbm>> -> memref<32x128xi32, #tpu.memory_space<hbm>>
        %dma_start3A_96 = arith.constant 0 : i32
        %dma_start3A_97 = tpu.memref_slice %arg3[%multiple_of3A_93, %dma_start3A_96] : memref<6400x128xi32, #tpu.memory_space<hbm>> -> memref<32x128xi32, #tpu.memory_space<hbm>>
        tpu.enqueue_dma source(%dma_start3A_97 : memref<32x128xi32, #tpu.memory_space<hbm>>) target(%arg9 : memref<32x128xi32, #tpu.memory_space<vmem>>) target_semaphore(%arg13 : memref<!tpu.dma_semaphore, #tpu.memory_space<semaphore_mem>>)
        %dma_start3A_98 = arith.constant 0 : i32
        %dma_start3A_99 = arith.constant 0 : i32
        %dma_start3A_100 = tpu.memref_slice %arg2[%add3A_90, %dma_start3A_98, %dma_start3A_99] : memref<200x128x128xf32, #tpu.memory_space<hbm>> -> memref<1x128x128xf32, #tpu.memory_space<hbm>>
        %dma_start3A_101 = tpu.memref_squeeze %dma_start3A_100 : memref<1x128x128xf32, #tpu.memory_space<hbm>> -> memref<128x128xf32, #tpu.memory_space<hbm>>
        %dma_start3A_102 = arith.constant 0 : i32
        %dma_start3A_103 = arith.constant 0 : i32
        %dma_start3A_104 = tpu.memref_slice %arg2[%add3A_90, %dma_start3A_102, %dma_start3A_103] : memref<200x128x128xf32, #tpu.memory_space<hbm>> -> memref<1x128x128xf32, #tpu.memory_space<hbm>>
        %dma_start3A_105 = tpu.memref_squeeze %dma_start3A_104 : memref<1x128x128xf32, #tpu.memory_space<hbm>> -> memref<128x128xf32, #tpu.memory_space<hbm>>
        tpu.enqueue_dma source(%dma_start3A_105 : memref<128x128xf32, #tpu.memory_space<hbm>>) target(%arg7 : memref<128x128xf32, #tpu.memory_space<vmem>>) target_semaphore(%arg11 : memref<!tpu.dma_semaphore, #tpu.memory_space<semaphore_mem>>)
      } else {
      }
      %scan3A = arith.constant 0 : i32
      %scan3A_85 = arith.constant 32 : i32
      %scan3A_86 = arith.addi %scan3A, %scan3A_85 : i32
      %scan3A_87 = arith.constant 1 : i32
      scf.for %scan3A_89 = %scan3A to %scan3A_86 step %scan3A_87  : i32 {
        %mul3A_90 = arith.constant 1 : i32
        %mul3A_91 = arith.muli %scan3A_89, %mul3A_90 : i32
        %add3A_92 = arith.constant 0 : i32
        %add3A_93 = arith.addi %add3A_92, %mul3A_91 : i32
        "tpu.region"() ({
          %run_scoped3A = tpu.sem_alloc : memref<!tpu.dma_semaphore, #tpu.memory_space<semaphore_mem>>
          %dma_start3A_94 = arith.constant 0 : i32
          %dma_start3A_95 = tpu.memref_slice %arg8[%add3A_93, %dma_start3A_94] : memref<32x128xi32, #tpu.memory_space<vmem>> -> memref<1x128xi32, #tpu.memory_space<vmem>>
          %dma_start3A_96 = tpu.memref_squeeze %dma_start3A_95 : memref<1x128xi32, #tpu.memory_space<vmem>> -> memref<128xi32, #tpu.memory_space<vmem>>
          %dma_start3A_97 = arith.constant 0 : i32
          %dma_start3A_98 = arith.constant 0 : i32
          %dma_start3A_99 = tpu.memref_slice %arg4[%dma_start3A_97, %dma_start3A_98] : memref<3276800x128xf32, #tpu.memory_space<hbm>> -> memref<3276800x128xf32, #tpu.memory_space<hbm>>
          tpu.enqueue_indirect_dma source(%arg6 : memref<128x128xf32, #tpu.memory_space<vmem>>) target(%dma_start3A_99 : memref<3276800x128xf32, #tpu.memory_space<hbm>>) offsets(%dma_start3A_96 : memref<128xi32, #tpu.memory_space<vmem>>) semaphore(%run_scoped3A : memref<!tpu.dma_semaphore, #tpu.memory_space<semaphore_mem>>)
          %dma_wait3A_100 = arith.constant 0 : i32
          %dma_wait3A_101 = tpu.memref_slice %arg8[%add3A_93, %dma_wait3A_100] : memref<32x128xi32, #tpu.memory_space<vmem>> -> memref<1x128xi32, #tpu.memory_space<vmem>>
          %dma_wait3A_102 = tpu.memref_squeeze %dma_wait3A_101 : memref<1x128xi32, #tpu.memory_space<vmem>> -> memref<128xi32, #tpu.memory_space<vmem>>
          %dma_wait3A_103 = arith.constant 0 : i32
          %dma_wait3A_104 = arith.constant 0 : i32
          %dma_wait3A_105 = tpu.memref_slice %arg4[%dma_wait3A_103, %dma_wait3A_104] : memref<3276800x128xf32, #tpu.memory_space<hbm>> -> memref<3276800x128xf32, #tpu.memory_space<hbm>>
          tpu.wait_indirect_dma semaphore(%run_scoped3A : memref<!tpu.dma_semaphore, #tpu.memory_space<semaphore_mem>>) src(%arg6 : memref<128x128xf32, #tpu.memory_space<vmem>>) dst(%dma_wait3A_105 : memref<3276800x128xf32, #tpu.memory_space<hbm>>)
          tpu.yield
        }) : () -> ()
      }
      %scan3A_88 = arith.constant 32 : i32
    } else {
    }
    %add3A_48 = arith.constant 160 : i32
    %add3A_49 = arith.addi %add3A, %add3A_48 : i32
    %lt3A_50 = arith.constant 200 : i32
    %lt3A_51 = arith.cmpi slt, %add3A_49, %lt3A_50 : i32
    %convert_element_type3A_52 = arith.extui %lt3A_51 : i1 to i32
    %cond3A_53 = arith.constant 0 : i32
    %cond3A_54 = arith.cmpi ne, %convert_element_type3A_52, %cond3A_53 : i32
    scf.if %cond3A_54 {
      %add3A_62 = arith.constant 160 : i32
      %add3A_63 = arith.addi %add3A, %add3A_62 : i32
      %mul3A_64 = arith.constant 32 : i32
      %mul3A_65 = arith.muli %add3A_63, %mul3A_64 : i32
      %multiple_of3A_66 = tpu.assume_multiple %mul3A_65, 8 : i32
      %dma_wait3A = arith.constant 0 : i32
      %dma_wait3A_67 = tpu.memref_slice %arg3[%multiple_of3A_66, %dma_wait3A] : memref<6400x128xi32, #tpu.memory_space<hbm>> -> memref<32x128xi32, #tpu.memory_space<hbm>>
      %dma_wait3A_68 = arith.constant 0 : i32
      %dma_wait3A_69 = tpu.memref_slice %arg3[%multiple_of3A_66, %dma_wait3A_68] : memref<6400x128xi32, #tpu.memory_space<hbm>> -> memref<32x128xi32, #tpu.memory_space<hbm>>
      tpu.wait_dma2 semaphore(%arg13 : memref<!tpu.dma_semaphore, #tpu.memory_space<semaphore_mem>>) src(%dma_wait3A_69 : memref<32x128xi32, #tpu.memory_space<hbm>>) dst(%arg9 : memref<32x128xi32, #tpu.memory_space<vmem>>)
      %dma_wait3A_70 = arith.constant 0 : i32
      %dma_wait3A_71 = arith.constant 0 : i32
      %dma_wait3A_72 = tpu.memref_slice %arg2[%add3A_63, %dma_wait3A_70, %dma_wait3A_71] : memref<200x128x128xf32, #tpu.memory_space<hbm>> -> memref<1x128x128xf32, #tpu.memory_space<hbm>>
      %dma_wait3A_73 = tpu.memref_squeeze %dma_wait3A_72 : memref<1x128x128xf32, #tpu.memory_space<hbm>> -> memref<128x128xf32, #tpu.memory_space<hbm>>
      %dma_wait3A_74 = arith.constant 0 : i32
      %dma_wait3A_75 = arith.constant 0 : i32
      %dma_wait3A_76 = tpu.memref_slice %arg2[%add3A_63, %dma_wait3A_74, %dma_wait3A_75] : memref<200x128x128xf32, #tpu.memory_space<hbm>> -> memref<1x128x128xf32, #tpu.memory_space<hbm>>
      %dma_wait3A_77 = tpu.memref_squeeze %dma_wait3A_76 : memref<1x128x128xf32, #tpu.memory_space<hbm>> -> memref<128x128xf32, #tpu.memory_space<hbm>>
      tpu.wait_dma2 semaphore(%arg11 : memref<!tpu.dma_semaphore, #tpu.memory_space<semaphore_mem>>) src(%dma_wait3A_77 : memref<128x128xf32, #tpu.memory_space<hbm>>) dst(%arg7 : memref<128x128xf32, #tpu.memory_space<vmem>>)
      %add3A_78 = arith.constant 192 : i32
      %add3A_79 = arith.addi %add3A, %add3A_78 : i32
      %lt3A_80 = arith.constant 200 : i32
      %lt3A_81 = arith.cmpi slt, %add3A_79, %lt3A_80 : i32
      %convert_element_type3A_82 = arith.extui %lt3A_81 : i1 to i32
      %cond3A_83 = arith.constant 0 : i32
      %cond3A_84 = arith.cmpi ne, %convert_element_type3A_82, %cond3A_83 : i32
      scf.if %cond3A_84 {
        %add3A_89 = arith.constant 192 : i32
        %add3A_90 = arith.addi %add3A, %add3A_89 : i32
        %mul3A_91 = arith.constant 32 : i32
        %mul3A_92 = arith.muli %add3A_90, %mul3A_91 : i32
        %multiple_of3A_93 = tpu.assume_multiple %mul3A_92, 8 : i32
        %dma_start3A_94 = arith.constant 0 : i32
        %dma_start3A_95 = tpu.memref_slice %arg3[%multiple_of3A_93, %dma_start3A_94] : memref<6400x128xi32, #tpu.memory_space<hbm>> -> memref<32x128xi32, #tpu.memory_space<hbm>>
        %dma_start3A_96 = arith.constant 0 : i32
        %dma_start3A_97 = tpu.memref_slice %arg3[%multiple_of3A_93, %dma_start3A_96] : memref<6400x128xi32, #tpu.memory_space<hbm>> -> memref<32x128xi32, #tpu.memory_space<hbm>>
        tpu.enqueue_dma source(%dma_start3A_97 : memref<32x128xi32, #tpu.memory_space<hbm>>) target(%arg8 : memref<32x128xi32, #tpu.memory_space<vmem>>) target_semaphore(%arg12 : memref<!tpu.dma_semaphore, #tpu.memory_space<semaphore_mem>>)
        %dma_start3A_98 = arith.constant 0 : i32
        %dma_start3A_99 = arith.constant 0 : i32
        %dma_start3A_100 = tpu.memref_slice %arg2[%add3A_90, %dma_start3A_98, %dma_start3A_99] : memref<200x128x128xf32, #tpu.memory_space<hbm>> -> memref<1x128x128xf32, #tpu.memory_space<hbm>>
        %dma_start3A_101 = tpu.memref_squeeze %dma_start3A_100 : memref<1x128x128xf32, #tpu.memory_space<hbm>> -> memref<128x128xf32, #tpu.memory_space<hbm>>
        %dma_start3A_102 = arith.constant 0 : i32
        %dma_start3A_103 = arith.constant 0 : i32
        %dma_start3A_104 = tpu.memref_slice %arg2[%add3A_90, %dma_start3A_102, %dma_start3A_103] : memref<200x128x128xf32, #tpu.memory_space<hbm>> -> memref<1x128x128xf32, #tpu.memory_space<hbm>>
        %dma_start3A_105 = tpu.memref_squeeze %dma_start3A_104 : memref<1x128x128xf32, #tpu.memory_space<hbm>> -> memref<128x128xf32, #tpu.memory_space<hbm>>
        tpu.enqueue_dma source(%dma_start3A_105 : memref<128x128xf32, #tpu.memory_space<hbm>>) target(%arg6 : memref<128x128xf32, #tpu.memory_space<vmem>>) target_semaphore(%arg10 : memref<!tpu.dma_semaphore, #tpu.memory_space<semaphore_mem>>)
      } else {
      }
      %scan3A = arith.constant 0 : i32
      %scan3A_85 = arith.constant 32 : i32
      %scan3A_86 = arith.addi %scan3A, %scan3A_85 : i32
      %scan3A_87 = arith.constant 1 : i32
      scf.for %scan3A_89 = %scan3A to %scan3A_86 step %scan3A_87  : i32 {
        %mul3A_90 = arith.constant 1 : i32
        %mul3A_91 = arith.muli %scan3A_89, %mul3A_90 : i32
        %add3A_92 = arith.constant 0 : i32
        %add3A_93 = arith.addi %add3A_92, %mul3A_91 : i32
        "tpu.region"() ({
          %run_scoped3A = tpu.sem_alloc : memref<!tpu.dma_semaphore, #tpu.memory_space<semaphore_mem>>
          %dma_start3A_94 = arith.constant 0 : i32
          %dma_start3A_95 = tpu.memref_slice %arg9[%add3A_93, %dma_start3A_94] : memref<32x128xi32, #tpu.memory_space<vmem>> -> memref<1x128xi32, #tpu.memory_space<vmem>>
          %dma_start3A_96 = tpu.memref_squeeze %dma_start3A_95 : memref<1x128xi32, #tpu.memory_space<vmem>> -> memref<128xi32, #tpu.memory_space<vmem>>
          %dma_start3A_97 = arith.constant 0 : i32
          %dma_start3A_98 = arith.constant 0 : i32
          %dma_start3A_99 = tpu.memref_slice %arg4[%dma_start3A_97, %dma_start3A_98] : memref<3276800x128xf32, #tpu.memory_space<hbm>> -> memref<3276800x128xf32, #tpu.memory_space<hbm>>
          tpu.enqueue_indirect_dma source(%arg7 : memref<128x128xf32, #tpu.memory_space<vmem>>) target(%dma_start3A_99 : memref<3276800x128xf32, #tpu.memory_space<hbm>>) offsets(%dma_start3A_96 : memref<128xi32, #tpu.memory_space<vmem>>) semaphore(%run_scoped3A : memref<!tpu.dma_semaphore, #tpu.memory_space<semaphore_mem>>)
          %dma_wait3A_100 = arith.constant 0 : i32
          %dma_wait3A_101 = tpu.memref_slice %arg9[%add3A_93, %dma_wait3A_100] : memref<32x128xi32, #tpu.memory_space<vmem>> -> memref<1x128xi32, #tpu.memory_space<vmem>>
          %dma_wait3A_102 = tpu.memref_squeeze %dma_wait3A_101 : memref<1x128xi32, #tpu.memory_space<vmem>> -> memref<128xi32, #tpu.memory_space<vmem>>
          %dma_wait3A_103 = arith.constant 0 : i32
          %dma_wait3A_104 = arith.constant 0 : i32
          %dma_wait3A_105 = tpu.memref_slice %arg4[%dma_wait3A_103, %dma_wait3A_104] : memref<3276800x128xf32, #tpu.memory_space<hbm>> -> memref<3276800x128xf32, #tpu.memory_space<hbm>>
          tpu.wait_indirect_dma semaphore(%run_scoped3A : memref<!tpu.dma_semaphore, #tpu.memory_space<semaphore_mem>>) src(%arg7 : memref<128x128xf32, #tpu.memory_space<vmem>>) dst(%dma_wait3A_105 : memref<3276800x128xf32, #tpu.memory_space<hbm>>)
          tpu.yield
        }) : () -> ()
      }
      %scan3A_88 = arith.constant 32 : i32
    } else {
    }
    %add3A_55 = arith.constant 192 : i32
    %add3A_56 = arith.addi %add3A, %add3A_55 : i32
    %lt3A_57 = arith.constant 200 : i32
    %lt3A_58 = arith.cmpi slt, %add3A_56, %lt3A_57 : i32
    %convert_element_type3A_59 = arith.extui %lt3A_58 : i1 to i32
    %cond3A_60 = arith.constant 0 : i32
    %cond3A_61 = arith.cmpi ne, %convert_element_type3A_59, %cond3A_60 : i32
    scf.if %cond3A_61 {
      %add3A_62 = arith.constant 192 : i32
      %add3A_63 = arith.addi %add3A, %add3A_62 : i32
      %mul3A_64 = arith.constant 32 : i32
      %mul3A_65 = arith.muli %add3A_63, %mul3A_64 : i32
      %multiple_of3A_66 = tpu.assume_multiple %mul3A_65, 8 : i32
      %dma_wait3A = arith.constant 0 : i32
      %dma_wait3A_67 = tpu.memref_slice %arg3[%multiple_of3A_66, %dma_wait3A] : memref<6400x128xi32, #tpu.memory_space<hbm>> -> memref<32x128xi32, #tpu.memory_space<hbm>>
      %dma_wait3A_68 = arith.constant 0 : i32
      %dma_wait3A_69 = tpu.memref_slice %arg3[%multiple_of3A_66, %dma_wait3A_68] : memref<6400x128xi32, #tpu.memory_space<hbm>> -> memref<32x128xi32, #tpu.memory_space<hbm>>
      tpu.wait_dma2 semaphore(%arg12 : memref<!tpu.dma_semaphore, #tpu.memory_space<semaphore_mem>>) src(%dma_wait3A_69 : memref<32x128xi32, #tpu.memory_space<hbm>>) dst(%arg8 : memref<32x128xi32, #tpu.memory_space<vmem>>)
      %dma_wait3A_70 = arith.constant 0 : i32
      %dma_wait3A_71 = arith.constant 0 : i32
      %dma_wait3A_72 = tpu.memref_slice %arg2[%add3A_63, %dma_wait3A_70, %dma_wait3A_71] : memref<200x128x128xf32, #tpu.memory_space<hbm>> -> memref<1x128x128xf32, #tpu.memory_space<hbm>>
      %dma_wait3A_73 = tpu.memref_squeeze %dma_wait3A_72 : memref<1x128x128xf32, #tpu.memory_space<hbm>> -> memref<128x128xf32, #tpu.memory_space<hbm>>
      %dma_wait3A_74 = arith.constant 0 : i32
      %dma_wait3A_75 = arith.constant 0 : i32
      %dma_wait3A_76 = tpu.memref_slice %arg2[%add3A_63, %dma_wait3A_74, %dma_wait3A_75] : memref<200x128x128xf32, #tpu.memory_space<hbm>> -> memref<1x128x128xf32, #tpu.memory_space<hbm>>
      %dma_wait3A_77 = tpu.memref_squeeze %dma_wait3A_76 : memref<1x128x128xf32, #tpu.memory_space<hbm>> -> memref<128x128xf32, #tpu.memory_space<hbm>>
      tpu.wait_dma2 semaphore(%arg10 : memref<!tpu.dma_semaphore, #tpu.memory_space<semaphore_mem>>) src(%dma_wait3A_77 : memref<128x128xf32, #tpu.memory_space<hbm>>) dst(%arg6 : memref<128x128xf32, #tpu.memory_space<vmem>>)
      %scan3A = arith.constant 0 : i32
      %scan3A_78 = arith.constant 32 : i32
      %scan3A_79 = arith.addi %scan3A, %scan3A_78 : i32
      %scan3A_80 = arith.constant 1 : i32
      scf.for %scan3A_82 = %scan3A to %scan3A_79 step %scan3A_80  : i32 {
        %mul3A_83 = arith.constant 1 : i32
        %mul3A_84 = arith.muli %scan3A_82, %mul3A_83 : i32
        %add3A_85 = arith.constant 0 : i32
        %add3A_86 = arith.addi %add3A_85, %mul3A_84 : i32
        "tpu.region"() ({
          %run_scoped3A = tpu.sem_alloc : memref<!tpu.dma_semaphore, #tpu.memory_space<semaphore_mem>>
          %dma_start3A_87 = arith.constant 0 : i32
          %dma_start3A_88 = tpu.memref_slice %arg8[%add3A_86, %dma_start3A_87] : memref<32x128xi32, #tpu.memory_space<vmem>> -> memref<1x128xi32, #tpu.memory_space<vmem>>
          %dma_start3A_89 = tpu.memref_squeeze %dma_start3A_88 : memref<1x128xi32, #tpu.memory_space<vmem>> -> memref<128xi32, #tpu.memory_space<vmem>>
          %dma_start3A_90 = arith.constant 0 : i32
          %dma_start3A_91 = arith.constant 0 : i32
          %dma_start3A_92 = tpu.memref_slice %arg4[%dma_start3A_90, %dma_start3A_91] : memref<3276800x128xf32, #tpu.memory_space<hbm>> -> memref<3276800x128xf32, #tpu.memory_space<hbm>>
          tpu.enqueue_indirect_dma source(%arg6 : memref<128x128xf32, #tpu.memory_space<vmem>>) target(%dma_start3A_92 : memref<3276800x128xf32, #tpu.memory_space<hbm>>) offsets(%dma_start3A_89 : memref<128xi32, #tpu.memory_space<vmem>>) semaphore(%run_scoped3A : memref<!tpu.dma_semaphore, #tpu.memory_space<semaphore_mem>>)
          %dma_wait3A_93 = arith.constant 0 : i32
          %dma_wait3A_94 = tpu.memref_slice %arg8[%add3A_86, %dma_wait3A_93] : memref<32x128xi32, #tpu.memory_space<vmem>> -> memref<1x128xi32, #tpu.memory_space<vmem>>
          %dma_wait3A_95 = tpu.memref_squeeze %dma_wait3A_94 : memref<1x128xi32, #tpu.memory_space<vmem>> -> memref<128xi32, #tpu.memory_space<vmem>>
          %dma_wait3A_96 = arith.constant 0 : i32
          %dma_wait3A_97 = arith.constant 0 : i32
          %dma_wait3A_98 = tpu.memref_slice %arg4[%dma_wait3A_96, %dma_wait3A_97] : memref<3276800x128xf32, #tpu.memory_space<hbm>> -> memref<3276800x128xf32, #tpu.memory_space<hbm>>
          tpu.wait_indirect_dma semaphore(%run_scoped3A : memref<!tpu.dma_semaphore, #tpu.memory_space<semaphore_mem>>) src(%arg6 : memref<128x128xf32, #tpu.memory_space<vmem>>) dst(%dma_wait3A_98 : memref<3276800x128xf32, #tpu.memory_space<hbm>>)
          tpu.yield
        }) : () -> ()
      }
      %scan3A_81 = arith.constant 32 : i32
    } else {
    }
    return
  }
}

module attributes {stable_mosaic.version = 14 : i64} {
  func.func @body(%arg0: i32, %arg1: memref<200x128xf32, #tpu.memory_space<vmem>>, %arg2: memref<200x128xi32, #tpu.memory_space<vmem>>) attributes {dimension_semantics = [#tpu.dimension_semantics<parallel>], iteration_bounds = array<i64: 32>, scalar_prefetch = 0 : i64, scratch_operands = 0 : i64, tpu.core_type = #tpu.core_type<tc>, window_params = [{transform_indices = @transform_0, window_bounds = array<i64: 200, 128>}, {transform_indices = @transform_1, window_bounds = array<i64: 200, 128>}]} {
    %get3A = arith.constant 0 : index
    %get3A_0 = arith.constant 0 : index
    %get3A_1 = vector.load %arg1[%get3A, %get3A_0] : memref<200x128xf32, #tpu.memory_space<vmem>>, vector<200x128xf32>
    %bitcast_convert_type3A = tpu.bitcast %get3A_1 : vector<200x128xf32> -> vector<200x128xi32>
    %eq3A = arith.constant -2147483648 : i32
    %eq3A_2 = vector.broadcast %eq3A : i32 to vector<200x128xi32>
    %eq3A_3 = arith.cmpi eq, %bitcast_convert_type3A, %eq3A_2 : vector<200x128xi32>
    %jit3A = arith.constant 0 : i32
    %broadcast_in_dim3A = vector.broadcast %jit3A : i32 to vector<200x128xi32>
    %select_n3A = arith.select %eq3A_3, %broadcast_in_dim3A, %bitcast_convert_type3A : vector<200x128xi1>, vector<200x128xi32>
    %lt3A = arith.constant 0 : i32
    %lt3A_4 = vector.broadcast %lt3A : i32 to vector<200x128xi32>
    %lt3A_5 = arith.cmpi slt, %select_n3A, %lt3A_4 : vector<200x128xi32>
    %not3A = arith.constant dense<-1> : vector<200x128xi32>
    %not3A_6 = arith.xori %select_n3A, %not3A : vector<200x128xi32>
    %xor3A = arith.constant -2147483648 : i32
    %xor3A_7 = vector.broadcast %xor3A : i32 to vector<200x128xi32>
    %xor3A_8 = arith.xori %not3A_6, %xor3A_7 : vector<200x128xi32>
    %select_n3A_9 = arith.select %lt3A_5, %xor3A_8, %select_n3A : vector<200x128xi1>, vector<200x128xi32>
    %broadcast_in_dim3A_10 = vector.shape_cast %select_n3A_9 : vector<200x128xi32> to vector<1x200x128xi32>
    %iota3A = tpu.iota {dimensions = array<i32: 1>} : vector<8x200x128xi32>
    %iota3A_11 = tpu.iota {dimensions = array<i32: 0>} : vector<8x200x128xi32>
    %broadcast_in_dim3A_12 = arith.constant 0 : i32
    %broadcast_in_dim3A_13 = vector.broadcast %broadcast_in_dim3A_12 : i32 to vector<200x128xi32>
    %slice3A = vector.extract_strided_slice %select_n3A_9 {offsets = [0, 0], sizes = [8, 128], strides = [1, 1]} : vector<200x128xi32> to vector<8x128xi32>
    %broadcast_in_dim3A_14 = vector.shape_cast %slice3A : vector<8x128xi32> to vector<8x1x128xi32>
    %add3A = arith.constant 0 : i32
    %add3A_15 = vector.broadcast %add3A : i32 to vector<8x200x128xi32>
    %add3A_16 = arith.addi %iota3A_11, %add3A_15 : vector<8x200x128xi32>
    %lt3A_17 = arith.cmpi slt, %add3A_16, %iota3A : vector<8x200x128xi32>
    %lt3A_18 = vector.broadcast %broadcast_in_dim3A_14 : vector<8x1x128xi32> to vector<8x200x128xi32>
    %lt3A_19 = vector.broadcast %broadcast_in_dim3A_10 : vector<1x200x128xi32> to vector<8x200x128xi32>
    %lt3A_20 = arith.cmpi slt, %lt3A_18, %lt3A_19 : vector<8x200x128xi32>
    %eq3A_21 = vector.broadcast %broadcast_in_dim3A_14 : vector<8x1x128xi32> to vector<8x200x128xi32>
    %eq3A_22 = vector.broadcast %broadcast_in_dim3A_10 : vector<1x200x128xi32> to vector<8x200x128xi32>
    %eq3A_23 = arith.cmpi eq, %eq3A_21, %eq3A_22 : vector<8x200x128xi32>
    %and3A = arith.andi %eq3A_23, %lt3A_17 : vector<8x200x128xi1>
    %or3A = arith.ori %lt3A_20, %and3A : vector<8x200x128xi1>
    %convert_element_type3A = arith.extui %or3A : vector<8x200x128xi1> to vector<8x200x128xi32>
    %reduce_sum3A = arith.constant dense<0> : vector<200x128xi32>
    %reduce_sum3A_24 = vector.multi_reduction <add>, %convert_element_type3A, %reduce_sum3A [0] : vector<8x200x128xi32> to vector<200x128xi32>
    %add3A_25 = arith.addi %broadcast_in_dim3A_13, %reduce_sum3A_24 : vector<200x128xi32>
    %slice3A_26 = vector.extract_strided_slice %select_n3A_9 {offsets = [8, 0], sizes = [8, 128], strides = [1, 1]} : vector<200x128xi32> to vector<8x128xi32>
    %broadcast_in_dim3A_27 = vector.shape_cast %slice3A_26 : vector<8x128xi32> to vector<8x1x128xi32>
    %add3A_28 = arith.constant 8 : i32
    %add3A_29 = vector.broadcast %add3A_28 : i32 to vector<8x200x128xi32>
    %add3A_30 = arith.addi %iota3A_11, %add3A_29 : vector<8x200x128xi32>
    %lt3A_31 = arith.cmpi slt, %add3A_30, %iota3A : vector<8x200x128xi32>
    %lt3A_32 = vector.broadcast %broadcast_in_dim3A_27 : vector<8x1x128xi32> to vector<8x200x128xi32>
    %lt3A_33 = vector.broadcast %broadcast_in_dim3A_10 : vector<1x200x128xi32> to vector<8x200x128xi32>
    %lt3A_34 = arith.cmpi slt, %lt3A_32, %lt3A_33 : vector<8x200x128xi32>
    %eq3A_35 = vector.broadcast %broadcast_in_dim3A_27 : vector<8x1x128xi32> to vector<8x200x128xi32>
    %eq3A_36 = vector.broadcast %broadcast_in_dim3A_10 : vector<1x200x128xi32> to vector<8x200x128xi32>
    %eq3A_37 = arith.cmpi eq, %eq3A_35, %eq3A_36 : vector<8x200x128xi32>
    %and3A_38 = arith.andi %eq3A_37, %lt3A_31 : vector<8x200x128xi1>
    %or3A_39 = arith.ori %lt3A_34, %and3A_38 : vector<8x200x128xi1>
    %convert_element_type3A_40 = arith.extui %or3A_39 : vector<8x200x128xi1> to vector<8x200x128xi32>
    %reduce_sum3A_41 = arith.constant dense<0> : vector<200x128xi32>
    %reduce_sum3A_42 = vector.multi_reduction <add>, %convert_element_type3A_40, %reduce_sum3A_41 [0] : vector<8x200x128xi32> to vector<200x128xi32>
    %add3A_43 = arith.addi %add3A_25, %reduce_sum3A_42 : vector<200x128xi32>
    %slice3A_44 = vector.extract_strided_slice %select_n3A_9 {offsets = [16, 0], sizes = [8, 128], strides = [1, 1]} : vector<200x128xi32> to vector<8x128xi32>
    %broadcast_in_dim3A_45 = vector.shape_cast %slice3A_44 : vector<8x128xi32> to vector<8x1x128xi32>
    %add3A_46 = arith.constant 16 : i32
    %add3A_47 = vector.broadcast %add3A_46 : i32 to vector<8x200x128xi32>
    %add3A_48 = arith.addi %iota3A_11, %add3A_47 : vector<8x200x128xi32>
    %lt3A_49 = arith.cmpi slt, %add3A_48, %iota3A : vector<8x200x128xi32>
    %lt3A_50 = vector.broadcast %broadcast_in_dim3A_45 : vector<8x1x128xi32> to vector<8x200x128xi32>
    %lt3A_51 = vector.broadcast %broadcast_in_dim3A_10 : vector<1x200x128xi32> to vector<8x200x128xi32>
    %lt3A_52 = arith.cmpi slt, %lt3A_50, %lt3A_51 : vector<8x200x128xi32>
    %eq3A_53 = vector.broadcast %broadcast_in_dim3A_45 : vector<8x1x128xi32> to vector<8x200x128xi32>
    %eq3A_54 = vector.broadcast %broadcast_in_dim3A_10 : vector<1x200x128xi32> to vector<8x200x128xi32>
    %eq3A_55 = arith.cmpi eq, %eq3A_53, %eq3A_54 : vector<8x200x128xi32>
    %and3A_56 = arith.andi %eq3A_55, %lt3A_49 : vector<8x200x128xi1>
    %or3A_57 = arith.ori %lt3A_52, %and3A_56 : vector<8x200x128xi1>
    %convert_element_type3A_58 = arith.extui %or3A_57 : vector<8x200x128xi1> to vector<8x200x128xi32>
    %reduce_sum3A_59 = arith.constant dense<0> : vector<200x128xi32>
    %reduce_sum3A_60 = vector.multi_reduction <add>, %convert_element_type3A_58, %reduce_sum3A_59 [0] : vector<8x200x128xi32> to vector<200x128xi32>
    %add3A_61 = arith.addi %add3A_43, %reduce_sum3A_60 : vector<200x128xi32>
    %slice3A_62 = vector.extract_strided_slice %select_n3A_9 {offsets = [24, 0], sizes = [8, 128], strides = [1, 1]} : vector<200x128xi32> to vector<8x128xi32>
    %broadcast_in_dim3A_63 = vector.shape_cast %slice3A_62 : vector<8x128xi32> to vector<8x1x128xi32>
    %add3A_64 = arith.constant 24 : i32
    %add3A_65 = vector.broadcast %add3A_64 : i32 to vector<8x200x128xi32>
    %add3A_66 = arith.addi %iota3A_11, %add3A_65 : vector<8x200x128xi32>
    %lt3A_67 = arith.cmpi slt, %add3A_66, %iota3A : vector<8x200x128xi32>
    %lt3A_68 = vector.broadcast %broadcast_in_dim3A_63 : vector<8x1x128xi32> to vector<8x200x128xi32>
    %lt3A_69 = vector.broadcast %broadcast_in_dim3A_10 : vector<1x200x128xi32> to vector<8x200x128xi32>
    %lt3A_70 = arith.cmpi slt, %lt3A_68, %lt3A_69 : vector<8x200x128xi32>
    %eq3A_71 = vector.broadcast %broadcast_in_dim3A_63 : vector<8x1x128xi32> to vector<8x200x128xi32>
    %eq3A_72 = vector.broadcast %broadcast_in_dim3A_10 : vector<1x200x128xi32> to vector<8x200x128xi32>
    %eq3A_73 = arith.cmpi eq, %eq3A_71, %eq3A_72 : vector<8x200x128xi32>
    %and3A_74 = arith.andi %eq3A_73, %lt3A_67 : vector<8x200x128xi1>
    %or3A_75 = arith.ori %lt3A_70, %and3A_74 : vector<8x200x128xi1>
    %convert_element_type3A_76 = arith.extui %or3A_75 : vector<8x200x128xi1> to vector<8x200x128xi32>
    %reduce_sum3A_77 = arith.constant dense<0> : vector<200x128xi32>
    %reduce_sum3A_78 = vector.multi_reduction <add>, %convert_element_type3A_76, %reduce_sum3A_77 [0] : vector<8x200x128xi32> to vector<200x128xi32>
    %add3A_79 = arith.addi %add3A_61, %reduce_sum3A_78 : vector<200x128xi32>
    %slice3A_80 = vector.extract_strided_slice %select_n3A_9 {offsets = [32, 0], sizes = [8, 128], strides = [1, 1]} : vector<200x128xi32> to vector<8x128xi32>
    %broadcast_in_dim3A_81 = vector.shape_cast %slice3A_80 : vector<8x128xi32> to vector<8x1x128xi32>
    %add3A_82 = arith.constant 32 : i32
    %add3A_83 = vector.broadcast %add3A_82 : i32 to vector<8x200x128xi32>
    %add3A_84 = arith.addi %iota3A_11, %add3A_83 : vector<8x200x128xi32>
    %lt3A_85 = arith.cmpi slt, %add3A_84, %iota3A : vector<8x200x128xi32>
    %lt3A_86 = vector.broadcast %broadcast_in_dim3A_81 : vector<8x1x128xi32> to vector<8x200x128xi32>
    %lt3A_87 = vector.broadcast %broadcast_in_dim3A_10 : vector<1x200x128xi32> to vector<8x200x128xi32>
    %lt3A_88 = arith.cmpi slt, %lt3A_86, %lt3A_87 : vector<8x200x128xi32>
    %eq3A_89 = vector.broadcast %broadcast_in_dim3A_81 : vector<8x1x128xi32> to vector<8x200x128xi32>
    %eq3A_90 = vector.broadcast %broadcast_in_dim3A_10 : vector<1x200x128xi32> to vector<8x200x128xi32>
    %eq3A_91 = arith.cmpi eq, %eq3A_89, %eq3A_90 : vector<8x200x128xi32>
    %and3A_92 = arith.andi %eq3A_91, %lt3A_85 : vector<8x200x128xi1>
    %or3A_93 = arith.ori %lt3A_88, %and3A_92 : vector<8x200x128xi1>
    %convert_element_type3A_94 = arith.extui %or3A_93 : vector<8x200x128xi1> to vector<8x200x128xi32>
    %reduce_sum3A_95 = arith.constant dense<0> : vector<200x128xi32>
    %reduce_sum3A_96 = vector.multi_reduction <add>, %convert_element_type3A_94, %reduce_sum3A_95 [0] : vector<8x200x128xi32> to vector<200x128xi32>
    %add3A_97 = arith.addi %add3A_79, %reduce_sum3A_96 : vector<200x128xi32>
    %slice3A_98 = vector.extract_strided_slice %select_n3A_9 {offsets = [40, 0], sizes = [8, 128], strides = [1, 1]} : vector<200x128xi32> to vector<8x128xi32>
    %broadcast_in_dim3A_99 = vector.shape_cast %slice3A_98 : vector<8x128xi32> to vector<8x1x128xi32>
    %add3A_100 = arith.constant 40 : i32
    %add3A_101 = vector.broadcast %add3A_100 : i32 to vector<8x200x128xi32>
    %add3A_102 = arith.addi %iota3A_11, %add3A_101 : vector<8x200x128xi32>
    %lt3A_103 = arith.cmpi slt, %add3A_102, %iota3A : vector<8x200x128xi32>
    %lt3A_104 = vector.broadcast %broadcast_in_dim3A_99 : vector<8x1x128xi32> to vector<8x200x128xi32>
    %lt3A_105 = vector.broadcast %broadcast_in_dim3A_10 : vector<1x200x128xi32> to vector<8x200x128xi32>
    %lt3A_106 = arith.cmpi slt, %lt3A_104, %lt3A_105 : vector<8x200x128xi32>
    %eq3A_107 = vector.broadcast %broadcast_in_dim3A_99 : vector<8x1x128xi32> to vector<8x200x128xi32>
    %eq3A_108 = vector.broadcast %broadcast_in_dim3A_10 : vector<1x200x128xi32> to vector<8x200x128xi32>
    %eq3A_109 = arith.cmpi eq, %eq3A_107, %eq3A_108 : vector<8x200x128xi32>
    %and3A_110 = arith.andi %eq3A_109, %lt3A_103 : vector<8x200x128xi1>
    %or3A_111 = arith.ori %lt3A_106, %and3A_110 : vector<8x200x128xi1>
    %convert_element_type3A_112 = arith.extui %or3A_111 : vector<8x200x128xi1> to vector<8x200x128xi32>
    %reduce_sum3A_113 = arith.constant dense<0> : vector<200x128xi32>
    %reduce_sum3A_114 = vector.multi_reduction <add>, %convert_element_type3A_112, %reduce_sum3A_113 [0] : vector<8x200x128xi32> to vector<200x128xi32>
    %add3A_115 = arith.addi %add3A_97, %reduce_sum3A_114 : vector<200x128xi32>
    %slice3A_116 = vector.extract_strided_slice %select_n3A_9 {offsets = [48, 0], sizes = [8, 128], strides = [1, 1]} : vector<200x128xi32> to vector<8x128xi32>
    %broadcast_in_dim3A_117 = vector.shape_cast %slice3A_116 : vector<8x128xi32> to vector<8x1x128xi32>
    %add3A_118 = arith.constant 48 : i32
    %add3A_119 = vector.broadcast %add3A_118 : i32 to vector<8x200x128xi32>
    %add3A_120 = arith.addi %iota3A_11, %add3A_119 : vector<8x200x128xi32>
    %lt3A_121 = arith.cmpi slt, %add3A_120, %iota3A : vector<8x200x128xi32>
    %lt3A_122 = vector.broadcast %broadcast_in_dim3A_117 : vector<8x1x128xi32> to vector<8x200x128xi32>
    %lt3A_123 = vector.broadcast %broadcast_in_dim3A_10 : vector<1x200x128xi32> to vector<8x200x128xi32>
    %lt3A_124 = arith.cmpi slt, %lt3A_122, %lt3A_123 : vector<8x200x128xi32>
    %eq3A_125 = vector.broadcast %broadcast_in_dim3A_117 : vector<8x1x128xi32> to vector<8x200x128xi32>
    %eq3A_126 = vector.broadcast %broadcast_in_dim3A_10 : vector<1x200x128xi32> to vector<8x200x128xi32>
    %eq3A_127 = arith.cmpi eq, %eq3A_125, %eq3A_126 : vector<8x200x128xi32>
    %and3A_128 = arith.andi %eq3A_127, %lt3A_121 : vector<8x200x128xi1>
    %or3A_129 = arith.ori %lt3A_124, %and3A_128 : vector<8x200x128xi1>
    %convert_element_type3A_130 = arith.extui %or3A_129 : vector<8x200x128xi1> to vector<8x200x128xi32>
    %reduce_sum3A_131 = arith.constant dense<0> : vector<200x128xi32>
    %reduce_sum3A_132 = vector.multi_reduction <add>, %convert_element_type3A_130, %reduce_sum3A_131 [0] : vector<8x200x128xi32> to vector<200x128xi32>
    %add3A_133 = arith.addi %add3A_115, %reduce_sum3A_132 : vector<200x128xi32>
    %slice3A_134 = vector.extract_strided_slice %select_n3A_9 {offsets = [56, 0], sizes = [8, 128], strides = [1, 1]} : vector<200x128xi32> to vector<8x128xi32>
    %broadcast_in_dim3A_135 = vector.shape_cast %slice3A_134 : vector<8x128xi32> to vector<8x1x128xi32>
    %add3A_136 = arith.constant 56 : i32
    %add3A_137 = vector.broadcast %add3A_136 : i32 to vector<8x200x128xi32>
    %add3A_138 = arith.addi %iota3A_11, %add3A_137 : vector<8x200x128xi32>
    %lt3A_139 = arith.cmpi slt, %add3A_138, %iota3A : vector<8x200x128xi32>
    %lt3A_140 = vector.broadcast %broadcast_in_dim3A_135 : vector<8x1x128xi32> to vector<8x200x128xi32>
    %lt3A_141 = vector.broadcast %broadcast_in_dim3A_10 : vector<1x200x128xi32> to vector<8x200x128xi32>
    %lt3A_142 = arith.cmpi slt, %lt3A_140, %lt3A_141 : vector<8x200x128xi32>
    %eq3A_143 = vector.broadcast %broadcast_in_dim3A_135 : vector<8x1x128xi32> to vector<8x200x128xi32>
    %eq3A_144 = vector.broadcast %broadcast_in_dim3A_10 : vector<1x200x128xi32> to vector<8x200x128xi32>
    %eq3A_145 = arith.cmpi eq, %eq3A_143, %eq3A_144 : vector<8x200x128xi32>
    %and3A_146 = arith.andi %eq3A_145, %lt3A_139 : vector<8x200x128xi1>
    %or3A_147 = arith.ori %lt3A_142, %and3A_146 : vector<8x200x128xi1>
    %convert_element_type3A_148 = arith.extui %or3A_147 : vector<8x200x128xi1> to vector<8x200x128xi32>
    %reduce_sum3A_149 = arith.constant dense<0> : vector<200x128xi32>
    %reduce_sum3A_150 = vector.multi_reduction <add>, %convert_element_type3A_148, %reduce_sum3A_149 [0] : vector<8x200x128xi32> to vector<200x128xi32>
    %add3A_151 = arith.addi %add3A_133, %reduce_sum3A_150 : vector<200x128xi32>
    %slice3A_152 = vector.extract_strided_slice %select_n3A_9 {offsets = [64, 0], sizes = [8, 128], strides = [1, 1]} : vector<200x128xi32> to vector<8x128xi32>
    %broadcast_in_dim3A_153 = vector.shape_cast %slice3A_152 : vector<8x128xi32> to vector<8x1x128xi32>
    %add3A_154 = arith.constant 64 : i32
    %add3A_155 = vector.broadcast %add3A_154 : i32 to vector<8x200x128xi32>
    %add3A_156 = arith.addi %iota3A_11, %add3A_155 : vector<8x200x128xi32>
    %lt3A_157 = arith.cmpi slt, %add3A_156, %iota3A : vector<8x200x128xi32>
    %lt3A_158 = vector.broadcast %broadcast_in_dim3A_153 : vector<8x1x128xi32> to vector<8x200x128xi32>
    %lt3A_159 = vector.broadcast %broadcast_in_dim3A_10 : vector<1x200x128xi32> to vector<8x200x128xi32>
    %lt3A_160 = arith.cmpi slt, %lt3A_158, %lt3A_159 : vector<8x200x128xi32>
    %eq3A_161 = vector.broadcast %broadcast_in_dim3A_153 : vector<8x1x128xi32> to vector<8x200x128xi32>
    %eq3A_162 = vector.broadcast %broadcast_in_dim3A_10 : vector<1x200x128xi32> to vector<8x200x128xi32>
    %eq3A_163 = arith.cmpi eq, %eq3A_161, %eq3A_162 : vector<8x200x128xi32>
    %and3A_164 = arith.andi %eq3A_163, %lt3A_157 : vector<8x200x128xi1>
    %or3A_165 = arith.ori %lt3A_160, %and3A_164 : vector<8x200x128xi1>
    %convert_element_type3A_166 = arith.extui %or3A_165 : vector<8x200x128xi1> to vector<8x200x128xi32>
    %reduce_sum3A_167 = arith.constant dense<0> : vector<200x128xi32>
    %reduce_sum3A_168 = vector.multi_reduction <add>, %convert_element_type3A_166, %reduce_sum3A_167 [0] : vector<8x200x128xi32> to vector<200x128xi32>
    %add3A_169 = arith.addi %add3A_151, %reduce_sum3A_168 : vector<200x128xi32>
    %slice3A_170 = vector.extract_strided_slice %select_n3A_9 {offsets = [72, 0], sizes = [8, 128], strides = [1, 1]} : vector<200x128xi32> to vector<8x128xi32>
    %broadcast_in_dim3A_171 = vector.shape_cast %slice3A_170 : vector<8x128xi32> to vector<8x1x128xi32>
    %add3A_172 = arith.constant 72 : i32
    %add3A_173 = vector.broadcast %add3A_172 : i32 to vector<8x200x128xi32>
    %add3A_174 = arith.addi %iota3A_11, %add3A_173 : vector<8x200x128xi32>
    %lt3A_175 = arith.cmpi slt, %add3A_174, %iota3A : vector<8x200x128xi32>
    %lt3A_176 = vector.broadcast %broadcast_in_dim3A_171 : vector<8x1x128xi32> to vector<8x200x128xi32>
    %lt3A_177 = vector.broadcast %broadcast_in_dim3A_10 : vector<1x200x128xi32> to vector<8x200x128xi32>
    %lt3A_178 = arith.cmpi slt, %lt3A_176, %lt3A_177 : vector<8x200x128xi32>
    %eq3A_179 = vector.broadcast %broadcast_in_dim3A_171 : vector<8x1x128xi32> to vector<8x200x128xi32>
    %eq3A_180 = vector.broadcast %broadcast_in_dim3A_10 : vector<1x200x128xi32> to vector<8x200x128xi32>
    %eq3A_181 = arith.cmpi eq, %eq3A_179, %eq3A_180 : vector<8x200x128xi32>
    %and3A_182 = arith.andi %eq3A_181, %lt3A_175 : vector<8x200x128xi1>
    %or3A_183 = arith.ori %lt3A_178, %and3A_182 : vector<8x200x128xi1>
    %convert_element_type3A_184 = arith.extui %or3A_183 : vector<8x200x128xi1> to vector<8x200x128xi32>
    %reduce_sum3A_185 = arith.constant dense<0> : vector<200x128xi32>
    %reduce_sum3A_186 = vector.multi_reduction <add>, %convert_element_type3A_184, %reduce_sum3A_185 [0] : vector<8x200x128xi32> to vector<200x128xi32>
    %add3A_187 = arith.addi %add3A_169, %reduce_sum3A_186 : vector<200x128xi32>
    %slice3A_188 = vector.extract_strided_slice %select_n3A_9 {offsets = [80, 0], sizes = [8, 128], strides = [1, 1]} : vector<200x128xi32> to vector<8x128xi32>
    %broadcast_in_dim3A_189 = vector.shape_cast %slice3A_188 : vector<8x128xi32> to vector<8x1x128xi32>
    %add3A_190 = arith.constant 80 : i32
    %add3A_191 = vector.broadcast %add3A_190 : i32 to vector<8x200x128xi32>
    %add3A_192 = arith.addi %iota3A_11, %add3A_191 : vector<8x200x128xi32>
    %lt3A_193 = arith.cmpi slt, %add3A_192, %iota3A : vector<8x200x128xi32>
    %lt3A_194 = vector.broadcast %broadcast_in_dim3A_189 : vector<8x1x128xi32> to vector<8x200x128xi32>
    %lt3A_195 = vector.broadcast %broadcast_in_dim3A_10 : vector<1x200x128xi32> to vector<8x200x128xi32>
    %lt3A_196 = arith.cmpi slt, %lt3A_194, %lt3A_195 : vector<8x200x128xi32>
    %eq3A_197 = vector.broadcast %broadcast_in_dim3A_189 : vector<8x1x128xi32> to vector<8x200x128xi32>
    %eq3A_198 = vector.broadcast %broadcast_in_dim3A_10 : vector<1x200x128xi32> to vector<8x200x128xi32>
    %eq3A_199 = arith.cmpi eq, %eq3A_197, %eq3A_198 : vector<8x200x128xi32>
    %and3A_200 = arith.andi %eq3A_199, %lt3A_193 : vector<8x200x128xi1>
    %or3A_201 = arith.ori %lt3A_196, %and3A_200 : vector<8x200x128xi1>
    %convert_element_type3A_202 = arith.extui %or3A_201 : vector<8x200x128xi1> to vector<8x200x128xi32>
    %reduce_sum3A_203 = arith.constant dense<0> : vector<200x128xi32>
    %reduce_sum3A_204 = vector.multi_reduction <add>, %convert_element_type3A_202, %reduce_sum3A_203 [0] : vector<8x200x128xi32> to vector<200x128xi32>
    %add3A_205 = arith.addi %add3A_187, %reduce_sum3A_204 : vector<200x128xi32>
    %slice3A_206 = vector.extract_strided_slice %select_n3A_9 {offsets = [88, 0], sizes = [8, 128], strides = [1, 1]} : vector<200x128xi32> to vector<8x128xi32>
    %broadcast_in_dim3A_207 = vector.shape_cast %slice3A_206 : vector<8x128xi32> to vector<8x1x128xi32>
    %add3A_208 = arith.constant 88 : i32
    %add3A_209 = vector.broadcast %add3A_208 : i32 to vector<8x200x128xi32>
    %add3A_210 = arith.addi %iota3A_11, %add3A_209 : vector<8x200x128xi32>
    %lt3A_211 = arith.cmpi slt, %add3A_210, %iota3A : vector<8x200x128xi32>
    %lt3A_212 = vector.broadcast %broadcast_in_dim3A_207 : vector<8x1x128xi32> to vector<8x200x128xi32>
    %lt3A_213 = vector.broadcast %broadcast_in_dim3A_10 : vector<1x200x128xi32> to vector<8x200x128xi32>
    %lt3A_214 = arith.cmpi slt, %lt3A_212, %lt3A_213 : vector<8x200x128xi32>
    %eq3A_215 = vector.broadcast %broadcast_in_dim3A_207 : vector<8x1x128xi32> to vector<8x200x128xi32>
    %eq3A_216 = vector.broadcast %broadcast_in_dim3A_10 : vector<1x200x128xi32> to vector<8x200x128xi32>
    %eq3A_217 = arith.cmpi eq, %eq3A_215, %eq3A_216 : vector<8x200x128xi32>
    %and3A_218 = arith.andi %eq3A_217, %lt3A_211 : vector<8x200x128xi1>
    %or3A_219 = arith.ori %lt3A_214, %and3A_218 : vector<8x200x128xi1>
    %convert_element_type3A_220 = arith.extui %or3A_219 : vector<8x200x128xi1> to vector<8x200x128xi32>
    %reduce_sum3A_221 = arith.constant dense<0> : vector<200x128xi32>
    %reduce_sum3A_222 = vector.multi_reduction <add>, %convert_element_type3A_220, %reduce_sum3A_221 [0] : vector<8x200x128xi32> to vector<200x128xi32>
    %add3A_223 = arith.addi %add3A_205, %reduce_sum3A_222 : vector<200x128xi32>
    %slice3A_224 = vector.extract_strided_slice %select_n3A_9 {offsets = [96, 0], sizes = [8, 128], strides = [1, 1]} : vector<200x128xi32> to vector<8x128xi32>
    %broadcast_in_dim3A_225 = vector.shape_cast %slice3A_224 : vector<8x128xi32> to vector<8x1x128xi32>
    %add3A_226 = arith.constant 96 : i32
    %add3A_227 = vector.broadcast %add3A_226 : i32 to vector<8x200x128xi32>
    %add3A_228 = arith.addi %iota3A_11, %add3A_227 : vector<8x200x128xi32>
    %lt3A_229 = arith.cmpi slt, %add3A_228, %iota3A : vector<8x200x128xi32>
    %lt3A_230 = vector.broadcast %broadcast_in_dim3A_225 : vector<8x1x128xi32> to vector<8x200x128xi32>
    %lt3A_231 = vector.broadcast %broadcast_in_dim3A_10 : vector<1x200x128xi32> to vector<8x200x128xi32>
    %lt3A_232 = arith.cmpi slt, %lt3A_230, %lt3A_231 : vector<8x200x128xi32>
    %eq3A_233 = vector.broadcast %broadcast_in_dim3A_225 : vector<8x1x128xi32> to vector<8x200x128xi32>
    %eq3A_234 = vector.broadcast %broadcast_in_dim3A_10 : vector<1x200x128xi32> to vector<8x200x128xi32>
    %eq3A_235 = arith.cmpi eq, %eq3A_233, %eq3A_234 : vector<8x200x128xi32>
    %and3A_236 = arith.andi %eq3A_235, %lt3A_229 : vector<8x200x128xi1>
    %or3A_237 = arith.ori %lt3A_232, %and3A_236 : vector<8x200x128xi1>
    %convert_element_type3A_238 = arith.extui %or3A_237 : vector<8x200x128xi1> to vector<8x200x128xi32>
    %reduce_sum3A_239 = arith.constant dense<0> : vector<200x128xi32>
    %reduce_sum3A_240 = vector.multi_reduction <add>, %convert_element_type3A_238, %reduce_sum3A_239 [0] : vector<8x200x128xi32> to vector<200x128xi32>
    %add3A_241 = arith.addi %add3A_223, %reduce_sum3A_240 : vector<200x128xi32>
    %slice3A_242 = vector.extract_strided_slice %select_n3A_9 {offsets = [104, 0], sizes = [8, 128], strides = [1, 1]} : vector<200x128xi32> to vector<8x128xi32>
    %broadcast_in_dim3A_243 = vector.shape_cast %slice3A_242 : vector<8x128xi32> to vector<8x1x128xi32>
    %add3A_244 = arith.constant 104 : i32
    %add3A_245 = vector.broadcast %add3A_244 : i32 to vector<8x200x128xi32>
    %add3A_246 = arith.addi %iota3A_11, %add3A_245 : vector<8x200x128xi32>
    %lt3A_247 = arith.cmpi slt, %add3A_246, %iota3A : vector<8x200x128xi32>
    %lt3A_248 = vector.broadcast %broadcast_in_dim3A_243 : vector<8x1x128xi32> to vector<8x200x128xi32>
    %lt3A_249 = vector.broadcast %broadcast_in_dim3A_10 : vector<1x200x128xi32> to vector<8x200x128xi32>
    %lt3A_250 = arith.cmpi slt, %lt3A_248, %lt3A_249 : vector<8x200x128xi32>
    %eq3A_251 = vector.broadcast %broadcast_in_dim3A_243 : vector<8x1x128xi32> to vector<8x200x128xi32>
    %eq3A_252 = vector.broadcast %broadcast_in_dim3A_10 : vector<1x200x128xi32> to vector<8x200x128xi32>
    %eq3A_253 = arith.cmpi eq, %eq3A_251, %eq3A_252 : vector<8x200x128xi32>
    %and3A_254 = arith.andi %eq3A_253, %lt3A_247 : vector<8x200x128xi1>
    %or3A_255 = arith.ori %lt3A_250, %and3A_254 : vector<8x200x128xi1>
    %convert_element_type3A_256 = arith.extui %or3A_255 : vector<8x200x128xi1> to vector<8x200x128xi32>
    %reduce_sum3A_257 = arith.constant dense<0> : vector<200x128xi32>
    %reduce_sum3A_258 = vector.multi_reduction <add>, %convert_element_type3A_256, %reduce_sum3A_257 [0] : vector<8x200x128xi32> to vector<200x128xi32>
    %add3A_259 = arith.addi %add3A_241, %reduce_sum3A_258 : vector<200x128xi32>
    %slice3A_260 = vector.extract_strided_slice %select_n3A_9 {offsets = [112, 0], sizes = [8, 128], strides = [1, 1]} : vector<200x128xi32> to vector<8x128xi32>
    %broadcast_in_dim3A_261 = vector.shape_cast %slice3A_260 : vector<8x128xi32> to vector<8x1x128xi32>
    %add3A_262 = arith.constant 112 : i32
    %add3A_263 = vector.broadcast %add3A_262 : i32 to vector<8x200x128xi32>
    %add3A_264 = arith.addi %iota3A_11, %add3A_263 : vector<8x200x128xi32>
    %lt3A_265 = arith.cmpi slt, %add3A_264, %iota3A : vector<8x200x128xi32>
    %lt3A_266 = vector.broadcast %broadcast_in_dim3A_261 : vector<8x1x128xi32> to vector<8x200x128xi32>
    %lt3A_267 = vector.broadcast %broadcast_in_dim3A_10 : vector<1x200x128xi32> to vector<8x200x128xi32>
    %lt3A_268 = arith.cmpi slt, %lt3A_266, %lt3A_267 : vector<8x200x128xi32>
    %eq3A_269 = vector.broadcast %broadcast_in_dim3A_261 : vector<8x1x128xi32> to vector<8x200x128xi32>
    %eq3A_270 = vector.broadcast %broadcast_in_dim3A_10 : vector<1x200x128xi32> to vector<8x200x128xi32>
    %eq3A_271 = arith.cmpi eq, %eq3A_269, %eq3A_270 : vector<8x200x128xi32>
    %and3A_272 = arith.andi %eq3A_271, %lt3A_265 : vector<8x200x128xi1>
    %or3A_273 = arith.ori %lt3A_268, %and3A_272 : vector<8x200x128xi1>
    %convert_element_type3A_274 = arith.extui %or3A_273 : vector<8x200x128xi1> to vector<8x200x128xi32>
    %reduce_sum3A_275 = arith.constant dense<0> : vector<200x128xi32>
    %reduce_sum3A_276 = vector.multi_reduction <add>, %convert_element_type3A_274, %reduce_sum3A_275 [0] : vector<8x200x128xi32> to vector<200x128xi32>
    %add3A_277 = arith.addi %add3A_259, %reduce_sum3A_276 : vector<200x128xi32>
    %slice3A_278 = vector.extract_strided_slice %select_n3A_9 {offsets = [120, 0], sizes = [8, 128], strides = [1, 1]} : vector<200x128xi32> to vector<8x128xi32>
    %broadcast_in_dim3A_279 = vector.shape_cast %slice3A_278 : vector<8x128xi32> to vector<8x1x128xi32>
    %add3A_280 = arith.constant 120 : i32
    %add3A_281 = vector.broadcast %add3A_280 : i32 to vector<8x200x128xi32>
    %add3A_282 = arith.addi %iota3A_11, %add3A_281 : vector<8x200x128xi32>
    %lt3A_283 = arith.cmpi slt, %add3A_282, %iota3A : vector<8x200x128xi32>
    %lt3A_284 = vector.broadcast %broadcast_in_dim3A_279 : vector<8x1x128xi32> to vector<8x200x128xi32>
    %lt3A_285 = vector.broadcast %broadcast_in_dim3A_10 : vector<1x200x128xi32> to vector<8x200x128xi32>
    %lt3A_286 = arith.cmpi slt, %lt3A_284, %lt3A_285 : vector<8x200x128xi32>
    %eq3A_287 = vector.broadcast %broadcast_in_dim3A_279 : vector<8x1x128xi32> to vector<8x200x128xi32>
    %eq3A_288 = vector.broadcast %broadcast_in_dim3A_10 : vector<1x200x128xi32> to vector<8x200x128xi32>
    %eq3A_289 = arith.cmpi eq, %eq3A_287, %eq3A_288 : vector<8x200x128xi32>
    %and3A_290 = arith.andi %eq3A_289, %lt3A_283 : vector<8x200x128xi1>
    %or3A_291 = arith.ori %lt3A_286, %and3A_290 : vector<8x200x128xi1>
    %convert_element_type3A_292 = arith.extui %or3A_291 : vector<8x200x128xi1> to vector<8x200x128xi32>
    %reduce_sum3A_293 = arith.constant dense<0> : vector<200x128xi32>
    %reduce_sum3A_294 = vector.multi_reduction <add>, %convert_element_type3A_292, %reduce_sum3A_293 [0] : vector<8x200x128xi32> to vector<200x128xi32>
    %add3A_295 = arith.addi %add3A_277, %reduce_sum3A_294 : vector<200x128xi32>
    %slice3A_296 = vector.extract_strided_slice %select_n3A_9 {offsets = [128, 0], sizes = [8, 128], strides = [1, 1]} : vector<200x128xi32> to vector<8x128xi32>
    %broadcast_in_dim3A_297 = vector.shape_cast %slice3A_296 : vector<8x128xi32> to vector<8x1x128xi32>
    %add3A_298 = arith.constant 128 : i32
    %add3A_299 = vector.broadcast %add3A_298 : i32 to vector<8x200x128xi32>
    %add3A_300 = arith.addi %iota3A_11, %add3A_299 : vector<8x200x128xi32>
    %lt3A_301 = arith.cmpi slt, %add3A_300, %iota3A : vector<8x200x128xi32>
    %lt3A_302 = vector.broadcast %broadcast_in_dim3A_297 : vector<8x1x128xi32> to vector<8x200x128xi32>
    %lt3A_303 = vector.broadcast %broadcast_in_dim3A_10 : vector<1x200x128xi32> to vector<8x200x128xi32>
    %lt3A_304 = arith.cmpi slt, %lt3A_302, %lt3A_303 : vector<8x200x128xi32>
    %eq3A_305 = vector.broadcast %broadcast_in_dim3A_297 : vector<8x1x128xi32> to vector<8x200x128xi32>
    %eq3A_306 = vector.broadcast %broadcast_in_dim3A_10 : vector<1x200x128xi32> to vector<8x200x128xi32>
    %eq3A_307 = arith.cmpi eq, %eq3A_305, %eq3A_306 : vector<8x200x128xi32>
    %and3A_308 = arith.andi %eq3A_307, %lt3A_301 : vector<8x200x128xi1>
    %or3A_309 = arith.ori %lt3A_304, %and3A_308 : vector<8x200x128xi1>
    %convert_element_type3A_310 = arith.extui %or3A_309 : vector<8x200x128xi1> to vector<8x200x128xi32>
    %reduce_sum3A_311 = arith.constant dense<0> : vector<200x128xi32>
    %reduce_sum3A_312 = vector.multi_reduction <add>, %convert_element_type3A_310, %reduce_sum3A_311 [0] : vector<8x200x128xi32> to vector<200x128xi32>
    %add3A_313 = arith.addi %add3A_295, %reduce_sum3A_312 : vector<200x128xi32>
    %slice3A_314 = vector.extract_strided_slice %select_n3A_9 {offsets = [136, 0], sizes = [8, 128], strides = [1, 1]} : vector<200x128xi32> to vector<8x128xi32>
    %broadcast_in_dim3A_315 = vector.shape_cast %slice3A_314 : vector<8x128xi32> to vector<8x1x128xi32>
    %add3A_316 = arith.constant 136 : i32
    %add3A_317 = vector.broadcast %add3A_316 : i32 to vector<8x200x128xi32>
    %add3A_318 = arith.addi %iota3A_11, %add3A_317 : vector<8x200x128xi32>
    %lt3A_319 = arith.cmpi slt, %add3A_318, %iota3A : vector<8x200x128xi32>
    %lt3A_320 = vector.broadcast %broadcast_in_dim3A_315 : vector<8x1x128xi32> to vector<8x200x128xi32>
    %lt3A_321 = vector.broadcast %broadcast_in_dim3A_10 : vector<1x200x128xi32> to vector<8x200x128xi32>
    %lt3A_322 = arith.cmpi slt, %lt3A_320, %lt3A_321 : vector<8x200x128xi32>
    %eq3A_323 = vector.broadcast %broadcast_in_dim3A_315 : vector<8x1x128xi32> to vector<8x200x128xi32>
    %eq3A_324 = vector.broadcast %broadcast_in_dim3A_10 : vector<1x200x128xi32> to vector<8x200x128xi32>
    %eq3A_325 = arith.cmpi eq, %eq3A_323, %eq3A_324 : vector<8x200x128xi32>
    %and3A_326 = arith.andi %eq3A_325, %lt3A_319 : vector<8x200x128xi1>
    %or3A_327 = arith.ori %lt3A_322, %and3A_326 : vector<8x200x128xi1>
    %convert_element_type3A_328 = arith.extui %or3A_327 : vector<8x200x128xi1> to vector<8x200x128xi32>
    %reduce_sum3A_329 = arith.constant dense<0> : vector<200x128xi32>
    %reduce_sum3A_330 = vector.multi_reduction <add>, %convert_element_type3A_328, %reduce_sum3A_329 [0] : vector<8x200x128xi32> to vector<200x128xi32>
    %add3A_331 = arith.addi %add3A_313, %reduce_sum3A_330 : vector<200x128xi32>
    %slice3A_332 = vector.extract_strided_slice %select_n3A_9 {offsets = [144, 0], sizes = [8, 128], strides = [1, 1]} : vector<200x128xi32> to vector<8x128xi32>
    %broadcast_in_dim3A_333 = vector.shape_cast %slice3A_332 : vector<8x128xi32> to vector<8x1x128xi32>
    %add3A_334 = arith.constant 144 : i32
    %add3A_335 = vector.broadcast %add3A_334 : i32 to vector<8x200x128xi32>
    %add3A_336 = arith.addi %iota3A_11, %add3A_335 : vector<8x200x128xi32>
    %lt3A_337 = arith.cmpi slt, %add3A_336, %iota3A : vector<8x200x128xi32>
    %lt3A_338 = vector.broadcast %broadcast_in_dim3A_333 : vector<8x1x128xi32> to vector<8x200x128xi32>
    %lt3A_339 = vector.broadcast %broadcast_in_dim3A_10 : vector<1x200x128xi32> to vector<8x200x128xi32>
    %lt3A_340 = arith.cmpi slt, %lt3A_338, %lt3A_339 : vector<8x200x128xi32>
    %eq3A_341 = vector.broadcast %broadcast_in_dim3A_333 : vector<8x1x128xi32> to vector<8x200x128xi32>
    %eq3A_342 = vector.broadcast %broadcast_in_dim3A_10 : vector<1x200x128xi32> to vector<8x200x128xi32>
    %eq3A_343 = arith.cmpi eq, %eq3A_341, %eq3A_342 : vector<8x200x128xi32>
    %and3A_344 = arith.andi %eq3A_343, %lt3A_337 : vector<8x200x128xi1>
    %or3A_345 = arith.ori %lt3A_340, %and3A_344 : vector<8x200x128xi1>
    %convert_element_type3A_346 = arith.extui %or3A_345 : vector<8x200x128xi1> to vector<8x200x128xi32>
    %reduce_sum3A_347 = arith.constant dense<0> : vector<200x128xi32>
    %reduce_sum3A_348 = vector.multi_reduction <add>, %convert_element_type3A_346, %reduce_sum3A_347 [0] : vector<8x200x128xi32> to vector<200x128xi32>
    %add3A_349 = arith.addi %add3A_331, %reduce_sum3A_348 : vector<200x128xi32>
    %slice3A_350 = vector.extract_strided_slice %select_n3A_9 {offsets = [152, 0], sizes = [8, 128], strides = [1, 1]} : vector<200x128xi32> to vector<8x128xi32>
    %broadcast_in_dim3A_351 = vector.shape_cast %slice3A_350 : vector<8x128xi32> to vector<8x1x128xi32>
    %add3A_352 = arith.constant 152 : i32
    %add3A_353 = vector.broadcast %add3A_352 : i32 to vector<8x200x128xi32>
    %add3A_354 = arith.addi %iota3A_11, %add3A_353 : vector<8x200x128xi32>
    %lt3A_355 = arith.cmpi slt, %add3A_354, %iota3A : vector<8x200x128xi32>
    %lt3A_356 = vector.broadcast %broadcast_in_dim3A_351 : vector<8x1x128xi32> to vector<8x200x128xi32>
    %lt3A_357 = vector.broadcast %broadcast_in_dim3A_10 : vector<1x200x128xi32> to vector<8x200x128xi32>
    %lt3A_358 = arith.cmpi slt, %lt3A_356, %lt3A_357 : vector<8x200x128xi32>
    %eq3A_359 = vector.broadcast %broadcast_in_dim3A_351 : vector<8x1x128xi32> to vector<8x200x128xi32>
    %eq3A_360 = vector.broadcast %broadcast_in_dim3A_10 : vector<1x200x128xi32> to vector<8x200x128xi32>
    %eq3A_361 = arith.cmpi eq, %eq3A_359, %eq3A_360 : vector<8x200x128xi32>
    %and3A_362 = arith.andi %eq3A_361, %lt3A_355 : vector<8x200x128xi1>
    %or3A_363 = arith.ori %lt3A_358, %and3A_362 : vector<8x200x128xi1>
    %convert_element_type3A_364 = arith.extui %or3A_363 : vector<8x200x128xi1> to vector<8x200x128xi32>
    %reduce_sum3A_365 = arith.constant dense<0> : vector<200x128xi32>
    %reduce_sum3A_366 = vector.multi_reduction <add>, %convert_element_type3A_364, %reduce_sum3A_365 [0] : vector<8x200x128xi32> to vector<200x128xi32>
    %add3A_367 = arith.addi %add3A_349, %reduce_sum3A_366 : vector<200x128xi32>
    %slice3A_368 = vector.extract_strided_slice %select_n3A_9 {offsets = [160, 0], sizes = [8, 128], strides = [1, 1]} : vector<200x128xi32> to vector<8x128xi32>
    %broadcast_in_dim3A_369 = vector.shape_cast %slice3A_368 : vector<8x128xi32> to vector<8x1x128xi32>
    %add3A_370 = arith.constant 160 : i32
    %add3A_371 = vector.broadcast %add3A_370 : i32 to vector<8x200x128xi32>
    %add3A_372 = arith.addi %iota3A_11, %add3A_371 : vector<8x200x128xi32>
    %lt3A_373 = arith.cmpi slt, %add3A_372, %iota3A : vector<8x200x128xi32>
    %lt3A_374 = vector.broadcast %broadcast_in_dim3A_369 : vector<8x1x128xi32> to vector<8x200x128xi32>
    %lt3A_375 = vector.broadcast %broadcast_in_dim3A_10 : vector<1x200x128xi32> to vector<8x200x128xi32>
    %lt3A_376 = arith.cmpi slt, %lt3A_374, %lt3A_375 : vector<8x200x128xi32>
    %eq3A_377 = vector.broadcast %broadcast_in_dim3A_369 : vector<8x1x128xi32> to vector<8x200x128xi32>
    %eq3A_378 = vector.broadcast %broadcast_in_dim3A_10 : vector<1x200x128xi32> to vector<8x200x128xi32>
    %eq3A_379 = arith.cmpi eq, %eq3A_377, %eq3A_378 : vector<8x200x128xi32>
    %and3A_380 = arith.andi %eq3A_379, %lt3A_373 : vector<8x200x128xi1>
    %or3A_381 = arith.ori %lt3A_376, %and3A_380 : vector<8x200x128xi1>
    %convert_element_type3A_382 = arith.extui %or3A_381 : vector<8x200x128xi1> to vector<8x200x128xi32>
    %reduce_sum3A_383 = arith.constant dense<0> : vector<200x128xi32>
    %reduce_sum3A_384 = vector.multi_reduction <add>, %convert_element_type3A_382, %reduce_sum3A_383 [0] : vector<8x200x128xi32> to vector<200x128xi32>
    %add3A_385 = arith.addi %add3A_367, %reduce_sum3A_384 : vector<200x128xi32>
    %slice3A_386 = vector.extract_strided_slice %select_n3A_9 {offsets = [168, 0], sizes = [8, 128], strides = [1, 1]} : vector<200x128xi32> to vector<8x128xi32>
    %broadcast_in_dim3A_387 = vector.shape_cast %slice3A_386 : vector<8x128xi32> to vector<8x1x128xi32>
    %add3A_388 = arith.constant 168 : i32
    %add3A_389 = vector.broadcast %add3A_388 : i32 to vector<8x200x128xi32>
    %add3A_390 = arith.addi %iota3A_11, %add3A_389 : vector<8x200x128xi32>
    %lt3A_391 = arith.cmpi slt, %add3A_390, %iota3A : vector<8x200x128xi32>
    %lt3A_392 = vector.broadcast %broadcast_in_dim3A_387 : vector<8x1x128xi32> to vector<8x200x128xi32>
    %lt3A_393 = vector.broadcast %broadcast_in_dim3A_10 : vector<1x200x128xi32> to vector<8x200x128xi32>
    %lt3A_394 = arith.cmpi slt, %lt3A_392, %lt3A_393 : vector<8x200x128xi32>
    %eq3A_395 = vector.broadcast %broadcast_in_dim3A_387 : vector<8x1x128xi32> to vector<8x200x128xi32>
    %eq3A_396 = vector.broadcast %broadcast_in_dim3A_10 : vector<1x200x128xi32> to vector<8x200x128xi32>
    %eq3A_397 = arith.cmpi eq, %eq3A_395, %eq3A_396 : vector<8x200x128xi32>
    %and3A_398 = arith.andi %eq3A_397, %lt3A_391 : vector<8x200x128xi1>
    %or3A_399 = arith.ori %lt3A_394, %and3A_398 : vector<8x200x128xi1>
    %convert_element_type3A_400 = arith.extui %or3A_399 : vector<8x200x128xi1> to vector<8x200x128xi32>
    %reduce_sum3A_401 = arith.constant dense<0> : vector<200x128xi32>
    %reduce_sum3A_402 = vector.multi_reduction <add>, %convert_element_type3A_400, %reduce_sum3A_401 [0] : vector<8x200x128xi32> to vector<200x128xi32>
    %add3A_403 = arith.addi %add3A_385, %reduce_sum3A_402 : vector<200x128xi32>
    %slice3A_404 = vector.extract_strided_slice %select_n3A_9 {offsets = [176, 0], sizes = [8, 128], strides = [1, 1]} : vector<200x128xi32> to vector<8x128xi32>
    %broadcast_in_dim3A_405 = vector.shape_cast %slice3A_404 : vector<8x128xi32> to vector<8x1x128xi32>
    %add3A_406 = arith.constant 176 : i32
    %add3A_407 = vector.broadcast %add3A_406 : i32 to vector<8x200x128xi32>
    %add3A_408 = arith.addi %iota3A_11, %add3A_407 : vector<8x200x128xi32>
    %lt3A_409 = arith.cmpi slt, %add3A_408, %iota3A : vector<8x200x128xi32>
    %lt3A_410 = vector.broadcast %broadcast_in_dim3A_405 : vector<8x1x128xi32> to vector<8x200x128xi32>
    %lt3A_411 = vector.broadcast %broadcast_in_dim3A_10 : vector<1x200x128xi32> to vector<8x200x128xi32>
    %lt3A_412 = arith.cmpi slt, %lt3A_410, %lt3A_411 : vector<8x200x128xi32>
    %eq3A_413 = vector.broadcast %broadcast_in_dim3A_405 : vector<8x1x128xi32> to vector<8x200x128xi32>
    %eq3A_414 = vector.broadcast %broadcast_in_dim3A_10 : vector<1x200x128xi32> to vector<8x200x128xi32>
    %eq3A_415 = arith.cmpi eq, %eq3A_413, %eq3A_414 : vector<8x200x128xi32>
    %and3A_416 = arith.andi %eq3A_415, %lt3A_409 : vector<8x200x128xi1>
    %or3A_417 = arith.ori %lt3A_412, %and3A_416 : vector<8x200x128xi1>
    %convert_element_type3A_418 = arith.extui %or3A_417 : vector<8x200x128xi1> to vector<8x200x128xi32>
    %reduce_sum3A_419 = arith.constant dense<0> : vector<200x128xi32>
    %reduce_sum3A_420 = vector.multi_reduction <add>, %convert_element_type3A_418, %reduce_sum3A_419 [0] : vector<8x200x128xi32> to vector<200x128xi32>
    %add3A_421 = arith.addi %add3A_403, %reduce_sum3A_420 : vector<200x128xi32>
    %slice3A_422 = vector.extract_strided_slice %select_n3A_9 {offsets = [184, 0], sizes = [8, 128], strides = [1, 1]} : vector<200x128xi32> to vector<8x128xi32>
    %broadcast_in_dim3A_423 = vector.shape_cast %slice3A_422 : vector<8x128xi32> to vector<8x1x128xi32>
    %add3A_424 = arith.constant 184 : i32
    %add3A_425 = vector.broadcast %add3A_424 : i32 to vector<8x200x128xi32>
    %add3A_426 = arith.addi %iota3A_11, %add3A_425 : vector<8x200x128xi32>
    %lt3A_427 = arith.cmpi slt, %add3A_426, %iota3A : vector<8x200x128xi32>
    %lt3A_428 = vector.broadcast %broadcast_in_dim3A_423 : vector<8x1x128xi32> to vector<8x200x128xi32>
    %lt3A_429 = vector.broadcast %broadcast_in_dim3A_10 : vector<1x200x128xi32> to vector<8x200x128xi32>
    %lt3A_430 = arith.cmpi slt, %lt3A_428, %lt3A_429 : vector<8x200x128xi32>
    %eq3A_431 = vector.broadcast %broadcast_in_dim3A_423 : vector<8x1x128xi32> to vector<8x200x128xi32>
    %eq3A_432 = vector.broadcast %broadcast_in_dim3A_10 : vector<1x200x128xi32> to vector<8x200x128xi32>
    %eq3A_433 = arith.cmpi eq, %eq3A_431, %eq3A_432 : vector<8x200x128xi32>
    %and3A_434 = arith.andi %eq3A_433, %lt3A_427 : vector<8x200x128xi1>
    %or3A_435 = arith.ori %lt3A_430, %and3A_434 : vector<8x200x128xi1>
    %convert_element_type3A_436 = arith.extui %or3A_435 : vector<8x200x128xi1> to vector<8x200x128xi32>
    %reduce_sum3A_437 = arith.constant dense<0> : vector<200x128xi32>
    %reduce_sum3A_438 = vector.multi_reduction <add>, %convert_element_type3A_436, %reduce_sum3A_437 [0] : vector<8x200x128xi32> to vector<200x128xi32>
    %add3A_439 = arith.addi %add3A_421, %reduce_sum3A_438 : vector<200x128xi32>
    %slice3A_440 = vector.extract_strided_slice %select_n3A_9 {offsets = [192, 0], sizes = [8, 128], strides = [1, 1]} : vector<200x128xi32> to vector<8x128xi32>
    %broadcast_in_dim3A_441 = vector.shape_cast %slice3A_440 : vector<8x128xi32> to vector<8x1x128xi32>
    %add3A_442 = arith.constant 192 : i32
    %add3A_443 = vector.broadcast %add3A_442 : i32 to vector<8x200x128xi32>
    %add3A_444 = arith.addi %iota3A_11, %add3A_443 : vector<8x200x128xi32>
    %lt3A_445 = arith.cmpi slt, %add3A_444, %iota3A : vector<8x200x128xi32>
    %lt3A_446 = vector.broadcast %broadcast_in_dim3A_441 : vector<8x1x128xi32> to vector<8x200x128xi32>
    %lt3A_447 = vector.broadcast %broadcast_in_dim3A_10 : vector<1x200x128xi32> to vector<8x200x128xi32>
    %lt3A_448 = arith.cmpi slt, %lt3A_446, %lt3A_447 : vector<8x200x128xi32>
    %eq3A_449 = vector.broadcast %broadcast_in_dim3A_441 : vector<8x1x128xi32> to vector<8x200x128xi32>
    %eq3A_450 = vector.broadcast %broadcast_in_dim3A_10 : vector<1x200x128xi32> to vector<8x200x128xi32>
    %eq3A_451 = arith.cmpi eq, %eq3A_449, %eq3A_450 : vector<8x200x128xi32>
    %and3A_452 = arith.andi %eq3A_451, %lt3A_445 : vector<8x200x128xi1>
    %or3A_453 = arith.ori %lt3A_448, %and3A_452 : vector<8x200x128xi1>
    %convert_element_type3A_454 = arith.extui %or3A_453 : vector<8x200x128xi1> to vector<8x200x128xi32>
    %reduce_sum3A_455 = arith.constant dense<0> : vector<200x128xi32>
    %reduce_sum3A_456 = vector.multi_reduction <add>, %convert_element_type3A_454, %reduce_sum3A_455 [0] : vector<8x200x128xi32> to vector<200x128xi32>
    %add3A_457 = arith.addi %add3A_439, %reduce_sum3A_456 : vector<200x128xi32>
    %mul3A = arith.constant 128 : i32
    %mul3A_458 = arith.muli %arg0, %mul3A : i32
    %add3A_459 = arith.constant 0 : i32
    %add3A_460 = arith.addi %add3A_459, %mul3A_458 : i32
    %iota3A_461 = tpu.iota {dimensions = array<i32: 1>} : vector<200x128xi32>
    %add3A_462 = vector.broadcast %add3A_460 : i32 to vector<200x128xi32>
    %add3A_463 = arith.addi %add3A_462, %iota3A_461 : vector<200x128xi32>
    %mul3A_464 = arith.constant 200 : i32
    %mul3A_465 = vector.broadcast %mul3A_464 : i32 to vector<200x128xi32>
    %mul3A_466 = arith.muli %add3A_463, %mul3A_465 : vector<200x128xi32>
    %add3A_467 = arith.addi %mul3A_466, %add3A_457 : vector<200x128xi32>
    %swap3A = arith.constant 0 : index
    %swap3A_468 = arith.constant 0 : index
    %swap3A_469 = vector.load %arg2[%swap3A, %swap3A_468] : memref<200x128xi32, #tpu.memory_space<vmem>>, vector<200x128xi32>
    tpu.vector_store %arg2[%swap3A, %swap3A_468], %add3A_467 {strides = array<i32>} : memref<200x128xi32, #tpu.memory_space<vmem>>, vector<200x128xi32>,
    return
  }
  func.func @transform_0(%arg0: i32) -> (i32, i32) {
    %c0_i32 = arith.constant 0 : i32
    %c0_i32_0 = arith.constant 0 : i32
    return %c0_i32, %arg0 : i32, i32
  }
  func.func @transform_1(%arg0: i32) -> (i32, i32) {
    %c0_i32 = arith.constant 0 : i32
    %c0_i32_0 = arith.constant 0 : i32
    return %c0_i32, %arg0 : i32, i32
  }
}

module attributes {stable_mosaic.version = 14 : i64} {
  func.func @body(%arg0: i32, %arg1: memref<200x128xf32, #tpu.memory_space<vmem>>, %arg2: memref<200x128xi32, #tpu.memory_space<vmem>>) attributes {dimension_semantics = [#tpu.dimension_semantics<parallel>], iteration_bounds = array<i64: 32>, scalar_prefetch = 0 : i64, scratch_operands = 0 : i64, tpu.core_type = #tpu.core_type<tc>, window_params = [{transform_indices = @transform_0, window_bounds = array<i64: 200, 128>}, {transform_indices = @transform_1, window_bounds = array<i64: 200, 128>}]} {
    %get3A = arith.constant 0 : index
    %get3A_0 = arith.constant 0 : index
    %get3A_1 = vector.load %arg1[%get3A, %get3A_0] : memref<200x128xf32, #tpu.memory_space<vmem>>, vector<200x128xf32>
    %bitcast_convert_type3A = tpu.bitcast %get3A_1 : vector<200x128xf32> -> vector<200x128xi32>
    %eq3A = arith.constant -2147483648 : i32
    %eq3A_2 = vector.broadcast %eq3A : i32 to vector<200x128xi32>
    %eq3A_3 = arith.cmpi eq, %bitcast_convert_type3A, %eq3A_2 : vector<200x128xi32>
    %jit3A = arith.constant 0 : i32
    %broadcast_in_dim3A = vector.broadcast %jit3A : i32 to vector<200x128xi32>
    %select_n3A = arith.select %eq3A_3, %broadcast_in_dim3A, %bitcast_convert_type3A : vector<200x128xi1>, vector<200x128xi32>
    %lt3A = arith.constant 0 : i32
    %lt3A_4 = vector.broadcast %lt3A : i32 to vector<200x128xi32>
    %lt3A_5 = arith.cmpi slt, %select_n3A, %lt3A_4 : vector<200x128xi32>
    %not3A = arith.constant dense<-1> : vector<200x128xi32>
    %not3A_6 = arith.xori %select_n3A, %not3A : vector<200x128xi32>
    %xor3A = arith.constant -2147483648 : i32
    %xor3A_7 = vector.broadcast %xor3A : i32 to vector<200x128xi32>
    %xor3A_8 = arith.xori %not3A_6, %xor3A_7 : vector<200x128xi32>
    %select_n3A_9 = arith.select %lt3A_5, %xor3A_8, %select_n3A : vector<200x128xi1>, vector<200x128xi32>
    %broadcast_in_dim3A_10 = vector.shape_cast %select_n3A_9 : vector<200x128xi32> to vector<1x200x128xi32>
    %iota3A = tpu.iota {dimensions = array<i32: 1>} : vector<8x200x128xi32>
    %iota3A_11 = tpu.iota {dimensions = array<i32: 0>} : vector<8x200x128xi32>
    %broadcast_in_dim3A_12 = arith.constant 0 : i32
    %broadcast_in_dim3A_13 = vector.broadcast %broadcast_in_dim3A_12 : i32 to vector<200x128xi32>
    %slice3A = vector.extract_strided_slice %select_n3A_9 {offsets = [0, 0], sizes = [8, 128], strides = [1, 1]} : vector<200x128xi32> to vector<8x128xi32>
    %broadcast_in_dim3A_14 = vector.shape_cast %slice3A : vector<8x128xi32> to vector<8x1x128xi32>
    %add3A = arith.constant 0 : i32
    %add3A_15 = vector.broadcast %add3A : i32 to vector<8x200x128xi32>
    %add3A_16 = arith.addi %iota3A_11, %add3A_15 : vector<8x200x128xi32>
    %lt3A_17 = arith.cmpi slt, %add3A_16, %iota3A : vector<8x200x128xi32>
    %lt3A_18 = vector.broadcast %broadcast_in_dim3A_14 : vector<8x1x128xi32> to vector<8x200x128xi32>
    %lt3A_19 = vector.broadcast %broadcast_in_dim3A_10 : vector<1x200x128xi32> to vector<8x200x128xi32>
    %lt3A_20 = arith.cmpi slt, %lt3A_18, %lt3A_19 : vector<8x200x128xi32>
    %eq3A_21 = vector.broadcast %broadcast_in_dim3A_14 : vector<8x1x128xi32> to vector<8x200x128xi32>
    %eq3A_22 = vector.broadcast %broadcast_in_dim3A_10 : vector<1x200x128xi32> to vector<8x200x128xi32>
    %eq3A_23 = arith.cmpi eq, %eq3A_21, %eq3A_22 : vector<8x200x128xi32>
    %and3A = arith.andi %eq3A_23, %lt3A_17 : vector<8x200x128xi1>
    %or3A = arith.ori %lt3A_20, %and3A : vector<8x200x128xi1>
    %convert_element_type3A = arith.extui %or3A : vector<8x200x128xi1> to vector<8x200x128xi32>
    %reduce_sum3A = arith.constant dense<0> : vector<200x128xi32>
    %reduce_sum3A_24 = vector.multi_reduction <add>, %convert_element_type3A, %reduce_sum3A [0] : vector<8x200x128xi32> to vector<200x128xi32>
    %add3A_25 = arith.addi %broadcast_in_dim3A_13, %reduce_sum3A_24 : vector<200x128xi32>
    %slice3A_26 = vector.extract_strided_slice %select_n3A_9 {offsets = [8, 0], sizes = [8, 128], strides = [1, 1]} : vector<200x128xi32> to vector<8x128xi32>
    %broadcast_in_dim3A_27 = vector.shape_cast %slice3A_26 : vector<8x128xi32> to vector<8x1x128xi32>
    %add3A_28 = arith.constant 8 : i32
    %add3A_29 = vector.broadcast %add3A_28 : i32 to vector<8x200x128xi32>
    %add3A_30 = arith.addi %iota3A_11, %add3A_29 : vector<8x200x128xi32>
    %lt3A_31 = arith.cmpi slt, %add3A_30, %iota3A : vector<8x200x128xi32>
    %lt3A_32 = vector.broadcast %broadcast_in_dim3A_27 : vector<8x1x128xi32> to vector<8x200x128xi32>
    %lt3A_33 = vector.broadcast %broadcast_in_dim3A_10 : vector<1x200x128xi32> to vector<8x200x128xi32>
    %lt3A_34 = arith.cmpi slt, %lt3A_32, %lt3A_33 : vector<8x200x128xi32>
    %eq3A_35 = vector.broadcast %broadcast_in_dim3A_27 : vector<8x1x128xi32> to vector<8x200x128xi32>
    %eq3A_36 = vector.broadcast %broadcast_in_dim3A_10 : vector<1x200x128xi32> to vector<8x200x128xi32>
    %eq3A_37 = arith.cmpi eq, %eq3A_35, %eq3A_36 : vector<8x200x128xi32>
    %and3A_38 = arith.andi %eq3A_37, %lt3A_31 : vector<8x200x128xi1>
    %or3A_39 = arith.ori %lt3A_34, %and3A_38 : vector<8x200x128xi1>
    %convert_element_type3A_40 = arith.extui %or3A_39 : vector<8x200x128xi1> to vector<8x200x128xi32>
    %reduce_sum3A_41 = arith.constant dense<0> : vector<200x128xi32>
    %reduce_sum3A_42 = vector.multi_reduction <add>, %convert_element_type3A_40, %reduce_sum3A_41 [0] : vector<8x200x128xi32> to vector<200x128xi32>
    %add3A_43 = arith.addi %add3A_25, %reduce_sum3A_42 : vector<200x128xi32>
    %slice3A_44 = vector.extract_strided_slice %select_n3A_9 {offsets = [16, 0], sizes = [8, 128], strides = [1, 1]} : vector<200x128xi32> to vector<8x128xi32>
    %broadcast_in_dim3A_45 = vector.shape_cast %slice3A_44 : vector<8x128xi32> to vector<8x1x128xi32>
    %add3A_46 = arith.constant 16 : i32
    %add3A_47 = vector.broadcast %add3A_46 : i32 to vector<8x200x128xi32>
    %add3A_48 = arith.addi %iota3A_11, %add3A_47 : vector<8x200x128xi32>
    %lt3A_49 = arith.cmpi slt, %add3A_48, %iota3A : vector<8x200x128xi32>
    %lt3A_50 = vector.broadcast %broadcast_in_dim3A_45 : vector<8x1x128xi32> to vector<8x200x128xi32>
    %lt3A_51 = vector.broadcast %broadcast_in_dim3A_10 : vector<1x200x128xi32> to vector<8x200x128xi32>
    %lt3A_52 = arith.cmpi slt, %lt3A_50, %lt3A_51 : vector<8x200x128xi32>
    %eq3A_53 = vector.broadcast %broadcast_in_dim3A_45 : vector<8x1x128xi32> to vector<8x200x128xi32>
    %eq3A_54 = vector.broadcast %broadcast_in_dim3A_10 : vector<1x200x128xi32> to vector<8x200x128xi32>
    %eq3A_55 = arith.cmpi eq, %eq3A_53, %eq3A_54 : vector<8x200x128xi32>
    %and3A_56 = arith.andi %eq3A_55, %lt3A_49 : vector<8x200x128xi1>
    %or3A_57 = arith.ori %lt3A_52, %and3A_56 : vector<8x200x128xi1>
    %convert_element_type3A_58 = arith.extui %or3A_57 : vector<8x200x128xi1> to vector<8x200x128xi32>
    %reduce_sum3A_59 = arith.constant dense<0> : vector<200x128xi32>
    %reduce_sum3A_60 = vector.multi_reduction <add>, %convert_element_type3A_58, %reduce_sum3A_59 [0] : vector<8x200x128xi32> to vector<200x128xi32>
    %add3A_61 = arith.addi %add3A_43, %reduce_sum3A_60 : vector<200x128xi32>
    %slice3A_62 = vector.extract_strided_slice %select_n3A_9 {offsets = [24, 0], sizes = [8, 128], strides = [1, 1]} : vector<200x128xi32> to vector<8x128xi32>
    %broadcast_in_dim3A_63 = vector.shape_cast %slice3A_62 : vector<8x128xi32> to vector<8x1x128xi32>
    %add3A_64 = arith.constant 24 : i32
    %add3A_65 = vector.broadcast %add3A_64 : i32 to vector<8x200x128xi32>
    %add3A_66 = arith.addi %iota3A_11, %add3A_65 : vector<8x200x128xi32>
    %lt3A_67 = arith.cmpi slt, %add3A_66, %iota3A : vector<8x200x128xi32>
    %lt3A_68 = vector.broadcast %broadcast_in_dim3A_63 : vector<8x1x128xi32> to vector<8x200x128xi32>
    %lt3A_69 = vector.broadcast %broadcast_in_dim3A_10 : vector<1x200x128xi32> to vector<8x200x128xi32>
    %lt3A_70 = arith.cmpi slt, %lt3A_68, %lt3A_69 : vector<8x200x128xi32>
    %eq3A_71 = vector.broadcast %broadcast_in_dim3A_63 : vector<8x1x128xi32> to vector<8x200x128xi32>
    %eq3A_72 = vector.broadcast %broadcast_in_dim3A_10 : vector<1x200x128xi32> to vector<8x200x128xi32>
    %eq3A_73 = arith.cmpi eq, %eq3A_71, %eq3A_72 : vector<8x200x128xi32>
    %and3A_74 = arith.andi %eq3A_73, %lt3A_67 : vector<8x200x128xi1>
    %or3A_75 = arith.ori %lt3A_70, %and3A_74 : vector<8x200x128xi1>
    %convert_element_type3A_76 = arith.extui %or3A_75 : vector<8x200x128xi1> to vector<8x200x128xi32>
    %reduce_sum3A_77 = arith.constant dense<0> : vector<200x128xi32>
    %reduce_sum3A_78 = vector.multi_reduction <add>, %convert_element_type3A_76, %reduce_sum3A_77 [0] : vector<8x200x128xi32> to vector<200x128xi32>
    %add3A_79 = arith.addi %add3A_61, %reduce_sum3A_78 : vector<200x128xi32>
    %slice3A_80 = vector.extract_strided_slice %select_n3A_9 {offsets = [32, 0], sizes = [8, 128], strides = [1, 1]} : vector<200x128xi32> to vector<8x128xi32>
    %broadcast_in_dim3A_81 = vector.shape_cast %slice3A_80 : vector<8x128xi32> to vector<8x1x128xi32>
    %add3A_82 = arith.constant 32 : i32
    %add3A_83 = vector.broadcast %add3A_82 : i32 to vector<8x200x128xi32>
    %add3A_84 = arith.addi %iota3A_11, %add3A_83 : vector<8x200x128xi32>
    %lt3A_85 = arith.cmpi slt, %add3A_84, %iota3A : vector<8x200x128xi32>
    %lt3A_86 = vector.broadcast %broadcast_in_dim3A_81 : vector<8x1x128xi32> to vector<8x200x128xi32>
    %lt3A_87 = vector.broadcast %broadcast_in_dim3A_10 : vector<1x200x128xi32> to vector<8x200x128xi32>
    %lt3A_88 = arith.cmpi slt, %lt3A_86, %lt3A_87 : vector<8x200x128xi32>
    %eq3A_89 = vector.broadcast %broadcast_in_dim3A_81 : vector<8x1x128xi32> to vector<8x200x128xi32>
    %eq3A_90 = vector.broadcast %broadcast_in_dim3A_10 : vector<1x200x128xi32> to vector<8x200x128xi32>
    %eq3A_91 = arith.cmpi eq, %eq3A_89, %eq3A_90 : vector<8x200x128xi32>
    %and3A_92 = arith.andi %eq3A_91, %lt3A_85 : vector<8x200x128xi1>
    %or3A_93 = arith.ori %lt3A_88, %and3A_92 : vector<8x200x128xi1>
    %convert_element_type3A_94 = arith.extui %or3A_93 : vector<8x200x128xi1> to vector<8x200x128xi32>
    %reduce_sum3A_95 = arith.constant dense<0> : vector<200x128xi32>
    %reduce_sum3A_96 = vector.multi_reduction <add>, %convert_element_type3A_94, %reduce_sum3A_95 [0] : vector<8x200x128xi32> to vector<200x128xi32>
    %add3A_97 = arith.addi %add3A_79, %reduce_sum3A_96 : vector<200x128xi32>
    %slice3A_98 = vector.extract_strided_slice %select_n3A_9 {offsets = [40, 0], sizes = [8, 128], strides = [1, 1]} : vector<200x128xi32> to vector<8x128xi32>
    %broadcast_in_dim3A_99 = vector.shape_cast %slice3A_98 : vector<8x128xi32> to vector<8x1x128xi32>
    %add3A_100 = arith.constant 40 : i32
    %add3A_101 = vector.broadcast %add3A_100 : i32 to vector<8x200x128xi32>
    %add3A_102 = arith.addi %iota3A_11, %add3A_101 : vector<8x200x128xi32>
    %lt3A_103 = arith.cmpi slt, %add3A_102, %iota3A : vector<8x200x128xi32>
    %lt3A_104 = vector.broadcast %broadcast_in_dim3A_99 : vector<8x1x128xi32> to vector<8x200x128xi32>
    %lt3A_105 = vector.broadcast %broadcast_in_dim3A_10 : vector<1x200x128xi32> to vector<8x200x128xi32>
    %lt3A_106 = arith.cmpi slt, %lt3A_104, %lt3A_105 : vector<8x200x128xi32>
    %eq3A_107 = vector.broadcast %broadcast_in_dim3A_99 : vector<8x1x128xi32> to vector<8x200x128xi32>
    %eq3A_108 = vector.broadcast %broadcast_in_dim3A_10 : vector<1x200x128xi32> to vector<8x200x128xi32>
    %eq3A_109 = arith.cmpi eq, %eq3A_107, %eq3A_108 : vector<8x200x128xi32>
    %and3A_110 = arith.andi %eq3A_109, %lt3A_103 : vector<8x200x128xi1>
    %or3A_111 = arith.ori %lt3A_106, %and3A_110 : vector<8x200x128xi1>
    %convert_element_type3A_112 = arith.extui %or3A_111 : vector<8x200x128xi1> to vector<8x200x128xi32>
    %reduce_sum3A_113 = arith.constant dense<0> : vector<200x128xi32>
    %reduce_sum3A_114 = vector.multi_reduction <add>, %convert_element_type3A_112, %reduce_sum3A_113 [0] : vector<8x200x128xi32> to vector<200x128xi32>
    %add3A_115 = arith.addi %add3A_97, %reduce_sum3A_114 : vector<200x128xi32>
    %slice3A_116 = vector.extract_strided_slice %select_n3A_9 {offsets = [48, 0], sizes = [8, 128], strides = [1, 1]} : vector<200x128xi32> to vector<8x128xi32>
    %broadcast_in_dim3A_117 = vector.shape_cast %slice3A_116 : vector<8x128xi32> to vector<8x1x128xi32>
    %add3A_118 = arith.constant 48 : i32
    %add3A_119 = vector.broadcast %add3A_118 : i32 to vector<8x200x128xi32>
    %add3A_120 = arith.addi %iota3A_11, %add3A_119 : vector<8x200x128xi32>
    %lt3A_121 = arith.cmpi slt, %add3A_120, %iota3A : vector<8x200x128xi32>
    %lt3A_122 = vector.broadcast %broadcast_in_dim3A_117 : vector<8x1x128xi32> to vector<8x200x128xi32>
    %lt3A_123 = vector.broadcast %broadcast_in_dim3A_10 : vector<1x200x128xi32> to vector<8x200x128xi32>
    %lt3A_124 = arith.cmpi slt, %lt3A_122, %lt3A_123 : vector<8x200x128xi32>
    %eq3A_125 = vector.broadcast %broadcast_in_dim3A_117 : vector<8x1x128xi32> to vector<8x200x128xi32>
    %eq3A_126 = vector.broadcast %broadcast_in_dim3A_10 : vector<1x200x128xi32> to vector<8x200x128xi32>
    %eq3A_127 = arith.cmpi eq, %eq3A_125, %eq3A_126 : vector<8x200x128xi32>
    %and3A_128 = arith.andi %eq3A_127, %lt3A_121 : vector<8x200x128xi1>
    %or3A_129 = arith.ori %lt3A_124, %and3A_128 : vector<8x200x128xi1>
    %convert_element_type3A_130 = arith.extui %or3A_129 : vector<8x200x128xi1> to vector<8x200x128xi32>
    %reduce_sum3A_131 = arith.constant dense<0> : vector<200x128xi32>
    %reduce_sum3A_132 = vector.multi_reduction <add>, %convert_element_type3A_130, %reduce_sum3A_131 [0] : vector<8x200x128xi32> to vector<200x128xi32>
    %add3A_133 = arith.addi %add3A_115, %reduce_sum3A_132 : vector<200x128xi32>
    %slice3A_134 = vector.extract_strided_slice %select_n3A_9 {offsets = [56, 0], sizes = [8, 128], strides = [1, 1]} : vector<200x128xi32> to vector<8x128xi32>
    %broadcast_in_dim3A_135 = vector.shape_cast %slice3A_134 : vector<8x128xi32> to vector<8x1x128xi32>
    %add3A_136 = arith.constant 56 : i32
    %add3A_137 = vector.broadcast %add3A_136 : i32 to vector<8x200x128xi32>
    %add3A_138 = arith.addi %iota3A_11, %add3A_137 : vector<8x200x128xi32>
    %lt3A_139 = arith.cmpi slt, %add3A_138, %iota3A : vector<8x200x128xi32>
    %lt3A_140 = vector.broadcast %broadcast_in_dim3A_135 : vector<8x1x128xi32> to vector<8x200x128xi32>
    %lt3A_141 = vector.broadcast %broadcast_in_dim3A_10 : vector<1x200x128xi32> to vector<8x200x128xi32>
    %lt3A_142 = arith.cmpi slt, %lt3A_140, %lt3A_141 : vector<8x200x128xi32>
    %eq3A_143 = vector.broadcast %broadcast_in_dim3A_135 : vector<8x1x128xi32> to vector<8x200x128xi32>
    %eq3A_144 = vector.broadcast %broadcast_in_dim3A_10 : vector<1x200x128xi32> to vector<8x200x128xi32>
    %eq3A_145 = arith.cmpi eq, %eq3A_143, %eq3A_144 : vector<8x200x128xi32>
    %and3A_146 = arith.andi %eq3A_145, %lt3A_139 : vector<8x200x128xi1>
    %or3A_147 = arith.ori %lt3A_142, %and3A_146 : vector<8x200x128xi1>
    %convert_element_type3A_148 = arith.extui %or3A_147 : vector<8x200x128xi1> to vector<8x200x128xi32>
    %reduce_sum3A_149 = arith.constant dense<0> : vector<200x128xi32>
    %reduce_sum3A_150 = vector.multi_reduction <add>, %convert_element_type3A_148, %reduce_sum3A_149 [0] : vector<8x200x128xi32> to vector<200x128xi32>
    %add3A_151 = arith.addi %add3A_133, %reduce_sum3A_150 : vector<200x128xi32>
    %slice3A_152 = vector.extract_strided_slice %select_n3A_9 {offsets = [64, 0], sizes = [8, 128], strides = [1, 1]} : vector<200x128xi32> to vector<8x128xi32>
    %broadcast_in_dim3A_153 = vector.shape_cast %slice3A_152 : vector<8x128xi32> to vector<8x1x128xi32>
    %add3A_154 = arith.constant 64 : i32
    %add3A_155 = vector.broadcast %add3A_154 : i32 to vector<8x200x128xi32>
    %add3A_156 = arith.addi %iota3A_11, %add3A_155 : vector<8x200x128xi32>
    %lt3A_157 = arith.cmpi slt, %add3A_156, %iota3A : vector<8x200x128xi32>
    %lt3A_158 = vector.broadcast %broadcast_in_dim3A_153 : vector<8x1x128xi32> to vector<8x200x128xi32>
    %lt3A_159 = vector.broadcast %broadcast_in_dim3A_10 : vector<1x200x128xi32> to vector<8x200x128xi32>
    %lt3A_160 = arith.cmpi slt, %lt3A_158, %lt3A_159 : vector<8x200x128xi32>
    %eq3A_161 = vector.broadcast %broadcast_in_dim3A_153 : vector<8x1x128xi32> to vector<8x200x128xi32>
    %eq3A_162 = vector.broadcast %broadcast_in_dim3A_10 : vector<1x200x128xi32> to vector<8x200x128xi32>
    %eq3A_163 = arith.cmpi eq, %eq3A_161, %eq3A_162 : vector<8x200x128xi32>
    %and3A_164 = arith.andi %eq3A_163, %lt3A_157 : vector<8x200x128xi1>
    %or3A_165 = arith.ori %lt3A_160, %and3A_164 : vector<8x200x128xi1>
    %convert_element_type3A_166 = arith.extui %or3A_165 : vector<8x200x128xi1> to vector<8x200x128xi32>
    %reduce_sum3A_167 = arith.constant dense<0> : vector<200x128xi32>
    %reduce_sum3A_168 = vector.multi_reduction <add>, %convert_element_type3A_166, %reduce_sum3A_167 [0] : vector<8x200x128xi32> to vector<200x128xi32>
    %add3A_169 = arith.addi %add3A_151, %reduce_sum3A_168 : vector<200x128xi32>
    %slice3A_170 = vector.extract_strided_slice %select_n3A_9 {offsets = [72, 0], sizes = [8, 128], strides = [1, 1]} : vector<200x128xi32> to vector<8x128xi32>
    %broadcast_in_dim3A_171 = vector.shape_cast %slice3A_170 : vector<8x128xi32> to vector<8x1x128xi32>
    %add3A_172 = arith.constant 72 : i32
    %add3A_173 = vector.broadcast %add3A_172 : i32 to vector<8x200x128xi32>
    %add3A_174 = arith.addi %iota3A_11, %add3A_173 : vector<8x200x128xi32>
    %lt3A_175 = arith.cmpi slt, %add3A_174, %iota3A : vector<8x200x128xi32>
    %lt3A_176 = vector.broadcast %broadcast_in_dim3A_171 : vector<8x1x128xi32> to vector<8x200x128xi32>
    %lt3A_177 = vector.broadcast %broadcast_in_dim3A_10 : vector<1x200x128xi32> to vector<8x200x128xi32>
    %lt3A_178 = arith.cmpi slt, %lt3A_176, %lt3A_177 : vector<8x200x128xi32>
    %eq3A_179 = vector.broadcast %broadcast_in_dim3A_171 : vector<8x1x128xi32> to vector<8x200x128xi32>
    %eq3A_180 = vector.broadcast %broadcast_in_dim3A_10 : vector<1x200x128xi32> to vector<8x200x128xi32>
    %eq3A_181 = arith.cmpi eq, %eq3A_179, %eq3A_180 : vector<8x200x128xi32>
    %and3A_182 = arith.andi %eq3A_181, %lt3A_175 : vector<8x200x128xi1>
    %or3A_183 = arith.ori %lt3A_178, %and3A_182 : vector<8x200x128xi1>
    %convert_element_type3A_184 = arith.extui %or3A_183 : vector<8x200x128xi1> to vector<8x200x128xi32>
    %reduce_sum3A_185 = arith.constant dense<0> : vector<200x128xi32>
    %reduce_sum3A_186 = vector.multi_reduction <add>, %convert_element_type3A_184, %reduce_sum3A_185 [0] : vector<8x200x128xi32> to vector<200x128xi32>
    %add3A_187 = arith.addi %add3A_169, %reduce_sum3A_186 : vector<200x128xi32>
    %slice3A_188 = vector.extract_strided_slice %select_n3A_9 {offsets = [80, 0], sizes = [8, 128], strides = [1, 1]} : vector<200x128xi32> to vector<8x128xi32>
    %broadcast_in_dim3A_189 = vector.shape_cast %slice3A_188 : vector<8x128xi32> to vector<8x1x128xi32>
    %add3A_190 = arith.constant 80 : i32
    %add3A_191 = vector.broadcast %add3A_190 : i32 to vector<8x200x128xi32>
    %add3A_192 = arith.addi %iota3A_11, %add3A_191 : vector<8x200x128xi32>
    %lt3A_193 = arith.cmpi slt, %add3A_192, %iota3A : vector<8x200x128xi32>
    %lt3A_194 = vector.broadcast %broadcast_in_dim3A_189 : vector<8x1x128xi32> to vector<8x200x128xi32>
    %lt3A_195 = vector.broadcast %broadcast_in_dim3A_10 : vector<1x200x128xi32> to vector<8x200x128xi32>
    %lt3A_196 = arith.cmpi slt, %lt3A_194, %lt3A_195 : vector<8x200x128xi32>
    %eq3A_197 = vector.broadcast %broadcast_in_dim3A_189 : vector<8x1x128xi32> to vector<8x200x128xi32>
    %eq3A_198 = vector.broadcast %broadcast_in_dim3A_10 : vector<1x200x128xi32> to vector<8x200x128xi32>
    %eq3A_199 = arith.cmpi eq, %eq3A_197, %eq3A_198 : vector<8x200x128xi32>
    %and3A_200 = arith.andi %eq3A_199, %lt3A_193 : vector<8x200x128xi1>
    %or3A_201 = arith.ori %lt3A_196, %and3A_200 : vector<8x200x128xi1>
    %convert_element_type3A_202 = arith.extui %or3A_201 : vector<8x200x128xi1> to vector<8x200x128xi32>
    %reduce_sum3A_203 = arith.constant dense<0> : vector<200x128xi32>
    %reduce_sum3A_204 = vector.multi_reduction <add>, %convert_element_type3A_202, %reduce_sum3A_203 [0] : vector<8x200x128xi32> to vector<200x128xi32>
    %add3A_205 = arith.addi %add3A_187, %reduce_sum3A_204 : vector<200x128xi32>
    %slice3A_206 = vector.extract_strided_slice %select_n3A_9 {offsets = [88, 0], sizes = [8, 128], strides = [1, 1]} : vector<200x128xi32> to vector<8x128xi32>
    %broadcast_in_dim3A_207 = vector.shape_cast %slice3A_206 : vector<8x128xi32> to vector<8x1x128xi32>
    %add3A_208 = arith.constant 88 : i32
    %add3A_209 = vector.broadcast %add3A_208 : i32 to vector<8x200x128xi32>
    %add3A_210 = arith.addi %iota3A_11, %add3A_209 : vector<8x200x128xi32>
    %lt3A_211 = arith.cmpi slt, %add3A_210, %iota3A : vector<8x200x128xi32>
    %lt3A_212 = vector.broadcast %broadcast_in_dim3A_207 : vector<8x1x128xi32> to vector<8x200x128xi32>
    %lt3A_213 = vector.broadcast %broadcast_in_dim3A_10 : vector<1x200x128xi32> to vector<8x200x128xi32>
    %lt3A_214 = arith.cmpi slt, %lt3A_212, %lt3A_213 : vector<8x200x128xi32>
    %eq3A_215 = vector.broadcast %broadcast_in_dim3A_207 : vector<8x1x128xi32> to vector<8x200x128xi32>
    %eq3A_216 = vector.broadcast %broadcast_in_dim3A_10 : vector<1x200x128xi32> to vector<8x200x128xi32>
    %eq3A_217 = arith.cmpi eq, %eq3A_215, %eq3A_216 : vector<8x200x128xi32>
    %and3A_218 = arith.andi %eq3A_217, %lt3A_211 : vector<8x200x128xi1>
    %or3A_219 = arith.ori %lt3A_214, %and3A_218 : vector<8x200x128xi1>
    %convert_element_type3A_220 = arith.extui %or3A_219 : vector<8x200x128xi1> to vector<8x200x128xi32>
    %reduce_sum3A_221 = arith.constant dense<0> : vector<200x128xi32>
    %reduce_sum3A_222 = vector.multi_reduction <add>, %convert_element_type3A_220, %reduce_sum3A_221 [0] : vector<8x200x128xi32> to vector<200x128xi32>
    %add3A_223 = arith.addi %add3A_205, %reduce_sum3A_222 : vector<200x128xi32>
    %slice3A_224 = vector.extract_strided_slice %select_n3A_9 {offsets = [96, 0], sizes = [8, 128], strides = [1, 1]} : vector<200x128xi32> to vector<8x128xi32>
    %broadcast_in_dim3A_225 = vector.shape_cast %slice3A_224 : vector<8x128xi32> to vector<8x1x128xi32>
    %add3A_226 = arith.constant 96 : i32
    %add3A_227 = vector.broadcast %add3A_226 : i32 to vector<8x200x128xi32>
    %add3A_228 = arith.addi %iota3A_11, %add3A_227 : vector<8x200x128xi32>
    %lt3A_229 = arith.cmpi slt, %add3A_228, %iota3A : vector<8x200x128xi32>
    %lt3A_230 = vector.broadcast %broadcast_in_dim3A_225 : vector<8x1x128xi32> to vector<8x200x128xi32>
    %lt3A_231 = vector.broadcast %broadcast_in_dim3A_10 : vector<1x200x128xi32> to vector<8x200x128xi32>
    %lt3A_232 = arith.cmpi slt, %lt3A_230, %lt3A_231 : vector<8x200x128xi32>
    %eq3A_233 = vector.broadcast %broadcast_in_dim3A_225 : vector<8x1x128xi32> to vector<8x200x128xi32>
    %eq3A_234 = vector.broadcast %broadcast_in_dim3A_10 : vector<1x200x128xi32> to vector<8x200x128xi32>
    %eq3A_235 = arith.cmpi eq, %eq3A_233, %eq3A_234 : vector<8x200x128xi32>
    %and3A_236 = arith.andi %eq3A_235, %lt3A_229 : vector<8x200x128xi1>
    %or3A_237 = arith.ori %lt3A_232, %and3A_236 : vector<8x200x128xi1>
    %convert_element_type3A_238 = arith.extui %or3A_237 : vector<8x200x128xi1> to vector<8x200x128xi32>
    %reduce_sum3A_239 = arith.constant dense<0> : vector<200x128xi32>
    %reduce_sum3A_240 = vector.multi_reduction <add>, %convert_element_type3A_238, %reduce_sum3A_239 [0] : vector<8x200x128xi32> to vector<200x128xi32>
    %add3A_241 = arith.addi %add3A_223, %reduce_sum3A_240 : vector<200x128xi32>
    %slice3A_242 = vector.extract_strided_slice %select_n3A_9 {offsets = [104, 0], sizes = [8, 128], strides = [1, 1]} : vector<200x128xi32> to vector<8x128xi32>
    %broadcast_in_dim3A_243 = vector.shape_cast %slice3A_242 : vector<8x128xi32> to vector<8x1x128xi32>
    %add3A_244 = arith.constant 104 : i32
    %add3A_245 = vector.broadcast %add3A_244 : i32 to vector<8x200x128xi32>
    %add3A_246 = arith.addi %iota3A_11, %add3A_245 : vector<8x200x128xi32>
    %lt3A_247 = arith.cmpi slt, %add3A_246, %iota3A : vector<8x200x128xi32>
    %lt3A_248 = vector.broadcast %broadcast_in_dim3A_243 : vector<8x1x128xi32> to vector<8x200x128xi32>
    %lt3A_249 = vector.broadcast %broadcast_in_dim3A_10 : vector<1x200x128xi32> to vector<8x200x128xi32>
    %lt3A_250 = arith.cmpi slt, %lt3A_248, %lt3A_249 : vector<8x200x128xi32>
    %eq3A_251 = vector.broadcast %broadcast_in_dim3A_243 : vector<8x1x128xi32> to vector<8x200x128xi32>
    %eq3A_252 = vector.broadcast %broadcast_in_dim3A_10 : vector<1x200x128xi32> to vector<8x200x128xi32>
    %eq3A_253 = arith.cmpi eq, %eq3A_251, %eq3A_252 : vector<8x200x128xi32>
    %and3A_254 = arith.andi %eq3A_253, %lt3A_247 : vector<8x200x128xi1>
    %or3A_255 = arith.ori %lt3A_250, %and3A_254 : vector<8x200x128xi1>
    %convert_element_type3A_256 = arith.extui %or3A_255 : vector<8x200x128xi1> to vector<8x200x128xi32>
    %reduce_sum3A_257 = arith.constant dense<0> : vector<200x128xi32>
    %reduce_sum3A_258 = vector.multi_reduction <add>, %convert_element_type3A_256, %reduce_sum3A_257 [0] : vector<8x200x128xi32> to vector<200x128xi32>
    %add3A_259 = arith.addi %add3A_241, %reduce_sum3A_258 : vector<200x128xi32>
    %slice3A_260 = vector.extract_strided_slice %select_n3A_9 {offsets = [112, 0], sizes = [8, 128], strides = [1, 1]} : vector<200x128xi32> to vector<8x128xi32>
    %broadcast_in_dim3A_261 = vector.shape_cast %slice3A_260 : vector<8x128xi32> to vector<8x1x128xi32>
    %add3A_262 = arith.constant 112 : i32
    %add3A_263 = vector.broadcast %add3A_262 : i32 to vector<8x200x128xi32>
    %add3A_264 = arith.addi %iota3A_11, %add3A_263 : vector<8x200x128xi32>
    %lt3A_265 = arith.cmpi slt, %add3A_264, %iota3A : vector<8x200x128xi32>
    %lt3A_266 = vector.broadcast %broadcast_in_dim3A_261 : vector<8x1x128xi32> to vector<8x200x128xi32>
    %lt3A_267 = vector.broadcast %broadcast_in_dim3A_10 : vector<1x200x128xi32> to vector<8x200x128xi32>
    %lt3A_268 = arith.cmpi slt, %lt3A_266, %lt3A_267 : vector<8x200x128xi32>
    %eq3A_269 = vector.broadcast %broadcast_in_dim3A_261 : vector<8x1x128xi32> to vector<8x200x128xi32>
    %eq3A_270 = vector.broadcast %broadcast_in_dim3A_10 : vector<1x200x128xi32> to vector<8x200x128xi32>
    %eq3A_271 = arith.cmpi eq, %eq3A_269, %eq3A_270 : vector<8x200x128xi32>
    %and3A_272 = arith.andi %eq3A_271, %lt3A_265 : vector<8x200x128xi1>
    %or3A_273 = arith.ori %lt3A_268, %and3A_272 : vector<8x200x128xi1>
    %convert_element_type3A_274 = arith.extui %or3A_273 : vector<8x200x128xi1> to vector<8x200x128xi32>
    %reduce_sum3A_275 = arith.constant dense<0> : vector<200x128xi32>
    %reduce_sum3A_276 = vector.multi_reduction <add>, %convert_element_type3A_274, %reduce_sum3A_275 [0] : vector<8x200x128xi32> to vector<200x128xi32>
    %add3A_277 = arith.addi %add3A_259, %reduce_sum3A_276 : vector<200x128xi32>
    %slice3A_278 = vector.extract_strided_slice %select_n3A_9 {offsets = [120, 0], sizes = [8, 128], strides = [1, 1]} : vector<200x128xi32> to vector<8x128xi32>
    %broadcast_in_dim3A_279 = vector.shape_cast %slice3A_278 : vector<8x128xi32> to vector<8x1x128xi32>
    %add3A_280 = arith.constant 120 : i32
    %add3A_281 = vector.broadcast %add3A_280 : i32 to vector<8x200x128xi32>
    %add3A_282 = arith.addi %iota3A_11, %add3A_281 : vector<8x200x128xi32>
    %lt3A_283 = arith.cmpi slt, %add3A_282, %iota3A : vector<8x200x128xi32>
    %lt3A_284 = vector.broadcast %broadcast_in_dim3A_279 : vector<8x1x128xi32> to vector<8x200x128xi32>
    %lt3A_285 = vector.broadcast %broadcast_in_dim3A_10 : vector<1x200x128xi32> to vector<8x200x128xi32>
    %lt3A_286 = arith.cmpi slt, %lt3A_284, %lt3A_285 : vector<8x200x128xi32>
    %eq3A_287 = vector.broadcast %broadcast_in_dim3A_279 : vector<8x1x128xi32> to vector<8x200x128xi32>
    %eq3A_288 = vector.broadcast %broadcast_in_dim3A_10 : vector<1x200x128xi32> to vector<8x200x128xi32>
    %eq3A_289 = arith.cmpi eq, %eq3A_287, %eq3A_288 : vector<8x200x128xi32>
    %and3A_290 = arith.andi %eq3A_289, %lt3A_283 : vector<8x200x128xi1>
    %or3A_291 = arith.ori %lt3A_286, %and3A_290 : vector<8x200x128xi1>
    %convert_element_type3A_292 = arith.extui %or3A_291 : vector<8x200x128xi1> to vector<8x200x128xi32>
    %reduce_sum3A_293 = arith.constant dense<0> : vector<200x128xi32>
    %reduce_sum3A_294 = vector.multi_reduction <add>, %convert_element_type3A_292, %reduce_sum3A_293 [0] : vector<8x200x128xi32> to vector<200x128xi32>
    %add3A_295 = arith.addi %add3A_277, %reduce_sum3A_294 : vector<200x128xi32>
    %slice3A_296 = vector.extract_strided_slice %select_n3A_9 {offsets = [128, 0], sizes = [8, 128], strides = [1, 1]} : vector<200x128xi32> to vector<8x128xi32>
    %broadcast_in_dim3A_297 = vector.shape_cast %slice3A_296 : vector<8x128xi32> to vector<8x1x128xi32>
    %add3A_298 = arith.constant 128 : i32
    %add3A_299 = vector.broadcast %add3A_298 : i32 to vector<8x200x128xi32>
    %add3A_300 = arith.addi %iota3A_11, %add3A_299 : vector<8x200x128xi32>
    %lt3A_301 = arith.cmpi slt, %add3A_300, %iota3A : vector<8x200x128xi32>
    %lt3A_302 = vector.broadcast %broadcast_in_dim3A_297 : vector<8x1x128xi32> to vector<8x200x128xi32>
    %lt3A_303 = vector.broadcast %broadcast_in_dim3A_10 : vector<1x200x128xi32> to vector<8x200x128xi32>
    %lt3A_304 = arith.cmpi slt, %lt3A_302, %lt3A_303 : vector<8x200x128xi32>
    %eq3A_305 = vector.broadcast %broadcast_in_dim3A_297 : vector<8x1x128xi32> to vector<8x200x128xi32>
    %eq3A_306 = vector.broadcast %broadcast_in_dim3A_10 : vector<1x200x128xi32> to vector<8x200x128xi32>
    %eq3A_307 = arith.cmpi eq, %eq3A_305, %eq3A_306 : vector<8x200x128xi32>
    %and3A_308 = arith.andi %eq3A_307, %lt3A_301 : vector<8x200x128xi1>
    %or3A_309 = arith.ori %lt3A_304, %and3A_308 : vector<8x200x128xi1>
    %convert_element_type3A_310 = arith.extui %or3A_309 : vector<8x200x128xi1> to vector<8x200x128xi32>
    %reduce_sum3A_311 = arith.constant dense<0> : vector<200x128xi32>
    %reduce_sum3A_312 = vector.multi_reduction <add>, %convert_element_type3A_310, %reduce_sum3A_311 [0] : vector<8x200x128xi32> to vector<200x128xi32>
    %add3A_313 = arith.addi %add3A_295, %reduce_sum3A_312 : vector<200x128xi32>
    %slice3A_314 = vector.extract_strided_slice %select_n3A_9 {offsets = [136, 0], sizes = [8, 128], strides = [1, 1]} : vector<200x128xi32> to vector<8x128xi32>
    %broadcast_in_dim3A_315 = vector.shape_cast %slice3A_314 : vector<8x128xi32> to vector<8x1x128xi32>
    %add3A_316 = arith.constant 136 : i32
    %add3A_317 = vector.broadcast %add3A_316 : i32 to vector<8x200x128xi32>
    %add3A_318 = arith.addi %iota3A_11, %add3A_317 : vector<8x200x128xi32>
    %lt3A_319 = arith.cmpi slt, %add3A_318, %iota3A : vector<8x200x128xi32>
    %lt3A_320 = vector.broadcast %broadcast_in_dim3A_315 : vector<8x1x128xi32> to vector<8x200x128xi32>
    %lt3A_321 = vector.broadcast %broadcast_in_dim3A_10 : vector<1x200x128xi32> to vector<8x200x128xi32>
    %lt3A_322 = arith.cmpi slt, %lt3A_320, %lt3A_321 : vector<8x200x128xi32>
    %eq3A_323 = vector.broadcast %broadcast_in_dim3A_315 : vector<8x1x128xi32> to vector<8x200x128xi32>
    %eq3A_324 = vector.broadcast %broadcast_in_dim3A_10 : vector<1x200x128xi32> to vector<8x200x128xi32>
    %eq3A_325 = arith.cmpi eq, %eq3A_323, %eq3A_324 : vector<8x200x128xi32>
    %and3A_326 = arith.andi %eq3A_325, %lt3A_319 : vector<8x200x128xi1>
    %or3A_327 = arith.ori %lt3A_322, %and3A_326 : vector<8x200x128xi1>
    %convert_element_type3A_328 = arith.extui %or3A_327 : vector<8x200x128xi1> to vector<8x200x128xi32>
    %reduce_sum3A_329 = arith.constant dense<0> : vector<200x128xi32>
    %reduce_sum3A_330 = vector.multi_reduction <add>, %convert_element_type3A_328, %reduce_sum3A_329 [0] : vector<8x200x128xi32> to vector<200x128xi32>
    %add3A_331 = arith.addi %add3A_313, %reduce_sum3A_330 : vector<200x128xi32>
    %slice3A_332 = vector.extract_strided_slice %select_n3A_9 {offsets = [144, 0], sizes = [8, 128], strides = [1, 1]} : vector<200x128xi32> to vector<8x128xi32>
    %broadcast_in_dim3A_333 = vector.shape_cast %slice3A_332 : vector<8x128xi32> to vector<8x1x128xi32>
    %add3A_334 = arith.constant 144 : i32
    %add3A_335 = vector.broadcast %add3A_334 : i32 to vector<8x200x128xi32>
    %add3A_336 = arith.addi %iota3A_11, %add3A_335 : vector<8x200x128xi32>
    %lt3A_337 = arith.cmpi slt, %add3A_336, %iota3A : vector<8x200x128xi32>
    %lt3A_338 = vector.broadcast %broadcast_in_dim3A_333 : vector<8x1x128xi32> to vector<8x200x128xi32>
    %lt3A_339 = vector.broadcast %broadcast_in_dim3A_10 : vector<1x200x128xi32> to vector<8x200x128xi32>
    %lt3A_340 = arith.cmpi slt, %lt3A_338, %lt3A_339 : vector<8x200x128xi32>
    %eq3A_341 = vector.broadcast %broadcast_in_dim3A_333 : vector<8x1x128xi32> to vector<8x200x128xi32>
    %eq3A_342 = vector.broadcast %broadcast_in_dim3A_10 : vector<1x200x128xi32> to vector<8x200x128xi32>
    %eq3A_343 = arith.cmpi eq, %eq3A_341, %eq3A_342 : vector<8x200x128xi32>
    %and3A_344 = arith.andi %eq3A_343, %lt3A_337 : vector<8x200x128xi1>
    %or3A_345 = arith.ori %lt3A_340, %and3A_344 : vector<8x200x128xi1>
    %convert_element_type3A_346 = arith.extui %or3A_345 : vector<8x200x128xi1> to vector<8x200x128xi32>
    %reduce_sum3A_347 = arith.constant dense<0> : vector<200x128xi32>
    %reduce_sum3A_348 = vector.multi_reduction <add>, %convert_element_type3A_346, %reduce_sum3A_347 [0] : vector<8x200x128xi32> to vector<200x128xi32>
    %add3A_349 = arith.addi %add3A_331, %reduce_sum3A_348 : vector<200x128xi32>
    %slice3A_350 = vector.extract_strided_slice %select_n3A_9 {offsets = [152, 0], sizes = [8, 128], strides = [1, 1]} : vector<200x128xi32> to vector<8x128xi32>
    %broadcast_in_dim3A_351 = vector.shape_cast %slice3A_350 : vector<8x128xi32> to vector<8x1x128xi32>
    %add3A_352 = arith.constant 152 : i32
    %add3A_353 = vector.broadcast %add3A_352 : i32 to vector<8x200x128xi32>
    %add3A_354 = arith.addi %iota3A_11, %add3A_353 : vector<8x200x128xi32>
    %lt3A_355 = arith.cmpi slt, %add3A_354, %iota3A : vector<8x200x128xi32>
    %lt3A_356 = vector.broadcast %broadcast_in_dim3A_351 : vector<8x1x128xi32> to vector<8x200x128xi32>
    %lt3A_357 = vector.broadcast %broadcast_in_dim3A_10 : vector<1x200x128xi32> to vector<8x200x128xi32>
    %lt3A_358 = arith.cmpi slt, %lt3A_356, %lt3A_357 : vector<8x200x128xi32>
    %eq3A_359 = vector.broadcast %broadcast_in_dim3A_351 : vector<8x1x128xi32> to vector<8x200x128xi32>
    %eq3A_360 = vector.broadcast %broadcast_in_dim3A_10 : vector<1x200x128xi32> to vector<8x200x128xi32>
    %eq3A_361 = arith.cmpi eq, %eq3A_359, %eq3A_360 : vector<8x200x128xi32>
    %and3A_362 = arith.andi %eq3A_361, %lt3A_355 : vector<8x200x128xi1>
    %or3A_363 = arith.ori %lt3A_358, %and3A_362 : vector<8x200x128xi1>
    %convert_element_type3A_364 = arith.extui %or3A_363 : vector<8x200x128xi1> to vector<8x200x128xi32>
    %reduce_sum3A_365 = arith.constant dense<0> : vector<200x128xi32>
    %reduce_sum3A_366 = vector.multi_reduction <add>, %convert_element_type3A_364, %reduce_sum3A_365 [0] : vector<8x200x128xi32> to vector<200x128xi32>
    %add3A_367 = arith.addi %add3A_349, %reduce_sum3A_366 : vector<200x128xi32>
    %slice3A_368 = vector.extract_strided_slice %select_n3A_9 {offsets = [160, 0], sizes = [8, 128], strides = [1, 1]} : vector<200x128xi32> to vector<8x128xi32>
    %broadcast_in_dim3A_369 = vector.shape_cast %slice3A_368 : vector<8x128xi32> to vector<8x1x128xi32>
    %add3A_370 = arith.constant 160 : i32
    %add3A_371 = vector.broadcast %add3A_370 : i32 to vector<8x200x128xi32>
    %add3A_372 = arith.addi %iota3A_11, %add3A_371 : vector<8x200x128xi32>
    %lt3A_373 = arith.cmpi slt, %add3A_372, %iota3A : vector<8x200x128xi32>
    %lt3A_374 = vector.broadcast %broadcast_in_dim3A_369 : vector<8x1x128xi32> to vector<8x200x128xi32>
    %lt3A_375 = vector.broadcast %broadcast_in_dim3A_10 : vector<1x200x128xi32> to vector<8x200x128xi32>
    %lt3A_376 = arith.cmpi slt, %lt3A_374, %lt3A_375 : vector<8x200x128xi32>
    %eq3A_377 = vector.broadcast %broadcast_in_dim3A_369 : vector<8x1x128xi32> to vector<8x200x128xi32>
    %eq3A_378 = vector.broadcast %broadcast_in_dim3A_10 : vector<1x200x128xi32> to vector<8x200x128xi32>
    %eq3A_379 = arith.cmpi eq, %eq3A_377, %eq3A_378 : vector<8x200x128xi32>
    %and3A_380 = arith.andi %eq3A_379, %lt3A_373 : vector<8x200x128xi1>
    %or3A_381 = arith.ori %lt3A_376, %and3A_380 : vector<8x200x128xi1>
    %convert_element_type3A_382 = arith.extui %or3A_381 : vector<8x200x128xi1> to vector<8x200x128xi32>
    %reduce_sum3A_383 = arith.constant dense<0> : vector<200x128xi32>
    %reduce_sum3A_384 = vector.multi_reduction <add>, %convert_element_type3A_382, %reduce_sum3A_383 [0] : vector<8x200x128xi32> to vector<200x128xi32>
    %add3A_385 = arith.addi %add3A_367, %reduce_sum3A_384 : vector<200x128xi32>
    %slice3A_386 = vector.extract_strided_slice %select_n3A_9 {offsets = [168, 0], sizes = [8, 128], strides = [1, 1]} : vector<200x128xi32> to vector<8x128xi32>
    %broadcast_in_dim3A_387 = vector.shape_cast %slice3A_386 : vector<8x128xi32> to vector<8x1x128xi32>
    %add3A_388 = arith.constant 168 : i32
    %add3A_389 = vector.broadcast %add3A_388 : i32 to vector<8x200x128xi32>
    %add3A_390 = arith.addi %iota3A_11, %add3A_389 : vector<8x200x128xi32>
    %lt3A_391 = arith.cmpi slt, %add3A_390, %iota3A : vector<8x200x128xi32>
    %lt3A_392 = vector.broadcast %broadcast_in_dim3A_387 : vector<8x1x128xi32> to vector<8x200x128xi32>
    %lt3A_393 = vector.broadcast %broadcast_in_dim3A_10 : vector<1x200x128xi32> to vector<8x200x128xi32>
    %lt3A_394 = arith.cmpi slt, %lt3A_392, %lt3A_393 : vector<8x200x128xi32>
    %eq3A_395 = vector.broadcast %broadcast_in_dim3A_387 : vector<8x1x128xi32> to vector<8x200x128xi32>
    %eq3A_396 = vector.broadcast %broadcast_in_dim3A_10 : vector<1x200x128xi32> to vector<8x200x128xi32>
    %eq3A_397 = arith.cmpi eq, %eq3A_395, %eq3A_396 : vector<8x200x128xi32>
    %and3A_398 = arith.andi %eq3A_397, %lt3A_391 : vector<8x200x128xi1>
    %or3A_399 = arith.ori %lt3A_394, %and3A_398 : vector<8x200x128xi1>
    %convert_element_type3A_400 = arith.extui %or3A_399 : vector<8x200x128xi1> to vector<8x200x128xi32>
    %reduce_sum3A_401 = arith.constant dense<0> : vector<200x128xi32>
    %reduce_sum3A_402 = vector.multi_reduction <add>, %convert_element_type3A_400, %reduce_sum3A_401 [0] : vector<8x200x128xi32> to vector<200x128xi32>
    %add3A_403 = arith.addi %add3A_385, %reduce_sum3A_402 : vector<200x128xi32>
    %slice3A_404 = vector.extract_strided_slice %select_n3A_9 {offsets = [176, 0], sizes = [8, 128], strides = [1, 1]} : vector<200x128xi32> to vector<8x128xi32>
    %broadcast_in_dim3A_405 = vector.shape_cast %slice3A_404 : vector<8x128xi32> to vector<8x1x128xi32>
    %add3A_406 = arith.constant 176 : i32
    %add3A_407 = vector.broadcast %add3A_406 : i32 to vector<8x200x128xi32>
    %add3A_408 = arith.addi %iota3A_11, %add3A_407 : vector<8x200x128xi32>
    %lt3A_409 = arith.cmpi slt, %add3A_408, %iota3A : vector<8x200x128xi32>
    %lt3A_410 = vector.broadcast %broadcast_in_dim3A_405 : vector<8x1x128xi32> to vector<8x200x128xi32>
    %lt3A_411 = vector.broadcast %broadcast_in_dim3A_10 : vector<1x200x128xi32> to vector<8x200x128xi32>
    %lt3A_412 = arith.cmpi slt, %lt3A_410, %lt3A_411 : vector<8x200x128xi32>
    %eq3A_413 = vector.broadcast %broadcast_in_dim3A_405 : vector<8x1x128xi32> to vector<8x200x128xi32>
    %eq3A_414 = vector.broadcast %broadcast_in_dim3A_10 : vector<1x200x128xi32> to vector<8x200x128xi32>
    %eq3A_415 = arith.cmpi eq, %eq3A_413, %eq3A_414 : vector<8x200x128xi32>
    %and3A_416 = arith.andi %eq3A_415, %lt3A_409 : vector<8x200x128xi1>
    %or3A_417 = arith.ori %lt3A_412, %and3A_416 : vector<8x200x128xi1>
    %convert_element_type3A_418 = arith.extui %or3A_417 : vector<8x200x128xi1> to vector<8x200x128xi32>
    %reduce_sum3A_419 = arith.constant dense<0> : vector<200x128xi32>
    %reduce_sum3A_420 = vector.multi_reduction <add>, %convert_element_type3A_418, %reduce_sum3A_419 [0] : vector<8x200x128xi32> to vector<200x128xi32>
    %add3A_421 = arith.addi %add3A_403, %reduce_sum3A_420 : vector<200x128xi32>
    %slice3A_422 = vector.extract_strided_slice %select_n3A_9 {offsets = [184, 0], sizes = [8, 128], strides = [1, 1]} : vector<200x128xi32> to vector<8x128xi32>
    %broadcast_in_dim3A_423 = vector.shape_cast %slice3A_422 : vector<8x128xi32> to vector<8x1x128xi32>
    %add3A_424 = arith.constant 184 : i32
    %add3A_425 = vector.broadcast %add3A_424 : i32 to vector<8x200x128xi32>
    %add3A_426 = arith.addi %iota3A_11, %add3A_425 : vector<8x200x128xi32>
    %lt3A_427 = arith.cmpi slt, %add3A_426, %iota3A : vector<8x200x128xi32>
    %lt3A_428 = vector.broadcast %broadcast_in_dim3A_423 : vector<8x1x128xi32> to vector<8x200x128xi32>
    %lt3A_429 = vector.broadcast %broadcast_in_dim3A_10 : vector<1x200x128xi32> to vector<8x200x128xi32>
    %lt3A_430 = arith.cmpi slt, %lt3A_428, %lt3A_429 : vector<8x200x128xi32>
    %eq3A_431 = vector.broadcast %broadcast_in_dim3A_423 : vector<8x1x128xi32> to vector<8x200x128xi32>
    %eq3A_432 = vector.broadcast %broadcast_in_dim3A_10 : vector<1x200x128xi32> to vector<8x200x128xi32>
    %eq3A_433 = arith.cmpi eq, %eq3A_431, %eq3A_432 : vector<8x200x128xi32>
    %and3A_434 = arith.andi %eq3A_433, %lt3A_427 : vector<8x200x128xi1>
    %or3A_435 = arith.ori %lt3A_430, %and3A_434 : vector<8x200x128xi1>
    %convert_element_type3A_436 = arith.extui %or3A_435 : vector<8x200x128xi1> to vector<8x200x128xi32>
    %reduce_sum3A_437 = arith.constant dense<0> : vector<200x128xi32>
    %reduce_sum3A_438 = vector.multi_reduction <add>, %convert_element_type3A_436, %reduce_sum3A_437 [0] : vector<8x200x128xi32> to vector<200x128xi32>
    %add3A_439 = arith.addi %add3A_421, %reduce_sum3A_438 : vector<200x128xi32>
    %slice3A_440 = vector.extract_strided_slice %select_n3A_9 {offsets = [192, 0], sizes = [8, 128], strides = [1, 1]} : vector<200x128xi32> to vector<8x128xi32>
    %broadcast_in_dim3A_441 = vector.shape_cast %slice3A_440 : vector<8x128xi32> to vector<8x1x128xi32>
    %add3A_442 = arith.constant 192 : i32
    %add3A_443 = vector.broadcast %add3A_442 : i32 to vector<8x200x128xi32>
    %add3A_444 = arith.addi %iota3A_11, %add3A_443 : vector<8x200x128xi32>
    %lt3A_445 = arith.cmpi slt, %add3A_444, %iota3A : vector<8x200x128xi32>
    %lt3A_446 = vector.broadcast %broadcast_in_dim3A_441 : vector<8x1x128xi32> to vector<8x200x128xi32>
    %lt3A_447 = vector.broadcast %broadcast_in_dim3A_10 : vector<1x200x128xi32> to vector<8x200x128xi32>
    %lt3A_448 = arith.cmpi slt, %lt3A_446, %lt3A_447 : vector<8x200x128xi32>
    %eq3A_449 = vector.broadcast %broadcast_in_dim3A_441 : vector<8x1x128xi32> to vector<8x200x128xi32>
    %eq3A_450 = vector.broadcast %broadcast_in_dim3A_10 : vector<1x200x128xi32> to vector<8x200x128xi32>
    %eq3A_451 = arith.cmpi eq, %eq3A_449, %eq3A_450 : vector<8x200x128xi32>
    %and3A_452 = arith.andi %eq3A_451, %lt3A_445 : vector<8x200x128xi1>
    %or3A_453 = arith.ori %lt3A_448, %and3A_452 : vector<8x200x128xi1>
    %convert_element_type3A_454 = arith.extui %or3A_453 : vector<8x200x128xi1> to vector<8x200x128xi32>
    %reduce_sum3A_455 = arith.constant dense<0> : vector<200x128xi32>
    %reduce_sum3A_456 = vector.multi_reduction <add>, %convert_element_type3A_454, %reduce_sum3A_455 [0] : vector<8x200x128xi32> to vector<200x128xi32>
    %add3A_457 = arith.addi %add3A_439, %reduce_sum3A_456 : vector<200x128xi32>
    %mul3A = arith.constant 128 : i32
    %mul3A_458 = arith.muli %arg0, %mul3A : i32
    %add3A_459 = arith.constant 4096 : i32
    %add3A_460 = arith.addi %add3A_459, %mul3A_458 : i32
    %iota3A_461 = tpu.iota {dimensions = array<i32: 1>} : vector<200x128xi32>
    %add3A_462 = vector.broadcast %add3A_460 : i32 to vector<200x128xi32>
    %add3A_463 = arith.addi %add3A_462, %iota3A_461 : vector<200x128xi32>
    %mul3A_464 = arith.constant 200 : i32
    %mul3A_465 = vector.broadcast %mul3A_464 : i32 to vector<200x128xi32>
    %mul3A_466 = arith.muli %add3A_463, %mul3A_465 : vector<200x128xi32>
    %add3A_467 = arith.addi %mul3A_466, %add3A_457 : vector<200x128xi32>
    %swap3A = arith.constant 0 : index
    %swap3A_468 = arith.constant 0 : index
    %swap3A_469 = vector.load %arg2[%swap3A, %swap3A_468] : memref<200x128xi32, #tpu.memory_space<vmem>>, vector<200x128xi32>
    tpu.vector_store %arg2[%swap3A, %swap3A_468], %add3A_467 {strides = array<i32>} : memref<200x128xi32, #tpu.memory_space<vmem>>, vector<200x128xi32>,
    return
  }
  func.func @transform_0(%arg0: i32) -> (i32, i32) {
    %c0_i32 = arith.constant 0 : i32
    %c0_i32_0 = arith.constant 0 : i32
    return %c0_i32, %arg0 : i32, i32
  }
  func.func @transform_1(%arg0: i32) -> (i32, i32) {
    %c0_i32 = arith.constant 0 : i32
    %c0_i32_0 = arith.constant 0 : i32
    return %c0_i32, %arg0 : i32, i32
  }
}

module attributes {stable_mosaic.version = 14 : i64} {
  func.func @body(%arg0: i32, %arg1: memref<200x128xf32, #tpu.memory_space<vmem>>, %arg2: memref<200x128xi32, #tpu.memory_space<vmem>>) attributes {dimension_semantics = [#tpu.dimension_semantics<parallel>], iteration_bounds = array<i64: 32>, scalar_prefetch = 0 : i64, scratch_operands = 0 : i64, tpu.core_type = #tpu.core_type<tc>, window_params = [{transform_indices = @transform_0, window_bounds = array<i64: 200, 128>}, {transform_indices = @transform_1, window_bounds = array<i64: 200, 128>}]} {
    %get3A = arith.constant 0 : index
    %get3A_0 = arith.constant 0 : index
    %get3A_1 = vector.load %arg1[%get3A, %get3A_0] : memref<200x128xf32, #tpu.memory_space<vmem>>, vector<200x128xf32>
    %bitcast_convert_type3A = tpu.bitcast %get3A_1 : vector<200x128xf32> -> vector<200x128xi32>
    %eq3A = arith.constant -2147483648 : i32
    %eq3A_2 = vector.broadcast %eq3A : i32 to vector<200x128xi32>
    %eq3A_3 = arith.cmpi eq, %bitcast_convert_type3A, %eq3A_2 : vector<200x128xi32>
    %jit3A = arith.constant 0 : i32
    %broadcast_in_dim3A = vector.broadcast %jit3A : i32 to vector<200x128xi32>
    %select_n3A = arith.select %eq3A_3, %broadcast_in_dim3A, %bitcast_convert_type3A : vector<200x128xi1>, vector<200x128xi32>
    %lt3A = arith.constant 0 : i32
    %lt3A_4 = vector.broadcast %lt3A : i32 to vector<200x128xi32>
    %lt3A_5 = arith.cmpi slt, %select_n3A, %lt3A_4 : vector<200x128xi32>
    %not3A = arith.constant dense<-1> : vector<200x128xi32>
    %not3A_6 = arith.xori %select_n3A, %not3A : vector<200x128xi32>
    %xor3A = arith.constant -2147483648 : i32
    %xor3A_7 = vector.broadcast %xor3A : i32 to vector<200x128xi32>
    %xor3A_8 = arith.xori %not3A_6, %xor3A_7 : vector<200x128xi32>
    %select_n3A_9 = arith.select %lt3A_5, %xor3A_8, %select_n3A : vector<200x128xi1>, vector<200x128xi32>
    %broadcast_in_dim3A_10 = vector.shape_cast %select_n3A_9 : vector<200x128xi32> to vector<1x200x128xi32>
    %iota3A = tpu.iota {dimensions = array<i32: 1>} : vector<8x200x128xi32>
    %iota3A_11 = tpu.iota {dimensions = array<i32: 0>} : vector<8x200x128xi32>
    %broadcast_in_dim3A_12 = arith.constant 0 : i32
    %broadcast_in_dim3A_13 = vector.broadcast %broadcast_in_dim3A_12 : i32 to vector<200x128xi32>
    %slice3A = vector.extract_strided_slice %select_n3A_9 {offsets = [0, 0], sizes = [8, 128], strides = [1, 1]} : vector<200x128xi32> to vector<8x128xi32>
    %broadcast_in_dim3A_14 = vector.shape_cast %slice3A : vector<8x128xi32> to vector<8x1x128xi32>
    %add3A = arith.constant 0 : i32
    %add3A_15 = vector.broadcast %add3A : i32 to vector<8x200x128xi32>
    %add3A_16 = arith.addi %iota3A_11, %add3A_15 : vector<8x200x128xi32>
    %lt3A_17 = arith.cmpi slt, %add3A_16, %iota3A : vector<8x200x128xi32>
    %lt3A_18 = vector.broadcast %broadcast_in_dim3A_14 : vector<8x1x128xi32> to vector<8x200x128xi32>
    %lt3A_19 = vector.broadcast %broadcast_in_dim3A_10 : vector<1x200x128xi32> to vector<8x200x128xi32>
    %lt3A_20 = arith.cmpi slt, %lt3A_18, %lt3A_19 : vector<8x200x128xi32>
    %eq3A_21 = vector.broadcast %broadcast_in_dim3A_14 : vector<8x1x128xi32> to vector<8x200x128xi32>
    %eq3A_22 = vector.broadcast %broadcast_in_dim3A_10 : vector<1x200x128xi32> to vector<8x200x128xi32>
    %eq3A_23 = arith.cmpi eq, %eq3A_21, %eq3A_22 : vector<8x200x128xi32>
    %and3A = arith.andi %eq3A_23, %lt3A_17 : vector<8x200x128xi1>
    %or3A = arith.ori %lt3A_20, %and3A : vector<8x200x128xi1>
    %convert_element_type3A = arith.extui %or3A : vector<8x200x128xi1> to vector<8x200x128xi32>
    %reduce_sum3A = arith.constant dense<0> : vector<200x128xi32>
    %reduce_sum3A_24 = vector.multi_reduction <add>, %convert_element_type3A, %reduce_sum3A [0] : vector<8x200x128xi32> to vector<200x128xi32>
    %add3A_25 = arith.addi %broadcast_in_dim3A_13, %reduce_sum3A_24 : vector<200x128xi32>
    %slice3A_26 = vector.extract_strided_slice %select_n3A_9 {offsets = [8, 0], sizes = [8, 128], strides = [1, 1]} : vector<200x128xi32> to vector<8x128xi32>
    %broadcast_in_dim3A_27 = vector.shape_cast %slice3A_26 : vector<8x128xi32> to vector<8x1x128xi32>
    %add3A_28 = arith.constant 8 : i32
    %add3A_29 = vector.broadcast %add3A_28 : i32 to vector<8x200x128xi32>
    %add3A_30 = arith.addi %iota3A_11, %add3A_29 : vector<8x200x128xi32>
    %lt3A_31 = arith.cmpi slt, %add3A_30, %iota3A : vector<8x200x128xi32>
    %lt3A_32 = vector.broadcast %broadcast_in_dim3A_27 : vector<8x1x128xi32> to vector<8x200x128xi32>
    %lt3A_33 = vector.broadcast %broadcast_in_dim3A_10 : vector<1x200x128xi32> to vector<8x200x128xi32>
    %lt3A_34 = arith.cmpi slt, %lt3A_32, %lt3A_33 : vector<8x200x128xi32>
    %eq3A_35 = vector.broadcast %broadcast_in_dim3A_27 : vector<8x1x128xi32> to vector<8x200x128xi32>
    %eq3A_36 = vector.broadcast %broadcast_in_dim3A_10 : vector<1x200x128xi32> to vector<8x200x128xi32>
    %eq3A_37 = arith.cmpi eq, %eq3A_35, %eq3A_36 : vector<8x200x128xi32>
    %and3A_38 = arith.andi %eq3A_37, %lt3A_31 : vector<8x200x128xi1>
    %or3A_39 = arith.ori %lt3A_34, %and3A_38 : vector<8x200x128xi1>
    %convert_element_type3A_40 = arith.extui %or3A_39 : vector<8x200x128xi1> to vector<8x200x128xi32>
    %reduce_sum3A_41 = arith.constant dense<0> : vector<200x128xi32>
    %reduce_sum3A_42 = vector.multi_reduction <add>, %convert_element_type3A_40, %reduce_sum3A_41 [0] : vector<8x200x128xi32> to vector<200x128xi32>
    %add3A_43 = arith.addi %add3A_25, %reduce_sum3A_42 : vector<200x128xi32>
    %slice3A_44 = vector.extract_strided_slice %select_n3A_9 {offsets = [16, 0], sizes = [8, 128], strides = [1, 1]} : vector<200x128xi32> to vector<8x128xi32>
    %broadcast_in_dim3A_45 = vector.shape_cast %slice3A_44 : vector<8x128xi32> to vector<8x1x128xi32>
    %add3A_46 = arith.constant 16 : i32
    %add3A_47 = vector.broadcast %add3A_46 : i32 to vector<8x200x128xi32>
    %add3A_48 = arith.addi %iota3A_11, %add3A_47 : vector<8x200x128xi32>
    %lt3A_49 = arith.cmpi slt, %add3A_48, %iota3A : vector<8x200x128xi32>
    %lt3A_50 = vector.broadcast %broadcast_in_dim3A_45 : vector<8x1x128xi32> to vector<8x200x128xi32>
    %lt3A_51 = vector.broadcast %broadcast_in_dim3A_10 : vector<1x200x128xi32> to vector<8x200x128xi32>
    %lt3A_52 = arith.cmpi slt, %lt3A_50, %lt3A_51 : vector<8x200x128xi32>
    %eq3A_53 = vector.broadcast %broadcast_in_dim3A_45 : vector<8x1x128xi32> to vector<8x200x128xi32>
    %eq3A_54 = vector.broadcast %broadcast_in_dim3A_10 : vector<1x200x128xi32> to vector<8x200x128xi32>
    %eq3A_55 = arith.cmpi eq, %eq3A_53, %eq3A_54 : vector<8x200x128xi32>
    %and3A_56 = arith.andi %eq3A_55, %lt3A_49 : vector<8x200x128xi1>
    %or3A_57 = arith.ori %lt3A_52, %and3A_56 : vector<8x200x128xi1>
    %convert_element_type3A_58 = arith.extui %or3A_57 : vector<8x200x128xi1> to vector<8x200x128xi32>
    %reduce_sum3A_59 = arith.constant dense<0> : vector<200x128xi32>
    %reduce_sum3A_60 = vector.multi_reduction <add>, %convert_element_type3A_58, %reduce_sum3A_59 [0] : vector<8x200x128xi32> to vector<200x128xi32>
    %add3A_61 = arith.addi %add3A_43, %reduce_sum3A_60 : vector<200x128xi32>
    %slice3A_62 = vector.extract_strided_slice %select_n3A_9 {offsets = [24, 0], sizes = [8, 128], strides = [1, 1]} : vector<200x128xi32> to vector<8x128xi32>
    %broadcast_in_dim3A_63 = vector.shape_cast %slice3A_62 : vector<8x128xi32> to vector<8x1x128xi32>
    %add3A_64 = arith.constant 24 : i32
    %add3A_65 = vector.broadcast %add3A_64 : i32 to vector<8x200x128xi32>
    %add3A_66 = arith.addi %iota3A_11, %add3A_65 : vector<8x200x128xi32>
    %lt3A_67 = arith.cmpi slt, %add3A_66, %iota3A : vector<8x200x128xi32>
    %lt3A_68 = vector.broadcast %broadcast_in_dim3A_63 : vector<8x1x128xi32> to vector<8x200x128xi32>
    %lt3A_69 = vector.broadcast %broadcast_in_dim3A_10 : vector<1x200x128xi32> to vector<8x200x128xi32>
    %lt3A_70 = arith.cmpi slt, %lt3A_68, %lt3A_69 : vector<8x200x128xi32>
    %eq3A_71 = vector.broadcast %broadcast_in_dim3A_63 : vector<8x1x128xi32> to vector<8x200x128xi32>
    %eq3A_72 = vector.broadcast %broadcast_in_dim3A_10 : vector<1x200x128xi32> to vector<8x200x128xi32>
    %eq3A_73 = arith.cmpi eq, %eq3A_71, %eq3A_72 : vector<8x200x128xi32>
    %and3A_74 = arith.andi %eq3A_73, %lt3A_67 : vector<8x200x128xi1>
    %or3A_75 = arith.ori %lt3A_70, %and3A_74 : vector<8x200x128xi1>
    %convert_element_type3A_76 = arith.extui %or3A_75 : vector<8x200x128xi1> to vector<8x200x128xi32>
    %reduce_sum3A_77 = arith.constant dense<0> : vector<200x128xi32>
    %reduce_sum3A_78 = vector.multi_reduction <add>, %convert_element_type3A_76, %reduce_sum3A_77 [0] : vector<8x200x128xi32> to vector<200x128xi32>
    %add3A_79 = arith.addi %add3A_61, %reduce_sum3A_78 : vector<200x128xi32>
    %slice3A_80 = vector.extract_strided_slice %select_n3A_9 {offsets = [32, 0], sizes = [8, 128], strides = [1, 1]} : vector<200x128xi32> to vector<8x128xi32>
    %broadcast_in_dim3A_81 = vector.shape_cast %slice3A_80 : vector<8x128xi32> to vector<8x1x128xi32>
    %add3A_82 = arith.constant 32 : i32
    %add3A_83 = vector.broadcast %add3A_82 : i32 to vector<8x200x128xi32>
    %add3A_84 = arith.addi %iota3A_11, %add3A_83 : vector<8x200x128xi32>
    %lt3A_85 = arith.cmpi slt, %add3A_84, %iota3A : vector<8x200x128xi32>
    %lt3A_86 = vector.broadcast %broadcast_in_dim3A_81 : vector<8x1x128xi32> to vector<8x200x128xi32>
    %lt3A_87 = vector.broadcast %broadcast_in_dim3A_10 : vector<1x200x128xi32> to vector<8x200x128xi32>
    %lt3A_88 = arith.cmpi slt, %lt3A_86, %lt3A_87 : vector<8x200x128xi32>
    %eq3A_89 = vector.broadcast %broadcast_in_dim3A_81 : vector<8x1x128xi32> to vector<8x200x128xi32>
    %eq3A_90 = vector.broadcast %broadcast_in_dim3A_10 : vector<1x200x128xi32> to vector<8x200x128xi32>
    %eq3A_91 = arith.cmpi eq, %eq3A_89, %eq3A_90 : vector<8x200x128xi32>
    %and3A_92 = arith.andi %eq3A_91, %lt3A_85 : vector<8x200x128xi1>
    %or3A_93 = arith.ori %lt3A_88, %and3A_92 : vector<8x200x128xi1>
    %convert_element_type3A_94 = arith.extui %or3A_93 : vector<8x200x128xi1> to vector<8x200x128xi32>
    %reduce_sum3A_95 = arith.constant dense<0> : vector<200x128xi32>
    %reduce_sum3A_96 = vector.multi_reduction <add>, %convert_element_type3A_94, %reduce_sum3A_95 [0] : vector<8x200x128xi32> to vector<200x128xi32>
    %add3A_97 = arith.addi %add3A_79, %reduce_sum3A_96 : vector<200x128xi32>
    %slice3A_98 = vector.extract_strided_slice %select_n3A_9 {offsets = [40, 0], sizes = [8, 128], strides = [1, 1]} : vector<200x128xi32> to vector<8x128xi32>
    %broadcast_in_dim3A_99 = vector.shape_cast %slice3A_98 : vector<8x128xi32> to vector<8x1x128xi32>
    %add3A_100 = arith.constant 40 : i32
    %add3A_101 = vector.broadcast %add3A_100 : i32 to vector<8x200x128xi32>
    %add3A_102 = arith.addi %iota3A_11, %add3A_101 : vector<8x200x128xi32>
    %lt3A_103 = arith.cmpi slt, %add3A_102, %iota3A : vector<8x200x128xi32>
    %lt3A_104 = vector.broadcast %broadcast_in_dim3A_99 : vector<8x1x128xi32> to vector<8x200x128xi32>
    %lt3A_105 = vector.broadcast %broadcast_in_dim3A_10 : vector<1x200x128xi32> to vector<8x200x128xi32>
    %lt3A_106 = arith.cmpi slt, %lt3A_104, %lt3A_105 : vector<8x200x128xi32>
    %eq3A_107 = vector.broadcast %broadcast_in_dim3A_99 : vector<8x1x128xi32> to vector<8x200x128xi32>
    %eq3A_108 = vector.broadcast %broadcast_in_dim3A_10 : vector<1x200x128xi32> to vector<8x200x128xi32>
    %eq3A_109 = arith.cmpi eq, %eq3A_107, %eq3A_108 : vector<8x200x128xi32>
    %and3A_110 = arith.andi %eq3A_109, %lt3A_103 : vector<8x200x128xi1>
    %or3A_111 = arith.ori %lt3A_106, %and3A_110 : vector<8x200x128xi1>
    %convert_element_type3A_112 = arith.extui %or3A_111 : vector<8x200x128xi1> to vector<8x200x128xi32>
    %reduce_sum3A_113 = arith.constant dense<0> : vector<200x128xi32>
    %reduce_sum3A_114 = vector.multi_reduction <add>, %convert_element_type3A_112, %reduce_sum3A_113 [0] : vector<8x200x128xi32> to vector<200x128xi32>
    %add3A_115 = arith.addi %add3A_97, %reduce_sum3A_114 : vector<200x128xi32>
    %slice3A_116 = vector.extract_strided_slice %select_n3A_9 {offsets = [48, 0], sizes = [8, 128], strides = [1, 1]} : vector<200x128xi32> to vector<8x128xi32>
    %broadcast_in_dim3A_117 = vector.shape_cast %slice3A_116 : vector<8x128xi32> to vector<8x1x128xi32>
    %add3A_118 = arith.constant 48 : i32
    %add3A_119 = vector.broadcast %add3A_118 : i32 to vector<8x200x128xi32>
    %add3A_120 = arith.addi %iota3A_11, %add3A_119 : vector<8x200x128xi32>
    %lt3A_121 = arith.cmpi slt, %add3A_120, %iota3A : vector<8x200x128xi32>
    %lt3A_122 = vector.broadcast %broadcast_in_dim3A_117 : vector<8x1x128xi32> to vector<8x200x128xi32>
    %lt3A_123 = vector.broadcast %broadcast_in_dim3A_10 : vector<1x200x128xi32> to vector<8x200x128xi32>
    %lt3A_124 = arith.cmpi slt, %lt3A_122, %lt3A_123 : vector<8x200x128xi32>
    %eq3A_125 = vector.broadcast %broadcast_in_dim3A_117 : vector<8x1x128xi32> to vector<8x200x128xi32>
    %eq3A_126 = vector.broadcast %broadcast_in_dim3A_10 : vector<1x200x128xi32> to vector<8x200x128xi32>
    %eq3A_127 = arith.cmpi eq, %eq3A_125, %eq3A_126 : vector<8x200x128xi32>
    %and3A_128 = arith.andi %eq3A_127, %lt3A_121 : vector<8x200x128xi1>
    %or3A_129 = arith.ori %lt3A_124, %and3A_128 : vector<8x200x128xi1>
    %convert_element_type3A_130 = arith.extui %or3A_129 : vector<8x200x128xi1> to vector<8x200x128xi32>
    %reduce_sum3A_131 = arith.constant dense<0> : vector<200x128xi32>
    %reduce_sum3A_132 = vector.multi_reduction <add>, %convert_element_type3A_130, %reduce_sum3A_131 [0] : vector<8x200x128xi32> to vector<200x128xi32>
    %add3A_133 = arith.addi %add3A_115, %reduce_sum3A_132 : vector<200x128xi32>
    %slice3A_134 = vector.extract_strided_slice %select_n3A_9 {offsets = [56, 0], sizes = [8, 128], strides = [1, 1]} : vector<200x128xi32> to vector<8x128xi32>
    %broadcast_in_dim3A_135 = vector.shape_cast %slice3A_134 : vector<8x128xi32> to vector<8x1x128xi32>
    %add3A_136 = arith.constant 56 : i32
    %add3A_137 = vector.broadcast %add3A_136 : i32 to vector<8x200x128xi32>
    %add3A_138 = arith.addi %iota3A_11, %add3A_137 : vector<8x200x128xi32>
    %lt3A_139 = arith.cmpi slt, %add3A_138, %iota3A : vector<8x200x128xi32>
    %lt3A_140 = vector.broadcast %broadcast_in_dim3A_135 : vector<8x1x128xi32> to vector<8x200x128xi32>
    %lt3A_141 = vector.broadcast %broadcast_in_dim3A_10 : vector<1x200x128xi32> to vector<8x200x128xi32>
    %lt3A_142 = arith.cmpi slt, %lt3A_140, %lt3A_141 : vector<8x200x128xi32>
    %eq3A_143 = vector.broadcast %broadcast_in_dim3A_135 : vector<8x1x128xi32> to vector<8x200x128xi32>
    %eq3A_144 = vector.broadcast %broadcast_in_dim3A_10 : vector<1x200x128xi32> to vector<8x200x128xi32>
    %eq3A_145 = arith.cmpi eq, %eq3A_143, %eq3A_144 : vector<8x200x128xi32>
    %and3A_146 = arith.andi %eq3A_145, %lt3A_139 : vector<8x200x128xi1>
    %or3A_147 = arith.ori %lt3A_142, %and3A_146 : vector<8x200x128xi1>
    %convert_element_type3A_148 = arith.extui %or3A_147 : vector<8x200x128xi1> to vector<8x200x128xi32>
    %reduce_sum3A_149 = arith.constant dense<0> : vector<200x128xi32>
    %reduce_sum3A_150 = vector.multi_reduction <add>, %convert_element_type3A_148, %reduce_sum3A_149 [0] : vector<8x200x128xi32> to vector<200x128xi32>
    %add3A_151 = arith.addi %add3A_133, %reduce_sum3A_150 : vector<200x128xi32>
    %slice3A_152 = vector.extract_strided_slice %select_n3A_9 {offsets = [64, 0], sizes = [8, 128], strides = [1, 1]} : vector<200x128xi32> to vector<8x128xi32>
    %broadcast_in_dim3A_153 = vector.shape_cast %slice3A_152 : vector<8x128xi32> to vector<8x1x128xi32>
    %add3A_154 = arith.constant 64 : i32
    %add3A_155 = vector.broadcast %add3A_154 : i32 to vector<8x200x128xi32>
    %add3A_156 = arith.addi %iota3A_11, %add3A_155 : vector<8x200x128xi32>
    %lt3A_157 = arith.cmpi slt, %add3A_156, %iota3A : vector<8x200x128xi32>
    %lt3A_158 = vector.broadcast %broadcast_in_dim3A_153 : vector<8x1x128xi32> to vector<8x200x128xi32>
    %lt3A_159 = vector.broadcast %broadcast_in_dim3A_10 : vector<1x200x128xi32> to vector<8x200x128xi32>
    %lt3A_160 = arith.cmpi slt, %lt3A_158, %lt3A_159 : vector<8x200x128xi32>
    %eq3A_161 = vector.broadcast %broadcast_in_dim3A_153 : vector<8x1x128xi32> to vector<8x200x128xi32>
    %eq3A_162 = vector.broadcast %broadcast_in_dim3A_10 : vector<1x200x128xi32> to vector<8x200x128xi32>
    %eq3A_163 = arith.cmpi eq, %eq3A_161, %eq3A_162 : vector<8x200x128xi32>
    %and3A_164 = arith.andi %eq3A_163, %lt3A_157 : vector<8x200x128xi1>
    %or3A_165 = arith.ori %lt3A_160, %and3A_164 : vector<8x200x128xi1>
    %convert_element_type3A_166 = arith.extui %or3A_165 : vector<8x200x128xi1> to vector<8x200x128xi32>
    %reduce_sum3A_167 = arith.constant dense<0> : vector<200x128xi32>
    %reduce_sum3A_168 = vector.multi_reduction <add>, %convert_element_type3A_166, %reduce_sum3A_167 [0] : vector<8x200x128xi32> to vector<200x128xi32>
    %add3A_169 = arith.addi %add3A_151, %reduce_sum3A_168 : vector<200x128xi32>
    %slice3A_170 = vector.extract_strided_slice %select_n3A_9 {offsets = [72, 0], sizes = [8, 128], strides = [1, 1]} : vector<200x128xi32> to vector<8x128xi32>
    %broadcast_in_dim3A_171 = vector.shape_cast %slice3A_170 : vector<8x128xi32> to vector<8x1x128xi32>
    %add3A_172 = arith.constant 72 : i32
    %add3A_173 = vector.broadcast %add3A_172 : i32 to vector<8x200x128xi32>
    %add3A_174 = arith.addi %iota3A_11, %add3A_173 : vector<8x200x128xi32>
    %lt3A_175 = arith.cmpi slt, %add3A_174, %iota3A : vector<8x200x128xi32>
    %lt3A_176 = vector.broadcast %broadcast_in_dim3A_171 : vector<8x1x128xi32> to vector<8x200x128xi32>
    %lt3A_177 = vector.broadcast %broadcast_in_dim3A_10 : vector<1x200x128xi32> to vector<8x200x128xi32>
    %lt3A_178 = arith.cmpi slt, %lt3A_176, %lt3A_177 : vector<8x200x128xi32>
    %eq3A_179 = vector.broadcast %broadcast_in_dim3A_171 : vector<8x1x128xi32> to vector<8x200x128xi32>
    %eq3A_180 = vector.broadcast %broadcast_in_dim3A_10 : vector<1x200x128xi32> to vector<8x200x128xi32>
    %eq3A_181 = arith.cmpi eq, %eq3A_179, %eq3A_180 : vector<8x200x128xi32>
    %and3A_182 = arith.andi %eq3A_181, %lt3A_175 : vector<8x200x128xi1>
    %or3A_183 = arith.ori %lt3A_178, %and3A_182 : vector<8x200x128xi1>
    %convert_element_type3A_184 = arith.extui %or3A_183 : vector<8x200x128xi1> to vector<8x200x128xi32>
    %reduce_sum3A_185 = arith.constant dense<0> : vector<200x128xi32>
    %reduce_sum3A_186 = vector.multi_reduction <add>, %convert_element_type3A_184, %reduce_sum3A_185 [0] : vector<8x200x128xi32> to vector<200x128xi32>
    %add3A_187 = arith.addi %add3A_169, %reduce_sum3A_186 : vector<200x128xi32>
    %slice3A_188 = vector.extract_strided_slice %select_n3A_9 {offsets = [80, 0], sizes = [8, 128], strides = [1, 1]} : vector<200x128xi32> to vector<8x128xi32>
    %broadcast_in_dim3A_189 = vector.shape_cast %slice3A_188 : vector<8x128xi32> to vector<8x1x128xi32>
    %add3A_190 = arith.constant 80 : i32
    %add3A_191 = vector.broadcast %add3A_190 : i32 to vector<8x200x128xi32>
    %add3A_192 = arith.addi %iota3A_11, %add3A_191 : vector<8x200x128xi32>
    %lt3A_193 = arith.cmpi slt, %add3A_192, %iota3A : vector<8x200x128xi32>
    %lt3A_194 = vector.broadcast %broadcast_in_dim3A_189 : vector<8x1x128xi32> to vector<8x200x128xi32>
    %lt3A_195 = vector.broadcast %broadcast_in_dim3A_10 : vector<1x200x128xi32> to vector<8x200x128xi32>
    %lt3A_196 = arith.cmpi slt, %lt3A_194, %lt3A_195 : vector<8x200x128xi32>
    %eq3A_197 = vector.broadcast %broadcast_in_dim3A_189 : vector<8x1x128xi32> to vector<8x200x128xi32>
    %eq3A_198 = vector.broadcast %broadcast_in_dim3A_10 : vector<1x200x128xi32> to vector<8x200x128xi32>
    %eq3A_199 = arith.cmpi eq, %eq3A_197, %eq3A_198 : vector<8x200x128xi32>
    %and3A_200 = arith.andi %eq3A_199, %lt3A_193 : vector<8x200x128xi1>
    %or3A_201 = arith.ori %lt3A_196, %and3A_200 : vector<8x200x128xi1>
    %convert_element_type3A_202 = arith.extui %or3A_201 : vector<8x200x128xi1> to vector<8x200x128xi32>
    %reduce_sum3A_203 = arith.constant dense<0> : vector<200x128xi32>
    %reduce_sum3A_204 = vector.multi_reduction <add>, %convert_element_type3A_202, %reduce_sum3A_203 [0] : vector<8x200x128xi32> to vector<200x128xi32>
    %add3A_205 = arith.addi %add3A_187, %reduce_sum3A_204 : vector<200x128xi32>
    %slice3A_206 = vector.extract_strided_slice %select_n3A_9 {offsets = [88, 0], sizes = [8, 128], strides = [1, 1]} : vector<200x128xi32> to vector<8x128xi32>
    %broadcast_in_dim3A_207 = vector.shape_cast %slice3A_206 : vector<8x128xi32> to vector<8x1x128xi32>
    %add3A_208 = arith.constant 88 : i32
    %add3A_209 = vector.broadcast %add3A_208 : i32 to vector<8x200x128xi32>
    %add3A_210 = arith.addi %iota3A_11, %add3A_209 : vector<8x200x128xi32>
    %lt3A_211 = arith.cmpi slt, %add3A_210, %iota3A : vector<8x200x128xi32>
    %lt3A_212 = vector.broadcast %broadcast_in_dim3A_207 : vector<8x1x128xi32> to vector<8x200x128xi32>
    %lt3A_213 = vector.broadcast %broadcast_in_dim3A_10 : vector<1x200x128xi32> to vector<8x200x128xi32>
    %lt3A_214 = arith.cmpi slt, %lt3A_212, %lt3A_213 : vector<8x200x128xi32>
    %eq3A_215 = vector.broadcast %broadcast_in_dim3A_207 : vector<8x1x128xi32> to vector<8x200x128xi32>
    %eq3A_216 = vector.broadcast %broadcast_in_dim3A_10 : vector<1x200x128xi32> to vector<8x200x128xi32>
    %eq3A_217 = arith.cmpi eq, %eq3A_215, %eq3A_216 : vector<8x200x128xi32>
    %and3A_218 = arith.andi %eq3A_217, %lt3A_211 : vector<8x200x128xi1>
    %or3A_219 = arith.ori %lt3A_214, %and3A_218 : vector<8x200x128xi1>
    %convert_element_type3A_220 = arith.extui %or3A_219 : vector<8x200x128xi1> to vector<8x200x128xi32>
    %reduce_sum3A_221 = arith.constant dense<0> : vector<200x128xi32>
    %reduce_sum3A_222 = vector.multi_reduction <add>, %convert_element_type3A_220, %reduce_sum3A_221 [0] : vector<8x200x128xi32> to vector<200x128xi32>
    %add3A_223 = arith.addi %add3A_205, %reduce_sum3A_222 : vector<200x128xi32>
    %slice3A_224 = vector.extract_strided_slice %select_n3A_9 {offsets = [96, 0], sizes = [8, 128], strides = [1, 1]} : vector<200x128xi32> to vector<8x128xi32>
    %broadcast_in_dim3A_225 = vector.shape_cast %slice3A_224 : vector<8x128xi32> to vector<8x1x128xi32>
    %add3A_226 = arith.constant 96 : i32
    %add3A_227 = vector.broadcast %add3A_226 : i32 to vector<8x200x128xi32>
    %add3A_228 = arith.addi %iota3A_11, %add3A_227 : vector<8x200x128xi32>
    %lt3A_229 = arith.cmpi slt, %add3A_228, %iota3A : vector<8x200x128xi32>
    %lt3A_230 = vector.broadcast %broadcast_in_dim3A_225 : vector<8x1x128xi32> to vector<8x200x128xi32>
    %lt3A_231 = vector.broadcast %broadcast_in_dim3A_10 : vector<1x200x128xi32> to vector<8x200x128xi32>
    %lt3A_232 = arith.cmpi slt, %lt3A_230, %lt3A_231 : vector<8x200x128xi32>
    %eq3A_233 = vector.broadcast %broadcast_in_dim3A_225 : vector<8x1x128xi32> to vector<8x200x128xi32>
    %eq3A_234 = vector.broadcast %broadcast_in_dim3A_10 : vector<1x200x128xi32> to vector<8x200x128xi32>
    %eq3A_235 = arith.cmpi eq, %eq3A_233, %eq3A_234 : vector<8x200x128xi32>
    %and3A_236 = arith.andi %eq3A_235, %lt3A_229 : vector<8x200x128xi1>
    %or3A_237 = arith.ori %lt3A_232, %and3A_236 : vector<8x200x128xi1>
    %convert_element_type3A_238 = arith.extui %or3A_237 : vector<8x200x128xi1> to vector<8x200x128xi32>
    %reduce_sum3A_239 = arith.constant dense<0> : vector<200x128xi32>
    %reduce_sum3A_240 = vector.multi_reduction <add>, %convert_element_type3A_238, %reduce_sum3A_239 [0] : vector<8x200x128xi32> to vector<200x128xi32>
    %add3A_241 = arith.addi %add3A_223, %reduce_sum3A_240 : vector<200x128xi32>
    %slice3A_242 = vector.extract_strided_slice %select_n3A_9 {offsets = [104, 0], sizes = [8, 128], strides = [1, 1]} : vector<200x128xi32> to vector<8x128xi32>
    %broadcast_in_dim3A_243 = vector.shape_cast %slice3A_242 : vector<8x128xi32> to vector<8x1x128xi32>
    %add3A_244 = arith.constant 104 : i32
    %add3A_245 = vector.broadcast %add3A_244 : i32 to vector<8x200x128xi32>
    %add3A_246 = arith.addi %iota3A_11, %add3A_245 : vector<8x200x128xi32>
    %lt3A_247 = arith.cmpi slt, %add3A_246, %iota3A : vector<8x200x128xi32>
    %lt3A_248 = vector.broadcast %broadcast_in_dim3A_243 : vector<8x1x128xi32> to vector<8x200x128xi32>
    %lt3A_249 = vector.broadcast %broadcast_in_dim3A_10 : vector<1x200x128xi32> to vector<8x200x128xi32>
    %lt3A_250 = arith.cmpi slt, %lt3A_248, %lt3A_249 : vector<8x200x128xi32>
    %eq3A_251 = vector.broadcast %broadcast_in_dim3A_243 : vector<8x1x128xi32> to vector<8x200x128xi32>
    %eq3A_252 = vector.broadcast %broadcast_in_dim3A_10 : vector<1x200x128xi32> to vector<8x200x128xi32>
    %eq3A_253 = arith.cmpi eq, %eq3A_251, %eq3A_252 : vector<8x200x128xi32>
    %and3A_254 = arith.andi %eq3A_253, %lt3A_247 : vector<8x200x128xi1>
    %or3A_255 = arith.ori %lt3A_250, %and3A_254 : vector<8x200x128xi1>
    %convert_element_type3A_256 = arith.extui %or3A_255 : vector<8x200x128xi1> to vector<8x200x128xi32>
    %reduce_sum3A_257 = arith.constant dense<0> : vector<200x128xi32>
    %reduce_sum3A_258 = vector.multi_reduction <add>, %convert_element_type3A_256, %reduce_sum3A_257 [0] : vector<8x200x128xi32> to vector<200x128xi32>
    %add3A_259 = arith.addi %add3A_241, %reduce_sum3A_258 : vector<200x128xi32>
    %slice3A_260 = vector.extract_strided_slice %select_n3A_9 {offsets = [112, 0], sizes = [8, 128], strides = [1, 1]} : vector<200x128xi32> to vector<8x128xi32>
    %broadcast_in_dim3A_261 = vector.shape_cast %slice3A_260 : vector<8x128xi32> to vector<8x1x128xi32>
    %add3A_262 = arith.constant 112 : i32
    %add3A_263 = vector.broadcast %add3A_262 : i32 to vector<8x200x128xi32>
    %add3A_264 = arith.addi %iota3A_11, %add3A_263 : vector<8x200x128xi32>
    %lt3A_265 = arith.cmpi slt, %add3A_264, %iota3A : vector<8x200x128xi32>
    %lt3A_266 = vector.broadcast %broadcast_in_dim3A_261 : vector<8x1x128xi32> to vector<8x200x128xi32>
    %lt3A_267 = vector.broadcast %broadcast_in_dim3A_10 : vector<1x200x128xi32> to vector<8x200x128xi32>
    %lt3A_268 = arith.cmpi slt, %lt3A_266, %lt3A_267 : vector<8x200x128xi32>
    %eq3A_269 = vector.broadcast %broadcast_in_dim3A_261 : vector<8x1x128xi32> to vector<8x200x128xi32>
    %eq3A_270 = vector.broadcast %broadcast_in_dim3A_10 : vector<1x200x128xi32> to vector<8x200x128xi32>
    %eq3A_271 = arith.cmpi eq, %eq3A_269, %eq3A_270 : vector<8x200x128xi32>
    %and3A_272 = arith.andi %eq3A_271, %lt3A_265 : vector<8x200x128xi1>
    %or3A_273 = arith.ori %lt3A_268, %and3A_272 : vector<8x200x128xi1>
    %convert_element_type3A_274 = arith.extui %or3A_273 : vector<8x200x128xi1> to vector<8x200x128xi32>
    %reduce_sum3A_275 = arith.constant dense<0> : vector<200x128xi32>
    %reduce_sum3A_276 = vector.multi_reduction <add>, %convert_element_type3A_274, %reduce_sum3A_275 [0] : vector<8x200x128xi32> to vector<200x128xi32>
    %add3A_277 = arith.addi %add3A_259, %reduce_sum3A_276 : vector<200x128xi32>
    %slice3A_278 = vector.extract_strided_slice %select_n3A_9 {offsets = [120, 0], sizes = [8, 128], strides = [1, 1]} : vector<200x128xi32> to vector<8x128xi32>
    %broadcast_in_dim3A_279 = vector.shape_cast %slice3A_278 : vector<8x128xi32> to vector<8x1x128xi32>
    %add3A_280 = arith.constant 120 : i32
    %add3A_281 = vector.broadcast %add3A_280 : i32 to vector<8x200x128xi32>
    %add3A_282 = arith.addi %iota3A_11, %add3A_281 : vector<8x200x128xi32>
    %lt3A_283 = arith.cmpi slt, %add3A_282, %iota3A : vector<8x200x128xi32>
    %lt3A_284 = vector.broadcast %broadcast_in_dim3A_279 : vector<8x1x128xi32> to vector<8x200x128xi32>
    %lt3A_285 = vector.broadcast %broadcast_in_dim3A_10 : vector<1x200x128xi32> to vector<8x200x128xi32>
    %lt3A_286 = arith.cmpi slt, %lt3A_284, %lt3A_285 : vector<8x200x128xi32>
    %eq3A_287 = vector.broadcast %broadcast_in_dim3A_279 : vector<8x1x128xi32> to vector<8x200x128xi32>
    %eq3A_288 = vector.broadcast %broadcast_in_dim3A_10 : vector<1x200x128xi32> to vector<8x200x128xi32>
    %eq3A_289 = arith.cmpi eq, %eq3A_287, %eq3A_288 : vector<8x200x128xi32>
    %and3A_290 = arith.andi %eq3A_289, %lt3A_283 : vector<8x200x128xi1>
    %or3A_291 = arith.ori %lt3A_286, %and3A_290 : vector<8x200x128xi1>
    %convert_element_type3A_292 = arith.extui %or3A_291 : vector<8x200x128xi1> to vector<8x200x128xi32>
    %reduce_sum3A_293 = arith.constant dense<0> : vector<200x128xi32>
    %reduce_sum3A_294 = vector.multi_reduction <add>, %convert_element_type3A_292, %reduce_sum3A_293 [0] : vector<8x200x128xi32> to vector<200x128xi32>
    %add3A_295 = arith.addi %add3A_277, %reduce_sum3A_294 : vector<200x128xi32>
    %slice3A_296 = vector.extract_strided_slice %select_n3A_9 {offsets = [128, 0], sizes = [8, 128], strides = [1, 1]} : vector<200x128xi32> to vector<8x128xi32>
    %broadcast_in_dim3A_297 = vector.shape_cast %slice3A_296 : vector<8x128xi32> to vector<8x1x128xi32>
    %add3A_298 = arith.constant 128 : i32
    %add3A_299 = vector.broadcast %add3A_298 : i32 to vector<8x200x128xi32>
    %add3A_300 = arith.addi %iota3A_11, %add3A_299 : vector<8x200x128xi32>
    %lt3A_301 = arith.cmpi slt, %add3A_300, %iota3A : vector<8x200x128xi32>
    %lt3A_302 = vector.broadcast %broadcast_in_dim3A_297 : vector<8x1x128xi32> to vector<8x200x128xi32>
    %lt3A_303 = vector.broadcast %broadcast_in_dim3A_10 : vector<1x200x128xi32> to vector<8x200x128xi32>
    %lt3A_304 = arith.cmpi slt, %lt3A_302, %lt3A_303 : vector<8x200x128xi32>
    %eq3A_305 = vector.broadcast %broadcast_in_dim3A_297 : vector<8x1x128xi32> to vector<8x200x128xi32>
    %eq3A_306 = vector.broadcast %broadcast_in_dim3A_10 : vector<1x200x128xi32> to vector<8x200x128xi32>
    %eq3A_307 = arith.cmpi eq, %eq3A_305, %eq3A_306 : vector<8x200x128xi32>
    %and3A_308 = arith.andi %eq3A_307, %lt3A_301 : vector<8x200x128xi1>
    %or3A_309 = arith.ori %lt3A_304, %and3A_308 : vector<8x200x128xi1>
    %convert_element_type3A_310 = arith.extui %or3A_309 : vector<8x200x128xi1> to vector<8x200x128xi32>
    %reduce_sum3A_311 = arith.constant dense<0> : vector<200x128xi32>
    %reduce_sum3A_312 = vector.multi_reduction <add>, %convert_element_type3A_310, %reduce_sum3A_311 [0] : vector<8x200x128xi32> to vector<200x128xi32>
    %add3A_313 = arith.addi %add3A_295, %reduce_sum3A_312 : vector<200x128xi32>
    %slice3A_314 = vector.extract_strided_slice %select_n3A_9 {offsets = [136, 0], sizes = [8, 128], strides = [1, 1]} : vector<200x128xi32> to vector<8x128xi32>
    %broadcast_in_dim3A_315 = vector.shape_cast %slice3A_314 : vector<8x128xi32> to vector<8x1x128xi32>
    %add3A_316 = arith.constant 136 : i32
    %add3A_317 = vector.broadcast %add3A_316 : i32 to vector<8x200x128xi32>
    %add3A_318 = arith.addi %iota3A_11, %add3A_317 : vector<8x200x128xi32>
    %lt3A_319 = arith.cmpi slt, %add3A_318, %iota3A : vector<8x200x128xi32>
    %lt3A_320 = vector.broadcast %broadcast_in_dim3A_315 : vector<8x1x128xi32> to vector<8x200x128xi32>
    %lt3A_321 = vector.broadcast %broadcast_in_dim3A_10 : vector<1x200x128xi32> to vector<8x200x128xi32>
    %lt3A_322 = arith.cmpi slt, %lt3A_320, %lt3A_321 : vector<8x200x128xi32>
    %eq3A_323 = vector.broadcast %broadcast_in_dim3A_315 : vector<8x1x128xi32> to vector<8x200x128xi32>
    %eq3A_324 = vector.broadcast %broadcast_in_dim3A_10 : vector<1x200x128xi32> to vector<8x200x128xi32>
    %eq3A_325 = arith.cmpi eq, %eq3A_323, %eq3A_324 : vector<8x200x128xi32>
    %and3A_326 = arith.andi %eq3A_325, %lt3A_319 : vector<8x200x128xi1>
    %or3A_327 = arith.ori %lt3A_322, %and3A_326 : vector<8x200x128xi1>
    %convert_element_type3A_328 = arith.extui %or3A_327 : vector<8x200x128xi1> to vector<8x200x128xi32>
    %reduce_sum3A_329 = arith.constant dense<0> : vector<200x128xi32>
    %reduce_sum3A_330 = vector.multi_reduction <add>, %convert_element_type3A_328, %reduce_sum3A_329 [0] : vector<8x200x128xi32> to vector<200x128xi32>
    %add3A_331 = arith.addi %add3A_313, %reduce_sum3A_330 : vector<200x128xi32>
    %slice3A_332 = vector.extract_strided_slice %select_n3A_9 {offsets = [144, 0], sizes = [8, 128], strides = [1, 1]} : vector<200x128xi32> to vector<8x128xi32>
    %broadcast_in_dim3A_333 = vector.shape_cast %slice3A_332 : vector<8x128xi32> to vector<8x1x128xi32>
    %add3A_334 = arith.constant 144 : i32
    %add3A_335 = vector.broadcast %add3A_334 : i32 to vector<8x200x128xi32>
    %add3A_336 = arith.addi %iota3A_11, %add3A_335 : vector<8x200x128xi32>
    %lt3A_337 = arith.cmpi slt, %add3A_336, %iota3A : vector<8x200x128xi32>
    %lt3A_338 = vector.broadcast %broadcast_in_dim3A_333 : vector<8x1x128xi32> to vector<8x200x128xi32>
    %lt3A_339 = vector.broadcast %broadcast_in_dim3A_10 : vector<1x200x128xi32> to vector<8x200x128xi32>
    %lt3A_340 = arith.cmpi slt, %lt3A_338, %lt3A_339 : vector<8x200x128xi32>
    %eq3A_341 = vector.broadcast %broadcast_in_dim3A_333 : vector<8x1x128xi32> to vector<8x200x128xi32>
    %eq3A_342 = vector.broadcast %broadcast_in_dim3A_10 : vector<1x200x128xi32> to vector<8x200x128xi32>
    %eq3A_343 = arith.cmpi eq, %eq3A_341, %eq3A_342 : vector<8x200x128xi32>
    %and3A_344 = arith.andi %eq3A_343, %lt3A_337 : vector<8x200x128xi1>
    %or3A_345 = arith.ori %lt3A_340, %and3A_344 : vector<8x200x128xi1>
    %convert_element_type3A_346 = arith.extui %or3A_345 : vector<8x200x128xi1> to vector<8x200x128xi32>
    %reduce_sum3A_347 = arith.constant dense<0> : vector<200x128xi32>
    %reduce_sum3A_348 = vector.multi_reduction <add>, %convert_element_type3A_346, %reduce_sum3A_347 [0] : vector<8x200x128xi32> to vector<200x128xi32>
    %add3A_349 = arith.addi %add3A_331, %reduce_sum3A_348 : vector<200x128xi32>
    %slice3A_350 = vector.extract_strided_slice %select_n3A_9 {offsets = [152, 0], sizes = [8, 128], strides = [1, 1]} : vector<200x128xi32> to vector<8x128xi32>
    %broadcast_in_dim3A_351 = vector.shape_cast %slice3A_350 : vector<8x128xi32> to vector<8x1x128xi32>
    %add3A_352 = arith.constant 152 : i32
    %add3A_353 = vector.broadcast %add3A_352 : i32 to vector<8x200x128xi32>
    %add3A_354 = arith.addi %iota3A_11, %add3A_353 : vector<8x200x128xi32>
    %lt3A_355 = arith.cmpi slt, %add3A_354, %iota3A : vector<8x200x128xi32>
    %lt3A_356 = vector.broadcast %broadcast_in_dim3A_351 : vector<8x1x128xi32> to vector<8x200x128xi32>
    %lt3A_357 = vector.broadcast %broadcast_in_dim3A_10 : vector<1x200x128xi32> to vector<8x200x128xi32>
    %lt3A_358 = arith.cmpi slt, %lt3A_356, %lt3A_357 : vector<8x200x128xi32>
    %eq3A_359 = vector.broadcast %broadcast_in_dim3A_351 : vector<8x1x128xi32> to vector<8x200x128xi32>
    %eq3A_360 = vector.broadcast %broadcast_in_dim3A_10 : vector<1x200x128xi32> to vector<8x200x128xi32>
    %eq3A_361 = arith.cmpi eq, %eq3A_359, %eq3A_360 : vector<8x200x128xi32>
    %and3A_362 = arith.andi %eq3A_361, %lt3A_355 : vector<8x200x128xi1>
    %or3A_363 = arith.ori %lt3A_358, %and3A_362 : vector<8x200x128xi1>
    %convert_element_type3A_364 = arith.extui %or3A_363 : vector<8x200x128xi1> to vector<8x200x128xi32>
    %reduce_sum3A_365 = arith.constant dense<0> : vector<200x128xi32>
    %reduce_sum3A_366 = vector.multi_reduction <add>, %convert_element_type3A_364, %reduce_sum3A_365 [0] : vector<8x200x128xi32> to vector<200x128xi32>
    %add3A_367 = arith.addi %add3A_349, %reduce_sum3A_366 : vector<200x128xi32>
    %slice3A_368 = vector.extract_strided_slice %select_n3A_9 {offsets = [160, 0], sizes = [8, 128], strides = [1, 1]} : vector<200x128xi32> to vector<8x128xi32>
    %broadcast_in_dim3A_369 = vector.shape_cast %slice3A_368 : vector<8x128xi32> to vector<8x1x128xi32>
    %add3A_370 = arith.constant 160 : i32
    %add3A_371 = vector.broadcast %add3A_370 : i32 to vector<8x200x128xi32>
    %add3A_372 = arith.addi %iota3A_11, %add3A_371 : vector<8x200x128xi32>
    %lt3A_373 = arith.cmpi slt, %add3A_372, %iota3A : vector<8x200x128xi32>
    %lt3A_374 = vector.broadcast %broadcast_in_dim3A_369 : vector<8x1x128xi32> to vector<8x200x128xi32>
    %lt3A_375 = vector.broadcast %broadcast_in_dim3A_10 : vector<1x200x128xi32> to vector<8x200x128xi32>
    %lt3A_376 = arith.cmpi slt, %lt3A_374, %lt3A_375 : vector<8x200x128xi32>
    %eq3A_377 = vector.broadcast %broadcast_in_dim3A_369 : vector<8x1x128xi32> to vector<8x200x128xi32>
    %eq3A_378 = vector.broadcast %broadcast_in_dim3A_10 : vector<1x200x128xi32> to vector<8x200x128xi32>
    %eq3A_379 = arith.cmpi eq, %eq3A_377, %eq3A_378 : vector<8x200x128xi32>
    %and3A_380 = arith.andi %eq3A_379, %lt3A_373 : vector<8x200x128xi1>
    %or3A_381 = arith.ori %lt3A_376, %and3A_380 : vector<8x200x128xi1>
    %convert_element_type3A_382 = arith.extui %or3A_381 : vector<8x200x128xi1> to vector<8x200x128xi32>
    %reduce_sum3A_383 = arith.constant dense<0> : vector<200x128xi32>
    %reduce_sum3A_384 = vector.multi_reduction <add>, %convert_element_type3A_382, %reduce_sum3A_383 [0] : vector<8x200x128xi32> to vector<200x128xi32>
    %add3A_385 = arith.addi %add3A_367, %reduce_sum3A_384 : vector<200x128xi32>
    %slice3A_386 = vector.extract_strided_slice %select_n3A_9 {offsets = [168, 0], sizes = [8, 128], strides = [1, 1]} : vector<200x128xi32> to vector<8x128xi32>
    %broadcast_in_dim3A_387 = vector.shape_cast %slice3A_386 : vector<8x128xi32> to vector<8x1x128xi32>
    %add3A_388 = arith.constant 168 : i32
    %add3A_389 = vector.broadcast %add3A_388 : i32 to vector<8x200x128xi32>
    %add3A_390 = arith.addi %iota3A_11, %add3A_389 : vector<8x200x128xi32>
    %lt3A_391 = arith.cmpi slt, %add3A_390, %iota3A : vector<8x200x128xi32>
    %lt3A_392 = vector.broadcast %broadcast_in_dim3A_387 : vector<8x1x128xi32> to vector<8x200x128xi32>
    %lt3A_393 = vector.broadcast %broadcast_in_dim3A_10 : vector<1x200x128xi32> to vector<8x200x128xi32>
    %lt3A_394 = arith.cmpi slt, %lt3A_392, %lt3A_393 : vector<8x200x128xi32>
    %eq3A_395 = vector.broadcast %broadcast_in_dim3A_387 : vector<8x1x128xi32> to vector<8x200x128xi32>
    %eq3A_396 = vector.broadcast %broadcast_in_dim3A_10 : vector<1x200x128xi32> to vector<8x200x128xi32>
    %eq3A_397 = arith.cmpi eq, %eq3A_395, %eq3A_396 : vector<8x200x128xi32>
    %and3A_398 = arith.andi %eq3A_397, %lt3A_391 : vector<8x200x128xi1>
    %or3A_399 = arith.ori %lt3A_394, %and3A_398 : vector<8x200x128xi1>
    %convert_element_type3A_400 = arith.extui %or3A_399 : vector<8x200x128xi1> to vector<8x200x128xi32>
    %reduce_sum3A_401 = arith.constant dense<0> : vector<200x128xi32>
    %reduce_sum3A_402 = vector.multi_reduction <add>, %convert_element_type3A_400, %reduce_sum3A_401 [0] : vector<8x200x128xi32> to vector<200x128xi32>
    %add3A_403 = arith.addi %add3A_385, %reduce_sum3A_402 : vector<200x128xi32>
    %slice3A_404 = vector.extract_strided_slice %select_n3A_9 {offsets = [176, 0], sizes = [8, 128], strides = [1, 1]} : vector<200x128xi32> to vector<8x128xi32>
    %broadcast_in_dim3A_405 = vector.shape_cast %slice3A_404 : vector<8x128xi32> to vector<8x1x128xi32>
    %add3A_406 = arith.constant 176 : i32
    %add3A_407 = vector.broadcast %add3A_406 : i32 to vector<8x200x128xi32>
    %add3A_408 = arith.addi %iota3A_11, %add3A_407 : vector<8x200x128xi32>
    %lt3A_409 = arith.cmpi slt, %add3A_408, %iota3A : vector<8x200x128xi32>
    %lt3A_410 = vector.broadcast %broadcast_in_dim3A_405 : vector<8x1x128xi32> to vector<8x200x128xi32>
    %lt3A_411 = vector.broadcast %broadcast_in_dim3A_10 : vector<1x200x128xi32> to vector<8x200x128xi32>
    %lt3A_412 = arith.cmpi slt, %lt3A_410, %lt3A_411 : vector<8x200x128xi32>
    %eq3A_413 = vector.broadcast %broadcast_in_dim3A_405 : vector<8x1x128xi32> to vector<8x200x128xi32>
    %eq3A_414 = vector.broadcast %broadcast_in_dim3A_10 : vector<1x200x128xi32> to vector<8x200x128xi32>
    %eq3A_415 = arith.cmpi eq, %eq3A_413, %eq3A_414 : vector<8x200x128xi32>
    %and3A_416 = arith.andi %eq3A_415, %lt3A_409 : vector<8x200x128xi1>
    %or3A_417 = arith.ori %lt3A_412, %and3A_416 : vector<8x200x128xi1>
    %convert_element_type3A_418 = arith.extui %or3A_417 : vector<8x200x128xi1> to vector<8x200x128xi32>
    %reduce_sum3A_419 = arith.constant dense<0> : vector<200x128xi32>
    %reduce_sum3A_420 = vector.multi_reduction <add>, %convert_element_type3A_418, %reduce_sum3A_419 [0] : vector<8x200x128xi32> to vector<200x128xi32>
    %add3A_421 = arith.addi %add3A_403, %reduce_sum3A_420 : vector<200x128xi32>
    %slice3A_422 = vector.extract_strided_slice %select_n3A_9 {offsets = [184, 0], sizes = [8, 128], strides = [1, 1]} : vector<200x128xi32> to vector<8x128xi32>
    %broadcast_in_dim3A_423 = vector.shape_cast %slice3A_422 : vector<8x128xi32> to vector<8x1x128xi32>
    %add3A_424 = arith.constant 184 : i32
    %add3A_425 = vector.broadcast %add3A_424 : i32 to vector<8x200x128xi32>
    %add3A_426 = arith.addi %iota3A_11, %add3A_425 : vector<8x200x128xi32>
    %lt3A_427 = arith.cmpi slt, %add3A_426, %iota3A : vector<8x200x128xi32>
    %lt3A_428 = vector.broadcast %broadcast_in_dim3A_423 : vector<8x1x128xi32> to vector<8x200x128xi32>
    %lt3A_429 = vector.broadcast %broadcast_in_dim3A_10 : vector<1x200x128xi32> to vector<8x200x128xi32>
    %lt3A_430 = arith.cmpi slt, %lt3A_428, %lt3A_429 : vector<8x200x128xi32>
    %eq3A_431 = vector.broadcast %broadcast_in_dim3A_423 : vector<8x1x128xi32> to vector<8x200x128xi32>
    %eq3A_432 = vector.broadcast %broadcast_in_dim3A_10 : vector<1x200x128xi32> to vector<8x200x128xi32>
    %eq3A_433 = arith.cmpi eq, %eq3A_431, %eq3A_432 : vector<8x200x128xi32>
    %and3A_434 = arith.andi %eq3A_433, %lt3A_427 : vector<8x200x128xi1>
    %or3A_435 = arith.ori %lt3A_430, %and3A_434 : vector<8x200x128xi1>
    %convert_element_type3A_436 = arith.extui %or3A_435 : vector<8x200x128xi1> to vector<8x200x128xi32>
    %reduce_sum3A_437 = arith.constant dense<0> : vector<200x128xi32>
    %reduce_sum3A_438 = vector.multi_reduction <add>, %convert_element_type3A_436, %reduce_sum3A_437 [0] : vector<8x200x128xi32> to vector<200x128xi32>
    %add3A_439 = arith.addi %add3A_421, %reduce_sum3A_438 : vector<200x128xi32>
    %slice3A_440 = vector.extract_strided_slice %select_n3A_9 {offsets = [192, 0], sizes = [8, 128], strides = [1, 1]} : vector<200x128xi32> to vector<8x128xi32>
    %broadcast_in_dim3A_441 = vector.shape_cast %slice3A_440 : vector<8x128xi32> to vector<8x1x128xi32>
    %add3A_442 = arith.constant 192 : i32
    %add3A_443 = vector.broadcast %add3A_442 : i32 to vector<8x200x128xi32>
    %add3A_444 = arith.addi %iota3A_11, %add3A_443 : vector<8x200x128xi32>
    %lt3A_445 = arith.cmpi slt, %add3A_444, %iota3A : vector<8x200x128xi32>
    %lt3A_446 = vector.broadcast %broadcast_in_dim3A_441 : vector<8x1x128xi32> to vector<8x200x128xi32>
    %lt3A_447 = vector.broadcast %broadcast_in_dim3A_10 : vector<1x200x128xi32> to vector<8x200x128xi32>
    %lt3A_448 = arith.cmpi slt, %lt3A_446, %lt3A_447 : vector<8x200x128xi32>
    %eq3A_449 = vector.broadcast %broadcast_in_dim3A_441 : vector<8x1x128xi32> to vector<8x200x128xi32>
    %eq3A_450 = vector.broadcast %broadcast_in_dim3A_10 : vector<1x200x128xi32> to vector<8x200x128xi32>
    %eq3A_451 = arith.cmpi eq, %eq3A_449, %eq3A_450 : vector<8x200x128xi32>
    %and3A_452 = arith.andi %eq3A_451, %lt3A_445 : vector<8x200x128xi1>
    %or3A_453 = arith.ori %lt3A_448, %and3A_452 : vector<8x200x128xi1>
    %convert_element_type3A_454 = arith.extui %or3A_453 : vector<8x200x128xi1> to vector<8x200x128xi32>
    %reduce_sum3A_455 = arith.constant dense<0> : vector<200x128xi32>
    %reduce_sum3A_456 = vector.multi_reduction <add>, %convert_element_type3A_454, %reduce_sum3A_455 [0] : vector<8x200x128xi32> to vector<200x128xi32>
    %add3A_457 = arith.addi %add3A_439, %reduce_sum3A_456 : vector<200x128xi32>
    %mul3A = arith.constant 128 : i32
    %mul3A_458 = arith.muli %arg0, %mul3A : i32
    %add3A_459 = arith.constant 8192 : i32
    %add3A_460 = arith.addi %add3A_459, %mul3A_458 : i32
    %iota3A_461 = tpu.iota {dimensions = array<i32: 1>} : vector<200x128xi32>
    %add3A_462 = vector.broadcast %add3A_460 : i32 to vector<200x128xi32>
    %add3A_463 = arith.addi %add3A_462, %iota3A_461 : vector<200x128xi32>
    %mul3A_464 = arith.constant 200 : i32
    %mul3A_465 = vector.broadcast %mul3A_464 : i32 to vector<200x128xi32>
    %mul3A_466 = arith.muli %add3A_463, %mul3A_465 : vector<200x128xi32>
    %add3A_467 = arith.addi %mul3A_466, %add3A_457 : vector<200x128xi32>
    %swap3A = arith.constant 0 : index
    %swap3A_468 = arith.constant 0 : index
    %swap3A_469 = vector.load %arg2[%swap3A, %swap3A_468] : memref<200x128xi32, #tpu.memory_space<vmem>>, vector<200x128xi32>
    tpu.vector_store %arg2[%swap3A, %swap3A_468], %add3A_467 {strides = array<i32>} : memref<200x128xi32, #tpu.memory_space<vmem>>, vector<200x128xi32>,
    return
  }
  func.func @transform_0(%arg0: i32) -> (i32, i32) {
    %c0_i32 = arith.constant 0 : i32
    %c0_i32_0 = arith.constant 0 : i32
    return %c0_i32, %arg0 : i32, i32
  }
  func.func @transform_1(%arg0: i32) -> (i32, i32) {
    %c0_i32 = arith.constant 0 : i32
    %c0_i32_0 = arith.constant 0 : i32
    return %c0_i32, %arg0 : i32, i32
  }
}

module attributes {stable_mosaic.version = 14 : i64} {
  func.func @body(%arg0: i32, %arg1: memref<200x128xf32, #tpu.memory_space<vmem>>, %arg2: memref<200x128xi32, #tpu.memory_space<vmem>>) attributes {dimension_semantics = [#tpu.dimension_semantics<parallel>], iteration_bounds = array<i64: 32>, scalar_prefetch = 0 : i64, scratch_operands = 0 : i64, tpu.core_type = #tpu.core_type<tc>, window_params = [{transform_indices = @transform_0, window_bounds = array<i64: 200, 128>}, {transform_indices = @transform_1, window_bounds = array<i64: 200, 128>}]} {
    %get3A = arith.constant 0 : index
    %get3A_0 = arith.constant 0 : index
    %get3A_1 = vector.load %arg1[%get3A, %get3A_0] : memref<200x128xf32, #tpu.memory_space<vmem>>, vector<200x128xf32>
    %bitcast_convert_type3A = tpu.bitcast %get3A_1 : vector<200x128xf32> -> vector<200x128xi32>
    %eq3A = arith.constant -2147483648 : i32
    %eq3A_2 = vector.broadcast %eq3A : i32 to vector<200x128xi32>
    %eq3A_3 = arith.cmpi eq, %bitcast_convert_type3A, %eq3A_2 : vector<200x128xi32>
    %jit3A = arith.constant 0 : i32
    %broadcast_in_dim3A = vector.broadcast %jit3A : i32 to vector<200x128xi32>
    %select_n3A = arith.select %eq3A_3, %broadcast_in_dim3A, %bitcast_convert_type3A : vector<200x128xi1>, vector<200x128xi32>
    %lt3A = arith.constant 0 : i32
    %lt3A_4 = vector.broadcast %lt3A : i32 to vector<200x128xi32>
    %lt3A_5 = arith.cmpi slt, %select_n3A, %lt3A_4 : vector<200x128xi32>
    %not3A = arith.constant dense<-1> : vector<200x128xi32>
    %not3A_6 = arith.xori %select_n3A, %not3A : vector<200x128xi32>
    %xor3A = arith.constant -2147483648 : i32
    %xor3A_7 = vector.broadcast %xor3A : i32 to vector<200x128xi32>
    %xor3A_8 = arith.xori %not3A_6, %xor3A_7 : vector<200x128xi32>
    %select_n3A_9 = arith.select %lt3A_5, %xor3A_8, %select_n3A : vector<200x128xi1>, vector<200x128xi32>
    %broadcast_in_dim3A_10 = vector.shape_cast %select_n3A_9 : vector<200x128xi32> to vector<1x200x128xi32>
    %iota3A = tpu.iota {dimensions = array<i32: 1>} : vector<8x200x128xi32>
    %iota3A_11 = tpu.iota {dimensions = array<i32: 0>} : vector<8x200x128xi32>
    %broadcast_in_dim3A_12 = arith.constant 0 : i32
    %broadcast_in_dim3A_13 = vector.broadcast %broadcast_in_dim3A_12 : i32 to vector<200x128xi32>
    %slice3A = vector.extract_strided_slice %select_n3A_9 {offsets = [0, 0], sizes = [8, 128], strides = [1, 1]} : vector<200x128xi32> to vector<8x128xi32>
    %broadcast_in_dim3A_14 = vector.shape_cast %slice3A : vector<8x128xi32> to vector<8x1x128xi32>
    %add3A = arith.constant 0 : i32
    %add3A_15 = vector.broadcast %add3A : i32 to vector<8x200x128xi32>
    %add3A_16 = arith.addi %iota3A_11, %add3A_15 : vector<8x200x128xi32>
    %lt3A_17 = arith.cmpi slt, %add3A_16, %iota3A : vector<8x200x128xi32>
    %lt3A_18 = vector.broadcast %broadcast_in_dim3A_14 : vector<8x1x128xi32> to vector<8x200x128xi32>
    %lt3A_19 = vector.broadcast %broadcast_in_dim3A_10 : vector<1x200x128xi32> to vector<8x200x128xi32>
    %lt3A_20 = arith.cmpi slt, %lt3A_18, %lt3A_19 : vector<8x200x128xi32>
    %eq3A_21 = vector.broadcast %broadcast_in_dim3A_14 : vector<8x1x128xi32> to vector<8x200x128xi32>
    %eq3A_22 = vector.broadcast %broadcast_in_dim3A_10 : vector<1x200x128xi32> to vector<8x200x128xi32>
    %eq3A_23 = arith.cmpi eq, %eq3A_21, %eq3A_22 : vector<8x200x128xi32>
    %and3A = arith.andi %eq3A_23, %lt3A_17 : vector<8x200x128xi1>
    %or3A = arith.ori %lt3A_20, %and3A : vector<8x200x128xi1>
    %convert_element_type3A = arith.extui %or3A : vector<8x200x128xi1> to vector<8x200x128xi32>
    %reduce_sum3A = arith.constant dense<0> : vector<200x128xi32>
    %reduce_sum3A_24 = vector.multi_reduction <add>, %convert_element_type3A, %reduce_sum3A [0] : vector<8x200x128xi32> to vector<200x128xi32>
    %add3A_25 = arith.addi %broadcast_in_dim3A_13, %reduce_sum3A_24 : vector<200x128xi32>
    %slice3A_26 = vector.extract_strided_slice %select_n3A_9 {offsets = [8, 0], sizes = [8, 128], strides = [1, 1]} : vector<200x128xi32> to vector<8x128xi32>
    %broadcast_in_dim3A_27 = vector.shape_cast %slice3A_26 : vector<8x128xi32> to vector<8x1x128xi32>
    %add3A_28 = arith.constant 8 : i32
    %add3A_29 = vector.broadcast %add3A_28 : i32 to vector<8x200x128xi32>
    %add3A_30 = arith.addi %iota3A_11, %add3A_29 : vector<8x200x128xi32>
    %lt3A_31 = arith.cmpi slt, %add3A_30, %iota3A : vector<8x200x128xi32>
    %lt3A_32 = vector.broadcast %broadcast_in_dim3A_27 : vector<8x1x128xi32> to vector<8x200x128xi32>
    %lt3A_33 = vector.broadcast %broadcast_in_dim3A_10 : vector<1x200x128xi32> to vector<8x200x128xi32>
    %lt3A_34 = arith.cmpi slt, %lt3A_32, %lt3A_33 : vector<8x200x128xi32>
    %eq3A_35 = vector.broadcast %broadcast_in_dim3A_27 : vector<8x1x128xi32> to vector<8x200x128xi32>
    %eq3A_36 = vector.broadcast %broadcast_in_dim3A_10 : vector<1x200x128xi32> to vector<8x200x128xi32>
    %eq3A_37 = arith.cmpi eq, %eq3A_35, %eq3A_36 : vector<8x200x128xi32>
    %and3A_38 = arith.andi %eq3A_37, %lt3A_31 : vector<8x200x128xi1>
    %or3A_39 = arith.ori %lt3A_34, %and3A_38 : vector<8x200x128xi1>
    %convert_element_type3A_40 = arith.extui %or3A_39 : vector<8x200x128xi1> to vector<8x200x128xi32>
    %reduce_sum3A_41 = arith.constant dense<0> : vector<200x128xi32>
    %reduce_sum3A_42 = vector.multi_reduction <add>, %convert_element_type3A_40, %reduce_sum3A_41 [0] : vector<8x200x128xi32> to vector<200x128xi32>
    %add3A_43 = arith.addi %add3A_25, %reduce_sum3A_42 : vector<200x128xi32>
    %slice3A_44 = vector.extract_strided_slice %select_n3A_9 {offsets = [16, 0], sizes = [8, 128], strides = [1, 1]} : vector<200x128xi32> to vector<8x128xi32>
    %broadcast_in_dim3A_45 = vector.shape_cast %slice3A_44 : vector<8x128xi32> to vector<8x1x128xi32>
    %add3A_46 = arith.constant 16 : i32
    %add3A_47 = vector.broadcast %add3A_46 : i32 to vector<8x200x128xi32>
    %add3A_48 = arith.addi %iota3A_11, %add3A_47 : vector<8x200x128xi32>
    %lt3A_49 = arith.cmpi slt, %add3A_48, %iota3A : vector<8x200x128xi32>
    %lt3A_50 = vector.broadcast %broadcast_in_dim3A_45 : vector<8x1x128xi32> to vector<8x200x128xi32>
    %lt3A_51 = vector.broadcast %broadcast_in_dim3A_10 : vector<1x200x128xi32> to vector<8x200x128xi32>
    %lt3A_52 = arith.cmpi slt, %lt3A_50, %lt3A_51 : vector<8x200x128xi32>
    %eq3A_53 = vector.broadcast %broadcast_in_dim3A_45 : vector<8x1x128xi32> to vector<8x200x128xi32>
    %eq3A_54 = vector.broadcast %broadcast_in_dim3A_10 : vector<1x200x128xi32> to vector<8x200x128xi32>
    %eq3A_55 = arith.cmpi eq, %eq3A_53, %eq3A_54 : vector<8x200x128xi32>
    %and3A_56 = arith.andi %eq3A_55, %lt3A_49 : vector<8x200x128xi1>
    %or3A_57 = arith.ori %lt3A_52, %and3A_56 : vector<8x200x128xi1>
    %convert_element_type3A_58 = arith.extui %or3A_57 : vector<8x200x128xi1> to vector<8x200x128xi32>
    %reduce_sum3A_59 = arith.constant dense<0> : vector<200x128xi32>
    %reduce_sum3A_60 = vector.multi_reduction <add>, %convert_element_type3A_58, %reduce_sum3A_59 [0] : vector<8x200x128xi32> to vector<200x128xi32>
    %add3A_61 = arith.addi %add3A_43, %reduce_sum3A_60 : vector<200x128xi32>
    %slice3A_62 = vector.extract_strided_slice %select_n3A_9 {offsets = [24, 0], sizes = [8, 128], strides = [1, 1]} : vector<200x128xi32> to vector<8x128xi32>
    %broadcast_in_dim3A_63 = vector.shape_cast %slice3A_62 : vector<8x128xi32> to vector<8x1x128xi32>
    %add3A_64 = arith.constant 24 : i32
    %add3A_65 = vector.broadcast %add3A_64 : i32 to vector<8x200x128xi32>
    %add3A_66 = arith.addi %iota3A_11, %add3A_65 : vector<8x200x128xi32>
    %lt3A_67 = arith.cmpi slt, %add3A_66, %iota3A : vector<8x200x128xi32>
    %lt3A_68 = vector.broadcast %broadcast_in_dim3A_63 : vector<8x1x128xi32> to vector<8x200x128xi32>
    %lt3A_69 = vector.broadcast %broadcast_in_dim3A_10 : vector<1x200x128xi32> to vector<8x200x128xi32>
    %lt3A_70 = arith.cmpi slt, %lt3A_68, %lt3A_69 : vector<8x200x128xi32>
    %eq3A_71 = vector.broadcast %broadcast_in_dim3A_63 : vector<8x1x128xi32> to vector<8x200x128xi32>
    %eq3A_72 = vector.broadcast %broadcast_in_dim3A_10 : vector<1x200x128xi32> to vector<8x200x128xi32>
    %eq3A_73 = arith.cmpi eq, %eq3A_71, %eq3A_72 : vector<8x200x128xi32>
    %and3A_74 = arith.andi %eq3A_73, %lt3A_67 : vector<8x200x128xi1>
    %or3A_75 = arith.ori %lt3A_70, %and3A_74 : vector<8x200x128xi1>
    %convert_element_type3A_76 = arith.extui %or3A_75 : vector<8x200x128xi1> to vector<8x200x128xi32>
    %reduce_sum3A_77 = arith.constant dense<0> : vector<200x128xi32>
    %reduce_sum3A_78 = vector.multi_reduction <add>, %convert_element_type3A_76, %reduce_sum3A_77 [0] : vector<8x200x128xi32> to vector<200x128xi32>
    %add3A_79 = arith.addi %add3A_61, %reduce_sum3A_78 : vector<200x128xi32>
    %slice3A_80 = vector.extract_strided_slice %select_n3A_9 {offsets = [32, 0], sizes = [8, 128], strides = [1, 1]} : vector<200x128xi32> to vector<8x128xi32>
    %broadcast_in_dim3A_81 = vector.shape_cast %slice3A_80 : vector<8x128xi32> to vector<8x1x128xi32>
    %add3A_82 = arith.constant 32 : i32
    %add3A_83 = vector.broadcast %add3A_82 : i32 to vector<8x200x128xi32>
    %add3A_84 = arith.addi %iota3A_11, %add3A_83 : vector<8x200x128xi32>
    %lt3A_85 = arith.cmpi slt, %add3A_84, %iota3A : vector<8x200x128xi32>
    %lt3A_86 = vector.broadcast %broadcast_in_dim3A_81 : vector<8x1x128xi32> to vector<8x200x128xi32>
    %lt3A_87 = vector.broadcast %broadcast_in_dim3A_10 : vector<1x200x128xi32> to vector<8x200x128xi32>
    %lt3A_88 = arith.cmpi slt, %lt3A_86, %lt3A_87 : vector<8x200x128xi32>
    %eq3A_89 = vector.broadcast %broadcast_in_dim3A_81 : vector<8x1x128xi32> to vector<8x200x128xi32>
    %eq3A_90 = vector.broadcast %broadcast_in_dim3A_10 : vector<1x200x128xi32> to vector<8x200x128xi32>
    %eq3A_91 = arith.cmpi eq, %eq3A_89, %eq3A_90 : vector<8x200x128xi32>
    %and3A_92 = arith.andi %eq3A_91, %lt3A_85 : vector<8x200x128xi1>
    %or3A_93 = arith.ori %lt3A_88, %and3A_92 : vector<8x200x128xi1>
    %convert_element_type3A_94 = arith.extui %or3A_93 : vector<8x200x128xi1> to vector<8x200x128xi32>
    %reduce_sum3A_95 = arith.constant dense<0> : vector<200x128xi32>
    %reduce_sum3A_96 = vector.multi_reduction <add>, %convert_element_type3A_94, %reduce_sum3A_95 [0] : vector<8x200x128xi32> to vector<200x128xi32>
    %add3A_97 = arith.addi %add3A_79, %reduce_sum3A_96 : vector<200x128xi32>
    %slice3A_98 = vector.extract_strided_slice %select_n3A_9 {offsets = [40, 0], sizes = [8, 128], strides = [1, 1]} : vector<200x128xi32> to vector<8x128xi32>
    %broadcast_in_dim3A_99 = vector.shape_cast %slice3A_98 : vector<8x128xi32> to vector<8x1x128xi32>
    %add3A_100 = arith.constant 40 : i32
    %add3A_101 = vector.broadcast %add3A_100 : i32 to vector<8x200x128xi32>
    %add3A_102 = arith.addi %iota3A_11, %add3A_101 : vector<8x200x128xi32>
    %lt3A_103 = arith.cmpi slt, %add3A_102, %iota3A : vector<8x200x128xi32>
    %lt3A_104 = vector.broadcast %broadcast_in_dim3A_99 : vector<8x1x128xi32> to vector<8x200x128xi32>
    %lt3A_105 = vector.broadcast %broadcast_in_dim3A_10 : vector<1x200x128xi32> to vector<8x200x128xi32>
    %lt3A_106 = arith.cmpi slt, %lt3A_104, %lt3A_105 : vector<8x200x128xi32>
    %eq3A_107 = vector.broadcast %broadcast_in_dim3A_99 : vector<8x1x128xi32> to vector<8x200x128xi32>
    %eq3A_108 = vector.broadcast %broadcast_in_dim3A_10 : vector<1x200x128xi32> to vector<8x200x128xi32>
    %eq3A_109 = arith.cmpi eq, %eq3A_107, %eq3A_108 : vector<8x200x128xi32>
    %and3A_110 = arith.andi %eq3A_109, %lt3A_103 : vector<8x200x128xi1>
    %or3A_111 = arith.ori %lt3A_106, %and3A_110 : vector<8x200x128xi1>
    %convert_element_type3A_112 = arith.extui %or3A_111 : vector<8x200x128xi1> to vector<8x200x128xi32>
    %reduce_sum3A_113 = arith.constant dense<0> : vector<200x128xi32>
    %reduce_sum3A_114 = vector.multi_reduction <add>, %convert_element_type3A_112, %reduce_sum3A_113 [0] : vector<8x200x128xi32> to vector<200x128xi32>
    %add3A_115 = arith.addi %add3A_97, %reduce_sum3A_114 : vector<200x128xi32>
    %slice3A_116 = vector.extract_strided_slice %select_n3A_9 {offsets = [48, 0], sizes = [8, 128], strides = [1, 1]} : vector<200x128xi32> to vector<8x128xi32>
    %broadcast_in_dim3A_117 = vector.shape_cast %slice3A_116 : vector<8x128xi32> to vector<8x1x128xi32>
    %add3A_118 = arith.constant 48 : i32
    %add3A_119 = vector.broadcast %add3A_118 : i32 to vector<8x200x128xi32>
    %add3A_120 = arith.addi %iota3A_11, %add3A_119 : vector<8x200x128xi32>
    %lt3A_121 = arith.cmpi slt, %add3A_120, %iota3A : vector<8x200x128xi32>
    %lt3A_122 = vector.broadcast %broadcast_in_dim3A_117 : vector<8x1x128xi32> to vector<8x200x128xi32>
    %lt3A_123 = vector.broadcast %broadcast_in_dim3A_10 : vector<1x200x128xi32> to vector<8x200x128xi32>
    %lt3A_124 = arith.cmpi slt, %lt3A_122, %lt3A_123 : vector<8x200x128xi32>
    %eq3A_125 = vector.broadcast %broadcast_in_dim3A_117 : vector<8x1x128xi32> to vector<8x200x128xi32>
    %eq3A_126 = vector.broadcast %broadcast_in_dim3A_10 : vector<1x200x128xi32> to vector<8x200x128xi32>
    %eq3A_127 = arith.cmpi eq, %eq3A_125, %eq3A_126 : vector<8x200x128xi32>
    %and3A_128 = arith.andi %eq3A_127, %lt3A_121 : vector<8x200x128xi1>
    %or3A_129 = arith.ori %lt3A_124, %and3A_128 : vector<8x200x128xi1>
    %convert_element_type3A_130 = arith.extui %or3A_129 : vector<8x200x128xi1> to vector<8x200x128xi32>
    %reduce_sum3A_131 = arith.constant dense<0> : vector<200x128xi32>
    %reduce_sum3A_132 = vector.multi_reduction <add>, %convert_element_type3A_130, %reduce_sum3A_131 [0] : vector<8x200x128xi32> to vector<200x128xi32>
    %add3A_133 = arith.addi %add3A_115, %reduce_sum3A_132 : vector<200x128xi32>
    %slice3A_134 = vector.extract_strided_slice %select_n3A_9 {offsets = [56, 0], sizes = [8, 128], strides = [1, 1]} : vector<200x128xi32> to vector<8x128xi32>
    %broadcast_in_dim3A_135 = vector.shape_cast %slice3A_134 : vector<8x128xi32> to vector<8x1x128xi32>
    %add3A_136 = arith.constant 56 : i32
    %add3A_137 = vector.broadcast %add3A_136 : i32 to vector<8x200x128xi32>
    %add3A_138 = arith.addi %iota3A_11, %add3A_137 : vector<8x200x128xi32>
    %lt3A_139 = arith.cmpi slt, %add3A_138, %iota3A : vector<8x200x128xi32>
    %lt3A_140 = vector.broadcast %broadcast_in_dim3A_135 : vector<8x1x128xi32> to vector<8x200x128xi32>
    %lt3A_141 = vector.broadcast %broadcast_in_dim3A_10 : vector<1x200x128xi32> to vector<8x200x128xi32>
    %lt3A_142 = arith.cmpi slt, %lt3A_140, %lt3A_141 : vector<8x200x128xi32>
    %eq3A_143 = vector.broadcast %broadcast_in_dim3A_135 : vector<8x1x128xi32> to vector<8x200x128xi32>
    %eq3A_144 = vector.broadcast %broadcast_in_dim3A_10 : vector<1x200x128xi32> to vector<8x200x128xi32>
    %eq3A_145 = arith.cmpi eq, %eq3A_143, %eq3A_144 : vector<8x200x128xi32>
    %and3A_146 = arith.andi %eq3A_145, %lt3A_139 : vector<8x200x128xi1>
    %or3A_147 = arith.ori %lt3A_142, %and3A_146 : vector<8x200x128xi1>
    %convert_element_type3A_148 = arith.extui %or3A_147 : vector<8x200x128xi1> to vector<8x200x128xi32>
    %reduce_sum3A_149 = arith.constant dense<0> : vector<200x128xi32>
    %reduce_sum3A_150 = vector.multi_reduction <add>, %convert_element_type3A_148, %reduce_sum3A_149 [0] : vector<8x200x128xi32> to vector<200x128xi32>
    %add3A_151 = arith.addi %add3A_133, %reduce_sum3A_150 : vector<200x128xi32>
    %slice3A_152 = vector.extract_strided_slice %select_n3A_9 {offsets = [64, 0], sizes = [8, 128], strides = [1, 1]} : vector<200x128xi32> to vector<8x128xi32>
    %broadcast_in_dim3A_153 = vector.shape_cast %slice3A_152 : vector<8x128xi32> to vector<8x1x128xi32>
    %add3A_154 = arith.constant 64 : i32
    %add3A_155 = vector.broadcast %add3A_154 : i32 to vector<8x200x128xi32>
    %add3A_156 = arith.addi %iota3A_11, %add3A_155 : vector<8x200x128xi32>
    %lt3A_157 = arith.cmpi slt, %add3A_156, %iota3A : vector<8x200x128xi32>
    %lt3A_158 = vector.broadcast %broadcast_in_dim3A_153 : vector<8x1x128xi32> to vector<8x200x128xi32>
    %lt3A_159 = vector.broadcast %broadcast_in_dim3A_10 : vector<1x200x128xi32> to vector<8x200x128xi32>
    %lt3A_160 = arith.cmpi slt, %lt3A_158, %lt3A_159 : vector<8x200x128xi32>
    %eq3A_161 = vector.broadcast %broadcast_in_dim3A_153 : vector<8x1x128xi32> to vector<8x200x128xi32>
    %eq3A_162 = vector.broadcast %broadcast_in_dim3A_10 : vector<1x200x128xi32> to vector<8x200x128xi32>
    %eq3A_163 = arith.cmpi eq, %eq3A_161, %eq3A_162 : vector<8x200x128xi32>
    %and3A_164 = arith.andi %eq3A_163, %lt3A_157 : vector<8x200x128xi1>
    %or3A_165 = arith.ori %lt3A_160, %and3A_164 : vector<8x200x128xi1>
    %convert_element_type3A_166 = arith.extui %or3A_165 : vector<8x200x128xi1> to vector<8x200x128xi32>
    %reduce_sum3A_167 = arith.constant dense<0> : vector<200x128xi32>
    %reduce_sum3A_168 = vector.multi_reduction <add>, %convert_element_type3A_166, %reduce_sum3A_167 [0] : vector<8x200x128xi32> to vector<200x128xi32>
    %add3A_169 = arith.addi %add3A_151, %reduce_sum3A_168 : vector<200x128xi32>
    %slice3A_170 = vector.extract_strided_slice %select_n3A_9 {offsets = [72, 0], sizes = [8, 128], strides = [1, 1]} : vector<200x128xi32> to vector<8x128xi32>
    %broadcast_in_dim3A_171 = vector.shape_cast %slice3A_170 : vector<8x128xi32> to vector<8x1x128xi32>
    %add3A_172 = arith.constant 72 : i32
    %add3A_173 = vector.broadcast %add3A_172 : i32 to vector<8x200x128xi32>
    %add3A_174 = arith.addi %iota3A_11, %add3A_173 : vector<8x200x128xi32>
    %lt3A_175 = arith.cmpi slt, %add3A_174, %iota3A : vector<8x200x128xi32>
    %lt3A_176 = vector.broadcast %broadcast_in_dim3A_171 : vector<8x1x128xi32> to vector<8x200x128xi32>
    %lt3A_177 = vector.broadcast %broadcast_in_dim3A_10 : vector<1x200x128xi32> to vector<8x200x128xi32>
    %lt3A_178 = arith.cmpi slt, %lt3A_176, %lt3A_177 : vector<8x200x128xi32>
    %eq3A_179 = vector.broadcast %broadcast_in_dim3A_171 : vector<8x1x128xi32> to vector<8x200x128xi32>
    %eq3A_180 = vector.broadcast %broadcast_in_dim3A_10 : vector<1x200x128xi32> to vector<8x200x128xi32>
    %eq3A_181 = arith.cmpi eq, %eq3A_179, %eq3A_180 : vector<8x200x128xi32>
    %and3A_182 = arith.andi %eq3A_181, %lt3A_175 : vector<8x200x128xi1>
    %or3A_183 = arith.ori %lt3A_178, %and3A_182 : vector<8x200x128xi1>
    %convert_element_type3A_184 = arith.extui %or3A_183 : vector<8x200x128xi1> to vector<8x200x128xi32>
    %reduce_sum3A_185 = arith.constant dense<0> : vector<200x128xi32>
    %reduce_sum3A_186 = vector.multi_reduction <add>, %convert_element_type3A_184, %reduce_sum3A_185 [0] : vector<8x200x128xi32> to vector<200x128xi32>
    %add3A_187 = arith.addi %add3A_169, %reduce_sum3A_186 : vector<200x128xi32>
    %slice3A_188 = vector.extract_strided_slice %select_n3A_9 {offsets = [80, 0], sizes = [8, 128], strides = [1, 1]} : vector<200x128xi32> to vector<8x128xi32>
    %broadcast_in_dim3A_189 = vector.shape_cast %slice3A_188 : vector<8x128xi32> to vector<8x1x128xi32>
    %add3A_190 = arith.constant 80 : i32
    %add3A_191 = vector.broadcast %add3A_190 : i32 to vector<8x200x128xi32>
    %add3A_192 = arith.addi %iota3A_11, %add3A_191 : vector<8x200x128xi32>
    %lt3A_193 = arith.cmpi slt, %add3A_192, %iota3A : vector<8x200x128xi32>
    %lt3A_194 = vector.broadcast %broadcast_in_dim3A_189 : vector<8x1x128xi32> to vector<8x200x128xi32>
    %lt3A_195 = vector.broadcast %broadcast_in_dim3A_10 : vector<1x200x128xi32> to vector<8x200x128xi32>
    %lt3A_196 = arith.cmpi slt, %lt3A_194, %lt3A_195 : vector<8x200x128xi32>
    %eq3A_197 = vector.broadcast %broadcast_in_dim3A_189 : vector<8x1x128xi32> to vector<8x200x128xi32>
    %eq3A_198 = vector.broadcast %broadcast_in_dim3A_10 : vector<1x200x128xi32> to vector<8x200x128xi32>
    %eq3A_199 = arith.cmpi eq, %eq3A_197, %eq3A_198 : vector<8x200x128xi32>
    %and3A_200 = arith.andi %eq3A_199, %lt3A_193 : vector<8x200x128xi1>
    %or3A_201 = arith.ori %lt3A_196, %and3A_200 : vector<8x200x128xi1>
    %convert_element_type3A_202 = arith.extui %or3A_201 : vector<8x200x128xi1> to vector<8x200x128xi32>
    %reduce_sum3A_203 = arith.constant dense<0> : vector<200x128xi32>
    %reduce_sum3A_204 = vector.multi_reduction <add>, %convert_element_type3A_202, %reduce_sum3A_203 [0] : vector<8x200x128xi32> to vector<200x128xi32>
    %add3A_205 = arith.addi %add3A_187, %reduce_sum3A_204 : vector<200x128xi32>
    %slice3A_206 = vector.extract_strided_slice %select_n3A_9 {offsets = [88, 0], sizes = [8, 128], strides = [1, 1]} : vector<200x128xi32> to vector<8x128xi32>
    %broadcast_in_dim3A_207 = vector.shape_cast %slice3A_206 : vector<8x128xi32> to vector<8x1x128xi32>
    %add3A_208 = arith.constant 88 : i32
    %add3A_209 = vector.broadcast %add3A_208 : i32 to vector<8x200x128xi32>
    %add3A_210 = arith.addi %iota3A_11, %add3A_209 : vector<8x200x128xi32>
    %lt3A_211 = arith.cmpi slt, %add3A_210, %iota3A : vector<8x200x128xi32>
    %lt3A_212 = vector.broadcast %broadcast_in_dim3A_207 : vector<8x1x128xi32> to vector<8x200x128xi32>
    %lt3A_213 = vector.broadcast %broadcast_in_dim3A_10 : vector<1x200x128xi32> to vector<8x200x128xi32>
    %lt3A_214 = arith.cmpi slt, %lt3A_212, %lt3A_213 : vector<8x200x128xi32>
    %eq3A_215 = vector.broadcast %broadcast_in_dim3A_207 : vector<8x1x128xi32> to vector<8x200x128xi32>
    %eq3A_216 = vector.broadcast %broadcast_in_dim3A_10 : vector<1x200x128xi32> to vector<8x200x128xi32>
    %eq3A_217 = arith.cmpi eq, %eq3A_215, %eq3A_216 : vector<8x200x128xi32>
    %and3A_218 = arith.andi %eq3A_217, %lt3A_211 : vector<8x200x128xi1>
    %or3A_219 = arith.ori %lt3A_214, %and3A_218 : vector<8x200x128xi1>
    %convert_element_type3A_220 = arith.extui %or3A_219 : vector<8x200x128xi1> to vector<8x200x128xi32>
    %reduce_sum3A_221 = arith.constant dense<0> : vector<200x128xi32>
    %reduce_sum3A_222 = vector.multi_reduction <add>, %convert_element_type3A_220, %reduce_sum3A_221 [0] : vector<8x200x128xi32> to vector<200x128xi32>
    %add3A_223 = arith.addi %add3A_205, %reduce_sum3A_222 : vector<200x128xi32>
    %slice3A_224 = vector.extract_strided_slice %select_n3A_9 {offsets = [96, 0], sizes = [8, 128], strides = [1, 1]} : vector<200x128xi32> to vector<8x128xi32>
    %broadcast_in_dim3A_225 = vector.shape_cast %slice3A_224 : vector<8x128xi32> to vector<8x1x128xi32>
    %add3A_226 = arith.constant 96 : i32
    %add3A_227 = vector.broadcast %add3A_226 : i32 to vector<8x200x128xi32>
    %add3A_228 = arith.addi %iota3A_11, %add3A_227 : vector<8x200x128xi32>
    %lt3A_229 = arith.cmpi slt, %add3A_228, %iota3A : vector<8x200x128xi32>
    %lt3A_230 = vector.broadcast %broadcast_in_dim3A_225 : vector<8x1x128xi32> to vector<8x200x128xi32>
    %lt3A_231 = vector.broadcast %broadcast_in_dim3A_10 : vector<1x200x128xi32> to vector<8x200x128xi32>
    %lt3A_232 = arith.cmpi slt, %lt3A_230, %lt3A_231 : vector<8x200x128xi32>
    %eq3A_233 = vector.broadcast %broadcast_in_dim3A_225 : vector<8x1x128xi32> to vector<8x200x128xi32>
    %eq3A_234 = vector.broadcast %broadcast_in_dim3A_10 : vector<1x200x128xi32> to vector<8x200x128xi32>
    %eq3A_235 = arith.cmpi eq, %eq3A_233, %eq3A_234 : vector<8x200x128xi32>
    %and3A_236 = arith.andi %eq3A_235, %lt3A_229 : vector<8x200x128xi1>
    %or3A_237 = arith.ori %lt3A_232, %and3A_236 : vector<8x200x128xi1>
    %convert_element_type3A_238 = arith.extui %or3A_237 : vector<8x200x128xi1> to vector<8x200x128xi32>
    %reduce_sum3A_239 = arith.constant dense<0> : vector<200x128xi32>
    %reduce_sum3A_240 = vector.multi_reduction <add>, %convert_element_type3A_238, %reduce_sum3A_239 [0] : vector<8x200x128xi32> to vector<200x128xi32>
    %add3A_241 = arith.addi %add3A_223, %reduce_sum3A_240 : vector<200x128xi32>
    %slice3A_242 = vector.extract_strided_slice %select_n3A_9 {offsets = [104, 0], sizes = [8, 128], strides = [1, 1]} : vector<200x128xi32> to vector<8x128xi32>
    %broadcast_in_dim3A_243 = vector.shape_cast %slice3A_242 : vector<8x128xi32> to vector<8x1x128xi32>
    %add3A_244 = arith.constant 104 : i32
    %add3A_245 = vector.broadcast %add3A_244 : i32 to vector<8x200x128xi32>
    %add3A_246 = arith.addi %iota3A_11, %add3A_245 : vector<8x200x128xi32>
    %lt3A_247 = arith.cmpi slt, %add3A_246, %iota3A : vector<8x200x128xi32>
    %lt3A_248 = vector.broadcast %broadcast_in_dim3A_243 : vector<8x1x128xi32> to vector<8x200x128xi32>
    %lt3A_249 = vector.broadcast %broadcast_in_dim3A_10 : vector<1x200x128xi32> to vector<8x200x128xi32>
    %lt3A_250 = arith.cmpi slt, %lt3A_248, %lt3A_249 : vector<8x200x128xi32>
    %eq3A_251 = vector.broadcast %broadcast_in_dim3A_243 : vector<8x1x128xi32> to vector<8x200x128xi32>
    %eq3A_252 = vector.broadcast %broadcast_in_dim3A_10 : vector<1x200x128xi32> to vector<8x200x128xi32>
    %eq3A_253 = arith.cmpi eq, %eq3A_251, %eq3A_252 : vector<8x200x128xi32>
    %and3A_254 = arith.andi %eq3A_253, %lt3A_247 : vector<8x200x128xi1>
    %or3A_255 = arith.ori %lt3A_250, %and3A_254 : vector<8x200x128xi1>
    %convert_element_type3A_256 = arith.extui %or3A_255 : vector<8x200x128xi1> to vector<8x200x128xi32>
    %reduce_sum3A_257 = arith.constant dense<0> : vector<200x128xi32>
    %reduce_sum3A_258 = vector.multi_reduction <add>, %convert_element_type3A_256, %reduce_sum3A_257 [0] : vector<8x200x128xi32> to vector<200x128xi32>
    %add3A_259 = arith.addi %add3A_241, %reduce_sum3A_258 : vector<200x128xi32>
    %slice3A_260 = vector.extract_strided_slice %select_n3A_9 {offsets = [112, 0], sizes = [8, 128], strides = [1, 1]} : vector<200x128xi32> to vector<8x128xi32>
    %broadcast_in_dim3A_261 = vector.shape_cast %slice3A_260 : vector<8x128xi32> to vector<8x1x128xi32>
    %add3A_262 = arith.constant 112 : i32
    %add3A_263 = vector.broadcast %add3A_262 : i32 to vector<8x200x128xi32>
    %add3A_264 = arith.addi %iota3A_11, %add3A_263 : vector<8x200x128xi32>
    %lt3A_265 = arith.cmpi slt, %add3A_264, %iota3A : vector<8x200x128xi32>
    %lt3A_266 = vector.broadcast %broadcast_in_dim3A_261 : vector<8x1x128xi32> to vector<8x200x128xi32>
    %lt3A_267 = vector.broadcast %broadcast_in_dim3A_10 : vector<1x200x128xi32> to vector<8x200x128xi32>
    %lt3A_268 = arith.cmpi slt, %lt3A_266, %lt3A_267 : vector<8x200x128xi32>
    %eq3A_269 = vector.broadcast %broadcast_in_dim3A_261 : vector<8x1x128xi32> to vector<8x200x128xi32>
    %eq3A_270 = vector.broadcast %broadcast_in_dim3A_10 : vector<1x200x128xi32> to vector<8x200x128xi32>
    %eq3A_271 = arith.cmpi eq, %eq3A_269, %eq3A_270 : vector<8x200x128xi32>
    %and3A_272 = arith.andi %eq3A_271, %lt3A_265 : vector<8x200x128xi1>
    %or3A_273 = arith.ori %lt3A_268, %and3A_272 : vector<8x200x128xi1>
    %convert_element_type3A_274 = arith.extui %or3A_273 : vector<8x200x128xi1> to vector<8x200x128xi32>
    %reduce_sum3A_275 = arith.constant dense<0> : vector<200x128xi32>
    %reduce_sum3A_276 = vector.multi_reduction <add>, %convert_element_type3A_274, %reduce_sum3A_275 [0] : vector<8x200x128xi32> to vector<200x128xi32>
    %add3A_277 = arith.addi %add3A_259, %reduce_sum3A_276 : vector<200x128xi32>
    %slice3A_278 = vector.extract_strided_slice %select_n3A_9 {offsets = [120, 0], sizes = [8, 128], strides = [1, 1]} : vector<200x128xi32> to vector<8x128xi32>
    %broadcast_in_dim3A_279 = vector.shape_cast %slice3A_278 : vector<8x128xi32> to vector<8x1x128xi32>
    %add3A_280 = arith.constant 120 : i32
    %add3A_281 = vector.broadcast %add3A_280 : i32 to vector<8x200x128xi32>
    %add3A_282 = arith.addi %iota3A_11, %add3A_281 : vector<8x200x128xi32>
    %lt3A_283 = arith.cmpi slt, %add3A_282, %iota3A : vector<8x200x128xi32>
    %lt3A_284 = vector.broadcast %broadcast_in_dim3A_279 : vector<8x1x128xi32> to vector<8x200x128xi32>
    %lt3A_285 = vector.broadcast %broadcast_in_dim3A_10 : vector<1x200x128xi32> to vector<8x200x128xi32>
    %lt3A_286 = arith.cmpi slt, %lt3A_284, %lt3A_285 : vector<8x200x128xi32>
    %eq3A_287 = vector.broadcast %broadcast_in_dim3A_279 : vector<8x1x128xi32> to vector<8x200x128xi32>
    %eq3A_288 = vector.broadcast %broadcast_in_dim3A_10 : vector<1x200x128xi32> to vector<8x200x128xi32>
    %eq3A_289 = arith.cmpi eq, %eq3A_287, %eq3A_288 : vector<8x200x128xi32>
    %and3A_290 = arith.andi %eq3A_289, %lt3A_283 : vector<8x200x128xi1>
    %or3A_291 = arith.ori %lt3A_286, %and3A_290 : vector<8x200x128xi1>
    %convert_element_type3A_292 = arith.extui %or3A_291 : vector<8x200x128xi1> to vector<8x200x128xi32>
    %reduce_sum3A_293 = arith.constant dense<0> : vector<200x128xi32>
    %reduce_sum3A_294 = vector.multi_reduction <add>, %convert_element_type3A_292, %reduce_sum3A_293 [0] : vector<8x200x128xi32> to vector<200x128xi32>
    %add3A_295 = arith.addi %add3A_277, %reduce_sum3A_294 : vector<200x128xi32>
    %slice3A_296 = vector.extract_strided_slice %select_n3A_9 {offsets = [128, 0], sizes = [8, 128], strides = [1, 1]} : vector<200x128xi32> to vector<8x128xi32>
    %broadcast_in_dim3A_297 = vector.shape_cast %slice3A_296 : vector<8x128xi32> to vector<8x1x128xi32>
    %add3A_298 = arith.constant 128 : i32
    %add3A_299 = vector.broadcast %add3A_298 : i32 to vector<8x200x128xi32>
    %add3A_300 = arith.addi %iota3A_11, %add3A_299 : vector<8x200x128xi32>
    %lt3A_301 = arith.cmpi slt, %add3A_300, %iota3A : vector<8x200x128xi32>
    %lt3A_302 = vector.broadcast %broadcast_in_dim3A_297 : vector<8x1x128xi32> to vector<8x200x128xi32>
    %lt3A_303 = vector.broadcast %broadcast_in_dim3A_10 : vector<1x200x128xi32> to vector<8x200x128xi32>
    %lt3A_304 = arith.cmpi slt, %lt3A_302, %lt3A_303 : vector<8x200x128xi32>
    %eq3A_305 = vector.broadcast %broadcast_in_dim3A_297 : vector<8x1x128xi32> to vector<8x200x128xi32>
    %eq3A_306 = vector.broadcast %broadcast_in_dim3A_10 : vector<1x200x128xi32> to vector<8x200x128xi32>
    %eq3A_307 = arith.cmpi eq, %eq3A_305, %eq3A_306 : vector<8x200x128xi32>
    %and3A_308 = arith.andi %eq3A_307, %lt3A_301 : vector<8x200x128xi1>
    %or3A_309 = arith.ori %lt3A_304, %and3A_308 : vector<8x200x128xi1>
    %convert_element_type3A_310 = arith.extui %or3A_309 : vector<8x200x128xi1> to vector<8x200x128xi32>
    %reduce_sum3A_311 = arith.constant dense<0> : vector<200x128xi32>
    %reduce_sum3A_312 = vector.multi_reduction <add>, %convert_element_type3A_310, %reduce_sum3A_311 [0] : vector<8x200x128xi32> to vector<200x128xi32>
    %add3A_313 = arith.addi %add3A_295, %reduce_sum3A_312 : vector<200x128xi32>
    %slice3A_314 = vector.extract_strided_slice %select_n3A_9 {offsets = [136, 0], sizes = [8, 128], strides = [1, 1]} : vector<200x128xi32> to vector<8x128xi32>
    %broadcast_in_dim3A_315 = vector.shape_cast %slice3A_314 : vector<8x128xi32> to vector<8x1x128xi32>
    %add3A_316 = arith.constant 136 : i32
    %add3A_317 = vector.broadcast %add3A_316 : i32 to vector<8x200x128xi32>
    %add3A_318 = arith.addi %iota3A_11, %add3A_317 : vector<8x200x128xi32>
    %lt3A_319 = arith.cmpi slt, %add3A_318, %iota3A : vector<8x200x128xi32>
    %lt3A_320 = vector.broadcast %broadcast_in_dim3A_315 : vector<8x1x128xi32> to vector<8x200x128xi32>
    %lt3A_321 = vector.broadcast %broadcast_in_dim3A_10 : vector<1x200x128xi32> to vector<8x200x128xi32>
    %lt3A_322 = arith.cmpi slt, %lt3A_320, %lt3A_321 : vector<8x200x128xi32>
    %eq3A_323 = vector.broadcast %broadcast_in_dim3A_315 : vector<8x1x128xi32> to vector<8x200x128xi32>
    %eq3A_324 = vector.broadcast %broadcast_in_dim3A_10 : vector<1x200x128xi32> to vector<8x200x128xi32>
    %eq3A_325 = arith.cmpi eq, %eq3A_323, %eq3A_324 : vector<8x200x128xi32>
    %and3A_326 = arith.andi %eq3A_325, %lt3A_319 : vector<8x200x128xi1>
    %or3A_327 = arith.ori %lt3A_322, %and3A_326 : vector<8x200x128xi1>
    %convert_element_type3A_328 = arith.extui %or3A_327 : vector<8x200x128xi1> to vector<8x200x128xi32>
    %reduce_sum3A_329 = arith.constant dense<0> : vector<200x128xi32>
    %reduce_sum3A_330 = vector.multi_reduction <add>, %convert_element_type3A_328, %reduce_sum3A_329 [0] : vector<8x200x128xi32> to vector<200x128xi32>
    %add3A_331 = arith.addi %add3A_313, %reduce_sum3A_330 : vector<200x128xi32>
    %slice3A_332 = vector.extract_strided_slice %select_n3A_9 {offsets = [144, 0], sizes = [8, 128], strides = [1, 1]} : vector<200x128xi32> to vector<8x128xi32>
    %broadcast_in_dim3A_333 = vector.shape_cast %slice3A_332 : vector<8x128xi32> to vector<8x1x128xi32>
    %add3A_334 = arith.constant 144 : i32
    %add3A_335 = vector.broadcast %add3A_334 : i32 to vector<8x200x128xi32>
    %add3A_336 = arith.addi %iota3A_11, %add3A_335 : vector<8x200x128xi32>
    %lt3A_337 = arith.cmpi slt, %add3A_336, %iota3A : vector<8x200x128xi32>
    %lt3A_338 = vector.broadcast %broadcast_in_dim3A_333 : vector<8x1x128xi32> to vector<8x200x128xi32>
    %lt3A_339 = vector.broadcast %broadcast_in_dim3A_10 : vector<1x200x128xi32> to vector<8x200x128xi32>
    %lt3A_340 = arith.cmpi slt, %lt3A_338, %lt3A_339 : vector<8x200x128xi32>
    %eq3A_341 = vector.broadcast %broadcast_in_dim3A_333 : vector<8x1x128xi32> to vector<8x200x128xi32>
    %eq3A_342 = vector.broadcast %broadcast_in_dim3A_10 : vector<1x200x128xi32> to vector<8x200x128xi32>
    %eq3A_343 = arith.cmpi eq, %eq3A_341, %eq3A_342 : vector<8x200x128xi32>
    %and3A_344 = arith.andi %eq3A_343, %lt3A_337 : vector<8x200x128xi1>
    %or3A_345 = arith.ori %lt3A_340, %and3A_344 : vector<8x200x128xi1>
    %convert_element_type3A_346 = arith.extui %or3A_345 : vector<8x200x128xi1> to vector<8x200x128xi32>
    %reduce_sum3A_347 = arith.constant dense<0> : vector<200x128xi32>
    %reduce_sum3A_348 = vector.multi_reduction <add>, %convert_element_type3A_346, %reduce_sum3A_347 [0] : vector<8x200x128xi32> to vector<200x128xi32>
    %add3A_349 = arith.addi %add3A_331, %reduce_sum3A_348 : vector<200x128xi32>
    %slice3A_350 = vector.extract_strided_slice %select_n3A_9 {offsets = [152, 0], sizes = [8, 128], strides = [1, 1]} : vector<200x128xi32> to vector<8x128xi32>
    %broadcast_in_dim3A_351 = vector.shape_cast %slice3A_350 : vector<8x128xi32> to vector<8x1x128xi32>
    %add3A_352 = arith.constant 152 : i32
    %add3A_353 = vector.broadcast %add3A_352 : i32 to vector<8x200x128xi32>
    %add3A_354 = arith.addi %iota3A_11, %add3A_353 : vector<8x200x128xi32>
    %lt3A_355 = arith.cmpi slt, %add3A_354, %iota3A : vector<8x200x128xi32>
    %lt3A_356 = vector.broadcast %broadcast_in_dim3A_351 : vector<8x1x128xi32> to vector<8x200x128xi32>
    %lt3A_357 = vector.broadcast %broadcast_in_dim3A_10 : vector<1x200x128xi32> to vector<8x200x128xi32>
    %lt3A_358 = arith.cmpi slt, %lt3A_356, %lt3A_357 : vector<8x200x128xi32>
    %eq3A_359 = vector.broadcast %broadcast_in_dim3A_351 : vector<8x1x128xi32> to vector<8x200x128xi32>
    %eq3A_360 = vector.broadcast %broadcast_in_dim3A_10 : vector<1x200x128xi32> to vector<8x200x128xi32>
    %eq3A_361 = arith.cmpi eq, %eq3A_359, %eq3A_360 : vector<8x200x128xi32>
    %and3A_362 = arith.andi %eq3A_361, %lt3A_355 : vector<8x200x128xi1>
    %or3A_363 = arith.ori %lt3A_358, %and3A_362 : vector<8x200x128xi1>
    %convert_element_type3A_364 = arith.extui %or3A_363 : vector<8x200x128xi1> to vector<8x200x128xi32>
    %reduce_sum3A_365 = arith.constant dense<0> : vector<200x128xi32>
    %reduce_sum3A_366 = vector.multi_reduction <add>, %convert_element_type3A_364, %reduce_sum3A_365 [0] : vector<8x200x128xi32> to vector<200x128xi32>
    %add3A_367 = arith.addi %add3A_349, %reduce_sum3A_366 : vector<200x128xi32>
    %slice3A_368 = vector.extract_strided_slice %select_n3A_9 {offsets = [160, 0], sizes = [8, 128], strides = [1, 1]} : vector<200x128xi32> to vector<8x128xi32>
    %broadcast_in_dim3A_369 = vector.shape_cast %slice3A_368 : vector<8x128xi32> to vector<8x1x128xi32>
    %add3A_370 = arith.constant 160 : i32
    %add3A_371 = vector.broadcast %add3A_370 : i32 to vector<8x200x128xi32>
    %add3A_372 = arith.addi %iota3A_11, %add3A_371 : vector<8x200x128xi32>
    %lt3A_373 = arith.cmpi slt, %add3A_372, %iota3A : vector<8x200x128xi32>
    %lt3A_374 = vector.broadcast %broadcast_in_dim3A_369 : vector<8x1x128xi32> to vector<8x200x128xi32>
    %lt3A_375 = vector.broadcast %broadcast_in_dim3A_10 : vector<1x200x128xi32> to vector<8x200x128xi32>
    %lt3A_376 = arith.cmpi slt, %lt3A_374, %lt3A_375 : vector<8x200x128xi32>
    %eq3A_377 = vector.broadcast %broadcast_in_dim3A_369 : vector<8x1x128xi32> to vector<8x200x128xi32>
    %eq3A_378 = vector.broadcast %broadcast_in_dim3A_10 : vector<1x200x128xi32> to vector<8x200x128xi32>
    %eq3A_379 = arith.cmpi eq, %eq3A_377, %eq3A_378 : vector<8x200x128xi32>
    %and3A_380 = arith.andi %eq3A_379, %lt3A_373 : vector<8x200x128xi1>
    %or3A_381 = arith.ori %lt3A_376, %and3A_380 : vector<8x200x128xi1>
    %convert_element_type3A_382 = arith.extui %or3A_381 : vector<8x200x128xi1> to vector<8x200x128xi32>
    %reduce_sum3A_383 = arith.constant dense<0> : vector<200x128xi32>
    %reduce_sum3A_384 = vector.multi_reduction <add>, %convert_element_type3A_382, %reduce_sum3A_383 [0] : vector<8x200x128xi32> to vector<200x128xi32>
    %add3A_385 = arith.addi %add3A_367, %reduce_sum3A_384 : vector<200x128xi32>
    %slice3A_386 = vector.extract_strided_slice %select_n3A_9 {offsets = [168, 0], sizes = [8, 128], strides = [1, 1]} : vector<200x128xi32> to vector<8x128xi32>
    %broadcast_in_dim3A_387 = vector.shape_cast %slice3A_386 : vector<8x128xi32> to vector<8x1x128xi32>
    %add3A_388 = arith.constant 168 : i32
    %add3A_389 = vector.broadcast %add3A_388 : i32 to vector<8x200x128xi32>
    %add3A_390 = arith.addi %iota3A_11, %add3A_389 : vector<8x200x128xi32>
    %lt3A_391 = arith.cmpi slt, %add3A_390, %iota3A : vector<8x200x128xi32>
    %lt3A_392 = vector.broadcast %broadcast_in_dim3A_387 : vector<8x1x128xi32> to vector<8x200x128xi32>
    %lt3A_393 = vector.broadcast %broadcast_in_dim3A_10 : vector<1x200x128xi32> to vector<8x200x128xi32>
    %lt3A_394 = arith.cmpi slt, %lt3A_392, %lt3A_393 : vector<8x200x128xi32>
    %eq3A_395 = vector.broadcast %broadcast_in_dim3A_387 : vector<8x1x128xi32> to vector<8x200x128xi32>
    %eq3A_396 = vector.broadcast %broadcast_in_dim3A_10 : vector<1x200x128xi32> to vector<8x200x128xi32>
    %eq3A_397 = arith.cmpi eq, %eq3A_395, %eq3A_396 : vector<8x200x128xi32>
    %and3A_398 = arith.andi %eq3A_397, %lt3A_391 : vector<8x200x128xi1>
    %or3A_399 = arith.ori %lt3A_394, %and3A_398 : vector<8x200x128xi1>
    %convert_element_type3A_400 = arith.extui %or3A_399 : vector<8x200x128xi1> to vector<8x200x128xi32>
    %reduce_sum3A_401 = arith.constant dense<0> : vector<200x128xi32>
    %reduce_sum3A_402 = vector.multi_reduction <add>, %convert_element_type3A_400, %reduce_sum3A_401 [0] : vector<8x200x128xi32> to vector<200x128xi32>
    %add3A_403 = arith.addi %add3A_385, %reduce_sum3A_402 : vector<200x128xi32>
    %slice3A_404 = vector.extract_strided_slice %select_n3A_9 {offsets = [176, 0], sizes = [8, 128], strides = [1, 1]} : vector<200x128xi32> to vector<8x128xi32>
    %broadcast_in_dim3A_405 = vector.shape_cast %slice3A_404 : vector<8x128xi32> to vector<8x1x128xi32>
    %add3A_406 = arith.constant 176 : i32
    %add3A_407 = vector.broadcast %add3A_406 : i32 to vector<8x200x128xi32>
    %add3A_408 = arith.addi %iota3A_11, %add3A_407 : vector<8x200x128xi32>
    %lt3A_409 = arith.cmpi slt, %add3A_408, %iota3A : vector<8x200x128xi32>
    %lt3A_410 = vector.broadcast %broadcast_in_dim3A_405 : vector<8x1x128xi32> to vector<8x200x128xi32>
    %lt3A_411 = vector.broadcast %broadcast_in_dim3A_10 : vector<1x200x128xi32> to vector<8x200x128xi32>
    %lt3A_412 = arith.cmpi slt, %lt3A_410, %lt3A_411 : vector<8x200x128xi32>
    %eq3A_413 = vector.broadcast %broadcast_in_dim3A_405 : vector<8x1x128xi32> to vector<8x200x128xi32>
    %eq3A_414 = vector.broadcast %broadcast_in_dim3A_10 : vector<1x200x128xi32> to vector<8x200x128xi32>
    %eq3A_415 = arith.cmpi eq, %eq3A_413, %eq3A_414 : vector<8x200x128xi32>
    %and3A_416 = arith.andi %eq3A_415, %lt3A_409 : vector<8x200x128xi1>
    %or3A_417 = arith.ori %lt3A_412, %and3A_416 : vector<8x200x128xi1>
    %convert_element_type3A_418 = arith.extui %or3A_417 : vector<8x200x128xi1> to vector<8x200x128xi32>
    %reduce_sum3A_419 = arith.constant dense<0> : vector<200x128xi32>
    %reduce_sum3A_420 = vector.multi_reduction <add>, %convert_element_type3A_418, %reduce_sum3A_419 [0] : vector<8x200x128xi32> to vector<200x128xi32>
    %add3A_421 = arith.addi %add3A_403, %reduce_sum3A_420 : vector<200x128xi32>
    %slice3A_422 = vector.extract_strided_slice %select_n3A_9 {offsets = [184, 0], sizes = [8, 128], strides = [1, 1]} : vector<200x128xi32> to vector<8x128xi32>
    %broadcast_in_dim3A_423 = vector.shape_cast %slice3A_422 : vector<8x128xi32> to vector<8x1x128xi32>
    %add3A_424 = arith.constant 184 : i32
    %add3A_425 = vector.broadcast %add3A_424 : i32 to vector<8x200x128xi32>
    %add3A_426 = arith.addi %iota3A_11, %add3A_425 : vector<8x200x128xi32>
    %lt3A_427 = arith.cmpi slt, %add3A_426, %iota3A : vector<8x200x128xi32>
    %lt3A_428 = vector.broadcast %broadcast_in_dim3A_423 : vector<8x1x128xi32> to vector<8x200x128xi32>
    %lt3A_429 = vector.broadcast %broadcast_in_dim3A_10 : vector<1x200x128xi32> to vector<8x200x128xi32>
    %lt3A_430 = arith.cmpi slt, %lt3A_428, %lt3A_429 : vector<8x200x128xi32>
    %eq3A_431 = vector.broadcast %broadcast_in_dim3A_423 : vector<8x1x128xi32> to vector<8x200x128xi32>
    %eq3A_432 = vector.broadcast %broadcast_in_dim3A_10 : vector<1x200x128xi32> to vector<8x200x128xi32>
    %eq3A_433 = arith.cmpi eq, %eq3A_431, %eq3A_432 : vector<8x200x128xi32>
    %and3A_434 = arith.andi %eq3A_433, %lt3A_427 : vector<8x200x128xi1>
    %or3A_435 = arith.ori %lt3A_430, %and3A_434 : vector<8x200x128xi1>
    %convert_element_type3A_436 = arith.extui %or3A_435 : vector<8x200x128xi1> to vector<8x200x128xi32>
    %reduce_sum3A_437 = arith.constant dense<0> : vector<200x128xi32>
    %reduce_sum3A_438 = vector.multi_reduction <add>, %convert_element_type3A_436, %reduce_sum3A_437 [0] : vector<8x200x128xi32> to vector<200x128xi32>
    %add3A_439 = arith.addi %add3A_421, %reduce_sum3A_438 : vector<200x128xi32>
    %slice3A_440 = vector.extract_strided_slice %select_n3A_9 {offsets = [192, 0], sizes = [8, 128], strides = [1, 1]} : vector<200x128xi32> to vector<8x128xi32>
    %broadcast_in_dim3A_441 = vector.shape_cast %slice3A_440 : vector<8x128xi32> to vector<8x1x128xi32>
    %add3A_442 = arith.constant 192 : i32
    %add3A_443 = vector.broadcast %add3A_442 : i32 to vector<8x200x128xi32>
    %add3A_444 = arith.addi %iota3A_11, %add3A_443 : vector<8x200x128xi32>
    %lt3A_445 = arith.cmpi slt, %add3A_444, %iota3A : vector<8x200x128xi32>
    %lt3A_446 = vector.broadcast %broadcast_in_dim3A_441 : vector<8x1x128xi32> to vector<8x200x128xi32>
    %lt3A_447 = vector.broadcast %broadcast_in_dim3A_10 : vector<1x200x128xi32> to vector<8x200x128xi32>
    %lt3A_448 = arith.cmpi slt, %lt3A_446, %lt3A_447 : vector<8x200x128xi32>
    %eq3A_449 = vector.broadcast %broadcast_in_dim3A_441 : vector<8x1x128xi32> to vector<8x200x128xi32>
    %eq3A_450 = vector.broadcast %broadcast_in_dim3A_10 : vector<1x200x128xi32> to vector<8x200x128xi32>
    %eq3A_451 = arith.cmpi eq, %eq3A_449, %eq3A_450 : vector<8x200x128xi32>
    %and3A_452 = arith.andi %eq3A_451, %lt3A_445 : vector<8x200x128xi1>
    %or3A_453 = arith.ori %lt3A_448, %and3A_452 : vector<8x200x128xi1>
    %convert_element_type3A_454 = arith.extui %or3A_453 : vector<8x200x128xi1> to vector<8x200x128xi32>
    %reduce_sum3A_455 = arith.constant dense<0> : vector<200x128xi32>
    %reduce_sum3A_456 = vector.multi_reduction <add>, %convert_element_type3A_454, %reduce_sum3A_455 [0] : vector<8x200x128xi32> to vector<200x128xi32>
    %add3A_457 = arith.addi %add3A_439, %reduce_sum3A_456 : vector<200x128xi32>
    %mul3A = arith.constant 128 : i32
    %mul3A_458 = arith.muli %arg0, %mul3A : i32
    %add3A_459 = arith.constant 12288 : i32
    %add3A_460 = arith.addi %add3A_459, %mul3A_458 : i32
    %iota3A_461 = tpu.iota {dimensions = array<i32: 1>} : vector<200x128xi32>
    %add3A_462 = vector.broadcast %add3A_460 : i32 to vector<200x128xi32>
    %add3A_463 = arith.addi %add3A_462, %iota3A_461 : vector<200x128xi32>
    %mul3A_464 = arith.constant 200 : i32
    %mul3A_465 = vector.broadcast %mul3A_464 : i32 to vector<200x128xi32>
    %mul3A_466 = arith.muli %add3A_463, %mul3A_465 : vector<200x128xi32>
    %add3A_467 = arith.addi %mul3A_466, %add3A_457 : vector<200x128xi32>
    %swap3A = arith.constant 0 : index
    %swap3A_468 = arith.constant 0 : index
    %swap3A_469 = vector.load %arg2[%swap3A, %swap3A_468] : memref<200x128xi32, #tpu.memory_space<vmem>>, vector<200x128xi32>
    tpu.vector_store %arg2[%swap3A, %swap3A_468], %add3A_467 {strides = array<i32>} : memref<200x128xi32, #tpu.memory_space<vmem>>, vector<200x128xi32>,
    return
  }
  func.func @transform_0(%arg0: i32) -> (i32, i32) {
    %c0_i32 = arith.constant 0 : i32
    %c0_i32_0 = arith.constant 0 : i32
    return %c0_i32, %arg0 : i32, i32
  }
  func.func @transform_1(%arg0: i32) -> (i32, i32) {
    %c0_i32 = arith.constant 0 : i32
    %c0_i32_0 = arith.constant 0 : i32
    return %c0_i32, %arg0 : i32, i32
  }
}

</mosaic_0001>

<sc_bundles>
// kernel: kernel.10.cloned.1.call-start
scs
__scs_entry_jumppad:
0x0: {  	(pc) =	sbr.rel $0x88, $3  }
0x1: {  	(tag) =	ssettag $0x0;
	lr =	simm.s32 $0x1  }
0x2: {  	[smem:$0x3F9F] =	sst lr;
	_ =	strace $0xD0000000  }
0x3: {  	_ = 	snop  }
0x4: {  	_ = 	snop  }
0x5: {  	_ = 	snop  }
0x6: {  	_ = 	snop  }
0x7: {  	_ = 	snop  }
__scs_overlays_trampoline_lowered:
0x8: {  	[smem:$0x3FAE] =	sst s0  }
0x9: {  	[smem:$0x3FAF] =	sst s1  }
0xa: {  	[smem:$0x3FB0] =	sst s2  }
0xb: {  	[smem:$0x3FB1] =	sst s3  }
0xc: {  	[smem:$0x3FB2] =	sst s4  }
0xd: {  	[smem:$0x3FB3] =	sst s5  }
0xe: {  	[smem:$0x3FB4] =	sst s6  }
0xf: {  	[smem:$0x3FB5] =	sst s7  }
0x10: {  	[smem:$0x3FB6] =	sst s8  }
0x11: {  	[smem:$0x3FB7] =	sst s9;
	s0 =	simm.s32 @!p0 $0x0  }
0x12: {  	s1 =	sld [smem:$0x3F9D];
	s0 =	simm.s32 @p0 $0x1  }
0x13: {  	[smem:$0x3FB8] =	sst s0;
	s0 =	simm.s32 @!p1 $0x0  }
0x14: {  	s2 =	sld [smem:$0x3F9C];
	s0 =	simm.s32 @p1 $0x1  }
0x15: {  	[smem:$0x3FB9] =	sst s0;
	s0 =	simm.s32 @!p2 $0x0  }
0x16: {  	s3 =	sld [smem:$0x3FDB];
	s0 =	simm.s32 @p2 $0x1  }
0x17: {  	s4 =	simm.s32 $0x1BF5;
	[smem:$0x3FBB] =	sst s0  }
0x18: {  	s0 =	sld [smem:$0x3F9E];
	_ =	swait.ge [sflag:s4], $0x0  }
0x19: {  	s7 =	sld [smem:$0x3F9F]  }
0x1a: {  	s8 =	sadd.s32 $0xFFFFE003, lr  }
0x1b: {  	s9 =	sadd.s32 $0xFFFFFEF7, lr;
	s5 =	simm.s32 $0xFFFFFFFF;
	p2 =	slt.u32 s8, $0xFFFFF086  }
0x1c: {  	p1 =	slt.u32 s9, $0xF7A;
	s5 =	simm.s32 @!p2 $0x0  }
0x1d: {  	s5 =	simm.s32 @p1 $0x1;
	p0 =	seq.s32 s7, s2  }
0x1e: {  	s7 =	smul.u32 @!p0 $0xF7A, s2;
	p2 =	seq.s32 @!p0 s5, $0x0  }
0x1f: {  	s9 =	smul.u32 $0xF7A, s1;
	s8 =	simm.s32 @!p0 $0x1BF5;
	p2 =	por !p2, p0  }
0x20: {  	[sflag:s8] =	ssyncset.s32 @!p0 $0xFFFFF086;
	s6 =	sadd.s32 @!p0 s3, s7;
	s7 =	simm.s32 @!p0 $0x108  }
0x21: {  	s3 =	sadd.s32 s3, s9;
	s6 =	sadd.s32 @!p0 $0x88, s6;
	s7 =	simm.s32 @p2 $0x1082  }
0x22: {  	[simem:s7], [sflag:s8] =	dma.local @!p0 [hbm:s6], $0xF7A  }
0x23: {  	s9 =	sor.u32 $0xD0000000, s2;
	s6 =	simm.s32 $0x108;
	_ =	swait.ge @!p0 [sflag:s8], $0x0  }
0x24: {  	s3 =	sadd.s32 $0x88, s3;
	s6 =	simm.s32 @!p1 $0x1082;
	[sflag:s4] =	ssyncset.s32 $0xFFFFF086  }
0x25: {  	[simem:s6], [sflag:s4] =	dma.local [hbm:s3], $0xF7A  }
0x26: {  	[smem:$0x3F9F] =	sst s1;
	(tag) =	ssettag s2;
	_ =	strace s9  }
0x27: {  	s1 =	sld [smem:$0x3FAF]  }
0x28: {  	s2 =	sld [smem:$0x3FB0]  }
0x29: {  	s4 =	sld [smem:$0x3FB2]  }
0x2a: {  	p0 =	seq.s32 s5, $0x0;
	s5 =	sld [smem:$0x3FB3]  }
0x2b: {  	s6 =	sld [smem:$0x3FB4]  }
0x2c: {  	s7 =	sld [smem:$0x3FB5]  }
0x2d: {  	s3 =	simm.s32 $0x108;
	s8 =	sld [smem:$0x3FB6]  }
0x2e: {  	s3 =	simm.s32 @!p0 $0x1082;
	s9 =	sld [smem:$0x3FB7]  }
0x2f: {  	lr =	sadd.s32 s0, s3;
	s0 =	sld [smem:$0x3FAE]  }
0x30: {  	s3 =	sld [smem:$0x3FB1]  }
0x31: {  	[smem:$0x3FBA] =	sst s10  }
0x32: {  	s10 =	sld [smem:$0x3FB8];
	_ =	sdelay $0x3  }
0x33: {  	p0 =	seq.s32 s10, $0x1;
	s10 =	sld [smem:$0x3FBA];
	_ =	sdelay $0x3  }
0x34: {  	[smem:$0x3FBA] =	sst s10  }
0x35: {  	s10 =	sld [smem:$0x3FB9];
	_ =	sdelay $0x3  }
0x36: {  	p1 =	seq.s32 s10, $0x1;
	s10 =	sld [smem:$0x3FBA];
	_ =	sdelay $0x3  }
0x37: {  	[smem:$0x3FBA] =	sst s10  }
0x38: {  	s10 =	sld [smem:$0x3FBB]  }
0x39: {  	_ = 	snop;
	(pc) =	sbr.ind lr, $3  }
0x3a: {  	_ = 	snop  }
0x3b: {  	_ = 	snop  }
0x3c: {  	p2 =	seq.s32 s10, $0x1;
	s10 =	sld [smem:$0x3FBA]  }
0x3d: {  	_ =	shalt  }
0x3e: {  	_ =	shalt  }
0x3f: {  	_ =	shalt  }
0x40: {  	_ =	shalt  }
0x41: {  	_ =	shalt  }
0x42: {  	_ =	shalt  }
0x43: {  	_ =	shalt  }
0x44: {  	_ =	shalt  }
0x45: {  	_ =	shalt  }
0x46: {  	_ =	shalt  }
0x47: {  	_ =	shalt  }
0x48: {  	_ =	shalt  }
0x49: {  	_ =	shalt  }
0x4a: {  	_ =	shalt  }
0x4b: {  	_ =	shalt  }
0x4c: {  	_ =	shalt  }
0x4d: {  	_ =	shalt  }
0x4e: {  	_ =	shalt  }
0x4f: {  	_ =	shalt  }
0x50: {  	_ =	shalt  }
0x51: {  	_ =	shalt  }
0x52: {  	_ =	shalt  }
0x53: {  	_ =	shalt  }
0x54: {  	_ =	shalt  }
0x55: {  	_ =	shalt  }
0x56: {  	_ =	shalt  }
0x57: {  	_ =	shalt  }
0x58: {  	_ =	shalt  }
0x59: {  	_ =	shalt  }
0x5a: {  	_ =	shalt  }
0x5b: {  	_ =	shalt  }
0x5c: {  	_ =	shalt  }
0x5d: {  	_ =	shalt  }
0x5e: {  	_ =	shalt  }
0x5f: {  	_ =	shalt  }
0x60: {  	_ =	shalt  }
0x61: {  	_ =	shalt  }
0x62: {  	_ =	shalt  }
0x63: {  	_ =	shalt  }
0x64: {  	_ =	shalt  }
0x65: {  	_ =	shalt  }
0x66: {  	_ =	shalt  }
0x67: {  	_ =	shalt  }
0x68: {  	_ =	shalt  }
0x69: {  	_ =	shalt  }
0x6a: {  	_ =	shalt  }
0x6b: {  	_ =	shalt  }
0x6c: {  	_ =	shalt  }
0x6d: {  	_ =	shalt  }
0x6e: {  	_ =	shalt  }
0x6f: {  	_ =	shalt  }
0x70: {  	_ =	shalt  }
0x71: {  	_ =	shalt  }
0x72: {  	_ =	shalt  }
0x73: {  	_ =	shalt  }
0x74: {  	_ =	shalt  }
0x75: {  	_ =	shalt  }
0x76: {  	_ =	shalt  }
0x77: {  	_ =	shalt  }
0x78: {  	_ =	shalt  }
0x79: {  	_ =	shalt  }
0x7a: {  	_ =	shalt  }
0x7b: {  	_ =	shalt  }
0x7c: {  	_ =	shalt  }
0x7d: {  	_ =	shalt  }
0x7e: {  	_ =	shalt  }
0x7f: {  	_ =	shalt  }
0x80: {  	_ =	shalt  }
0x81: {  	_ =	shalt  }
0x82: {  	_ =	shalt  }
0x83: {  	_ =	shalt  }
0x84: {  	_ =	shalt  }
0x85: {  	_ =	shalt  }
0x86: {  	_ =	shalt  }
0x87: {  	_ =	shalt  }
.Lfunc_end0:
.L_simem_size_0:
called_computation.1_lowered:
.L_overlay_start_0:
0x88: {  	s2 =	sld [smem:$0x3FD9]  }
0x89: {  	s3 =	sld [smem:$0x3FFE];
	_ =	sdelay $0x1  }
0x8a: {  	s1 =	srdreg.scid  }
0x8b: {  	s0 =	sand.u32 $0x1, s1  }
0x8c: {  	s17 =	sshll.u32 s0, $0xA;
	s2 =	sadd.s32 s3, s2  }
0x8d: {  	s2 =	sadd.s32 s2, s17  }
0x8e: {  	[smem:$0x3FC6] =	sst s2  }
0x8f: {  	_ = 	snop  }
0x90: {  	s2 =	sld [smem:$0x3FD0];
	(tm) =	ssettm $0x1  }
0x91: {  	s18 =	sld [smem:$0x3FFB];
	_ =	sdelay $0x3  }
0x92: {  	_ =	strace s18  }
0x93: {  	s3 =	sld [smem:$0x3FFC];
	_ =	sdelay $0x3  }
0x94: {  	_ =	strace s3  }
0x95: {  	s3 =	sld [smem:$0x3FFD];
	_ =	sdelay $0x3  }
0x96: {  	_ =	strace s3  }
0x97: {  	_ =	strace $0x8FFFFFFF  }
0x98: {  	s19 =	sld [smem:$0x3FDB];
	_ =	sdelay $0x1  }
0x99: {  	s4 =	simm.s32 $_scs_section_size  }
0x9a: {  	s5 =	simm.s32 $_size__tile_overlayer_lowered;
	s6 =	simm.s32 $_tile_overlayer_lowered  }
0x9b: {  	s22 =	simm.s32 $0x1BFF;
	s21 =	sshll.u32 s6, $0x1;
	s3 =	sadd.s32 s4, s19  }
0x9c: {  	s7 =	simm.s32 $0x0;
	s20 =	sshll.u32 s5, $0x1;
	s5 =	sadd.s32 s21, s3  }
0x9d: {  	[timem:s7], [sflag:s22] =	dma.local [hbm:s5], s20  }
0x9e: {  	_ =	swait.ge [sflag:s22], s20  }
0x9f: {  	s4 =	ssub.s32 $0x0, s20;
	[sflag:s22] =	ssyncset.done $0x0  }
0xa0: {  	[sflag:s22] =	ssyncadd.s32 s4;
	_ =	sdelay $0x1  }
0xa1: {  	s23 =	simm.s32 $0x1B8B  }
0xa2: {  	_ =	swait.ge [sflag:s23], $0x1  }
0xa3: {  	[sflag:s23] =	ssyncset.done $0x0  }
0xa4: {  	s25 =	simm.s32 $0x1B8E;
	s24 =	sld [smem:$0x3FFE];
	[sflag:s23] =	ssyncadd.s32 $0xFFFFFFFF  }
0xa5: {  	s26 =	simm.s32 $execute0_lowered;
	[smem:$0x3FD2] =	sst s25  }
0xa6: {  	s5 =	sshll.u32 s26, $0x1;
	_ =	strace $0x80000046;
	[dreg:$0x1] =	wrdreg $0xFFFFFFFF  }
0xa7: {  	s28 =	simm.s32 $_size_execute0_lowered;
	s3 =	sadd.s32 s3, s5;
	[dreg:$0x0] =	wrdreg $0x0  }
0xa8: {  	s5 =	sshll.u32 s28, $0x1;
	[dreg:$0x2] =	wrdreg s3  }
0xa9: {  	[dreg:$0x3] =	wrdreg s5  }
0xaa: {  	[dreg:$0x4] =	wrdreg $0xC0  }
0xab: {  	_ =	task [dreg:s7], $0x5FFFF  }
0xac: {  	[dreg:$0x1] =	wrdreg $0xFFFFFFFF  }
0xad: {  	[dreg:$0x0] =	wrdreg $0x60  }
0xae: {  	[dreg:$0x2] =	wrdreg s2  }
0xaf: {  	[dreg:$0x3] =	wrdreg s24  }
0xb0: {  	[dreg:$0x4] =	wrdreg $0x9  }
0xb1: {  	_ =	task.clear_ibuf [dreg:s7], $0x5FFFF;
	_ =	strace $0x90000046  }
0xb2: {  	s29 =	simm.s32 $0x9;
	_ =	strace $0x80000048  }
0xb3: {  	_ =	swait.ge [sflag:s29], $0x1  }
0xb4: {  	[sflag:s29] =	ssyncadd.s32 $0xFFFFFFFF  }
0xb5: {  	_ =	strace $0x90000048  }
0xb6: {  	_ =	sfence  }
0xb7: {  	s30 =	sld [smem:$0x0];
	_ =	sdelay $0x2  }
0xb8: {  	s31 =	sshll.u32 s1, $0xD;
	s1 =	sshrl.u32 s1, $0x2  }
0xb9: {  	s3 =	sand.u32 $0x4000, s31;
	s1 =	sadd.s32 s1, s30  }
0xba: {  	s0 =	sor.u32 s3, s0;
	s1 =	sshll.u32 s1, $0x11  }
0xbb: {  	s0 =	sor.u32 s1, s0  }
0xbc: {  	s0 =	sadd.s32 $0x8F2B, s0  }
0xbd: {  	[sflag:s0] =	ssyncadd.remote.s32 $0x1  }
0xbe: {  	_ =	sfence.sel $0xFFFF  }
0xbf: {  	[dreg:$0x0] =	wrdreg $0xFFFFFFFF;
	(pc) =	sbr.abs _section_cstart, $3  }
0xc0: {  	[dreg:$0x1] =	wrdreg $0xFFFFFFFF  }
0xc1: {  	_ =	task.clear_ibuf [dreg:s7], $0x2FFFF;
	_ =	strace $0x9FFFFFFF  }
0xc2: {  	(tm) =	ssettm $0x7FFFFFFF  }
0xc3: {  	_ =	shalt  }
tec
execute0_lowered:
.L_overlay_start_1:
0x0: {  	(tag) =	ssettag $0x1  }
0x1: {  	s17 =	rddreg [dreg:$0x0]  }
0x2: {  	s3 =	rddreg [dreg:$0x1]  }
0x3: {  	s0 =	rddreg [dreg:$0x2]  }
0x4: {  	s2 =	simm.s32 $0x0;
	s4 =	srdreg.scid;
	s1 =	stileid.u32  }
0x5: {  	s22 =	simm.s32 $0x9000;
	s23 =	simm.s32 $0x4000;
	s24 =	simm.s32 $0x80  }
0x6: {  	s28 =	simm.s32 $0x2;
	s29 =	simm.s32 $0x0;
	[smem:$0x7FF] =	sst s2  }
0x7: {  	s4 =	sand.u32 $0x1, s4;
	s6 =	sshll.u32 s1, $0x1;
	s16 =	sadd.s32 $0x4C400, s3  }
0x8: {  	s3 =	sadd.s32 $0x65400, s3;
	p0 =	sgt.u32 s1, $0x3;
	s5 =	ssub.s32 $0x2, s4  }
0x9: {  	_ =	strace $0x80000047;
	s15 =	sor.u32 s4, s6;
	s7 =	sshrl.u32 s5, $0x1  }
0xa: {  	s4 =	sshll.u32 s15, $0x9;
	s25 =	sshll.u32 s15, $0xB;
	s6 =	sor.u32 $0x20, s15  }
0xb: {  	s30 =	sor.u32 $0x40, s15;
	s11 =	sor.u32 $0x60, s15;
	s13 =	sor.u32 $0x80, s15  }
0xc: {  	s19 =	sor.u32 $0xA0, s15;
	s15 =	sor.u32 $0xC0, s15;
	s18 =	ssub.s32 s5, s7  }
0xd: {  	s4 =	sadd.s32 s16, s4;
	s5 =	sadd.s32 s17, s25;
	s26 =	sshll.u32 s6, $0x9  }
0xe: {  	s8 =	sshll.u32 s6, $0xB;
	s9 =	sshll.u32 s30, $0x9;
	s10 =	sshll.u32 s30, $0xB  }
0xf: {  	s31 =	sshll.u32 s11, $0x9;
	s11 =	sshll.u32 s11, $0xB;
	s12 =	sshll.u32 s13, $0x9  }
0x10: {  	s13 =	sshll.u32 s13, $0xB;
	s14 =	sshll.u32 s19, $0x9;
	s19 =	sshll.u32 s19, $0xB  }
0x11: {  	s20 =	sshll.u32 s15, $0x9;
	s21 =	sshll.u32 s15, $0xB;
	s25 =	simm.s32 $0x5  }
0x12: {  	s6 =	sadd.s32 s16, s26;
	s7 =	sadd.s32 s17, s8;
	s8 =	sadd.s32 s16, s9  }
.Ltmp0:
0x13: {  	s9 =	sadd.s32 s17, s10;
	s10 =	sadd.s32 s16, s31;
	(pc) =	sbr.rel .LBB2_1-.Ltmp0, $4  }
0x14: {  	s11 =	sadd.s32 s17, s11;
	s12 =	sadd.s32 s16, s12;
	s13 =	sadd.s32 s17, s13  }
0x15: {  	s14 =	sadd.s32 s16, s14;
	s15 =	sadd.s32 s17, s19;
	s16 =	sadd.s32 s16, s20  }
0x16: {  	s17 =	sadd.s32 s17, s21;
	s18 =	smax.u32 s18, $0x1;
	s19 =	simm.s32 $0x8000  }
0x17: {  	s20 =	simm.s32 $0x3;
	s21 =	simm.s32 $0x1;
	s26 =	simm.s32 $0x4  }
.LBB2_16:
0x18: {  	[sflag:s25] =	ssyncset.done $0x0  }
0x19: {  	[sflag:s25] =	ssyncadd.s32 $0xFFFFC000  }
.LBB2_17:
0x1a: {  	s29 =	sadd.s32 $0x1, s29  }
0x1b: {  	p1 =	sne.s32 s29, s18  }
.Ltmp1:
0x1c: {  	_ = 	snop;
	(pc) =	sbr.rel @!p1 .LBB2_18-.Ltmp1, $1  }
0x1d: {  	_ =	sdelay $0x3  }
.LBB2_1:
0x1e: {  	[tilespmem:s19], [sflag:$0x3] =	stream.linear.gather [hbm4b:s4+s2], $0x1000, $0x38;
	[tilespmem:$0xA000] =	vst v63  }
0x1f: {  	_ = 	snop  }
0x20: {  	[tilespmem:s2], [sflag:$0x1] =	stream.linear.gather [hbm4b:s5+s2], $0x4000, $0x38;
	[tilespmem:$0xA000] =	vst v63  }
0x21: {  	_ =	swait.ge [sflag:s20], $0x1000  }
0x22: {  	[sflag:s20] =	ssyncset.done $0x0  }
0x23: {  	[sflag:s20] =	ssyncadd.s32 $0xFFFFF000  }
0x24: {  	_ =	swait.ge [sflag:s21], $0x4000  }
0x25: {  	[sflag:s21] =	ssyncset.done $0x0  }
0x26: {  	[sflag:s21] =	ssyncadd.s32 $0xFFFFC000  }
0x27: {  	[tilespmem:s22], [sflag:$0x4] =	stream.linear.gather [hbm4b:s6+s2], $0x1000, $0x38;
	[tilespmem:$0xA000] =	vst v63  }
0x28: {  	_ = 	snop  }
0x29: {  	[tilespmem:s23], [sflag:$0x2] =	stream.linear.gather [hbm4b:s7+s2], $0x4000, $0x38;
	[tilespmem:$0xA000] =	vst v63  }
0x2a: {  	s30 =	simm.s32 $0x8000  }
0x2b: {  	[hbm4b:s3+s24] =	stream.indirect.scatter [tilespmem:s2], [sflag:$0x5], $0x80, s30, s24, $0xb8;
	[tilespmem:$0xA000] =	vst v63  }
0x2c: {  	s30 =	simm.s32 $0x200;
	_ =	swait.ge [sflag:s25], $0x4000  }
.LBB2_2:
0x2d: {  	s31 =	sshra.s32 s30, $0x2;
	[sflag:s25] =	ssyncset.done $0x0;
	p1 =	sne.s32 s30, $0x3E00  }
.Ltmp2:
0x2e: {  	s31 =	sadd.s32 $0x8000, s31;
	[sflag:s25] =	ssyncadd.s32 $0xFFFFC000;
	(pc) =	sbr.rel @p1 .LBB2_2-.Ltmp2, $3  }
0x2f: {  	[hbm4b:s3+s24] =	stream.indirect.scatter [tilespmem:s2], [sflag:$0x5], $0x80, s31, s24, $0xb8;
	[tilespmem:$0xA000] =	vst v63  }
0x30: {  	s30 =	sadd.s32 $0x200, s30;
	_ =	sdelay $0x1  }
0x31: {  	_ =	swait.ge [sflag:s25], $0x4000  }
0x32: {  	[sflag:s25] =	ssyncset.done $0x0  }
0x33: {  	[sflag:s25] =	ssyncadd.s32 $0xFFFFC000  }
0x34: {  	_ =	swait.ge [sflag:s26], $0x1000  }
0x35: {  	[sflag:s26] =	ssyncset.done $0x0  }
0x36: {  	[sflag:s26] =	ssyncadd.s32 $0xFFFFF000  }
0x37: {  	_ =	swait.ge [sflag:s28], $0x4000  }
0x38: {  	[sflag:s28] =	ssyncset.done $0x0  }
0x39: {  	s30 =	simm.s32 $0x0;
	[sflag:s28] =	ssyncadd.s32 $0xFFFFC000  }
0x3a: {  	[tilespmem:s19], [sflag:$0x3] =	stream.linear.gather [hbm4b:s8+s30], $0x1000, $0x38;
	[tilespmem:$0xA000] =	vst v63  }
0x3b: {  	_ = 	snop  }
0x3c: {  	[tilespmem:s30], [sflag:$0x1] =	stream.linear.gather [hbm4b:s9+s30], $0x4000, $0x38;
	[tilespmem:$0xA000] =	vst v63  }
0x3d: {  	s30 =	simm.s32 $0x9000  }
0x3e: {  	[hbm4b:s3+s24] =	stream.indirect.scatter [tilespmem:s23], [sflag:$0x5], $0x80, s30, s24, $0xb8;
	[tilespmem:$0xA000] =	vst v63  }
0x3f: {  	s30 =	simm.s32 $0x200;
	_ =	swait.ge [sflag:s25], $0x4000  }
.LBB2_4:
0x40: {  	s31 =	sshra.s32 s30, $0x2;
	[sflag:s25] =	ssyncset.done $0x0;
	p1 =	sne.s32 s30, $0x3E00  }
.Ltmp3:
0x41: {  	s31 =	sadd.s32 $0x9000, s31;
	[sflag:s25] =	ssyncadd.s32 $0xFFFFC000;
	(pc) =	sbr.rel @p1 .LBB2_4-.Ltmp3, $3  }
0x42: {  	[hbm4b:s3+s24] =	stream.indirect.scatter [tilespmem:s23], [sflag:$0x5], $0x80, s31, s24, $0xb8;
	[tilespmem:$0xA000] =	vst v63  }
0x43: {  	s30 =	sadd.s32 $0x200, s30;
	_ =	sdelay $0x1  }
0x44: {  	_ =	swait.ge [sflag:s25], $0x4000  }
0x45: {  	[sflag:s25] =	ssyncset.done $0x0  }
0x46: {  	[sflag:s25] =	ssyncadd.s32 $0xFFFFC000  }
0x47: {  	_ =	swait.ge [sflag:s20], $0x1000  }
0x48: {  	[sflag:s20] =	ssyncset.done $0x0  }
0x49: {  	[sflag:s20] =	ssyncadd.s32 $0xFFFFF000  }
0x4a: {  	_ =	swait.ge [sflag:s21], $0x4000  }
0x4b: {  	[sflag:s21] =	ssyncset.done $0x0  }
0x4c: {  	s30 =	simm.s32 $0x0;
	[sflag:s21] =	ssyncadd.s32 $0xFFFFC000  }
0x4d: {  	[tilespmem:s22], [sflag:$0x4] =	stream.linear.gather [hbm4b:s10+s30], $0x1000, $0x38;
	[tilespmem:$0xA000] =	vst v63  }
0x4e: {  	_ = 	snop  }
0x4f: {  	[tilespmem:s23], [sflag:$0x2] =	stream.linear.gather [hbm4b:s11+s30], $0x4000, $0x38;
	[tilespmem:$0xA000] =	vst v63  }
0x50: {  	s30 =	simm.s32 $0x8000  }
0x51: {  	[hbm4b:s3+s24] =	stream.indirect.scatter [tilespmem:s2], [sflag:$0x5], $0x80, s30, s24, $0xb8;
	[tilespmem:$0xA000] =	vst v63  }
0x52: {  	s30 =	simm.s32 $0x200;
	_ =	swait.ge [sflag:s25], $0x4000  }
.LBB2_6:
0x53: {  	s31 =	sshra.s32 s30, $0x2;
	[sflag:s25] =	ssyncset.done $0x0;
	p1 =	sne.s32 s30, $0x3E00  }
.Ltmp4:
0x54: {  	s31 =	sadd.s32 $0x8000, s31;
	[sflag:s25] =	ssyncadd.s32 $0xFFFFC000;
	(pc) =	sbr.rel @p1 .LBB2_6-.Ltmp4, $3  }
0x55: {  	[hbm4b:s3+s24] =	stream.indirect.scatter [tilespmem:s2], [sflag:$0x5], $0x80, s31, s24, $0xb8;
	[tilespmem:$0xA000] =	vst v63  }
0x56: {  	s30 =	sadd.s32 $0x200, s30;
	_ =	sdelay $0x1  }
0x57: {  	_ =	swait.ge [sflag:s25], $0x4000  }
0x58: {  	[sflag:s25] =	ssyncset.done $0x0  }
0x59: {  	[sflag:s25] =	ssyncadd.s32 $0xFFFFC000  }
0x5a: {  	_ =	swait.ge [sflag:s26], $0x1000  }
0x5b: {  	[sflag:s26] =	ssyncset.done $0x0  }
0x5c: {  	[sflag:s26] =	ssyncadd.s32 $0xFFFFF000  }
0x5d: {  	_ =	swait.ge [sflag:s28], $0x4000  }
0x5e: {  	[sflag:s28] =	ssyncset.done $0x0  }
0x5f: {  	s30 =	simm.s32 $0x0;
	[sflag:s28] =	ssyncadd.s32 $0xFFFFC000  }
0x60: {  	[tilespmem:s19], [sflag:$0x3] =	stream.linear.gather [hbm4b:s12+s30], $0x1000, $0x38;
	[tilespmem:$0xA000] =	vst v63  }
0x61: {  	_ = 	snop  }
0x62: {  	[tilespmem:s30], [sflag:$0x1] =	stream.linear.gather [hbm4b:s13+s30], $0x4000, $0x38;
	[tilespmem:$0xA000] =	vst v63  }
0x63: {  	s30 =	simm.s32 $0x9000  }
0x64: {  	[hbm4b:s3+s24] =	stream.indirect.scatter [tilespmem:s23], [sflag:$0x5], $0x80, s30, s24, $0xb8;
	[tilespmem:$0xA000] =	vst v63  }
0x65: {  	s30 =	simm.s32 $0x200;
	_ =	swait.ge [sflag:s25], $0x4000  }
.LBB2_8:
0x66: {  	s31 =	sshra.s32 s30, $0x2;
	[sflag:s25] =	ssyncset.done $0x0;
	p1 =	sne.s32 s30, $0x3E00  }
.Ltmp5:
0x67: {  	s31 =	sadd.s32 $0x9000, s31;
	[sflag:s25] =	ssyncadd.s32 $0xFFFFC000;
	(pc) =	sbr.rel @p1 .LBB2_8-.Ltmp5, $3  }
0x68: {  	[hbm4b:s3+s24] =	stream.indirect.scatter [tilespmem:s23], [sflag:$0x5], $0x80, s31, s24, $0xb8;
	[tilespmem:$0xA000] =	vst v63  }
0x69: {  	s30 =	sadd.s32 $0x200, s30;
	_ =	sdelay $0x1  }
0x6a: {  	_ =	swait.ge [sflag:s25], $0x4000  }
0x6b: {  	[sflag:s25] =	ssyncset.done $0x0  }
0x6c: {  	[sflag:s25] =	ssyncadd.s32 $0xFFFFC000  }
0x6d: {  	_ =	swait.ge [sflag:s20], $0x1000  }
0x6e: {  	[sflag:s20] =	ssyncset.done $0x0  }
0x6f: {  	[sflag:s20] =	ssyncadd.s32 $0xFFFFF000  }
0x70: {  	_ =	swait.ge [sflag:s21], $0x4000  }
0x71: {  	[sflag:s21] =	ssyncset.done $0x0  }
0x72: {  	s30 =	simm.s32 $0x0;
	[sflag:s21] =	ssyncadd.s32 $0xFFFFC000  }
0x73: {  	[tilespmem:s22], [sflag:$0x4] =	stream.linear.gather [hbm4b:s14+s30], $0x1000, $0x38;
	[tilespmem:$0xA000] =	vst v63  }
0x74: {  	_ = 	snop  }
0x75: {  	[tilespmem:s23], [sflag:$0x2] =	stream.linear.gather [hbm4b:s15+s30], $0x4000, $0x38;
	[tilespmem:$0xA000] =	vst v63  }
0x76: {  	s30 =	simm.s32 $0x8000  }
0x77: {  	[hbm4b:s3+s24] =	stream.indirect.scatter [tilespmem:s2], [sflag:$0x5], $0x80, s30, s24, $0xb8;
	[tilespmem:$0xA000] =	vst v63  }
0x78: {  	s30 =	simm.s32 $0x200;
	_ =	swait.ge [sflag:s25], $0x4000  }
.LBB2_10:
0x79: {  	s31 =	sshra.s32 s30, $0x2;
	[sflag:s25] =	ssyncset.done $0x0;
	p1 =	sne.s32 s30, $0x3E00  }
.Ltmp6:
0x7a: {  	s31 =	sadd.s32 $0x8000, s31;
	[sflag:s25] =	ssyncadd.s32 $0xFFFFC000;
	(pc) =	sbr.rel @p1 .LBB2_10-.Ltmp6, $3  }
0x7b: {  	[hbm4b:s3+s24] =	stream.indirect.scatter [tilespmem:s2], [sflag:$0x5], $0x80, s31, s24, $0xb8;
	[tilespmem:$0xA000] =	vst v63  }
0x7c: {  	s30 =	sadd.s32 $0x200, s30;
	_ =	sdelay $0x1  }
0x7d: {  	_ =	swait.ge [sflag:s25], $0x4000  }
0x7e: {  	[sflag:s25] =	ssyncset.done $0x0  }
0x7f: {  	[sflag:s25] =	ssyncadd.s32 $0xFFFFC000  }
0x80: {  	_ =	swait.ge [sflag:s26], $0x1000  }
0x81: {  	[sflag:s26] =	ssyncset.done $0x0  }
0x82: {  	[sflag:s26] =	ssyncadd.s32 $0xFFFFF000  }
0x83: {  	_ =	swait.ge [sflag:s28], $0x4000  }
0x84: {  	[sflag:s28] =	ssyncset.done $0x0  }
0x85: {  	s30 =	simm.s32 @!p0 $0x0;
	s31 =	simm.s32 @!p0 $0x8000;
	[sflag:s28] =	ssyncadd.s32 $0xFFFFC000  }
0x86: {  	[tilespmem:s31], [sflag:$0x3] =	stream.linear.gather @!p0 [hbm4b:s16+s30], $0x1000, $0x38;
	[tilespmem:$0xA000] =	vst v63  }
0x87: {  	_ = 	snop  }
0x88: {  	[tilespmem:s30], [sflag:$0x1] =	stream.linear.gather @!p0 [hbm4b:s17+s30], $0x4000, $0x38;
	[tilespmem:$0xA000] =	vst v63  }
0x89: {  	s30 =	simm.s32 $0x9000  }
0x8a: {  	[hbm4b:s3+s24] =	stream.indirect.scatter [tilespmem:s23], [sflag:$0x5], $0x80, s30, s24, $0xb8;
	[tilespmem:$0xA000] =	vst v63  }
0x8b: {  	s30 =	simm.s32 $0x200;
	_ =	swait.ge [sflag:s25], $0x4000  }
.LBB2_12:
0x8c: {  	s31 =	sshra.s32 s30, $0x2;
	[sflag:s25] =	ssyncset.done $0x0;
	p1 =	sne.s32 s30, $0x3E00  }
.Ltmp7:
0x8d: {  	s31 =	sadd.s32 $0x9000, s31;
	[sflag:s25] =	ssyncadd.s32 $0xFFFFC000;
	(pc) =	sbr.rel @p1 .LBB2_12-.Ltmp7, $3  }
0x8e: {  	[hbm4b:s3+s24] =	stream.indirect.scatter [tilespmem:s23], [sflag:$0x5], $0x80, s31, s24, $0xb8;
	[tilespmem:$0xA000] =	vst v63  }
0x8f: {  	s30 =	sadd.s32 $0x200, s30;
	_ =	sdelay $0x1  }
0x90: {  	_ =	swait.ge [sflag:s25], $0x4000  }
.Ltmp8:
0x91: {  	(pc) =	sbr.rel @p0 .LBB2_17-.Ltmp8, $3  }
0x92: {  	_ =	sdelay $0x1  }
0x93: {  	[sflag:s25] =	ssyncset.done $0x0  }
0x94: {  	[sflag:s25] =	ssyncadd.s32 $0xFFFFC000  }
0x95: {  	_ =	swait.ge [sflag:s20], $0x1000  }
0x96: {  	[sflag:s20] =	ssyncset.done $0x0  }
0x97: {  	[sflag:s20] =	ssyncadd.s32 $0xFFFFF000  }
0x98: {  	_ =	swait.ge [sflag:s21], $0x4000  }
0x99: {  	[sflag:s21] =	ssyncset.done $0x0  }
0x9a: {  	s30 =	simm.s32 $0x8000;
	[sflag:s21] =	ssyncadd.s32 $0xFFFFC000  }
0x9b: {  	[hbm4b:s3+s24] =	stream.indirect.scatter [tilespmem:s2], [sflag:$0x5], $0x80, s30, s24, $0xb8;
	[tilespmem:$0xA000] =	vst v63  }
0x9c: {  	s30 =	simm.s32 $0x200;
	_ =	swait.ge [sflag:s25], $0x4000  }
.LBB2_15:
0x9d: {  	s31 =	sshra.s32 s30, $0x2;
	[sflag:s25] =	ssyncset.done $0x0;
	p1 =	sne.s32 s30, $0x3E00  }
.Ltmp9:
0x9e: {  	s31 =	sadd.s32 $0x8000, s31;
	[sflag:s25] =	ssyncadd.s32 $0xFFFFC000;
	(pc) =	sbr.rel @p1 .LBB2_15-.Ltmp9, $3  }
0x9f: {  	[hbm4b:s3+s24] =	stream.indirect.scatter [tilespmem:s2], [sflag:$0x5], $0x80, s31, s24, $0xb8;
	[tilespmem:$0xA000] =	vst v63  }
0xa0: {  	s30 =	sadd.s32 $0x200, s30;
	_ =	sdelay $0x1  }
0xa1: {  	_ =	swait.ge [sflag:s25], $0x4000  }
.Ltmp10:
0xa2: {  	_ = 	snop;
	(pc) =	sbr.rel .LBB2_16-.Ltmp10, $1  }
0xa3: {  	_ =	sdelay $0x3  }
.LBB2_18:
0xa4: {  	_ =	sfence.sel $0x180000  }
0xa5: {  	[bflag:$0x0] =	sbarrier.arrive $0xFFFF  }
0xa6: {  	p0 =	sne.s32 s1, $0x0;
	_ =	strace $0x90000047  }
0xa7: {  	s0 =	sadd.s32 @!p0 $0x100000, s0;
	[bflag:$0x2] =	sbarrier.arrive $0xFFFF  }
0xa8: {  	[sflag:s0] =	ssyncadd.tile.s32 @!p0 $0x1;
	_ =	shalt  }
.Lfunc_end2:
_tile_overlayer_lowered:
.L_overlay_start_2:
0xa9: {  	(tag) =	ssettag $0x2  }
0xaa: {  	s0 =	rddreg [dreg:$0x0];
	s2 =	stileid.u32  }
0xab: {  	s1 =	rddreg [dreg:$0x1];
	p0 =	sne.s32 s2, $0x0  }
0xac: {  	s3 =	rddreg [dreg:$0x2];
	[bflag:$0x3] =	sbarrier.arrive $0xFFFF;
	s2 =	simm.s32 @!p0 $0x1C05  }
0xad: {  	[timem:s3], [sflag:s2] =	dma.local @!p0 [hbm:s0], s1  }
0xae: {  	s0 =	simm.s32 @!p0 $0x5  }
0xaf: {  	_ =	swait.ge @!p0 [sflag:s0], s1  }
0xb0: {  	s1 =	ssub.s32 @!p0 $0x0, s1;
	[sflag:s0] =	ssyncset.done @!p0 $0x0  }
0xb1: {  	[sflag:s0] =	ssyncadd.s32 @!p0 s1  }
0xb2: {  	[bflag:$0x3] =	sbarrier.arrive $0xFFFF  }
0xb3: {  	_ =	shalt  }

// kernel: kernel.13.cloned.1.call-start
scs
__scs_entry_jumppad:
0x0: {  	(pc) =	sbr.rel $0x88, $3  }
0x1: {  	(tag) =	ssettag $0x0;
	lr =	simm.s32 $0x1  }
0x2: {  	[smem:$0x3F9F] =	sst lr;
	_ =	strace $0xD0000000  }
0x3: {  	_ = 	snop  }
0x4: {  	_ = 	snop  }
0x5: {  	_ = 	snop  }
0x6: {  	_ = 	snop  }
0x7: {  	_ = 	snop  }
__scs_overlays_trampoline_lowered:
0x8: {  	[smem:$0x3FAE] =	sst s0  }
0x9: {  	[smem:$0x3FAF] =	sst s1  }
0xa: {  	[smem:$0x3FB0] =	sst s2  }
0xb: {  	[smem:$0x3FB1] =	sst s3  }
0xc: {  	[smem:$0x3FB2] =	sst s4  }
0xd: {  	[smem:$0x3FB3] =	sst s5  }
0xe: {  	[smem:$0x3FB4] =	sst s6  }
0xf: {  	[smem:$0x3FB5] =	sst s7  }
0x10: {  	[smem:$0x3FB6] =	sst s8  }
0x11: {  	[smem:$0x3FB7] =	sst s9;
	s0 =	simm.s32 @!p0 $0x0  }
0x12: {  	s1 =	sld [smem:$0x3F9D];
	s0 =	simm.s32 @p0 $0x1  }
0x13: {  	[smem:$0x3FB8] =	sst s0;
	s0 =	simm.s32 @!p1 $0x0  }
0x14: {  	s2 =	sld [smem:$0x3F9C];
	s0 =	simm.s32 @p1 $0x1  }
0x15: {  	[smem:$0x3FB9] =	sst s0;
	s0 =	simm.s32 @!p2 $0x0  }
0x16: {  	s3 =	sld [smem:$0x3FDB];
	s0 =	simm.s32 @p2 $0x1  }
0x17: {  	s4 =	simm.s32 $0x1BF5;
	[smem:$0x3FBB] =	sst s0  }
0x18: {  	s0 =	sld [smem:$0x3F9E];
	_ =	swait.ge [sflag:s4], $0x0  }
0x19: {  	s7 =	sld [smem:$0x3F9F]  }
0x1a: {  	s8 =	sadd.s32 $0xFFFFE003, lr  }
0x1b: {  	s9 =	sadd.s32 $0xFFFFFEF7, lr;
	s5 =	simm.s32 $0xFFFFFFFF;
	p2 =	slt.u32 s8, $0xFFFFF086  }
0x1c: {  	p1 =	slt.u32 s9, $0xF7A;
	s5 =	simm.s32 @!p2 $0x0  }
0x1d: {  	s5 =	simm.s32 @p1 $0x1;
	p0 =	seq.s32 s7, s2  }
0x1e: {  	s7 =	smul.u32 @!p0 $0xF7A, s2;
	p2 =	seq.s32 @!p0 s5, $0x0  }
0x1f: {  	s9 =	smul.u32 $0xF7A, s1;
	s8 =	simm.s32 @!p0 $0x1BF5;
	p2 =	por !p2, p0  }
0x20: {  	[sflag:s8] =	ssyncset.s32 @!p0 $0xFFFFF086;
	s6 =	sadd.s32 @!p0 s3, s7;
	s7 =	simm.s32 @!p0 $0x108  }
0x21: {  	s3 =	sadd.s32 s3, s9;
	s6 =	sadd.s32 @!p0 $0x88, s6;
	s7 =	simm.s32 @p2 $0x1082  }
0x22: {  	[simem:s7], [sflag:s8] =	dma.local @!p0 [hbm:s6], $0xF7A  }
0x23: {  	s9 =	sor.u32 $0xD0000000, s2;
	s6 =	simm.s32 $0x108;
	_ =	swait.ge @!p0 [sflag:s8], $0x0  }
0x24: {  	s3 =	sadd.s32 $0x88, s3;
	s6 =	simm.s32 @!p1 $0x1082;
	[sflag:s4] =	ssyncset.s32 $0xFFFFF086  }
0x25: {  	[simem:s6], [sflag:s4] =	dma.local [hbm:s3], $0xF7A  }
0x26: {  	[smem:$0x3F9F] =	sst s1;
	(tag) =	ssettag s2;
	_ =	strace s9  }
0x27: {  	s1 =	sld [smem:$0x3FAF]  }
0x28: {  	s2 =	sld [smem:$0x3FB0]  }
0x29: {  	s4 =	sld [smem:$0x3FB2]  }
0x2a: {  	p0 =	seq.s32 s5, $0x0;
	s5 =	sld [smem:$0x3FB3]  }
0x2b: {  	s6 =	sld [smem:$0x3FB4]  }
0x2c: {  	s7 =	sld [smem:$0x3FB5]  }
0x2d: {  	s3 =	simm.s32 $0x108;
	s8 =	sld [smem:$0x3FB6]  }
0x2e: {  	s3 =	simm.s32 @!p0 $0x1082;
	s9 =	sld [smem:$0x3FB7]  }
0x2f: {  	lr =	sadd.s32 s0, s3;
	s0 =	sld [smem:$0x3FAE]  }
0x30: {  	s3 =	sld [smem:$0x3FB1]  }
0x31: {  	[smem:$0x3FBA] =	sst s10  }
0x32: {  	s10 =	sld [smem:$0x3FB8];
	_ =	sdelay $0x3  }
0x33: {  	p0 =	seq.s32 s10, $0x1;
	s10 =	sld [smem:$0x3FBA];
	_ =	sdelay $0x3  }
0x34: {  	[smem:$0x3FBA] =	sst s10  }
0x35: {  	s10 =	sld [smem:$0x3FB9];
	_ =	sdelay $0x3  }
0x36: {  	p1 =	seq.s32 s10, $0x1;
	s10 =	sld [smem:$0x3FBA];
	_ =	sdelay $0x3  }
0x37: {  	[smem:$0x3FBA] =	sst s10  }
0x38: {  	s10 =	sld [smem:$0x3FBB]  }
0x39: {  	_ = 	snop;
	(pc) =	sbr.ind lr, $3  }
0x3a: {  	_ = 	snop  }
0x3b: {  	_ = 	snop  }
0x3c: {  	p2 =	seq.s32 s10, $0x1;
	s10 =	sld [smem:$0x3FBA]  }
0x3d: {  	_ =	shalt  }
0x3e: {  	_ =	shalt  }
0x3f: {  	_ =	shalt  }
0x40: {  	_ =	shalt  }
0x41: {  	_ =	shalt  }
0x42: {  	_ =	shalt  }
0x43: {  	_ =	shalt  }
0x44: {  	_ =	shalt  }
0x45: {  	_ =	shalt  }
0x46: {  	_ =	shalt  }
0x47: {  	_ =	shalt  }
0x48: {  	_ =	shalt  }
0x49: {  	_ =	shalt  }
0x4a: {  	_ =	shalt  }
0x4b: {  	_ =	shalt  }
0x4c: {  	_ =	shalt  }
0x4d: {  	_ =	shalt  }
0x4e: {  	_ =	shalt  }
0x4f: {  	_ =	shalt  }
0x50: {  	_ =	shalt  }
0x51: {  	_ =	shalt  }
0x52: {  	_ =	shalt  }
0x53: {  	_ =	shalt  }
0x54: {  	_ =	shalt  }
0x55: {  	_ =	shalt  }
0x56: {  	_ =	shalt  }
0x57: {  	_ =	shalt  }
0x58: {  	_ =	shalt  }
0x59: {  	_ =	shalt  }
0x5a: {  	_ =	shalt  }
0x5b: {  	_ =	shalt  }
0x5c: {  	_ =	shalt  }
0x5d: {  	_ =	shalt  }
0x5e: {  	_ =	shalt  }
0x5f: {  	_ =	shalt  }
0x60: {  	_ =	shalt  }
0x61: {  	_ =	shalt  }
0x62: {  	_ =	shalt  }
0x63: {  	_ =	shalt  }
0x64: {  	_ =	shalt  }
0x65: {  	_ =	shalt  }
0x66: {  	_ =	shalt  }
0x67: {  	_ =	shalt  }
0x68: {  	_ =	shalt  }
0x69: {  	_ =	shalt  }
0x6a: {  	_ =	shalt  }
0x6b: {  	_ =	shalt  }
0x6c: {  	_ =	shalt  }
0x6d: {  	_ =	shalt  }
0x6e: {  	_ =	shalt  }
0x6f: {  	_ =	shalt  }
0x70: {  	_ =	shalt  }
0x71: {  	_ =	shalt  }
0x72: {  	_ =	shalt  }
0x73: {  	_ =	shalt  }
0x74: {  	_ =	shalt  }
0x75: {  	_ =	shalt  }
0x76: {  	_ =	shalt  }
0x77: {  	_ =	shalt  }
0x78: {  	_ =	shalt  }
0x79: {  	_ =	shalt  }
0x7a: {  	_ =	shalt  }
0x7b: {  	_ =	shalt  }
0x7c: {  	_ =	shalt  }
0x7d: {  	_ =	shalt  }
0x7e: {  	_ =	shalt  }
0x7f: {  	_ =	shalt  }
0x80: {  	_ =	shalt  }
0x81: {  	_ =	shalt  }
0x82: {  	_ =	shalt  }
0x83: {  	_ =	shalt  }
0x84: {  	_ =	shalt  }
0x85: {  	_ =	shalt  }
0x86: {  	_ =	shalt  }
0x87: {  	_ =	shalt  }
.Lfunc_end0:
.L_simem_size_0:
called_computation.2_lowered:
.L_overlay_start_0:
0x88: {  	s2 =	sld [smem:$0x3FD9]  }
0x89: {  	s3 =	sld [smem:$0x3FFE];
	_ =	sdelay $0x1  }
0x8a: {  	s1 =	srdreg.scid  }
0x8b: {  	s0 =	sand.u32 $0x1, s1  }
0x8c: {  	s17 =	sshll.u32 s0, $0xA;
	s2 =	sadd.s32 s3, s2  }
0x8d: {  	s2 =	sadd.s32 s2, s17  }
0x8e: {  	[smem:$0x3FC6] =	sst s2  }
0x8f: {  	_ = 	snop  }
0x90: {  	s2 =	sld [smem:$0x3FD0];
	(tm) =	ssettm $0x1  }
0x91: {  	s18 =	sld [smem:$0x3FFB];
	_ =	sdelay $0x3  }
0x92: {  	_ =	strace s18  }
0x93: {  	s3 =	sld [smem:$0x3FFC];
	_ =	sdelay $0x3  }
0x94: {  	_ =	strace s3  }
0x95: {  	s3 =	sld [smem:$0x3FFD];
	_ =	sdelay $0x3  }
0x96: {  	_ =	strace s3  }
0x97: {  	_ =	strace $0x8FFFFFFF  }
0x98: {  	s19 =	sld [smem:$0x3FDB];
	_ =	sdelay $0x1  }
0x99: {  	s4 =	simm.s32 $_scs_section_size  }
0x9a: {  	s5 =	simm.s32 $_size__tile_overlayer_lowered;
	s6 =	simm.s32 $_tile_overlayer_lowered  }
0x9b: {  	s22 =	simm.s32 $0x1BFF;
	s21 =	sshll.u32 s6, $0x1;
	s3 =	sadd.s32 s4, s19  }
0x9c: {  	s7 =	simm.s32 $0x0;
	s20 =	sshll.u32 s5, $0x1;
	s5 =	sadd.s32 s21, s3  }
0x9d: {  	[timem:s7], [sflag:s22] =	dma.local [hbm:s5], s20  }
0x9e: {  	_ =	swait.ge [sflag:s22], s20  }
0x9f: {  	s4 =	ssub.s32 $0x0, s20;
	[sflag:s22] =	ssyncset.done $0x0  }
0xa0: {  	[sflag:s22] =	ssyncadd.s32 s4;
	_ =	sdelay $0x1  }
0xa1: {  	s23 =	simm.s32 $0x1B8B  }
0xa2: {  	_ =	swait.ge [sflag:s23], $0x1  }
0xa3: {  	[sflag:s23] =	ssyncset.done $0x0  }
0xa4: {  	s25 =	simm.s32 $0x1B8E;
	s24 =	sld [smem:$0x3FFE];
	[sflag:s23] =	ssyncadd.s32 $0xFFFFFFFF  }
0xa5: {  	s26 =	simm.s32 $execute0_lowered;
	[smem:$0x3FD2] =	sst s25  }
0xa6: {  	s5 =	sshll.u32 s26, $0x1;
	_ =	strace $0x80000049;
	[dreg:$0x1] =	wrdreg $0xFFFFFFFF  }
0xa7: {  	s28 =	simm.s32 $_size_execute0_lowered;
	s3 =	sadd.s32 s3, s5;
	[dreg:$0x0] =	wrdreg $0x0  }
0xa8: {  	s5 =	sshll.u32 s28, $0x1;
	[dreg:$0x2] =	wrdreg s3  }
0xa9: {  	[dreg:$0x3] =	wrdreg s5  }
0xaa: {  	[dreg:$0x4] =	wrdreg $0xC0  }
0xab: {  	_ =	task [dreg:s7], $0x5FFFF  }
0xac: {  	[dreg:$0x1] =	wrdreg $0xFFFFFFFF  }
0xad: {  	[dreg:$0x0] =	wrdreg $0x60  }
0xae: {  	[dreg:$0x2] =	wrdreg s2  }
0xaf: {  	[dreg:$0x3] =	wrdreg s24  }
0xb0: {  	[dreg:$0x4] =	wrdreg $0x9  }
0xb1: {  	_ =	task.clear_ibuf [dreg:s7], $0x5FFFF;
	_ =	strace $0x90000049  }
0xb2: {  	s29 =	simm.s32 $0x9;
	_ =	strace $0x8000004B  }
0xb3: {  	_ =	swait.ge [sflag:s29], $0x1  }
0xb4: {  	[sflag:s29] =	ssyncadd.s32 $0xFFFFFFFF  }
0xb5: {  	_ =	strace $0x9000004B  }
0xb6: {  	_ =	sfence  }
0xb7: {  	s30 =	sld [smem:$0x0];
	_ =	sdelay $0x2  }
0xb8: {  	s31 =	sshll.u32 s1, $0xD;
	s1 =	sshrl.u32 s1, $0x2  }
0xb9: {  	s3 =	sand.u32 $0x4000, s31;
	s1 =	sadd.s32 s1, s30  }
0xba: {  	s0 =	sor.u32 s3, s0;
	s1 =	sshll.u32 s1, $0x11  }
0xbb: {  	s0 =	sor.u32 s1, s0  }
0xbc: {  	s0 =	sadd.s32 $0x8F2B, s0  }
0xbd: {  	[sflag:s0] =	ssyncadd.remote.s32 $0x1  }
0xbe: {  	_ =	sfence.sel $0xFFFF  }
0xbf: {  	[dreg:$0x0] =	wrdreg $0xFFFFFFFF;
	(pc) =	sbr.abs _section_cstart, $3  }
0xc0: {  	[dreg:$0x1] =	wrdreg $0xFFFFFFFF  }
0xc1: {  	_ =	task.clear_ibuf [dreg:s7], $0x2FFFF;
	_ =	strace $0x9FFFFFFF  }
0xc2: {  	(tm) =	ssettm $0x7FFFFFFF  }
0xc3: {  	_ =	shalt  }
tec
execute0_lowered:
.L_overlay_start_1:
0x0: {  	(tag) =	ssettag $0x1  }
0x1: {  	s17 =	rddreg [dreg:$0x0]  }
0x2: {  	s3 =	rddreg [dreg:$0x1]  }
0x3: {  	s0 =	rddreg [dreg:$0x2]  }
0x4: {  	s2 =	simm.s32 $0x0;
	s4 =	srdreg.scid;
	s1 =	stileid.u32  }
0x5: {  	s22 =	simm.s32 $0x9000;
	s23 =	simm.s32 $0x4000;
	s24 =	simm.s32 $0x80  }
0x6: {  	s28 =	simm.s32 $0x2;
	s29 =	simm.s32 $0x0;
	[smem:$0x7FF] =	sst s2  }
0x7: {  	s4 =	sand.u32 $0x1, s4;
	s6 =	sshll.u32 s1, $0x1;
	s16 =	sadd.s32 $0x1400, s3  }
0x8: {  	s3 =	sadd.s32 $0x65400, s3;
	p0 =	sgt.u32 s1, $0x3;
	s5 =	ssub.s32 $0x2, s4  }
0x9: {  	_ =	strace $0x8000004A;
	s15 =	sor.u32 s4, s6;
	s7 =	sshrl.u32 s5, $0x1  }
0xa: {  	s4 =	sshll.u32 s15, $0x9;
	s25 =	sshll.u32 s15, $0xB;
	s6 =	sor.u32 $0x20, s15  }
0xb: {  	s30 =	sor.u32 $0x40, s15;
	s11 =	sor.u32 $0x60, s15;
	s13 =	sor.u32 $0x80, s15  }
0xc: {  	s19 =	sor.u32 $0xA0, s15;
	s15 =	sor.u32 $0xC0, s15;
	s18 =	ssub.s32 s5, s7  }
0xd: {  	s4 =	sadd.s32 s16, s4;
	s5 =	sadd.s32 s17, s25;
	s26 =	sshll.u32 s6, $0x9  }
0xe: {  	s8 =	sshll.u32 s6, $0xB;
	s9 =	sshll.u32 s30, $0x9;
	s10 =	sshll.u32 s30, $0xB  }
0xf: {  	s31 =	sshll.u32 s11, $0x9;
	s11 =	sshll.u32 s11, $0xB;
	s12 =	sshll.u32 s13, $0x9  }
0x10: {  	s13 =	sshll.u32 s13, $0xB;
	s14 =	sshll.u32 s19, $0x9;
	s19 =	sshll.u32 s19, $0xB  }
0x11: {  	s20 =	sshll.u32 s15, $0x9;
	s21 =	sshll.u32 s15, $0xB;
	s25 =	simm.s32 $0x5  }
0x12: {  	s6 =	sadd.s32 s16, s26;
	s7 =	sadd.s32 s17, s8;
	s8 =	sadd.s32 s16, s9  }
.Ltmp0:
0x13: {  	s9 =	sadd.s32 s17, s10;
	s10 =	sadd.s32 s16, s31;
	(pc) =	sbr.rel .LBB2_1-.Ltmp0, $4  }
0x14: {  	s11 =	sadd.s32 s17, s11;
	s12 =	sadd.s32 s16, s12;
	s13 =	sadd.s32 s17, s13  }
0x15: {  	s14 =	sadd.s32 s16, s14;
	s15 =	sadd.s32 s17, s19;
	s16 =	sadd.s32 s16, s20  }
0x16: {  	s17 =	sadd.s32 s17, s21;
	s18 =	smax.u32 s18, $0x1;
	s19 =	simm.s32 $0x8000  }
0x17: {  	s20 =	simm.s32 $0x3;
	s21 =	simm.s32 $0x1;
	s26 =	simm.s32 $0x4  }
.LBB2_16:
0x18: {  	[sflag:s25] =	ssyncset.done $0x0  }
0x19: {  	[sflag:s25] =	ssyncadd.s32 $0xFFFFC000  }
.LBB2_17:
0x1a: {  	s29 =	sadd.s32 $0x1, s29  }
0x1b: {  	p1 =	sne.s32 s29, s18  }
.Ltmp1:
0x1c: {  	_ = 	snop;
	(pc) =	sbr.rel @!p1 .LBB2_18-.Ltmp1, $1  }
0x1d: {  	_ =	sdelay $0x3  }
.LBB2_1:
0x1e: {  	[tilespmem:s19], [sflag:$0x3] =	stream.linear.gather [hbm4b:s4+s2], $0x1000, $0x38;
	[tilespmem:$0xA000] =	vst v63  }
0x1f: {  	_ = 	snop  }
0x20: {  	[tilespmem:s2], [sflag:$0x1] =	stream.linear.gather [hbm4b:s5+s2], $0x4000, $0x38;
	[tilespmem:$0xA000] =	vst v63  }
0x21: {  	_ =	swait.ge [sflag:s20], $0x1000  }
0x22: {  	[sflag:s20] =	ssyncset.done $0x0  }
0x23: {  	[sflag:s20] =	ssyncadd.s32 $0xFFFFF000  }
0x24: {  	_ =	swait.ge [sflag:s21], $0x4000  }
0x25: {  	[sflag:s21] =	ssyncset.done $0x0  }
0x26: {  	[sflag:s21] =	ssyncadd.s32 $0xFFFFC000  }
0x27: {  	[tilespmem:s22], [sflag:$0x4] =	stream.linear.gather [hbm4b:s6+s2], $0x1000, $0x38;
	[tilespmem:$0xA000] =	vst v63  }
0x28: {  	_ = 	snop  }
0x29: {  	[tilespmem:s23], [sflag:$0x2] =	stream.linear.gather [hbm4b:s7+s2], $0x4000, $0x38;
	[tilespmem:$0xA000] =	vst v63  }
0x2a: {  	s30 =	simm.s32 $0x8000  }
0x2b: {  	[hbm4b:s3+s24] =	stream.indirect.scatter [tilespmem:s2], [sflag:$0x5], $0x80, s30, s24, $0xb8;
	[tilespmem:$0xA000] =	vst v63  }
0x2c: {  	s30 =	simm.s32 $0x200;
	_ =	swait.ge [sflag:s25], $0x4000  }
.LBB2_2:
0x2d: {  	s31 =	sshra.s32 s30, $0x2;
	[sflag:s25] =	ssyncset.done $0x0;
	p1 =	sne.s32 s30, $0x3E00  }
.Ltmp2:
0x2e: {  	s31 =	sadd.s32 $0x8000, s31;
	[sflag:s25] =	ssyncadd.s32 $0xFFFFC000;
	(pc) =	sbr.rel @p1 .LBB2_2-.Ltmp2, $3  }
0x2f: {  	[hbm4b:s3+s24] =	stream.indirect.scatter [tilespmem:s2], [sflag:$0x5], $0x80, s31, s24, $0xb8;
	[tilespmem:$0xA000] =	vst v63  }
0x30: {  	s30 =	sadd.s32 $0x200, s30;
	_ =	sdelay $0x1  }
0x31: {  	_ =	swait.ge [sflag:s25], $0x4000  }
0x32: {  	[sflag:s25] =	ssyncset.done $0x0  }
0x33: {  	[sflag:s25] =	ssyncadd.s32 $0xFFFFC000  }
0x34: {  	_ =	swait.ge [sflag:s26], $0x1000  }
0x35: {  	[sflag:s26] =	ssyncset.done $0x0  }
0x36: {  	[sflag:s26] =	ssyncadd.s32 $0xFFFFF000  }
0x37: {  	_ =	swait.ge [sflag:s28], $0x4000  }
0x38: {  	[sflag:s28] =	ssyncset.done $0x0  }
0x39: {  	s30 =	simm.s32 $0x0;
	[sflag:s28] =	ssyncadd.s32 $0xFFFFC000  }
0x3a: {  	[tilespmem:s19], [sflag:$0x3] =	stream.linear.gather [hbm4b:s8+s30], $0x1000, $0x38;
	[tilespmem:$0xA000] =	vst v63  }
0x3b: {  	_ = 	snop  }
0x3c: {  	[tilespmem:s30], [sflag:$0x1] =	stream.linear.gather [hbm4b:s9+s30], $0x4000, $0x38;
	[tilespmem:$0xA000] =	vst v63  }
0x3d: {  	s30 =	simm.s32 $0x9000  }
0x3e: {  	[hbm4b:s3+s24] =	stream.indirect.scatter [tilespmem:s23], [sflag:$0x5], $0x80, s30, s24, $0xb8;
	[tilespmem:$0xA000] =	vst v63  }
0x3f: {  	s30 =	simm.s32 $0x200;
	_ =	swait.ge [sflag:s25], $0x4000  }
.LBB2_4:
0x40: {  	s31 =	sshra.s32 s30, $0x2;
	[sflag:s25] =	ssyncset.done $0x0;
	p1 =	sne.s32 s30, $0x3E00  }
.Ltmp3:
0x41: {  	s31 =	sadd.s32 $0x9000, s31;
	[sflag:s25] =	ssyncadd.s32 $0xFFFFC000;
	(pc) =	sbr.rel @p1 .LBB2_4-.Ltmp3, $3  }
0x42: {  	[hbm4b:s3+s24] =	stream.indirect.scatter [tilespmem:s23], [sflag:$0x5], $0x80, s31, s24, $0xb8;
	[tilespmem:$0xA000] =	vst v63  }
0x43: {  	s30 =	sadd.s32 $0x200, s30;
	_ =	sdelay $0x1  }
0x44: {  	_ =	swait.ge [sflag:s25], $0x4000  }
0x45: {  	[sflag:s25] =	ssyncset.done $0x0  }
0x46: {  	[sflag:s25] =	ssyncadd.s32 $0xFFFFC000  }
0x47: {  	_ =	swait.ge [sflag:s20], $0x1000  }
0x48: {  	[sflag:s20] =	ssyncset.done $0x0  }
0x49: {  	[sflag:s20] =	ssyncadd.s32 $0xFFFFF000  }
0x4a: {  	_ =	swait.ge [sflag:s21], $0x4000  }
0x4b: {  	[sflag:s21] =	ssyncset.done $0x0  }
0x4c: {  	s30 =	simm.s32 $0x0;
	[sflag:s21] =	ssyncadd.s32 $0xFFFFC000  }
0x4d: {  	[tilespmem:s22], [sflag:$0x4] =	stream.linear.gather [hbm4b:s10+s30], $0x1000, $0x38;
	[tilespmem:$0xA000] =	vst v63  }
0x4e: {  	_ = 	snop  }
0x4f: {  	[tilespmem:s23], [sflag:$0x2] =	stream.linear.gather [hbm4b:s11+s30], $0x4000, $0x38;
	[tilespmem:$0xA000] =	vst v63  }
0x50: {  	s30 =	simm.s32 $0x8000  }
0x51: {  	[hbm4b:s3+s24] =	stream.indirect.scatter [tilespmem:s2], [sflag:$0x5], $0x80, s30, s24, $0xb8;
	[tilespmem:$0xA000] =	vst v63  }
0x52: {  	s30 =	simm.s32 $0x200;
	_ =	swait.ge [sflag:s25], $0x4000  }
.LBB2_6:
0x53: {  	s31 =	sshra.s32 s30, $0x2;
	[sflag:s25] =	ssyncset.done $0x0;
	p1 =	sne.s32 s30, $0x3E00  }
.Ltmp4:
0x54: {  	s31 =	sadd.s32 $0x8000, s31;
	[sflag:s25] =	ssyncadd.s32 $0xFFFFC000;
	(pc) =	sbr.rel @p1 .LBB2_6-.Ltmp4, $3  }
0x55: {  	[hbm4b:s3+s24] =	stream.indirect.scatter [tilespmem:s2], [sflag:$0x5], $0x80, s31, s24, $0xb8;
	[tilespmem:$0xA000] =	vst v63  }
0x56: {  	s30 =	sadd.s32 $0x200, s30;
	_ =	sdelay $0x1  }
0x57: {  	_ =	swait.ge [sflag:s25], $0x4000  }
0x58: {  	[sflag:s25] =	ssyncset.done $0x0  }
0x59: {  	[sflag:s25] =	ssyncadd.s32 $0xFFFFC000  }
0x5a: {  	_ =	swait.ge [sflag:s26], $0x1000  }
0x5b: {  	[sflag:s26] =	ssyncset.done $0x0  }
0x5c: {  	[sflag:s26] =	ssyncadd.s32 $0xFFFFF000  }
0x5d: {  	_ =	swait.ge [sflag:s28], $0x4000  }
0x5e: {  	[sflag:s28] =	ssyncset.done $0x0  }
0x5f: {  	s30 =	simm.s32 $0x0;
	[sflag:s28] =	ssyncadd.s32 $0xFFFFC000  }
0x60: {  	[tilespmem:s19], [sflag:$0x3] =	stream.linear.gather [hbm4b:s12+s30], $0x1000, $0x38;
	[tilespmem:$0xA000] =	vst v63  }
0x61: {  	_ = 	snop  }
0x62: {  	[tilespmem:s30], [sflag:$0x1] =	stream.linear.gather [hbm4b:s13+s30], $0x4000, $0x38;
	[tilespmem:$0xA000] =	vst v63  }
0x63: {  	s30 =	simm.s32 $0x9000  }
0x64: {  	[hbm4b:s3+s24] =	stream.indirect.scatter [tilespmem:s23], [sflag:$0x5], $0x80, s30, s24, $0xb8;
	[tilespmem:$0xA000] =	vst v63  }
0x65: {  	s30 =	simm.s32 $0x200;
	_ =	swait.ge [sflag:s25], $0x4000  }
.LBB2_8:
0x66: {  	s31 =	sshra.s32 s30, $0x2;
	[sflag:s25] =	ssyncset.done $0x0;
	p1 =	sne.s32 s30, $0x3E00  }
.Ltmp5:
0x67: {  	s31 =	sadd.s32 $0x9000, s31;
	[sflag:s25] =	ssyncadd.s32 $0xFFFFC000;
	(pc) =	sbr.rel @p1 .LBB2_8-.Ltmp5, $3  }
0x68: {  	[hbm4b:s3+s24] =	stream.indirect.scatter [tilespmem:s23], [sflag:$0x5], $0x80, s31, s24, $0xb8;
	[tilespmem:$0xA000] =	vst v63  }
0x69: {  	s30 =	sadd.s32 $0x200, s30;
	_ =	sdelay $0x1  }
0x6a: {  	_ =	swait.ge [sflag:s25], $0x4000  }
0x6b: {  	[sflag:s25] =	ssyncset.done $0x0  }
0x6c: {  	[sflag:s25] =	ssyncadd.s32 $0xFFFFC000  }
0x6d: {  	_ =	swait.ge [sflag:s20], $0x1000  }
0x6e: {  	[sflag:s20] =	ssyncset.done $0x0  }
0x6f: {  	[sflag:s20] =	ssyncadd.s32 $0xFFFFF000  }
0x70: {  	_ =	swait.ge [sflag:s21], $0x4000  }
0x71: {  	[sflag:s21] =	ssyncset.done $0x0  }
0x72: {  	s30 =	simm.s32 $0x0;
	[sflag:s21] =	ssyncadd.s32 $0xFFFFC000  }
0x73: {  	[tilespmem:s22], [sflag:$0x4] =	stream.linear.gather [hbm4b:s14+s30], $0x1000, $0x38;
	[tilespmem:$0xA000] =	vst v63  }
0x74: {  	_ = 	snop  }
0x75: {  	[tilespmem:s23], [sflag:$0x2] =	stream.linear.gather [hbm4b:s15+s30], $0x4000, $0x38;
	[tilespmem:$0xA000] =	vst v63  }
0x76: {  	s30 =	simm.s32 $0x8000  }
0x77: {  	[hbm4b:s3+s24] =	stream.indirect.scatter [tilespmem:s2], [sflag:$0x5], $0x80, s30, s24, $0xb8;
	[tilespmem:$0xA000] =	vst v63  }
0x78: {  	s30 =	simm.s32 $0x200;
	_ =	swait.ge [sflag:s25], $0x4000  }
.LBB2_10:
0x79: {  	s31 =	sshra.s32 s30, $0x2;
	[sflag:s25] =	ssyncset.done $0x0;
	p1 =	sne.s32 s30, $0x3E00  }
.Ltmp6:
0x7a: {  	s31 =	sadd.s32 $0x8000, s31;
	[sflag:s25] =	ssyncadd.s32 $0xFFFFC000;
	(pc) =	sbr.rel @p1 .LBB2_10-.Ltmp6, $3  }
0x7b: {  	[hbm4b:s3+s24] =	stream.indirect.scatter [tilespmem:s2], [sflag:$0x5], $0x80, s31, s24, $0xb8;
	[tilespmem:$0xA000] =	vst v63  }
0x7c: {  	s30 =	sadd.s32 $0x200, s30;
	_ =	sdelay $0x1  }
0x7d: {  	_ =	swait.ge [sflag:s25], $0x4000  }
0x7e: {  	[sflag:s25] =	ssyncset.done $0x0  }
0x7f: {  	[sflag:s25] =	ssyncadd.s32 $0xFFFFC000  }
0x80: {  	_ =	swait.ge [sflag:s26], $0x1000  }
0x81: {  	[sflag:s26] =	ssyncset.done $0x0  }
0x82: {  	[sflag:s26] =	ssyncadd.s32 $0xFFFFF000  }
0x83: {  	_ =	swait.ge [sflag:s28], $0x4000  }
0x84: {  	[sflag:s28] =	ssyncset.done $0x0  }
0x85: {  	s30 =	simm.s32 @!p0 $0x0;
	s31 =	simm.s32 @!p0 $0x8000;
	[sflag:s28] =	ssyncadd.s32 $0xFFFFC000  }
0x86: {  	[tilespmem:s31], [sflag:$0x3] =	stream.linear.gather @!p0 [hbm4b:s16+s30], $0x1000, $0x38;
	[tilespmem:$0xA000] =	vst v63  }
0x87: {  	_ = 	snop  }
0x88: {  	[tilespmem:s30], [sflag:$0x1] =	stream.linear.gather @!p0 [hbm4b:s17+s30], $0x4000, $0x38;
	[tilespmem:$0xA000] =	vst v63  }
0x89: {  	s30 =	simm.s32 $0x9000  }
0x8a: {  	[hbm4b:s3+s24] =	stream.indirect.scatter [tilespmem:s23], [sflag:$0x5], $0x80, s30, s24, $0xb8;
	[tilespmem:$0xA000] =	vst v63  }
0x8b: {  	s30 =	simm.s32 $0x200;
	_ =	swait.ge [sflag:s25], $0x4000  }
.LBB2_12:
0x8c: {  	s31 =	sshra.s32 s30, $0x2;
	[sflag:s25] =	ssyncset.done $0x0;
	p1 =	sne.s32 s30, $0x3E00  }
.Ltmp7:
0x8d: {  	s31 =	sadd.s32 $0x9000, s31;
	[sflag:s25] =	ssyncadd.s32 $0xFFFFC000;
	(pc) =	sbr.rel @p1 .LBB2_12-.Ltmp7, $3  }
0x8e: {  	[hbm4b:s3+s24] =	stream.indirect.scatter [tilespmem:s23], [sflag:$0x5], $0x80, s31, s24, $0xb8;
	[tilespmem:$0xA000] =	vst v63  }
0x8f: {  	s30 =	sadd.s32 $0x200, s30;
	_ =	sdelay $0x1  }
0x90: {  	_ =	swait.ge [sflag:s25], $0x4000  }
.Ltmp8:
0x91: {  	(pc) =	sbr.rel @p0 .LBB2_17-.Ltmp8, $3  }
0x92: {  	_ =	sdelay $0x1  }
0x93: {  	[sflag:s25] =	ssyncset.done $0x0  }
0x94: {  	[sflag:s25] =	ssyncadd.s32 $0xFFFFC000  }
0x95: {  	_ =	swait.ge [sflag:s20], $0x1000  }
0x96: {  	[sflag:s20] =	ssyncset.done $0x0  }
0x97: {  	[sflag:s20] =	ssyncadd.s32 $0xFFFFF000  }
0x98: {  	_ =	swait.ge [sflag:s21], $0x4000  }
0x99: {  	[sflag:s21] =	ssyncset.done $0x0  }
0x9a: {  	s30 =	simm.s32 $0x8000;
	[sflag:s21] =	ssyncadd.s32 $0xFFFFC000  }
0x9b: {  	[hbm4b:s3+s24] =	stream.indirect.scatter [tilespmem:s2], [sflag:$0x5], $0x80, s30, s24, $0xb8;
	[tilespmem:$0xA000] =	vst v63  }
0x9c: {  	s30 =	simm.s32 $0x200;
	_ =	swait.ge [sflag:s25], $0x4000  }
.LBB2_15:
0x9d: {  	s31 =	sshra.s32 s30, $0x2;
	[sflag:s25] =	ssyncset.done $0x0;
	p1 =	sne.s32 s30, $0x3E00  }
.Ltmp9:
0x9e: {  	s31 =	sadd.s32 $0x8000, s31;
	[sflag:s25] =	ssyncadd.s32 $0xFFFFC000;
	(pc) =	sbr.rel @p1 .LBB2_15-.Ltmp9, $3  }
0x9f: {  	[hbm4b:s3+s24] =	stream.indirect.scatter [tilespmem:s2], [sflag:$0x5], $0x80, s31, s24, $0xb8;
	[tilespmem:$0xA000] =	vst v63  }
0xa0: {  	s30 =	sadd.s32 $0x200, s30;
	_ =	sdelay $0x1  }
0xa1: {  	_ =	swait.ge [sflag:s25], $0x4000  }
.Ltmp10:
0xa2: {  	_ = 	snop;
	(pc) =	sbr.rel .LBB2_16-.Ltmp10, $1  }
0xa3: {  	_ =	sdelay $0x3  }
.LBB2_18:
0xa4: {  	_ =	sfence.sel $0x180000  }
0xa5: {  	[bflag:$0x0] =	sbarrier.arrive $0xFFFF  }
0xa6: {  	p0 =	sne.s32 s1, $0x0;
	_ =	strace $0x9000004A  }
0xa7: {  	s0 =	sadd.s32 @!p0 $0x100000, s0;
	[bflag:$0x2] =	sbarrier.arrive $0xFFFF  }
0xa8: {  	[sflag:s0] =	ssyncadd.tile.s32 @!p0 $0x1;
	_ =	shalt  }
.Lfunc_end2:
_tile_overlayer_lowered:
.L_overlay_start_2:
0xa9: {  	(tag) =	ssettag $0x2  }
0xaa: {  	s0 =	rddreg [dreg:$0x0];
	s2 =	stileid.u32  }
0xab: {  	s1 =	rddreg [dreg:$0x1];
	p0 =	sne.s32 s2, $0x0  }
0xac: {  	s3 =	rddreg [dreg:$0x2];
	[bflag:$0x3] =	sbarrier.arrive $0xFFFF;
	s2 =	simm.s32 @!p0 $0x1C05  }
0xad: {  	[timem:s3], [sflag:s2] =	dma.local @!p0 [hbm:s0], s1  }
0xae: {  	s0 =	simm.s32 @!p0 $0x5  }
0xaf: {  	_ =	swait.ge @!p0 [sflag:s0], s1  }
0xb0: {  	s1 =	ssub.s32 @!p0 $0x0, s1;
	[sflag:s0] =	ssyncset.done @!p0 $0x0  }
0xb1: {  	[sflag:s0] =	ssyncadd.s32 @!p0 s1  }
0xb2: {  	[bflag:$0x3] =	sbarrier.arrive $0xFFFF  }
0xb3: {  	_ =	shalt  }

// kernel: kernel.16.cloned.1.call-start
scs
__scs_entry_jumppad:
0x0: {  	(pc) =	sbr.rel $0x88, $3  }
0x1: {  	(tag) =	ssettag $0x0;
	lr =	simm.s32 $0x1  }
0x2: {  	[smem:$0x3F9F] =	sst lr;
	_ =	strace $0xD0000000  }
0x3: {  	_ = 	snop  }
0x4: {  	_ = 	snop  }
0x5: {  	_ = 	snop  }
0x6: {  	_ = 	snop  }
0x7: {  	_ = 	snop  }
__scs_overlays_trampoline_lowered:
0x8: {  	[smem:$0x3FAE] =	sst s0  }
0x9: {  	[smem:$0x3FAF] =	sst s1  }
0xa: {  	[smem:$0x3FB0] =	sst s2  }
0xb: {  	[smem:$0x3FB1] =	sst s3  }
0xc: {  	[smem:$0x3FB2] =	sst s4  }
0xd: {  	[smem:$0x3FB3] =	sst s5  }
0xe: {  	[smem:$0x3FB4] =	sst s6  }
0xf: {  	[smem:$0x3FB5] =	sst s7  }
0x10: {  	[smem:$0x3FB6] =	sst s8  }
0x11: {  	[smem:$0x3FB7] =	sst s9;
	s0 =	simm.s32 @!p0 $0x0  }
0x12: {  	s1 =	sld [smem:$0x3F9D];
	s0 =	simm.s32 @p0 $0x1  }
0x13: {  	[smem:$0x3FB8] =	sst s0;
	s0 =	simm.s32 @!p1 $0x0  }
0x14: {  	s2 =	sld [smem:$0x3F9C];
	s0 =	simm.s32 @p1 $0x1  }
0x15: {  	[smem:$0x3FB9] =	sst s0;
	s0 =	simm.s32 @!p2 $0x0  }
0x16: {  	s3 =	sld [smem:$0x3FDB];
	s0 =	simm.s32 @p2 $0x1  }
0x17: {  	s4 =	simm.s32 $0x1BF5;
	[smem:$0x3FBB] =	sst s0  }
0x18: {  	s0 =	sld [smem:$0x3F9E];
	_ =	swait.ge [sflag:s4], $0x0  }
0x19: {  	s7 =	sld [smem:$0x3F9F]  }
0x1a: {  	s8 =	sadd.s32 $0xFFFFE003, lr  }
0x1b: {  	s9 =	sadd.s32 $0xFFFFFEF7, lr;
	s5 =	simm.s32 $0xFFFFFFFF;
	p2 =	slt.u32 s8, $0xFFFFF086  }
0x1c: {  	p1 =	slt.u32 s9, $0xF7A;
	s5 =	simm.s32 @!p2 $0x0  }
0x1d: {  	s5 =	simm.s32 @p1 $0x1;
	p0 =	seq.s32 s7, s2  }
0x1e: {  	s7 =	smul.u32 @!p0 $0xF7A, s2;
	p2 =	seq.s32 @!p0 s5, $0x0  }
0x1f: {  	s9 =	smul.u32 $0xF7A, s1;
	s8 =	simm.s32 @!p0 $0x1BF5;
	p2 =	por !p2, p0  }
0x20: {  	[sflag:s8] =	ssyncset.s32 @!p0 $0xFFFFF086;
	s6 =	sadd.s32 @!p0 s3, s7;
	s7 =	simm.s32 @!p0 $0x108  }
0x21: {  	s3 =	sadd.s32 s3, s9;
	s6 =	sadd.s32 @!p0 $0x88, s6;
	s7 =	simm.s32 @p2 $0x1082  }
0x22: {  	[simem:s7], [sflag:s8] =	dma.local @!p0 [hbm:s6], $0xF7A  }
0x23: {  	s9 =	sor.u32 $0xD0000000, s2;
	s6 =	simm.s32 $0x108;
	_ =	swait.ge @!p0 [sflag:s8], $0x0  }
0x24: {  	s3 =	sadd.s32 $0x88, s3;
	s6 =	simm.s32 @!p1 $0x1082;
	[sflag:s4] =	ssyncset.s32 $0xFFFFF086  }
0x25: {  	[simem:s6], [sflag:s4] =	dma.local [hbm:s3], $0xF7A  }
0x26: {  	[smem:$0x3F9F] =	sst s1;
	(tag) =	ssettag s2;
	_ =	strace s9  }
0x27: {  	s1 =	sld [smem:$0x3FAF]  }
0x28: {  	s2 =	sld [smem:$0x3FB0]  }
0x29: {  	s4 =	sld [smem:$0x3FB2]  }
0x2a: {  	p0 =	seq.s32 s5, $0x0;
	s5 =	sld [smem:$0x3FB3]  }
0x2b: {  	s6 =	sld [smem:$0x3FB4]  }
0x2c: {  	s7 =	sld [smem:$0x3FB5]  }
0x2d: {  	s3 =	simm.s32 $0x108;
	s8 =	sld [smem:$0x3FB6]  }
0x2e: {  	s3 =	simm.s32 @!p0 $0x1082;
	s9 =	sld [smem:$0x3FB7]  }
0x2f: {  	lr =	sadd.s32 s0, s3;
	s0 =	sld [smem:$0x3FAE]  }
0x30: {  	s3 =	sld [smem:$0x3FB1]  }
0x31: {  	[smem:$0x3FBA] =	sst s10  }
0x32: {  	s10 =	sld [smem:$0x3FB8];
	_ =	sdelay $0x3  }
0x33: {  	p0 =	seq.s32 s10, $0x1;
	s10 =	sld [smem:$0x3FBA];
	_ =	sdelay $0x3  }
0x34: {  	[smem:$0x3FBA] =	sst s10  }
0x35: {  	s10 =	sld [smem:$0x3FB9];
	_ =	sdelay $0x3  }
0x36: {  	p1 =	seq.s32 s10, $0x1;
	s10 =	sld [smem:$0x3FBA];
	_ =	sdelay $0x3  }
0x37: {  	[smem:$0x3FBA] =	sst s10  }
0x38: {  	s10 =	sld [smem:$0x3FBB]  }
0x39: {  	_ = 	snop;
	(pc) =	sbr.ind lr, $3  }
0x3a: {  	_ = 	snop  }
0x3b: {  	_ = 	snop  }
0x3c: {  	p2 =	seq.s32 s10, $0x1;
	s10 =	sld [smem:$0x3FBA]  }
0x3d: {  	_ =	shalt  }
0x3e: {  	_ =	shalt  }
0x3f: {  	_ =	shalt  }
0x40: {  	_ =	shalt  }
0x41: {  	_ =	shalt  }
0x42: {  	_ =	shalt  }
0x43: {  	_ =	shalt  }
0x44: {  	_ =	shalt  }
0x45: {  	_ =	shalt  }
0x46: {  	_ =	shalt  }
0x47: {  	_ =	shalt  }
0x48: {  	_ =	shalt  }
0x49: {  	_ =	shalt  }
0x4a: {  	_ =	shalt  }
0x4b: {  	_ =	shalt  }
0x4c: {  	_ =	shalt  }
0x4d: {  	_ =	shalt  }
0x4e: {  	_ =	shalt  }
0x4f: {  	_ =	shalt  }
0x50: {  	_ =	shalt  }
0x51: {  	_ =	shalt  }
0x52: {  	_ =	shalt  }
0x53: {  	_ =	shalt  }
0x54: {  	_ =	shalt  }
0x55: {  	_ =	shalt  }
0x56: {  	_ =	shalt  }
0x57: {  	_ =	shalt  }
0x58: {  	_ =	shalt  }
0x59: {  	_ =	shalt  }
0x5a: {  	_ =	shalt  }
0x5b: {  	_ =	shalt  }
0x5c: {  	_ =	shalt  }
0x5d: {  	_ =	shalt  }
0x5e: {  	_ =	shalt  }
0x5f: {  	_ =	shalt  }
0x60: {  	_ =	shalt  }
0x61: {  	_ =	shalt  }
0x62: {  	_ =	shalt  }
0x63: {  	_ =	shalt  }
0x64: {  	_ =	shalt  }
0x65: {  	_ =	shalt  }
0x66: {  	_ =	shalt  }
0x67: {  	_ =	shalt  }
0x68: {  	_ =	shalt  }
0x69: {  	_ =	shalt  }
0x6a: {  	_ =	shalt  }
0x6b: {  	_ =	shalt  }
0x6c: {  	_ =	shalt  }
0x6d: {  	_ =	shalt  }
0x6e: {  	_ =	shalt  }
0x6f: {  	_ =	shalt  }
0x70: {  	_ =	shalt  }
0x71: {  	_ =	shalt  }
0x72: {  	_ =	shalt  }
0x73: {  	_ =	shalt  }
0x74: {  	_ =	shalt  }
0x75: {  	_ =	shalt  }
0x76: {  	_ =	shalt  }
0x77: {  	_ =	shalt  }
0x78: {  	_ =	shalt  }
0x79: {  	_ =	shalt  }
0x7a: {  	_ =	shalt  }
0x7b: {  	_ =	shalt  }
0x7c: {  	_ =	shalt  }
0x7d: {  	_ =	shalt  }
0x7e: {  	_ =	shalt  }
0x7f: {  	_ =	shalt  }
0x80: {  	_ =	shalt  }
0x81: {  	_ =	shalt  }
0x82: {  	_ =	shalt  }
0x83: {  	_ =	shalt  }
0x84: {  	_ =	shalt  }
0x85: {  	_ =	shalt  }
0x86: {  	_ =	shalt  }
0x87: {  	_ =	shalt  }
.Lfunc_end0:
.L_simem_size_0:
called_computation.3_lowered:
.L_overlay_start_0:
0x88: {  	s2 =	sld [smem:$0x3FD9]  }
0x89: {  	s3 =	sld [smem:$0x3FFE];
	_ =	sdelay $0x1  }
0x8a: {  	s1 =	srdreg.scid  }
0x8b: {  	s0 =	sand.u32 $0x1, s1  }
0x8c: {  	s17 =	sshll.u32 s0, $0xA;
	s2 =	sadd.s32 s3, s2  }
0x8d: {  	s2 =	sadd.s32 s2, s17  }
0x8e: {  	[smem:$0x3FC6] =	sst s2  }
0x8f: {  	_ = 	snop  }
0x90: {  	s2 =	sld [smem:$0x3FD0];
	(tm) =	ssettm $0x1  }
0x91: {  	s18 =	sld [smem:$0x3FFB];
	_ =	sdelay $0x3  }
0x92: {  	_ =	strace s18  }
0x93: {  	s3 =	sld [smem:$0x3FFC];
	_ =	sdelay $0x3  }
0x94: {  	_ =	strace s3  }
0x95: {  	s3 =	sld [smem:$0x3FFD];
	_ =	sdelay $0x3  }
0x96: {  	_ =	strace s3  }
0x97: {  	_ =	strace $0x8FFFFFFF  }
0x98: {  	s19 =	sld [smem:$0x3FDB];
	_ =	sdelay $0x1  }
0x99: {  	s4 =	simm.s32 $_scs_section_size  }
0x9a: {  	s5 =	simm.s32 $_size__tile_overlayer_lowered;
	s6 =	simm.s32 $_tile_overlayer_lowered  }
0x9b: {  	s22 =	simm.s32 $0x1BFF;
	s21 =	sshll.u32 s6, $0x1;
	s3 =	sadd.s32 s4, s19  }
0x9c: {  	s7 =	simm.s32 $0x0;
	s20 =	sshll.u32 s5, $0x1;
	s5 =	sadd.s32 s21, s3  }
0x9d: {  	[timem:s7], [sflag:s22] =	dma.local [hbm:s5], s20  }
0x9e: {  	_ =	swait.ge [sflag:s22], s20  }
0x9f: {  	s4 =	ssub.s32 $0x0, s20;
	[sflag:s22] =	ssyncset.done $0x0  }
0xa0: {  	[sflag:s22] =	ssyncadd.s32 s4;
	_ =	sdelay $0x1  }
0xa1: {  	s23 =	simm.s32 $0x1B8B  }
0xa2: {  	_ =	swait.ge [sflag:s23], $0x1  }
0xa3: {  	[sflag:s23] =	ssyncset.done $0x0  }
0xa4: {  	s25 =	simm.s32 $0x1B8E;
	s24 =	sld [smem:$0x3FFE];
	[sflag:s23] =	ssyncadd.s32 $0xFFFFFFFF  }
0xa5: {  	s26 =	simm.s32 $execute0_lowered;
	[smem:$0x3FD2] =	sst s25  }
0xa6: {  	s5 =	sshll.u32 s26, $0x1;
	_ =	strace $0x8000004C;
	[dreg:$0x1] =	wrdreg $0xFFFFFFFF  }
0xa7: {  	s28 =	simm.s32 $_size_execute0_lowered;
	s3 =	sadd.s32 s3, s5;
	[dreg:$0x0] =	wrdreg $0x0  }
0xa8: {  	s5 =	sshll.u32 s28, $0x1;
	[dreg:$0x2] =	wrdreg s3  }
0xa9: {  	[dreg:$0x3] =	wrdreg s5  }
0xaa: {  	[dreg:$0x4] =	wrdreg $0xC0  }
0xab: {  	_ =	task [dreg:s7], $0x5FFFF  }
0xac: {  	[dreg:$0x1] =	wrdreg $0xFFFFFFFF  }
0xad: {  	[dreg:$0x0] =	wrdreg $0x60  }
0xae: {  	[dreg:$0x2] =	wrdreg s2  }
0xaf: {  	[dreg:$0x3] =	wrdreg s24  }
0xb0: {  	[dreg:$0x4] =	wrdreg $0x9  }
0xb1: {  	_ =	task.clear_ibuf [dreg:s7], $0x5FFFF;
	_ =	strace $0x9000004C  }
0xb2: {  	s29 =	simm.s32 $0x9;
	_ =	strace $0x8000004E  }
0xb3: {  	_ =	swait.ge [sflag:s29], $0x1  }
0xb4: {  	[sflag:s29] =	ssyncadd.s32 $0xFFFFFFFF  }
0xb5: {  	_ =	strace $0x9000004E  }
0xb6: {  	_ =	sfence  }
0xb7: {  	s30 =	sld [smem:$0x0];
	_ =	sdelay $0x2  }
0xb8: {  	s31 =	sshll.u32 s1, $0xD;
	s1 =	sshrl.u32 s1, $0x2  }
0xb9: {  	s3 =	sand.u32 $0x4000, s31;
	s1 =	sadd.s32 s1, s30  }
0xba: {  	s0 =	sor.u32 s3, s0;
	s1 =	sshll.u32 s1, $0x11  }
0xbb: {  	s0 =	sor.u32 s1, s0  }
0xbc: {  	s0 =	sadd.s32 $0x8F2B, s0  }
0xbd: {  	[sflag:s0] =	ssyncadd.remote.s32 $0x1  }
0xbe: {  	_ =	sfence.sel $0xFFFF  }
0xbf: {  	[dreg:$0x0] =	wrdreg $0xFFFFFFFF;
	(pc) =	sbr.abs _section_cstart, $3  }
0xc0: {  	[dreg:$0x1] =	wrdreg $0xFFFFFFFF  }
0xc1: {  	_ =	task.clear_ibuf [dreg:s7], $0x2FFFF;
	_ =	strace $0x9FFFFFFF  }
0xc2: {  	(tm) =	ssettm $0x7FFFFFFF  }
0xc3: {  	_ =	shalt  }
tec
execute0_lowered:
.L_overlay_start_1:
0x0: {  	(tag) =	ssettag $0x1  }
0x1: {  	s17 =	rddreg [dreg:$0x0]  }
0x2: {  	s3 =	rddreg [dreg:$0x1]  }
0x3: {  	s0 =	rddreg [dreg:$0x2]  }
0x4: {  	s2 =	simm.s32 $0x0;
	s4 =	srdreg.scid;
	s1 =	stileid.u32  }
0x5: {  	s22 =	simm.s32 $0x9000;
	s23 =	simm.s32 $0x4000;
	s24 =	simm.s32 $0x80  }
0x6: {  	s28 =	simm.s32 $0x2;
	s29 =	simm.s32 $0x0;
	[smem:$0x7FF] =	sst s2  }
0x7: {  	s4 =	sand.u32 $0x1, s4;
	s6 =	sshll.u32 s1, $0x1;
	s16 =	sadd.s32 $0x1A400, s3  }
0x8: {  	s3 =	sadd.s32 $0x65400, s3;
	p0 =	sgt.u32 s1, $0x3;
	s5 =	ssub.s32 $0x2, s4  }
0x9: {  	_ =	strace $0x8000004D;
	s15 =	sor.u32 s4, s6;
	s7 =	sshrl.u32 s5, $0x1  }
0xa: {  	s4 =	sshll.u32 s15, $0x9;
	s25 =	sshll.u32 s15, $0xB;
	s6 =	sor.u32 $0x20, s15  }
0xb: {  	s30 =	sor.u32 $0x40, s15;
	s11 =	sor.u32 $0x60, s15;
	s13 =	sor.u32 $0x80, s15  }
0xc: {  	s19 =	sor.u32 $0xA0, s15;
	s15 =	sor.u32 $0xC0, s15;
	s18 =	ssub.s32 s5, s7  }
0xd: {  	s4 =	sadd.s32 s16, s4;
	s5 =	sadd.s32 s17, s25;
	s26 =	sshll.u32 s6, $0x9  }
0xe: {  	s8 =	sshll.u32 s6, $0xB;
	s9 =	sshll.u32 s30, $0x9;
	s10 =	sshll.u32 s30, $0xB  }
0xf: {  	s31 =	sshll.u32 s11, $0x9;
	s11 =	sshll.u32 s11, $0xB;
	s12 =	sshll.u32 s13, $0x9  }
0x10: {  	s13 =	sshll.u32 s13, $0xB;
	s14 =	sshll.u32 s19, $0x9;
	s19 =	sshll.u32 s19, $0xB  }
0x11: {  	s20 =	sshll.u32 s15, $0x9;
	s21 =	sshll.u32 s15, $0xB;
	s25 =	simm.s32 $0x5  }
0x12: {  	s6 =	sadd.s32 s16, s26;
	s7 =	sadd.s32 s17, s8;
	s8 =	sadd.s32 s16, s9  }
.Ltmp0:
0x13: {  	s9 =	sadd.s32 s17, s10;
	s10 =	sadd.s32 s16, s31;
	(pc) =	sbr.rel .LBB2_1-.Ltmp0, $4  }
0x14: {  	s11 =	sadd.s32 s17, s11;
	s12 =	sadd.s32 s16, s12;
	s13 =	sadd.s32 s17, s13  }
0x15: {  	s14 =	sadd.s32 s16, s14;
	s15 =	sadd.s32 s17, s19;
	s16 =	sadd.s32 s16, s20  }
0x16: {  	s17 =	sadd.s32 s17, s21;
	s18 =	smax.u32 s18, $0x1;
	s19 =	simm.s32 $0x8000  }
0x17: {  	s20 =	simm.s32 $0x3;
	s21 =	simm.s32 $0x1;
	s26 =	simm.s32 $0x4  }
.LBB2_16:
0x18: {  	[sflag:s25] =	ssyncset.done $0x0  }
0x19: {  	[sflag:s25] =	ssyncadd.s32 $0xFFFFC000  }
.LBB2_17:
0x1a: {  	s29 =	sadd.s32 $0x1, s29  }
0x1b: {  	p1 =	sne.s32 s29, s18  }
.Ltmp1:
0x1c: {  	_ = 	snop;
	(pc) =	sbr.rel @!p1 .LBB2_18-.Ltmp1, $1  }
0x1d: {  	_ =	sdelay $0x3  }
.LBB2_1:
0x1e: {  	[tilespmem:s19], [sflag:$0x3] =	stream.linear.gather [hbm4b:s4+s2], $0x1000, $0x38;
	[tilespmem:$0xA000] =	vst v63  }
0x1f: {  	_ = 	snop  }
0x20: {  	[tilespmem:s2], [sflag:$0x1] =	stream.linear.gather [hbm4b:s5+s2], $0x4000, $0x38;
	[tilespmem:$0xA000] =	vst v63  }
0x21: {  	_ =	swait.ge [sflag:s20], $0x1000  }
0x22: {  	[sflag:s20] =	ssyncset.done $0x0  }
0x23: {  	[sflag:s20] =	ssyncadd.s32 $0xFFFFF000  }
0x24: {  	_ =	swait.ge [sflag:s21], $0x4000  }
0x25: {  	[sflag:s21] =	ssyncset.done $0x0  }
0x26: {  	[sflag:s21] =	ssyncadd.s32 $0xFFFFC000  }
0x27: {  	[tilespmem:s22], [sflag:$0x4] =	stream.linear.gather [hbm4b:s6+s2], $0x1000, $0x38;
	[tilespmem:$0xA000] =	vst v63  }
0x28: {  	_ = 	snop  }
0x29: {  	[tilespmem:s23], [sflag:$0x2] =	stream.linear.gather [hbm4b:s7+s2], $0x4000, $0x38;
	[tilespmem:$0xA000] =	vst v63  }
0x2a: {  	s30 =	simm.s32 $0x8000  }
0x2b: {  	[hbm4b:s3+s24] =	stream.indirect.scatter [tilespmem:s2], [sflag:$0x5], $0x80, s30, s24, $0xb8;
	[tilespmem:$0xA000] =	vst v63  }
0x2c: {  	s30 =	simm.s32 $0x200;
	_ =	swait.ge [sflag:s25], $0x4000  }
.LBB2_2:
0x2d: {  	s31 =	sshra.s32 s30, $0x2;
	[sflag:s25] =	ssyncset.done $0x0;
	p1 =	sne.s32 s30, $0x3E00  }
.Ltmp2:
0x2e: {  	s31 =	sadd.s32 $0x8000, s31;
	[sflag:s25] =	ssyncadd.s32 $0xFFFFC000;
	(pc) =	sbr.rel @p1 .LBB2_2-.Ltmp2, $3  }
0x2f: {  	[hbm4b:s3+s24] =	stream.indirect.scatter [tilespmem:s2], [sflag:$0x5], $0x80, s31, s24, $0xb8;
	[tilespmem:$0xA000] =	vst v63  }
0x30: {  	s30 =	sadd.s32 $0x200, s30;
	_ =	sdelay $0x1  }
0x31: {  	_ =	swait.ge [sflag:s25], $0x4000  }
0x32: {  	[sflag:s25] =	ssyncset.done $0x0  }
0x33: {  	[sflag:s25] =	ssyncadd.s32 $0xFFFFC000  }
0x34: {  	_ =	swait.ge [sflag:s26], $0x1000  }
0x35: {  	[sflag:s26] =	ssyncset.done $0x0  }
0x36: {  	[sflag:s26] =	ssyncadd.s32 $0xFFFFF000  }
0x37: {  	_ =	swait.ge [sflag:s28], $0x4000  }
0x38: {  	[sflag:s28] =	ssyncset.done $0x0  }
0x39: {  	s30 =	simm.s32 $0x0;
	[sflag:s28] =	ssyncadd.s32 $0xFFFFC000  }
0x3a: {  	[tilespmem:s19], [sflag:$0x3] =	stream.linear.gather [hbm4b:s8+s30], $0x1000, $0x38;
	[tilespmem:$0xA000] =	vst v63  }
0x3b: {  	_ = 	snop  }
0x3c: {  	[tilespmem:s30], [sflag:$0x1] =	stream.linear.gather [hbm4b:s9+s30], $0x4000, $0x38;
	[tilespmem:$0xA000] =	vst v63  }
0x3d: {  	s30 =	simm.s32 $0x9000  }
0x3e: {  	[hbm4b:s3+s24] =	stream.indirect.scatter [tilespmem:s23], [sflag:$0x5], $0x80, s30, s24, $0xb8;
	[tilespmem:$0xA000] =	vst v63  }
0x3f: {  	s30 =	simm.s32 $0x200;
	_ =	swait.ge [sflag:s25], $0x4000  }
.LBB2_4:
0x40: {  	s31 =	sshra.s32 s30, $0x2;
	[sflag:s25] =	ssyncset.done $0x0;
	p1 =	sne.s32 s30, $0x3E00  }
.Ltmp3:
0x41: {  	s31 =	sadd.s32 $0x9000, s31;
	[sflag:s25] =	ssyncadd.s32 $0xFFFFC000;
	(pc) =	sbr.rel @p1 .LBB2_4-.Ltmp3, $3  }
0x42: {  	[hbm4b:s3+s24] =	stream.indirect.scatter [tilespmem:s23], [sflag:$0x5], $0x80, s31, s24, $0xb8;
	[tilespmem:$0xA000] =	vst v63  }
0x43: {  	s30 =	sadd.s32 $0x200, s30;
	_ =	sdelay $0x1  }
0x44: {  	_ =	swait.ge [sflag:s25], $0x4000  }
0x45: {  	[sflag:s25] =	ssyncset.done $0x0  }
0x46: {  	[sflag:s25] =	ssyncadd.s32 $0xFFFFC000  }
0x47: {  	_ =	swait.ge [sflag:s20], $0x1000  }
0x48: {  	[sflag:s20] =	ssyncset.done $0x0  }
0x49: {  	[sflag:s20] =	ssyncadd.s32 $0xFFFFF000  }
0x4a: {  	_ =	swait.ge [sflag:s21], $0x4000  }
0x4b: {  	[sflag:s21] =	ssyncset.done $0x0  }
0x4c: {  	s30 =	simm.s32 $0x0;
	[sflag:s21] =	ssyncadd.s32 $0xFFFFC000  }
0x4d: {  	[tilespmem:s22], [sflag:$0x4] =	stream.linear.gather [hbm4b:s10+s30], $0x1000, $0x38;
	[tilespmem:$0xA000] =	vst v63  }
0x4e: {  	_ = 	snop  }
0x4f: {  	[tilespmem:s23], [sflag:$0x2] =	stream.linear.gather [hbm4b:s11+s30], $0x4000, $0x38;
	[tilespmem:$0xA000] =	vst v63  }
0x50: {  	s30 =	simm.s32 $0x8000  }
0x51: {  	[hbm4b:s3+s24] =	stream.indirect.scatter [tilespmem:s2], [sflag:$0x5], $0x80, s30, s24, $0xb8;
	[tilespmem:$0xA000] =	vst v63  }
0x52: {  	s30 =	simm.s32 $0x200;
	_ =	swait.ge [sflag:s25], $0x4000  }
.LBB2_6:
0x53: {  	s31 =	sshra.s32 s30, $0x2;
	[sflag:s25] =	ssyncset.done $0x0;
	p1 =	sne.s32 s30, $0x3E00  }
.Ltmp4:
0x54: {  	s31 =	sadd.s32 $0x8000, s31;
	[sflag:s25] =	ssyncadd.s32 $0xFFFFC000;
	(pc) =	sbr.rel @p1 .LBB2_6-.Ltmp4, $3  }
0x55: {  	[hbm4b:s3+s24] =	stream.indirect.scatter [tilespmem:s2], [sflag:$0x5], $0x80, s31, s24, $0xb8;
	[tilespmem:$0xA000] =	vst v63  }
0x56: {  	s30 =	sadd.s32 $0x200, s30;
	_ =	sdelay $0x1  }
0x57: {  	_ =	swait.ge [sflag:s25], $0x4000  }
0x58: {  	[sflag:s25] =	ssyncset.done $0x0  }
0x59: {  	[sflag:s25] =	ssyncadd.s32 $0xFFFFC000  }
0x5a: {  	_ =	swait.ge [sflag:s26], $0x1000  }
0x5b: {  	[sflag:s26] =	ssyncset.done $0x0  }
0x5c: {  	[sflag:s26] =	ssyncadd.s32 $0xFFFFF000  }
0x5d: {  	_ =	swait.ge [sflag:s28], $0x4000  }
0x5e: {  	[sflag:s28] =	ssyncset.done $0x0  }
0x5f: {  	s30 =	simm.s32 $0x0;
	[sflag:s28] =	ssyncadd.s32 $0xFFFFC000  }
0x60: {  	[tilespmem:s19], [sflag:$0x3] =	stream.linear.gather [hbm4b:s12+s30], $0x1000, $0x38;
	[tilespmem:$0xA000] =	vst v63  }
0x61: {  	_ = 	snop  }
0x62: {  	[tilespmem:s30], [sflag:$0x1] =	stream.linear.gather [hbm4b:s13+s30], $0x4000, $0x38;
	[tilespmem:$0xA000] =	vst v63  }
0x63: {  	s30 =	simm.s32 $0x9000  }
0x64: {  	[hbm4b:s3+s24] =	stream.indirect.scatter [tilespmem:s23], [sflag:$0x5], $0x80, s30, s24, $0xb8;
	[tilespmem:$0xA000] =	vst v63  }
0x65: {  	s30 =	simm.s32 $0x200;
	_ =	swait.ge [sflag:s25], $0x4000  }
.LBB2_8:
0x66: {  	s31 =	sshra.s32 s30, $0x2;
	[sflag:s25] =	ssyncset.done $0x0;
	p1 =	sne.s32 s30, $0x3E00  }
.Ltmp5:
0x67: {  	s31 =	sadd.s32 $0x9000, s31;
	[sflag:s25] =	ssyncadd.s32 $0xFFFFC000;
	(pc) =	sbr.rel @p1 .LBB2_8-.Ltmp5, $3  }
0x68: {  	[hbm4b:s3+s24] =	stream.indirect.scatter [tilespmem:s23], [sflag:$0x5], $0x80, s31, s24, $0xb8;
	[tilespmem:$0xA000] =	vst v63  }
0x69: {  	s30 =	sadd.s32 $0x200, s30;
	_ =	sdelay $0x1  }
0x6a: {  	_ =	swait.ge [sflag:s25], $0x4000  }
0x6b: {  	[sflag:s25] =	ssyncset.done $0x0  }
0x6c: {  	[sflag:s25] =	ssyncadd.s32 $0xFFFFC000  }
0x6d: {  	_ =	swait.ge [sflag:s20], $0x1000  }
0x6e: {  	[sflag:s20] =	ssyncset.done $0x0  }
0x6f: {  	[sflag:s20] =	ssyncadd.s32 $0xFFFFF000  }
0x70: {  	_ =	swait.ge [sflag:s21], $0x4000  }
0x71: {  	[sflag:s21] =	ssyncset.done $0x0  }
0x72: {  	s30 =	simm.s32 $0x0;
	[sflag:s21] =	ssyncadd.s32 $0xFFFFC000  }
0x73: {  	[tilespmem:s22], [sflag:$0x4] =	stream.linear.gather [hbm4b:s14+s30], $0x1000, $0x38;
	[tilespmem:$0xA000] =	vst v63  }
0x74: {  	_ = 	snop  }
0x75: {  	[tilespmem:s23], [sflag:$0x2] =	stream.linear.gather [hbm4b:s15+s30], $0x4000, $0x38;
	[tilespmem:$0xA000] =	vst v63  }
0x76: {  	s30 =	simm.s32 $0x8000  }
0x77: {  	[hbm4b:s3+s24] =	stream.indirect.scatter [tilespmem:s2], [sflag:$0x5], $0x80, s30, s24, $0xb8;
	[tilespmem:$0xA000] =	vst v63  }
0x78: {  	s30 =	simm.s32 $0x200;
	_ =	swait.ge [sflag:s25], $0x4000  }
.LBB2_10:
0x79: {  	s31 =	sshra.s32 s30, $0x2;
	[sflag:s25] =	ssyncset.done $0x0;
	p1 =	sne.s32 s30, $0x3E00  }
.Ltmp6:
0x7a: {  	s31 =	sadd.s32 $0x8000, s31;
	[sflag:s25] =	ssyncadd.s32 $0xFFFFC000;
	(pc) =	sbr.rel @p1 .LBB2_10-.Ltmp6, $3  }
0x7b: {  	[hbm4b:s3+s24] =	stream.indirect.scatter [tilespmem:s2], [sflag:$0x5], $0x80, s31, s24, $0xb8;
	[tilespmem:$0xA000] =	vst v63  }
0x7c: {  	s30 =	sadd.s32 $0x200, s30;
	_ =	sdelay $0x1  }
0x7d: {  	_ =	swait.ge [sflag:s25], $0x4000  }
0x7e: {  	[sflag:s25] =	ssyncset.done $0x0  }
0x7f: {  	[sflag:s25] =	ssyncadd.s32 $0xFFFFC000  }
0x80: {  	_ =	swait.ge [sflag:s26], $0x1000  }
0x81: {  	[sflag:s26] =	ssyncset.done $0x0  }
0x82: {  	[sflag:s26] =	ssyncadd.s32 $0xFFFFF000  }
0x83: {  	_ =	swait.ge [sflag:s28], $0x4000  }
0x84: {  	[sflag:s28] =	ssyncset.done $0x0  }
0x85: {  	s30 =	simm.s32 @!p0 $0x0;
	s31 =	simm.s32 @!p0 $0x8000;
	[sflag:s28] =	ssyncadd.s32 $0xFFFFC000  }
0x86: {  	[tilespmem:s31], [sflag:$0x3] =	stream.linear.gather @!p0 [hbm4b:s16+s30], $0x1000, $0x38;
	[tilespmem:$0xA000] =	vst v63  }
0x87: {  	_ = 	snop  }
0x88: {  	[tilespmem:s30], [sflag:$0x1] =	stream.linear.gather @!p0 [hbm4b:s17+s30], $0x4000, $0x38;
	[tilespmem:$0xA000] =	vst v63  }
0x89: {  	s30 =	simm.s32 $0x9000  }
0x8a: {  	[hbm4b:s3+s24] =	stream.indirect.scatter [tilespmem:s23], [sflag:$0x5], $0x80, s30, s24, $0xb8;
	[tilespmem:$0xA000] =	vst v63  }
0x8b: {  	s30 =	simm.s32 $0x200;
	_ =	swait.ge [sflag:s25], $0x4000  }
.LBB2_12:
0x8c: {  	s31 =	sshra.s32 s30, $0x2;
	[sflag:s25] =	ssyncset.done $0x0;
	p1 =	sne.s32 s30, $0x3E00  }
.Ltmp7:
0x8d: {  	s31 =	sadd.s32 $0x9000, s31;
	[sflag:s25] =	ssyncadd.s32 $0xFFFFC000;
	(pc) =	sbr.rel @p1 .LBB2_12-.Ltmp7, $3  }
0x8e: {  	[hbm4b:s3+s24] =	stream.indirect.scatter [tilespmem:s23], [sflag:$0x5], $0x80, s31, s24, $0xb8;
	[tilespmem:$0xA000] =	vst v63  }
0x8f: {  	s30 =	sadd.s32 $0x200, s30;
	_ =	sdelay $0x1  }
0x90: {  	_ =	swait.ge [sflag:s25], $0x4000  }
.Ltmp8:
0x91: {  	(pc) =	sbr.rel @p0 .LBB2_17-.Ltmp8, $3  }
0x92: {  	_ =	sdelay $0x1  }
0x93: {  	[sflag:s25] =	ssyncset.done $0x0  }
0x94: {  	[sflag:s25] =	ssyncadd.s32 $0xFFFFC000  }
0x95: {  	_ =	swait.ge [sflag:s20], $0x1000  }
0x96: {  	[sflag:s20] =	ssyncset.done $0x0  }
0x97: {  	[sflag:s20] =	ssyncadd.s32 $0xFFFFF000  }
0x98: {  	_ =	swait.ge [sflag:s21], $0x4000  }
0x99: {  	[sflag:s21] =	ssyncset.done $0x0  }
0x9a: {  	s30 =	simm.s32 $0x8000;
	[sflag:s21] =	ssyncadd.s32 $0xFFFFC000  }
0x9b: {  	[hbm4b:s3+s24] =	stream.indirect.scatter [tilespmem:s2], [sflag:$0x5], $0x80, s30, s24, $0xb8;
	[tilespmem:$0xA000] =	vst v63  }
0x9c: {  	s30 =	simm.s32 $0x200;
	_ =	swait.ge [sflag:s25], $0x4000  }
.LBB2_15:
0x9d: {  	s31 =	sshra.s32 s30, $0x2;
	[sflag:s25] =	ssyncset.done $0x0;
	p1 =	sne.s32 s30, $0x3E00  }
.Ltmp9:
0x9e: {  	s31 =	sadd.s32 $0x8000, s31;
	[sflag:s25] =	ssyncadd.s32 $0xFFFFC000;
	(pc) =	sbr.rel @p1 .LBB2_15-.Ltmp9, $3  }
0x9f: {  	[hbm4b:s3+s24] =	stream.indirect.scatter [tilespmem:s2], [sflag:$0x5], $0x80, s31, s24, $0xb8;
	[tilespmem:$0xA000] =	vst v63  }
0xa0: {  	s30 =	sadd.s32 $0x200, s30;
	_ =	sdelay $0x1  }
0xa1: {  	_ =	swait.ge [sflag:s25], $0x4000  }
.Ltmp10:
0xa2: {  	_ = 	snop;
	(pc) =	sbr.rel .LBB2_16-.Ltmp10, $1  }
0xa3: {  	_ =	sdelay $0x3  }
.LBB2_18:
0xa4: {  	_ =	sfence.sel $0x180000  }
0xa5: {  	[bflag:$0x0] =	sbarrier.arrive $0xFFFF  }
0xa6: {  	p0 =	sne.s32 s1, $0x0;
	_ =	strace $0x9000004D  }
0xa7: {  	s0 =	sadd.s32 @!p0 $0x100000, s0;
	[bflag:$0x2] =	sbarrier.arrive $0xFFFF  }
0xa8: {  	[sflag:s0] =	ssyncadd.tile.s32 @!p0 $0x1;
	_ =	shalt  }
.Lfunc_end2:
_tile_overlayer_lowered:
.L_overlay_start_2:
0xa9: {  	(tag) =	ssettag $0x2  }
0xaa: {  	s0 =	rddreg [dreg:$0x0];
	s2 =	stileid.u32  }
0xab: {  	s1 =	rddreg [dreg:$0x1];
	p0 =	sne.s32 s2, $0x0  }
0xac: {  	s3 =	rddreg [dreg:$0x2];
	[bflag:$0x3] =	sbarrier.arrive $0xFFFF;
	s2 =	simm.s32 @!p0 $0x1C05  }
0xad: {  	[timem:s3], [sflag:s2] =	dma.local @!p0 [hbm:s0], s1  }
0xae: {  	s0 =	simm.s32 @!p0 $0x5  }
0xaf: {  	_ =	swait.ge @!p0 [sflag:s0], s1  }
0xb0: {  	s1 =	ssub.s32 @!p0 $0x0, s1;
	[sflag:s0] =	ssyncset.done @!p0 $0x0  }
0xb1: {  	[sflag:s0] =	ssyncadd.s32 @!p0 s1  }
0xb2: {  	[bflag:$0x3] =	sbarrier.arrive $0xFFFF  }
0xb3: {  	_ =	shalt  }

// kernel: kernel.19.cloned.1.call-start
scs
__scs_entry_jumppad:
0x0: {  	(pc) =	sbr.rel $0x88, $3  }
0x1: {  	(tag) =	ssettag $0x0;
	lr =	simm.s32 $0x1  }
0x2: {  	[smem:$0x3F9F] =	sst lr;
	_ =	strace $0xD0000000  }
0x3: {  	_ = 	snop  }
0x4: {  	_ = 	snop  }
0x5: {  	_ = 	snop  }
0x6: {  	_ = 	snop  }
0x7: {  	_ = 	snop  }
__scs_overlays_trampoline_lowered:
0x8: {  	[smem:$0x3FAE] =	sst s0  }
0x9: {  	[smem:$0x3FAF] =	sst s1  }
0xa: {  	[smem:$0x3FB0] =	sst s2  }
0xb: {  	[smem:$0x3FB1] =	sst s3  }
0xc: {  	[smem:$0x3FB2] =	sst s4  }
0xd: {  	[smem:$0x3FB3] =	sst s5  }
0xe: {  	[smem:$0x3FB4] =	sst s6  }
0xf: {  	[smem:$0x3FB5] =	sst s7  }
0x10: {  	[smem:$0x3FB6] =	sst s8  }
0x11: {  	[smem:$0x3FB7] =	sst s9;
	s0 =	simm.s32 @!p0 $0x0  }
0x12: {  	s1 =	sld [smem:$0x3F9D];
	s0 =	simm.s32 @p0 $0x1  }
0x13: {  	[smem:$0x3FB8] =	sst s0;
	s0 =	simm.s32 @!p1 $0x0  }
0x14: {  	s2 =	sld [smem:$0x3F9C];
	s0 =	simm.s32 @p1 $0x1  }
0x15: {  	[smem:$0x3FB9] =	sst s0;
	s0 =	simm.s32 @!p2 $0x0  }
0x16: {  	s3 =	sld [smem:$0x3FDB];
	s0 =	simm.s32 @p2 $0x1  }
0x17: {  	s4 =	simm.s32 $0x1BF5;
	[smem:$0x3FBB] =	sst s0  }
0x18: {  	s0 =	sld [smem:$0x3F9E];
	_ =	swait.ge [sflag:s4], $0x0  }
0x19: {  	s7 =	sld [smem:$0x3F9F]  }
0x1a: {  	s8 =	sadd.s32 $0xFFFFE003, lr  }
0x1b: {  	s9 =	sadd.s32 $0xFFFFFEF7, lr;
	s5 =	simm.s32 $0xFFFFFFFF;
	p2 =	slt.u32 s8, $0xFFFFF086  }
0x1c: {  	p1 =	slt.u32 s9, $0xF7A;
	s5 =	simm.s32 @!p2 $0x0  }
0x1d: {  	s5 =	simm.s32 @p1 $0x1;
	p0 =	seq.s32 s7, s2  }
0x1e: {  	s7 =	smul.u32 @!p0 $0xF7A, s2;
	p2 =	seq.s32 @!p0 s5, $0x0  }
0x1f: {  	s9 =	smul.u32 $0xF7A, s1;
	s8 =	simm.s32 @!p0 $0x1BF5;
	p2 =	por !p2, p0  }
0x20: {  	[sflag:s8] =	ssyncset.s32 @!p0 $0xFFFFF086;
	s6 =	sadd.s32 @!p0 s3, s7;
	s7 =	simm.s32 @!p0 $0x108  }
0x21: {  	s3 =	sadd.s32 s3, s9;
	s6 =	sadd.s32 @!p0 $0x88, s6;
	s7 =	simm.s32 @p2 $0x1082  }
0x22: {  	[simem:s7], [sflag:s8] =	dma.local @!p0 [hbm:s6], $0xF7A  }
0x23: {  	s9 =	sor.u32 $0xD0000000, s2;
	s6 =	simm.s32 $0x108;
	_ =	swait.ge @!p0 [sflag:s8], $0x0  }
0x24: {  	s3 =	sadd.s32 $0x88, s3;
	s6 =	simm.s32 @!p1 $0x1082;
	[sflag:s4] =	ssyncset.s32 $0xFFFFF086  }
0x25: {  	[simem:s6], [sflag:s4] =	dma.local [hbm:s3], $0xF7A  }
0x26: {  	[smem:$0x3F9F] =	sst s1;
	(tag) =	ssettag s2;
	_ =	strace s9  }
0x27: {  	s1 =	sld [smem:$0x3FAF]  }
0x28: {  	s2 =	sld [smem:$0x3FB0]  }
0x29: {  	s4 =	sld [smem:$0x3FB2]  }
0x2a: {  	p0 =	seq.s32 s5, $0x0;
	s5 =	sld [smem:$0x3FB3]  }
0x2b: {  	s6 =	sld [smem:$0x3FB4]  }
0x2c: {  	s7 =	sld [smem:$0x3FB5]  }
0x2d: {  	s3 =	simm.s32 $0x108;
	s8 =	sld [smem:$0x3FB6]  }
0x2e: {  	s3 =	simm.s32 @!p0 $0x1082;
	s9 =	sld [smem:$0x3FB7]  }
0x2f: {  	lr =	sadd.s32 s0, s3;
	s0 =	sld [smem:$0x3FAE]  }
0x30: {  	s3 =	sld [smem:$0x3FB1]  }
0x31: {  	[smem:$0x3FBA] =	sst s10  }
0x32: {  	s10 =	sld [smem:$0x3FB8];
	_ =	sdelay $0x3  }
0x33: {  	p0 =	seq.s32 s10, $0x1;
	s10 =	sld [smem:$0x3FBA];
	_ =	sdelay $0x3  }
0x34: {  	[smem:$0x3FBA] =	sst s10  }
0x35: {  	s10 =	sld [smem:$0x3FB9];
	_ =	sdelay $0x3  }
0x36: {  	p1 =	seq.s32 s10, $0x1;
	s10 =	sld [smem:$0x3FBA];
	_ =	sdelay $0x3  }
0x37: {  	[smem:$0x3FBA] =	sst s10  }
0x38: {  	s10 =	sld [smem:$0x3FBB]  }
0x39: {  	_ = 	snop;
	(pc) =	sbr.ind lr, $3  }
0x3a: {  	_ = 	snop  }
0x3b: {  	_ = 	snop  }
0x3c: {  	p2 =	seq.s32 s10, $0x1;
	s10 =	sld [smem:$0x3FBA]  }
0x3d: {  	_ =	shalt  }
0x3e: {  	_ =	shalt  }
0x3f: {  	_ =	shalt  }
0x40: {  	_ =	shalt  }
0x41: {  	_ =	shalt  }
0x42: {  	_ =	shalt  }
0x43: {  	_ =	shalt  }
0x44: {  	_ =	shalt  }
0x45: {  	_ =	shalt  }
0x46: {  	_ =	shalt  }
0x47: {  	_ =	shalt  }
0x48: {  	_ =	shalt  }
0x49: {  	_ =	shalt  }
0x4a: {  	_ =	shalt  }
0x4b: {  	_ =	shalt  }
0x4c: {  	_ =	shalt  }
0x4d: {  	_ =	shalt  }
0x4e: {  	_ =	shalt  }
0x4f: {  	_ =	shalt  }
0x50: {  	_ =	shalt  }
0x51: {  	_ =	shalt  }
0x52: {  	_ =	shalt  }
0x53: {  	_ =	shalt  }
0x54: {  	_ =	shalt  }
0x55: {  	_ =	shalt  }
0x56: {  	_ =	shalt  }
0x57: {  	_ =	shalt  }
0x58: {  	_ =	shalt  }
0x59: {  	_ =	shalt  }
0x5a: {  	_ =	shalt  }
0x5b: {  	_ =	shalt  }
0x5c: {  	_ =	shalt  }
0x5d: {  	_ =	shalt  }
0x5e: {  	_ =	shalt  }
0x5f: {  	_ =	shalt  }
0x60: {  	_ =	shalt  }
0x61: {  	_ =	shalt  }
0x62: {  	_ =	shalt  }
0x63: {  	_ =	shalt  }
0x64: {  	_ =	shalt  }
0x65: {  	_ =	shalt  }
0x66: {  	_ =	shalt  }
0x67: {  	_ =	shalt  }
0x68: {  	_ =	shalt  }
0x69: {  	_ =	shalt  }
0x6a: {  	_ =	shalt  }
0x6b: {  	_ =	shalt  }
0x6c: {  	_ =	shalt  }
0x6d: {  	_ =	shalt  }
0x6e: {  	_ =	shalt  }
0x6f: {  	_ =	shalt  }
0x70: {  	_ =	shalt  }
0x71: {  	_ =	shalt  }
0x72: {  	_ =	shalt  }
0x73: {  	_ =	shalt  }
0x74: {  	_ =	shalt  }
0x75: {  	_ =	shalt  }
0x76: {  	_ =	shalt  }
0x77: {  	_ =	shalt  }
0x78: {  	_ =	shalt  }
0x79: {  	_ =	shalt  }
0x7a: {  	_ =	shalt  }
0x7b: {  	_ =	shalt  }
0x7c: {  	_ =	shalt  }
0x7d: {  	_ =	shalt  }
0x7e: {  	_ =	shalt  }
0x7f: {  	_ =	shalt  }
0x80: {  	_ =	shalt  }
0x81: {  	_ =	shalt  }
0x82: {  	_ =	shalt  }
0x83: {  	_ =	shalt  }
0x84: {  	_ =	shalt  }
0x85: {  	_ =	shalt  }
0x86: {  	_ =	shalt  }
0x87: {  	_ =	shalt  }
.Lfunc_end0:
.L_simem_size_0:
called_computation.4_lowered:
.L_overlay_start_0:
0x88: {  	s2 =	sld [smem:$0x3FD9]  }
0x89: {  	s3 =	sld [smem:$0x3FFE];
	_ =	sdelay $0x1  }
0x8a: {  	s1 =	srdreg.scid  }
0x8b: {  	s0 =	sand.u32 $0x1, s1  }
0x8c: {  	s17 =	sshll.u32 s0, $0xA;
	s2 =	sadd.s32 s3, s2  }
0x8d: {  	s2 =	sadd.s32 s2, s17  }
0x8e: {  	[smem:$0x3FC6] =	sst s2  }
0x8f: {  	_ = 	snop  }
0x90: {  	s2 =	sld [smem:$0x3FD0];
	(tm) =	ssettm $0x1  }
0x91: {  	s18 =	sld [smem:$0x3FFB];
	_ =	sdelay $0x3  }
0x92: {  	_ =	strace s18  }
0x93: {  	s3 =	sld [smem:$0x3FFC];
	_ =	sdelay $0x3  }
0x94: {  	_ =	strace s3  }
0x95: {  	s3 =	sld [smem:$0x3FFD];
	_ =	sdelay $0x3  }
0x96: {  	_ =	strace s3  }
0x97: {  	_ =	strace $0x8FFFFFFF  }
0x98: {  	s19 =	sld [smem:$0x3FDB];
	_ =	sdelay $0x1  }
0x99: {  	s4 =	simm.s32 $_scs_section_size  }
0x9a: {  	s5 =	simm.s32 $_size__tile_overlayer_lowered;
	s6 =	simm.s32 $_tile_overlayer_lowered  }
0x9b: {  	s22 =	simm.s32 $0x1BFF;
	s21 =	sshll.u32 s6, $0x1;
	s3 =	sadd.s32 s4, s19  }
0x9c: {  	s7 =	simm.s32 $0x0;
	s20 =	sshll.u32 s5, $0x1;
	s5 =	sadd.s32 s21, s3  }
0x9d: {  	[timem:s7], [sflag:s22] =	dma.local [hbm:s5], s20  }
0x9e: {  	_ =	swait.ge [sflag:s22], s20  }
0x9f: {  	s4 =	ssub.s32 $0x0, s20;
	[sflag:s22] =	ssyncset.done $0x0  }
0xa0: {  	[sflag:s22] =	ssyncadd.s32 s4;
	_ =	sdelay $0x1  }
0xa1: {  	s23 =	simm.s32 $0x1B8B  }
0xa2: {  	_ =	swait.ge [sflag:s23], $0x1  }
0xa3: {  	[sflag:s23] =	ssyncset.done $0x0  }
0xa4: {  	s25 =	simm.s32 $0x1B8E;
	s24 =	sld [smem:$0x3FFE];
	[sflag:s23] =	ssyncadd.s32 $0xFFFFFFFF  }
0xa5: {  	s26 =	simm.s32 $execute0_lowered;
	[smem:$0x3FD2] =	sst s25  }
0xa6: {  	s5 =	sshll.u32 s26, $0x1;
	_ =	strace $0x8000004F;
	[dreg:$0x1] =	wrdreg $0xFFFFFFFF  }
0xa7: {  	s28 =	simm.s32 $_size_execute0_lowered;
	s3 =	sadd.s32 s3, s5;
	[dreg:$0x0] =	wrdreg $0x0  }
0xa8: {  	s5 =	sshll.u32 s28, $0x1;
	[dreg:$0x2] =	wrdreg s3  }
0xa9: {  	[dreg:$0x3] =	wrdreg s5  }
0xaa: {  	[dreg:$0x4] =	wrdreg $0xC0  }
0xab: {  	_ =	task [dreg:s7], $0x5FFFF  }
0xac: {  	[dreg:$0x1] =	wrdreg $0xFFFFFFFF  }
0xad: {  	[dreg:$0x0] =	wrdreg $0x60  }
0xae: {  	[dreg:$0x2] =	wrdreg s2  }
0xaf: {  	[dreg:$0x3] =	wrdreg s24  }
0xb0: {  	[dreg:$0x4] =	wrdreg $0x9  }
0xb1: {  	_ =	task.clear_ibuf [dreg:s7], $0x5FFFF;
	_ =	strace $0x9000004F  }
0xb2: {  	s29 =	simm.s32 $0x9;
	_ =	strace $0x80000051  }
0xb3: {  	_ =	swait.ge [sflag:s29], $0x1  }
0xb4: {  	[sflag:s29] =	ssyncadd.s32 $0xFFFFFFFF  }
0xb5: {  	_ =	strace $0x90000051  }
0xb6: {  	_ =	sfence  }
0xb7: {  	s30 =	sld [smem:$0x0];
	_ =	sdelay $0x2  }
0xb8: {  	s31 =	sshll.u32 s1, $0xD;
	s1 =	sshrl.u32 s1, $0x2  }
0xb9: {  	s3 =	sand.u32 $0x4000, s31;
	s1 =	sadd.s32 s1, s30  }
0xba: {  	s0 =	sor.u32 s3, s0;
	s1 =	sshll.u32 s1, $0x11  }
0xbb: {  	s0 =	sor.u32 s1, s0  }
0xbc: {  	s0 =	sadd.s32 $0x8F2B, s0  }
0xbd: {  	[sflag:s0] =	ssyncadd.remote.s32 $0x1  }
0xbe: {  	_ =	sfence.sel $0xFFFF  }
0xbf: {  	[dreg:$0x0] =	wrdreg $0xFFFFFFFF;
	(pc) =	sbr.abs _section_cstart, $3  }
0xc0: {  	[dreg:$0x1] =	wrdreg $0xFFFFFFFF  }
0xc1: {  	_ =	task.clear_ibuf [dreg:s7], $0x2FFFF;
	_ =	strace $0x9FFFFFFF  }
0xc2: {  	(tm) =	ssettm $0x7FFFFFFF  }
0xc3: {  	_ =	shalt  }
tec
execute0_lowered:
.L_overlay_start_1:
0x0: {  	(tag) =	ssettag $0x1  }
0x1: {  	s17 =	rddreg [dreg:$0x0]  }
0x2: {  	s3 =	rddreg [dreg:$0x1]  }
0x3: {  	s0 =	rddreg [dreg:$0x2]  }
0x4: {  	s2 =	simm.s32 $0x0;
	s4 =	srdreg.scid;
	s1 =	stileid.u32  }
0x5: {  	s22 =	simm.s32 $0x9000;
	s23 =	simm.s32 $0x4000;
	s24 =	simm.s32 $0x80  }
0x6: {  	s28 =	simm.s32 $0x2;
	s29 =	simm.s32 $0x0;
	[smem:$0x7FF] =	sst s2  }
0x7: {  	s4 =	sand.u32 $0x1, s4;
	s6 =	sshll.u32 s1, $0x1;
	s16 =	sadd.s32 $0x1400, s3  }
0x8: {  	s3 =	sadd.s32 $0x65400, s3;
	p0 =	sgt.u32 s1, $0x3;
	s5 =	ssub.s32 $0x2, s4  }
0x9: {  	_ =	strace $0x80000050;
	s15 =	sor.u32 s4, s6;
	s7 =	sshrl.u32 s5, $0x1  }
0xa: {  	s4 =	sshll.u32 s15, $0x9;
	s25 =	sshll.u32 s15, $0xB;
	s6 =	sor.u32 $0x20, s15  }
0xb: {  	s30 =	sor.u32 $0x40, s15;
	s11 =	sor.u32 $0x60, s15;
	s13 =	sor.u32 $0x80, s15  }
0xc: {  	s19 =	sor.u32 $0xA0, s15;
	s15 =	sor.u32 $0xC0, s15;
	s18 =	ssub.s32 s5, s7  }
0xd: {  	s4 =	sadd.s32 s16, s4;
	s5 =	sadd.s32 s17, s25;
	s26 =	sshll.u32 s6, $0x9  }
0xe: {  	s8 =	sshll.u32 s6, $0xB;
	s9 =	sshll.u32 s30, $0x9;
	s10 =	sshll.u32 s30, $0xB  }
0xf: {  	s31 =	sshll.u32 s11, $0x9;
	s11 =	sshll.u32 s11, $0xB;
	s12 =	sshll.u32 s13, $0x9  }
0x10: {  	s13 =	sshll.u32 s13, $0xB;
	s14 =	sshll.u32 s19, $0x9;
	s19 =	sshll.u32 s19, $0xB  }
0x11: {  	s20 =	sshll.u32 s15, $0x9;
	s21 =	sshll.u32 s15, $0xB;
	s25 =	simm.s32 $0x5  }
0x12: {  	s6 =	sadd.s32 s16, s26;
	s7 =	sadd.s32 s17, s8;
	s8 =	sadd.s32 s16, s9  }
.Ltmp0:
0x13: {  	s9 =	sadd.s32 s17, s10;
	s10 =	sadd.s32 s16, s31;
	(pc) =	sbr.rel .LBB2_1-.Ltmp0, $4  }
0x14: {  	s11 =	sadd.s32 s17, s11;
	s12 =	sadd.s32 s16, s12;
	s13 =	sadd.s32 s17, s13  }
0x15: {  	s14 =	sadd.s32 s16, s14;
	s15 =	sadd.s32 s17, s19;
	s16 =	sadd.s32 s16, s20  }
0x16: {  	s17 =	sadd.s32 s17, s21;
	s18 =	smax.u32 s18, $0x1;
	s19 =	simm.s32 $0x8000  }
0x17: {  	s20 =	simm.s32 $0x3;
	s21 =	simm.s32 $0x1;
	s26 =	simm.s32 $0x4  }
.LBB2_16:
0x18: {  	[sflag:s25] =	ssyncset.done $0x0  }
0x19: {  	[sflag:s25] =	ssyncadd.s32 $0xFFFFC000  }
.LBB2_17:
0x1a: {  	s29 =	sadd.s32 $0x1, s29  }
0x1b: {  	p1 =	sne.s32 s29, s18  }
.Ltmp1:
0x1c: {  	_ = 	snop;
	(pc) =	sbr.rel @!p1 .LBB2_18-.Ltmp1, $1  }
0x1d: {  	_ =	sdelay $0x3  }
.LBB2_1:
0x1e: {  	[tilespmem:s19], [sflag:$0x3] =	stream.linear.gather [hbm4b:s4+s2], $0x1000, $0x38;
	[tilespmem:$0xA000] =	vst v63  }
0x1f: {  	_ = 	snop  }
0x20: {  	[tilespmem:s2], [sflag:$0x1] =	stream.linear.gather [hbm4b:s5+s2], $0x4000, $0x38;
	[tilespmem:$0xA000] =	vst v63  }
0x21: {  	_ =	swait.ge [sflag:s20], $0x1000  }
0x22: {  	[sflag:s20] =	ssyncset.done $0x0  }
0x23: {  	[sflag:s20] =	ssyncadd.s32 $0xFFFFF000  }
0x24: {  	_ =	swait.ge [sflag:s21], $0x4000  }
0x25: {  	[sflag:s21] =	ssyncset.done $0x0  }
0x26: {  	[sflag:s21] =	ssyncadd.s32 $0xFFFFC000  }
0x27: {  	[tilespmem:s22], [sflag:$0x4] =	stream.linear.gather [hbm4b:s6+s2], $0x1000, $0x38;
	[tilespmem:$0xA000] =	vst v63  }
0x28: {  	_ = 	snop  }
0x29: {  	[tilespmem:s23], [sflag:$0x2] =	stream.linear.gather [hbm4b:s7+s2], $0x4000, $0x38;
	[tilespmem:$0xA000] =	vst v63  }
0x2a: {  	s30 =	simm.s32 $0x8000  }
0x2b: {  	[hbm4b:s3+s24] =	stream.indirect.scatter [tilespmem:s2], [sflag:$0x5], $0x80, s30, s24, $0xb8;
	[tilespmem:$0xA000] =	vst v63  }
0x2c: {  	s30 =	simm.s32 $0x200;
	_ =	swait.ge [sflag:s25], $0x4000  }
.LBB2_2:
0x2d: {  	s31 =	sshra.s32 s30, $0x2;
	[sflag:s25] =	ssyncset.done $0x0;
	p1 =	sne.s32 s30, $0x3E00  }
.Ltmp2:
0x2e: {  	s31 =	sadd.s32 $0x8000, s31;
	[sflag:s25] =	ssyncadd.s32 $0xFFFFC000;
	(pc) =	sbr.rel @p1 .LBB2_2-.Ltmp2, $3  }
0x2f: {  	[hbm4b:s3+s24] =	stream.indirect.scatter [tilespmem:s2], [sflag:$0x5], $0x80, s31, s24, $0xb8;
	[tilespmem:$0xA000] =	vst v63  }
0x30: {  	s30 =	sadd.s32 $0x200, s30;
	_ =	sdelay $0x1  }
0x31: {  	_ =	swait.ge [sflag:s25], $0x4000  }
0x32: {  	[sflag:s25] =	ssyncset.done $0x0  }
0x33: {  	[sflag:s25] =	ssyncadd.s32 $0xFFFFC000  }
0x34: {  	_ =	swait.ge [sflag:s26], $0x1000  }
0x35: {  	[sflag:s26] =	ssyncset.done $0x0  }
0x36: {  	[sflag:s26] =	ssyncadd.s32 $0xFFFFF000  }
0x37: {  	_ =	swait.ge [sflag:s28], $0x4000  }
0x38: {  	[sflag:s28] =	ssyncset.done $0x0  }
0x39: {  	s30 =	simm.s32 $0x0;
	[sflag:s28] =	ssyncadd.s32 $0xFFFFC000  }
0x3a: {  	[tilespmem:s19], [sflag:$0x3] =	stream.linear.gather [hbm4b:s8+s30], $0x1000, $0x38;
	[tilespmem:$0xA000] =	vst v63  }
0x3b: {  	_ = 	snop  }
0x3c: {  	[tilespmem:s30], [sflag:$0x1] =	stream.linear.gather [hbm4b:s9+s30], $0x4000, $0x38;
	[tilespmem:$0xA000] =	vst v63  }
0x3d: {  	s30 =	simm.s32 $0x9000  }
0x3e: {  	[hbm4b:s3+s24] =	stream.indirect.scatter [tilespmem:s23], [sflag:$0x5], $0x80, s30, s24, $0xb8;
	[tilespmem:$0xA000] =	vst v63  }
0x3f: {  	s30 =	simm.s32 $0x200;
	_ =	swait.ge [sflag:s25], $0x4000  }
.LBB2_4:
0x40: {  	s31 =	sshra.s32 s30, $0x2;
	[sflag:s25] =	ssyncset.done $0x0;
	p1 =	sne.s32 s30, $0x3E00  }
.Ltmp3:
0x41: {  	s31 =	sadd.s32 $0x9000, s31;
	[sflag:s25] =	ssyncadd.s32 $0xFFFFC000;
	(pc) =	sbr.rel @p1 .LBB2_4-.Ltmp3, $3  }
0x42: {  	[hbm4b:s3+s24] =	stream.indirect.scatter [tilespmem:s23], [sflag:$0x5], $0x80, s31, s24, $0xb8;
	[tilespmem:$0xA000] =	vst v63  }
0x43: {  	s30 =	sadd.s32 $0x200, s30;
	_ =	sdelay $0x1  }
0x44: {  	_ =	swait.ge [sflag:s25], $0x4000  }
0x45: {  	[sflag:s25] =	ssyncset.done $0x0  }
0x46: {  	[sflag:s25] =	ssyncadd.s32 $0xFFFFC000  }
0x47: {  	_ =	swait.ge [sflag:s20], $0x1000  }
0x48: {  	[sflag:s20] =	ssyncset.done $0x0  }
0x49: {  	[sflag:s20] =	ssyncadd.s32 $0xFFFFF000  }
0x4a: {  	_ =	swait.ge [sflag:s21], $0x4000  }
0x4b: {  	[sflag:s21] =	ssyncset.done $0x0  }
0x4c: {  	s30 =	simm.s32 $0x0;
	[sflag:s21] =	ssyncadd.s32 $0xFFFFC000  }
0x4d: {  	[tilespmem:s22], [sflag:$0x4] =	stream.linear.gather [hbm4b:s10+s30], $0x1000, $0x38;
	[tilespmem:$0xA000] =	vst v63  }
0x4e: {  	_ = 	snop  }
0x4f: {  	[tilespmem:s23], [sflag:$0x2] =	stream.linear.gather [hbm4b:s11+s30], $0x4000, $0x38;
	[tilespmem:$0xA000] =	vst v63  }
0x50: {  	s30 =	simm.s32 $0x8000  }
0x51: {  	[hbm4b:s3+s24] =	stream.indirect.scatter [tilespmem:s2], [sflag:$0x5], $0x80, s30, s24, $0xb8;
	[tilespmem:$0xA000] =	vst v63  }
0x52: {  	s30 =	simm.s32 $0x200;
	_ =	swait.ge [sflag:s25], $0x4000  }
.LBB2_6:
0x53: {  	s31 =	sshra.s32 s30, $0x2;
	[sflag:s25] =	ssyncset.done $0x0;
	p1 =	sne.s32 s30, $0x3E00  }
.Ltmp4:
0x54: {  	s31 =	sadd.s32 $0x8000, s31;
	[sflag:s25] =	ssyncadd.s32 $0xFFFFC000;
	(pc) =	sbr.rel @p1 .LBB2_6-.Ltmp4, $3  }
0x55: {  	[hbm4b:s3+s24] =	stream.indirect.scatter [tilespmem:s2], [sflag:$0x5], $0x80, s31, s24, $0xb8;
	[tilespmem:$0xA000] =	vst v63  }
0x56: {  	s30 =	sadd.s32 $0x200, s30;
	_ =	sdelay $0x1  }
0x57: {  	_ =	swait.ge [sflag:s25], $0x4000  }
0x58: {  	[sflag:s25] =	ssyncset.done $0x0  }
0x59: {  	[sflag:s25] =	ssyncadd.s32 $0xFFFFC000  }
0x5a: {  	_ =	swait.ge [sflag:s26], $0x1000  }
0x5b: {  	[sflag:s26] =	ssyncset.done $0x0  }
0x5c: {  	[sflag:s26] =	ssyncadd.s32 $0xFFFFF000  }
0x5d: {  	_ =	swait.ge [sflag:s28], $0x4000  }
0x5e: {  	[sflag:s28] =	ssyncset.done $0x0  }
0x5f: {  	s30 =	simm.s32 $0x0;
	[sflag:s28] =	ssyncadd.s32 $0xFFFFC000  }
0x60: {  	[tilespmem:s19], [sflag:$0x3] =	stream.linear.gather [hbm4b:s12+s30], $0x1000, $0x38;
	[tilespmem:$0xA000] =	vst v63  }
0x61: {  	_ = 	snop  }
0x62: {  	[tilespmem:s30], [sflag:$0x1] =	stream.linear.gather [hbm4b:s13+s30], $0x4000, $0x38;
	[tilespmem:$0xA000] =	vst v63  }
0x63: {  	s30 =	simm.s32 $0x9000  }
0x64: {  	[hbm4b:s3+s24] =	stream.indirect.scatter [tilespmem:s23], [sflag:$0x5], $0x80, s30, s24, $0xb8;
	[tilespmem:$0xA000] =	vst v63  }
0x65: {  	s30 =	simm.s32 $0x200;
	_ =	swait.ge [sflag:s25], $0x4000  }
.LBB2_8:
0x66: {  	s31 =	sshra.s32 s30, $0x2;
	[sflag:s25] =	ssyncset.done $0x0;
	p1 =	sne.s32 s30, $0x3E00  }
.Ltmp5:
0x67: {  	s31 =	sadd.s32 $0x9000, s31;
	[sflag:s25] =	ssyncadd.s32 $0xFFFFC000;
	(pc) =	sbr.rel @p1 .LBB2_8-.Ltmp5, $3  }
0x68: {  	[hbm4b:s3+s24] =	stream.indirect.scatter [tilespmem:s23], [sflag:$0x5], $0x80, s31, s24, $0xb8;
	[tilespmem:$0xA000] =	vst v63  }
0x69: {  	s30 =	sadd.s32 $0x200, s30;
	_ =	sdelay $0x1  }
0x6a: {  	_ =	swait.ge [sflag:s25], $0x4000  }
0x6b: {  	[sflag:s25] =	ssyncset.done $0x0  }
0x6c: {  	[sflag:s25] =	ssyncadd.s32 $0xFFFFC000  }
0x6d: {  	_ =	swait.ge [sflag:s20], $0x1000  }
0x6e: {  	[sflag:s20] =	ssyncset.done $0x0  }
0x6f: {  	[sflag:s20] =	ssyncadd.s32 $0xFFFFF000  }
0x70: {  	_ =	swait.ge [sflag:s21], $0x4000  }
0x71: {  	[sflag:s21] =	ssyncset.done $0x0  }
0x72: {  	s30 =	simm.s32 $0x0;
	[sflag:s21] =	ssyncadd.s32 $0xFFFFC000  }
0x73: {  	[tilespmem:s22], [sflag:$0x4] =	stream.linear.gather [hbm4b:s14+s30], $0x1000, $0x38;
	[tilespmem:$0xA000] =	vst v63  }
0x74: {  	_ = 	snop  }
0x75: {  	[tilespmem:s23], [sflag:$0x2] =	stream.linear.gather [hbm4b:s15+s30], $0x4000, $0x38;
	[tilespmem:$0xA000] =	vst v63  }
0x76: {  	s30 =	simm.s32 $0x8000  }
0x77: {  	[hbm4b:s3+s24] =	stream.indirect.scatter [tilespmem:s2], [sflag:$0x5], $0x80, s30, s24, $0xb8;
	[tilespmem:$0xA000] =	vst v63  }
0x78: {  	s30 =	simm.s32 $0x200;
	_ =	swait.ge [sflag:s25], $0x4000  }
.LBB2_10:
0x79: {  	s31 =	sshra.s32 s30, $0x2;
	[sflag:s25] =	ssyncset.done $0x0;
	p1 =	sne.s32 s30, $0x3E00  }
.Ltmp6:
0x7a: {  	s31 =	sadd.s32 $0x8000, s31;
	[sflag:s25] =	ssyncadd.s32 $0xFFFFC000;
	(pc) =	sbr.rel @p1 .LBB2_10-.Ltmp6, $3  }
0x7b: {  	[hbm4b:s3+s24] =	stream.indirect.scatter [tilespmem:s2], [sflag:$0x5], $0x80, s31, s24, $0xb8;
	[tilespmem:$0xA000] =	vst v63  }
0x7c: {  	s30 =	sadd.s32 $0x200, s30;
	_ =	sdelay $0x1  }
0x7d: {  	_ =	swait.ge [sflag:s25], $0x4000  }
0x7e: {  	[sflag:s25] =	ssyncset.done $0x0  }
0x7f: {  	[sflag:s25] =	ssyncadd.s32 $0xFFFFC000  }
0x80: {  	_ =	swait.ge [sflag:s26], $0x1000  }
0x81: {  	[sflag:s26] =	ssyncset.done $0x0  }
0x82: {  	[sflag:s26] =	ssyncadd.s32 $0xFFFFF000  }
0x83: {  	_ =	swait.ge [sflag:s28], $0x4000  }
0x84: {  	[sflag:s28] =	ssyncset.done $0x0  }
0x85: {  	s30 =	simm.s32 @!p0 $0x0;
	s31 =	simm.s32 @!p0 $0x8000;
	[sflag:s28] =	ssyncadd.s32 $0xFFFFC000  }
0x86: {  	[tilespmem:s31], [sflag:$0x3] =	stream.linear.gather @!p0 [hbm4b:s16+s30], $0x1000, $0x38;
	[tilespmem:$0xA000] =	vst v63  }
0x87: {  	_ = 	snop  }
0x88: {  	[tilespmem:s30], [sflag:$0x1] =	stream.linear.gather @!p0 [hbm4b:s17+s30], $0x4000, $0x38;
	[tilespmem:$0xA000] =	vst v63  }
0x89: {  	s30 =	simm.s32 $0x9000  }
0x8a: {  	[hbm4b:s3+s24] =	stream.indirect.scatter [tilespmem:s23], [sflag:$0x5], $0x80, s30, s24, $0xb8;
	[tilespmem:$0xA000] =	vst v63  }
0x8b: {  	s30 =	simm.s32 $0x200;
	_ =	swait.ge [sflag:s25], $0x4000  }
.LBB2_12:
0x8c: {  	s31 =	sshra.s32 s30, $0x2;
	[sflag:s25] =	ssyncset.done $0x0;
	p1 =	sne.s32 s30, $0x3E00  }
.Ltmp7:
0x8d: {  	s31 =	sadd.s32 $0x9000, s31;
	[sflag:s25] =	ssyncadd.s32 $0xFFFFC000;
	(pc) =	sbr.rel @p1 .LBB2_12-.Ltmp7, $3  }
0x8e: {  	[hbm4b:s3+s24] =	stream.indirect.scatter [tilespmem:s23], [sflag:$0x5], $0x80, s31, s24, $0xb8;
	[tilespmem:$0xA000] =	vst v63  }
0x8f: {  	s30 =	sadd.s32 $0x200, s30;
	_ =	sdelay $0x1  }
0x90: {  	_ =	swait.ge [sflag:s25], $0x4000  }
.Ltmp8:
0x91: {  	(pc) =	sbr.rel @p0 .LBB2_17-.Ltmp8, $3  }
0x92: {  	_ =	sdelay $0x1  }
0x93: {  	[sflag:s25] =	ssyncset.done $0x0  }
0x94: {  	[sflag:s25] =	ssyncadd.s32 $0xFFFFC000  }
0x95: {  	_ =	swait.ge [sflag:s20], $0x1000  }
0x96: {  	[sflag:s20] =	ssyncset.done $0x0  }
0x97: {  	[sflag:s20] =	ssyncadd.s32 $0xFFFFF000  }
0x98: {  	_ =	swait.ge [sflag:s21], $0x4000  }
0x99: {  	[sflag:s21] =	ssyncset.done $0x0  }
0x9a: {  	s30 =	simm.s32 $0x8000;
	[sflag:s21] =	ssyncadd.s32 $0xFFFFC000  }
0x9b: {  	[hbm4b:s3+s24] =	stream.indirect.scatter [tilespmem:s2], [sflag:$0x5], $0x80, s30, s24, $0xb8;
	[tilespmem:$0xA000] =	vst v63  }
0x9c: {  	s30 =	simm.s32 $0x200;
	_ =	swait.ge [sflag:s25], $0x4000  }
.LBB2_15:
0x9d: {  	s31 =	sshra.s32 s30, $0x2;
	[sflag:s25] =	ssyncset.done $0x0;
	p1 =	sne.s32 s30, $0x3E00  }
.Ltmp9:
0x9e: {  	s31 =	sadd.s32 $0x8000, s31;
	[sflag:s25] =	ssyncadd.s32 $0xFFFFC000;
	(pc) =	sbr.rel @p1 .LBB2_15-.Ltmp9, $3  }
0x9f: {  	[hbm4b:s3+s24] =	stream.indirect.scatter [tilespmem:s2], [sflag:$0x5], $0x80, s31, s24, $0xb8;
	[tilespmem:$0xA000] =	vst v63  }
0xa0: {  	s30 =	sadd.s32 $0x200, s30;
	_ =	sdelay $0x1  }
0xa1: {  	_ =	swait.ge [sflag:s25], $0x4000  }
.Ltmp10:
0xa2: {  	_ = 	snop;
	(pc) =	sbr.rel .LBB2_16-.Ltmp10, $1  }
0xa3: {  	_ =	sdelay $0x3  }
.LBB2_18:
0xa4: {  	_ =	sfence.sel $0x180000  }
0xa5: {  	[bflag:$0x0] =	sbarrier.arrive $0xFFFF  }
0xa6: {  	p0 =	sne.s32 s1, $0x0;
	_ =	strace $0x90000050  }
0xa7: {  	s0 =	sadd.s32 @!p0 $0x100000, s0;
	[bflag:$0x2] =	sbarrier.arrive $0xFFFF  }
0xa8: {  	[sflag:s0] =	ssyncadd.tile.s32 @!p0 $0x1;
	_ =	shalt  }
.Lfunc_end2:
_tile_overlayer_lowered:
.L_overlay_start_2:
0xa9: {  	(tag) =	ssettag $0x2  }
0xaa: {  	s0 =	rddreg [dreg:$0x0];
	s2 =	stileid.u32  }
0xab: {  	s1 =	rddreg [dreg:$0x1];
	p0 =	sne.s32 s2, $0x0  }
0xac: {  	s3 =	rddreg [dreg:$0x2];
	[bflag:$0x3] =	sbarrier.arrive $0xFFFF;
	s2 =	simm.s32 @!p0 $0x1C05  }
0xad: {  	[timem:s3], [sflag:s2] =	dma.local @!p0 [hbm:s0], s1  }
0xae: {  	s0 =	simm.s32 @!p0 $0x5  }
0xaf: {  	_ =	swait.ge @!p0 [sflag:s0], s1  }
0xb0: {  	s1 =	ssub.s32 @!p0 $0x0, s1;
	[sflag:s0] =	ssyncset.done @!p0 $0x0  }
0xb1: {  	[sflag:s0] =	ssyncadd.s32 @!p0 s1  }
0xb2: {  	[bflag:$0x3] =	sbarrier.arrive $0xFFFF  }
0xb3: {  	_ =	shalt  }

// kernel: sparse-core-data-format-call.cloned.1.call-start
scs
called_computation_lowered:
.L_overlay_start_0:
0x0: {  	s2 =	sld [smem:$0x3FD9]  }
0x1: {  	s3 =	sld [smem:$0x3FFE];
	_ =	sdelay $0x1  }
0x2: {  	s1 =	srdreg.scid  }
0x3: {  	s0 =	sand.u32 $0x1, s1  }
0x4: {  	s18 =	sshll.u32 s0, $0xA;
	s2 =	sadd.s32 s3, s2  }
0x5: {  	s2 =	sadd.s32 s2, s18  }
0x6: {  	[smem:$0x3FC6] =	sst s2  }
0x7: {  	_ = 	snop  }
0x8: {  	s2 =	sld [smem:$0x3FD0];
	(tm) =	ssettm $0x1  }
0x9: {  	s19 =	sld [smem:$0x3FFB];
	_ =	sdelay $0x3  }
0xa: {  	_ =	strace s19  }
0xb: {  	s3 =	sld [smem:$0x3FFC];
	_ =	sdelay $0x3  }
0xc: {  	_ =	strace s3  }
0xd: {  	s3 =	sld [smem:$0x3FFD];
	_ =	sdelay $0x3  }
0xe: {  	_ =	strace s3  }
0xf: {  	_ =	strace $0x8FFFFFFF  }
0x10: {  	s20 =	sld [smem:$0x3FDB];
	_ =	sdelay $0x1  }
0x11: {  	s4 =	simm.s32 $_scs_section_size  }
0x12: {  	s5 =	simm.s32 $_size__tile_overlayer_lowered;
	s6 =	simm.s32 $_tile_overlayer_lowered  }
0x13: {  	s23 =	simm.s32 $0x1BFF;
	s22 =	sshll.u32 s6, $0x1;
	s3 =	sadd.s32 s4, s20  }
0x14: {  	s7 =	simm.s32 $0x0;
	s21 =	sshll.u32 s5, $0x1;
	s5 =	sadd.s32 s22, s3  }
0x15: {  	[timem:s7], [sflag:s23] =	dma.local [hbm:s5], s21  }
0x16: {  	_ =	swait.ge [sflag:s23], s21  }
0x17: {  	s4 =	ssub.s32 $0x0, s21;
	[sflag:s23] =	ssyncset.done $0x0  }
0x18: {  	[sflag:s23] =	ssyncadd.s32 s4;
	_ =	sdelay $0x1  }
0x19: {  	s24 =	simm.s32 $0x1B8B  }
0x1a: {  	_ =	swait.ge [sflag:s24], $0x1  }
0x1b: {  	[sflag:s24] =	ssyncset.done $0x0  }
0x1c: {  	s26 =	simm.s32 $0x1B8E;
	s25 =	sld [smem:$0x3FFE];
	[sflag:s24] =	ssyncadd.s32 $0xFFFFFFFF  }
0x1d: {  	s27 =	simm.s32 $execute0_lowered;
	[smem:$0x3FD2] =	sst s26  }
0x1e: {  	s5 =	sshll.u32 s27, $0x1;
	_ =	strace $0x80000052;
	[dreg:$0x1] =	wrdreg $0xFFFFFFFF  }
0x1f: {  	s28 =	simm.s32 $_size_execute0_lowered;
	s3 =	sadd.s32 s3, s5;
	[dreg:$0x0] =	wrdreg $0x0  }
0x20: {  	s5 =	sshll.u32 s28, $0x1;
	[dreg:$0x2] =	wrdreg s3  }
0x21: {  	[dreg:$0x3] =	wrdreg s5  }
0x22: {  	[dreg:$0x4] =	wrdreg $0xC0  }
0x23: {  	_ =	task [dreg:s7], $0x5FFFF  }
0x24: {  	[dreg:$0x1] =	wrdreg $0xFFFFFFFF  }
0x25: {  	[dreg:$0x0] =	wrdreg $0x60  }
0x26: {  	[dreg:$0x2] =	wrdreg s25  }
0x27: {  	[dreg:$0x3] =	wrdreg s2  }
0x28: {  	[dreg:$0x4] =	wrdreg $0x9  }
0x29: {  	_ =	task.clear_ibuf [dreg:s7], $0x5FFFF;
	_ =	strace $0x90000052  }
0x2a: {  	s29 =	simm.s32 $0x9;
	_ =	strace $0x80000054  }
0x2b: {  	_ =	swait.ge [sflag:s29], $0x1  }
0x2c: {  	[sflag:s29] =	ssyncadd.s32 $0xFFFFFFFF  }
0x2d: {  	_ =	strace $0x90000054  }
0x2e: {  	_ =	sfence  }
0x2f: {  	s30 =	sld [smem:$0x0];
	_ =	sdelay $0x2  }
0x30: {  	s31 =	sshll.u32 s1, $0xD;
	s1 =	sshrl.u32 s1, $0x2  }
0x31: {  	s3 =	sand.u32 $0x4000, s31;
	s1 =	sadd.s32 s1, s30  }
0x32: {  	s0 =	sor.u32 s3, s0;
	s1 =	sshll.u32 s1, $0x11  }
0x33: {  	s0 =	sor.u32 s1, s0  }
0x34: {  	s0 =	sadd.s32 $0x8F2B, s0  }
0x35: {  	[sflag:s0] =	ssyncadd.remote.s32 $0x1  }
0x36: {  	_ =	sfence.sel $0xFFFF  }
0x37: {  	[dreg:$0x0] =	wrdreg $0xFFFFFFFF;
	(pc) =	sbr.abs _section_cstart, $3  }
0x38: {  	[dreg:$0x1] =	wrdreg $0xFFFFFFFF  }
0x39: {  	_ =	task.clear_ibuf [dreg:s7], $0x2FFFF;
	_ =	strace $0x9FFFFFFF  }
0x3a: {  	(tm) =	ssettm $0x7FFFFFFF  }
0x3b: {  	_ =	shalt  }
tec
execute0_lowered:
.L_overlay_start_1:
0x0: {  	(tag) =	ssettag $0x1  }
0x1: {  	s0 =	srdreg.scid  }
0x2: {  	s1 =	sshll.u32 s0, $0x4  }
0x3: {  	s0 =	stileid.u32;
	s1 =	sand.u32 $0x10, s1  }
0x4: {  	s1 =	sor.u32 s0, s1  }
0x5: {  	s6 =	rddreg [dreg:$0x0];
	s4 =	simm.s32 $0x1;
	s2 =	sshll.u32 s1, $0x7  }
0x6: {  	s7 =	simm.s32 $0x2;
	s12 =	simm.s32 $0x0;
	s1 =	ssub.s32 $0x4000, s2  }
0x7: {  	s8 =	simm.s32 $0x20000;
	s13 =	simm.s32 $0x0;
	s3 =	sand.u32 $0xF80, s1  }
0x8: {  	s9 =	simm.s32 $0x0;
	s5 =	sshrl.u32 s1, $0xC;
	p0 =	sne.s32 s3, $0x0  }
.Ltmp0:
0x9: {  	s1 =	rddreg [dreg:$0x2];
	s4 =	simm.s32 @!p0 $0x0;
	(pc) =	sbr.rel .LBB1_1-.Ltmp0, $4  }
0xa: {  	s11 =	simm.s32 $0x0;
	s3 =	rddreg [dreg:$0x1];
	s5 =	sadd.s32 s4, s5  }
0xb: {  	_ =	strace $0x80000053;
	s4 =	simm.s32 $0x1;
	s5 =	smul.u32 $0xC8, s5  }
0xc: {  	s6 =	sadd.s32 $0x65400, s6;
	s10 =	smov.u32 s2;
	[sflag:s4] =	ssyncpa.u1 $0x0  }
0xd: {  	p0 =	por $0x0, $0x0;
	[sflag:s7] =	ssyncpa.u1 $0x0;
	s7 =	sor.u32 $0x1, s5  }
.LBB1_4:
0xe: {  	s16 =	sshll.u32 s13, $0x3;
	s17 =	sand.u32 $0x78, s13  }
0xf: {  	s30 =	sand.u32 $0x1F800, s13;
	s12 =	sshll.u32 s12, $0x11;
	s16 =	sand.u32 $0x3C00, s16  }
0x10: {  	[tilespmem:s15+$0x810 ss:$0x81] =	vst.msk $0xffff, v2;
	s31 =	sand.u32 $0x7, s13;
	s16 =	sor.u32 s17, s16;
	s17 =	sadd.s32 s3, s30  }
0x11: {  	[tilespmem:s15+$0x1020 ss:$0x81] =	vst.msk $0xffff, v0;
	s13 =	sshll.u32 s31, $0x12;
	s12 =	sadd.s32 s12, s17;
	s16 =	sshrl.u32 s16, $0x3  }
0x12: {  	[tilespmem:s15+$0x0 ss:$0x81] =	vst.msk $0xffff, v1;
	s13 =	sor.u32 $0x400, s13;
	s12 =	sadd.s32 s16, s12  }
0x13: {  	[hbm4b:s12+s13] =	stream.strided.scatter [tilespmem:s14], [sflag:$0x2], $0x2000, s8, s13, $0x20;
	[tilespmem:$0x8080] =	vst v63  }
.LBB1_5:
0x14: {  	s14 =	sadd.s32 $0x1, s9  }
0x15: {  	s12 =	sadd.s32 $0x1000, s10;
	s16 =	smov.u32 s10;
	p2 =	sgt.s32 s14, $0xC7  }
0x16: {  	s16 =	smov.u32 @p2 s12  }
0x17: {  	s14 =	simm.s32 @p2 $0x0;
	p2 =	sgt.s32 s16, $0x3FFF  }
0x18: {  	s16 =	smov.u32 @p2 s2;
	p2 =	sne.s32 s11, s7  }
.Ltmp1:
0x19: {  	p1 =	slt.u32 s11, $0x2;
	(pc) =	sbr.rel @!p2 .LBB1_6-.Ltmp1, $4  }
0x1a: {  	s15 =	simm.s32 @!p1 $0x2  }
0x1b: {  	s13 =	smov.u32 s10;
	p0 =	por !p0, !p0;
	_ =	swait.ge @!p1 [sflag:s15], $0x2000  }
0x1c: {  	s12 =	smov.u32 s9;
	[sflag:s15] =	ssyncset.done @!p1 $0x0;
	s9 =	smov.u32 s14  }
0x1d: {  	s11 =	sadd.s32 $0x1, s11;
	[sflag:s15] =	ssyncadd.s32 @!p1 $0xFFFFE000;
	s10 =	smov.u32 s16  }
.LBB1_1:
0x1e: {  	p1 =	sge.u32 s11, s5  }
0x1f: {  	s14 =	sand.u32 @!p1 $0x1FFFFFF, s9  }
0x20: {  	s15 =	smulhi.u32 @!p1 $0x147AE15, s14;
	_ =	sdelay $0x1  }
0x21: {  	s15 =	smul.u32 @!p1 $0xC8, s15  }
0x22: {  	s16 =	sxor.u32 @!p1 $0xFFFFFFFF, s11;
	s17 =	smul.u32 @!p1 $0xC80, s10  }
0x23: {  	s31 =	sadd.s32 $0xFFFFFFFF, s11;
	s16 =	sshll.u32 @!p1 s16, $0xD;
	s14 =	ssub.s32 @!p1 s14, s15  }
0x24: {  	s15 =	sand.u32 @!p1 $0x2000, s16;
	s16 =	sadd.s32 @!p1 s6, s17;
	s14 =	sshll.u32 @!p1 s14, $0x4  }
0x25: {  	s17 =	simm.s32 @!p1 $0x6400;
	s14 =	sadd.s32 @!p1 s14, s16;
	s16 =	simm.s32 @!p1 $0x40  }
0x26: {  	[tilespmem:s15], [sflag:$0x1] =	stream.strided.gather @!p1 [hbm4b:s14+s16], $0x2000, s17, s16, $0x38;
	[tilespmem:$0x8080] =	vst v63  }
0x27: {  	p1 =	sge.u32 s31, s5  }
.Ltmp2:
0x28: {  	_ = 	snop;
	(pc) =	sbr.rel @p1 .LBB1_5-.Ltmp2, $1  }
0x29: {  	_ =	sdelay $0x3  }
0x2a: {  	s14 =	simm.s32 $0x1  }
0x2b: {  	_ =	swait.ge [sflag:s4], $0x2000;
	s14 =	simm.s32 @!p0 $0x0  }
0x2c: {  	[sflag:s4] =	ssyncset.done $0x0;
	s15 =	sshll.u32 s14, $0xD  }
0x2d: {  	[sflag:s4] =	ssyncadd.s32 $0xFFFFE000;
	s18 =	sor.u32 $0x20, s15  }
0x2e: {  	s14 =	smul.u32 $0x8100, s14;
	v3 =	vld [tilespmem:s18+$0x10]  }
0x2f: {  	s30 =	sand.u32 $0x1, s11;
	v2 =	vld [tilespmem:s18+$0xFFFFFFF0]  }
0x30: {  	s15 =	smul.u32 $0x8100, s30;
	s14 =	sshrl.u32 s14, $0x2;
	v0 =	vld [tilespmem:s18+$0x0]  }
0x31: {  	v1 =	vld [tilespmem:s18+$0xFFFFFFE0];
	s16 =	sor.u32 $0x4000, s14  }
0x32: {  	s31 =	sshrl.u32 s15, $0x2;
	s15 =	sadd.s32 $0x0, s16  }
0x33: {  	s17 =	simm.s32 $0x4;
	s18 =	sadd.s32 $0x40, s18;
	s14 =	sor.u32 $0x4000, s31;
	[tilespmem:s15+$0x1830 ss:$0x81] =	vst.msk $0xffff, v3  }
.LBB1_3:
0x34: {  	v3 =	vld [tilespmem:s18+$0x10];
	p1 =	sne.s32 s17, $0x1FC;
	[tilespmem:s15+$0x810 ss:$0x81] =	vst.msk $0xffff, v2;
	s19 =	smov.u32 s17;
	s17 =	sadd.s32 $0x4, s17  }
.Ltmp3:
0x35: {  	v2 =	vld [tilespmem:s18+$0xFFFFFFF0];
	[tilespmem:s15+$0x1020 ss:$0x81] =	vst.msk $0xffff, v0;
	(pc) =	sbr.rel @p1 .LBB1_3-.Ltmp3, $4  }
0x36: {  	v0 =	vld [tilespmem:s18+$0x0];
	[tilespmem:s15+$0x0 ss:$0x81] =	vst.msk $0xffff, v1  }
0x37: {  	s15 =	sshra.s32 s19, $0x2;
	v1 =	vld [tilespmem:s18+$0xFFFFFFE0]  }
0x38: {  	s15 =	sadd.s32 s15, s16  }
0x39: {  	s18 =	sadd.s32 $0x40, s18;
	[tilespmem:s15+$0x1830 ss:$0x81] =	vst.msk $0xffff, v3  }
.Ltmp4:
0x3a: {  	_ = 	snop;
	(pc) =	sbr.rel .LBB1_4-.Ltmp4, $1  }
0x3b: {  	_ =	sdelay $0x3  }
.LBB1_6:
0x3c: {  	_ =	sfence.sel $0x180000  }
0x3d: {  	s2 =	simm.s32 $0x1;
	[bflag:$0x0] =	sbarrier.arrive $0xFFFF  }
0x3e: {  	s31 =	simm.s32 $0x2;
	[sflag:s2] =	ssyncpa.u1 $0x1  }
0x3f: {  	[sflag:s31] =	ssyncpa.u1 $0x1  }
0x40: {  	p0 =	sne.s32 s0, $0x0;
	_ =	strace $0x90000053  }
0x41: {  	s0 =	sadd.s32 @!p0 $0x100000, s1;
	[bflag:$0x2] =	sbarrier.arrive $0xFFFF  }
0x42: {  	[sflag:s0] =	ssyncadd.tile.s32 @!p0 $0x1;
	_ =	shalt  }
.Lfunc_end1:
_tile_overlayer_lowered:
.L_overlay_start_2:
0x43: {  	(tag) =	ssettag $0x2  }
0x44: {  	s0 =	rddreg [dreg:$0x0];
	s2 =	stileid.u32  }
0x45: {  	s1 =	rddreg [dreg:$0x1];
	p0 =	sne.s32 s2, $0x0  }
0x46: {  	s3 =	rddreg [dreg:$0x2];
	[bflag:$0x3] =	sbarrier.arrive $0xFFFF;
	s2 =	simm.s32 @!p0 $0x1C01  }
0x47: {  	[timem:s3], [sflag:s2] =	dma.local @!p0 [hbm:s0], s1  }
0x48: {  	s0 =	simm.s32 @!p0 $0x1  }
0x49: {  	_ =	swait.ge @!p0 [sflag:s0], s1  }
0x4a: {  	s1 =	ssub.s32 @!p0 $0x0, s1;
	[sflag:s0] =	ssyncset.done @!p0 $0x0  }
0x4b: {  	[sflag:s0] =	ssyncadd.s32 @!p0 s1  }
0x4c: {  	[bflag:$0x3] =	sbarrier.arrive $0xFFFF  }
0x4d: {  	_ =	shalt  }

</sc_bundles>
